<compile_context>
chip_gen: v7x
topology: tpu7x:2x2x1
jax: 0.10.2.dev20260603
libtpu: 0.0.44.dev20260713+nightly
codegen_flags: <defaults>
</compile_context>

<pallas_src>
import functools

import jax
import jax.numpy as jnp
from jax import lax
from jax.experimental import pallas as pl
from jax.experimental.pallas import tpu as pltpu
from jax.experimental.pallas import tpu_sc as plsc

N = 10000
E = 320000
IN_DIM = 128
HIDDEN = 256
QW = 64
NQ = 4
NUM_CLASSES = 64
NUM_GRAPHS = 64
EPS = 1e-5

NC = 2
NS = 16
CH = 125
NCHUNK = E // CH
BUFS = 5
ROWS_PER_SUB = 624
ROWS_TAIL = N - NS * ROWS_PER_SUB

_HIGH = jax.lax.Precision.HIGHEST


def _ranged_copy(copy_fn, sid):
    copy_fn(sid * ROWS_PER_SUB, ROWS_PER_SUB)

    @pl.when(sid == NS - 1)
    def _():
        copy_fn(NS * ROWS_PER_SUB, ROWS_TAIL)


def _mesh():
    return plsc.VectorSubcoreMesh(core_axis_name="c", subcore_axis_name="s")


def _sc_degree(dst_deg, zeros8, ones_ch):
    cpw = NCHUNK // NC // NS

    @functools.partial(
        pl.kernel,
        mesh=_mesh(),
        compiler_params=pltpu.CompilerParams(use_tc_tiling_on_sc=False),
        out_type=jax.ShapeDtypeStruct((NC, N, 8), jnp.float32),
        scratch_types=[
            pltpu.VMEM((cpw, CH), jnp.int32),
            pltpu.VMEM((CH, 8), jnp.float32),
            pltpu.VMEM_SHARED((N, 8), jnp.float32),
        ],
    )
    def k(dst_hbm, z_hbm, ones_hbm, out_hbm, idx_v, ones_v, acc_sh):
        cid = lax.axis_index("c")
        sid = lax.axis_index("s")
        _ranged_copy(lambda o, n: pltpu.sync_copy(
            z_hbm.at[pl.ds(o, n)], acc_sh.at[pl.ds(o, n)]), sid)
        pltpu.sync_copy(dst_hbm.at[cid * NS + sid], idx_v)
        pltpu.sync_copy(ones_hbm, ones_v)
        plsc.subcore_barrier()

        @pl.loop(0, cpw)
        def _(c):
            pltpu.sync_copy(ones_v, acc_sh.at[idx_v.at[c]], add=True)

        plsc.subcore_barrier()
        _ranged_copy(lambda o, n: pltpu.sync_copy(
            acc_sh.at[pl.ds(o, n)], out_hbm.at[cid, pl.ds(o, n)]), sid)

    return k(dst_deg, zeros8, ones_ch)


def _sc_conv(g4n, zeros_q, src4, dst_conv):
    cpw = NCHUNK // NS

    @functools.partial(
        pl.kernel,
        mesh=_mesh(),
        compiler_params=pltpu.CompilerParams(use_tc_tiling_on_sc=False),
        out_type=jax.ShapeDtypeStruct((N, HIDDEN), jnp.float32),
        scratch_types=(
            [pltpu.VMEM((cpw, CH), jnp.int32),
             pltpu.VMEM((cpw, CH), jnp.int32)]
            + [pltpu.VMEM((CH, QW), jnp.float32) for _ in range(BUFS)]
            + [pltpu.VMEM_SHARED((N, QW), jnp.float32)]
            + [pltpu.SemaphoreType.DMA for _ in range(2 * BUFS)]
        ),
    )
    def k(g4_hbm, z_hbm, src_hbm, dst_hbm, out_hbm, src_v, dst_v, *rest):
        rows = rest[:BUFS]
        acc_sh = rest[BUFS]
        gsem = rest[BUFS + 1:2 * BUFS + 1]
        ssem = rest[2 * BUFS + 1:]
        cid = lax.axis_index("c")
        sid = lax.axis_index("s")
        pltpu.sync_copy(dst_hbm.at[sid], dst_v)
        pltpu.sync_copy(src_hbm.at[sid], src_v)
        for p in range(NQ // NC):
            q = cid * (NQ // NC) + p
            _ranged_copy(lambda o, n: pltpu.sync_copy(
                z_hbm.at[pl.ds(o, n)], acc_sh.at[pl.ds(o, n)]), sid)
            plsc.subcore_barrier()

            gq = g4_hbm.at[pl.ds(q, NQ * N - (NQ - 1))]
            for b in range(BUFS):
                pltpu.async_copy(gq.at[src_v.at[b]], rows[b], gsem[b])

            @pl.loop(0, cpw // BUFS)
            def _(i):
                c = i * BUFS
                for b in range(BUFS):
                    cc = c + b
                    pltpu.make_async_copy(
                        gq.at[src_v.at[0]], rows[b], gsem[b]).wait()
                    pltpu.async_copy(rows[b], acc_sh.at[dst_v.at[cc]],
                                     ssem[b], add=True)

                    @pl.when(cc + BUFS < cpw)
                    def _():
                        pltpu.make_async_copy(
                            rows[b], acc_sh.at[dst_v.at[0]], ssem[b]).wait()
                        pltpu.async_copy(gq.at[src_v.at[cc + BUFS]],
                                         rows[b], gsem[b])

            for b in range(BUFS):
                pltpu.make_async_copy(
                    rows[b], acc_sh.at[dst_v.at[0]], ssem[b]).wait()
            plsc.subcore_barrier()
            _ranged_copy(lambda o, n: pltpu.sync_copy(
                acc_sh.at[pl.ds(o, n)],
                out_hbm.at[pl.ds(o, n), pl.ds(q * QW, QW)]), sid)

    return k(g4n, zeros_q, src4, dst_conv)


GB = 2000
NBLK = N // GB


def _tc_prep(x, W0, res0_W, res0_b, degp):
    def body(x_ref, w_ref, rw_ref, rb_ref, degp_ref, g_ref, res_ref, dinv_ref):
        deg = degp_ref[0, :, 0:1] + degp_ref[1, :, 0:1] + 1.0
        dv = jnp.broadcast_to(jax.lax.rsqrt(deg), (GB, QW))
        dinv_ref[...] = dv
        dv4 = jnp.concatenate([dv] * NQ, axis=1)
        xv = x_ref[...]
        h = lax.dot_general(xv, w_ref[...], (((1,), (0,)), ((), ())),
                            precision=_HIGH, preferred_element_type=jnp.float32)
        g_ref[...] = dv4 * h
        res_ref[...] = lax.dot_general(
            xv, rw_ref[...], (((1,), (1,)), ((), ())),
            precision=_HIGH, preferred_element_type=jnp.float32) + rb_ref[...]

    return pl.pallas_call(
        body,
        grid=(NBLK,),
        in_specs=[
            pl.BlockSpec((GB, IN_DIM), lambda i: (i, 0)),
            pl.BlockSpec((IN_DIM, HIDDEN), lambda i: (0, 0)),
            pl.BlockSpec((HIDDEN, IN_DIM), lambda i: (0, 0)),
            pl.BlockSpec((HIDDEN,), lambda i: (0,)),
            pl.BlockSpec((NC, GB, 8), lambda i: (0, i, 0)),
        ],
        out_specs=[
            pl.BlockSpec((GB, HIDDEN), lambda i: (i, 0)),
            pl.BlockSpec((GB, HIDDEN), lambda i: (i, 0)),
            pl.BlockSpec((GB, QW), lambda i: (i, 0)),
        ],
        out_shape=[
            jax.ShapeDtypeStruct((N, HIDDEN), jnp.float32),
            jax.ShapeDtypeStruct((N, HIDDEN), jnp.float32),
            jax.ShapeDtypeStruct((N, QW), jnp.float32),
        ])(x, W0, res0_W, res0_b, degp)


def _tc_bn_stats(s, g, dinv, b):
    def body(s_ref, g_ref, dinv_ref, b_ref, out0_ref, st_ref):
        dv4 = jnp.concatenate([dinv_ref[...]] * NQ, axis=1)
        out = dv4 * (s_ref[...] + g_ref[...]) + b_ref[...]
        out0_ref[...] = out

        @pl.when(pl.program_id(0) == 0)
        def _():
            st_ref[...] = jnp.zeros_like(st_ref)

        st_ref[0:1, :] += jnp.sum(out, axis=0, keepdims=True)
        st_ref[1:2, :] += jnp.sum(out * out, axis=0, keepdims=True)

    return pl.pallas_call(
        body,
        grid=(NBLK,),
        in_specs=[
            pl.BlockSpec((GB, HIDDEN), lambda i: (i, 0)),
            pl.BlockSpec((GB, HIDDEN), lambda i: (i, 0)),
            pl.BlockSpec((GB, QW), lambda i: (i, 0)),
            pl.BlockSpec((HIDDEN,), lambda i: (0,)),
        ],
        out_specs=[
            pl.BlockSpec((GB, HIDDEN), lambda i: (i, 0)),
            pl.BlockSpec((2, HIDDEN), lambda i: (0, 0)),
        ],
        out_shape=[
            jax.ShapeDtypeStruct((N, HIDDEN), jnp.float32),
            jax.ShapeDtypeStruct((2, HIDDEN), jnp.float32),
        ])(s, g, dinv, b)


def _tc_bn_mm(out0, stats, bn_w, bn_b, res, W1, dinv):
    def body(o_ref, st_ref, w_ref, bb_ref, res_ref, w1_ref, dinv_ref,
             x1_ref, g_ref):
        m = st_ref[0:1, :] * (1.0 / N)
        var = st_ref[1:2, :] * (1.0 / N) - m * m
        xb = (o_ref[...] - m) * jax.lax.rsqrt(var + EPS) * w_ref[...] + bb_ref[...]
        x1 = jnp.maximum(xb, 0.0) + res_ref[...]
        x1_ref[...] = x1
        h = lax.dot_general(x1, w1_ref[...], (((1,), (0,)), ((), ())),
                            precision=_HIGH, preferred_element_type=jnp.float32)
        g_ref[...] = jnp.concatenate([dinv_ref[...]] * NQ, axis=1) * h

    return pl.pallas_call(
        body,
        grid=(NBLK,),
        in_specs=[
            pl.BlockSpec((GB, HIDDEN), lambda i: (i, 0)),
            pl.BlockSpec((2, HIDDEN), lambda i: (0, 0)),
            pl.BlockSpec((HIDDEN,), lambda i: (0,)),
            pl.BlockSpec((HIDDEN,), lambda i: (0,)),
            pl.BlockSpec((GB, HIDDEN), lambda i: (i, 0)),
            pl.BlockSpec((HIDDEN, HIDDEN), lambda i: (0, 0)),
            pl.BlockSpec((GB, QW), lambda i: (i, 0)),
        ],
        out_specs=[
            pl.BlockSpec((GB, HIDDEN), lambda i: (i, 0)),
            pl.BlockSpec((GB, HIDDEN), lambda i: (i, 0)),
        ],
        out_shape=[
            jax.ShapeDtypeStruct((N, HIDDEN), jnp.float32),
            jax.ShapeDtypeStruct((N, HIDDEN), jnp.float32),
        ])(out0, stats, bn_w, bn_b, res, W1, dinv)


def _tc_head(out1, stats, bn_w, bn_b, x1, Wh, bh, batch2d):
    def body(o_ref, st_ref, w_ref, bb_ref, x1_ref, wh_ref, bh_ref, b2_ref,
             out_ref):
        m = st_ref[0:1, :] * (1.0 / N)
        var = st_ref[1:2, :] * (1.0 / N) - m * m
        xb = (o_ref[...] - m) * jax.lax.rsqrt(var + EPS) * w_ref[...] + bb_ref[...]
        x2 = jnp.maximum(xb, 0.0) + x1_ref[...]
        logits = lax.dot_general(
            x2, wh_ref[...], (((1,), (1,)), ((), ())),
            precision=_HIGH, preferred_element_type=jnp.float32) + bh_ref[...]
        seg = lax.broadcasted_iota(jnp.int32, (NUM_GRAPHS, N), 0)
        P = (b2_ref[...] == seg).astype(jnp.float32)
        pooled = lax.dot_general(P, logits, (((1,), (0,)), ((), ())),
                                 precision=_HIGH,
                                 preferred_element_type=jnp.float32)
        cnt = jnp.clip(jnp.sum(P, axis=1, keepdims=True), 1.0, None)
        out_ref[...] = pooled / cnt

    return pl.pallas_call(
        body,
        out_shape=jax.ShapeDtypeStruct((NUM_GRAPHS, NUM_CLASSES), jnp.float32))(
            out1, stats, bn_w, bn_b, x1, Wh, bh, batch2d)


def kernel(x, edge_index, batch, W0, b0, bn0_w, bn0_b, res0_W, res0_b,
           W1, b1, bn1_w, bn1_b, Wh, bh):
    src = edge_index[0].astype(jnp.int32)
    dst = edge_index[1].astype(jnp.int32)
    src4 = (src * NQ).reshape(NS, NCHUNK // NS, CH)
    dst_conv = dst.reshape(NS, NCHUNK // NS, CH)
    dst_deg = dst.reshape(NC * NS, NCHUNK // (NC * NS), CH)
    zeros8 = jnp.zeros((N, 8), jnp.float32)
    ones_ch = jnp.ones((CH, 8), jnp.float32)
    zeros_q = jnp.zeros((N, QW), jnp.float32)

    degp = _sc_degree(dst_deg, zeros8, ones_ch)
    g0, res, dinv = _tc_prep(x, W0, res0_W, res0_b, degp)
    s0 = _sc_conv(g0.reshape(NQ * N, QW), zeros_q, src4, dst_conv)
    out0, st0 = _tc_bn_stats(s0, g0, dinv, b0)
    x1, g1 = _tc_bn_mm(out0, st0, bn0_w, bn0_b, res, W1, dinv)
    s1 = _sc_conv(g1.reshape(NQ * N, QW), zeros_q, src4, dst_conv)
    out1, st1 = _tc_bn_stats(s1, g1, dinv, b1)
    return _tc_head(out1, st1, bn1_w, bn1_b, x1, Wh, bh,
                    batch.astype(jnp.int32).reshape(1, N))

# --- scband reference (transcript-rebuilt; emitter-appended) ---
"""Pipeline reference for scband-res-gcn-improved-6682969112863 (READ-ONLY COPY).

The authoritative reference and input builder live on the scoring server;
editing this copy changes nothing except your own understanding.
"""

import jax, jax.numpy as jnp
import numpy as np

N = 10000
E = 320000
IN_DIM = 128
HIDDEN = 256
NUM_CLASSES = 64
NUM_GRAPHS = 64
EPS = 1e-5


def _gcn_conv(x, edge_index, W, b, n):
    src = edge_index[0]
    dst = edge_index[1]
    loop = jnp.arange(n, dtype=src.dtype)
    src = jnp.concatenate([src, loop])
    dst = jnp.concatenate([dst, loop])
    deg = jax.ops.segment_sum(jnp.ones(src.shape[0], dtype=x.dtype), dst, num_segments=n)
    dinv = jnp.where(deg > 0, 1.0 / jnp.sqrt(deg), 0.0)
    norm = dinv[src] * dinv[dst]
    h = x @ W
    msg = h[src] * norm[:, None]
    out = jax.ops.segment_sum(msg, dst, num_segments=n)
    return out + b


def _bn(x, w, b):
    mean = jnp.mean(x, axis=0)
    var = jnp.var(x, axis=0)
    return (x - mean) / jnp.sqrt(var + EPS) * w + b


def _forward(x, edge_index, batch, W0, b0, bn0_w, bn0_b, res0_W, res0_b, W1, b1, bn1_w, bn1_b, Wh, bh):
    n = x.shape[0]
    # block 0: GCNConv -> BN -> ReLU, residual via linear projection (in_dim != hidden)
    out = _gcn_conv(x, edge_index, W0, b0, n)
    out = jnp.maximum(_bn(out, bn0_w, bn0_b), 0.0)
    res = x @ res0_W.T + res0_b
    x1 = out + res
    # block 1: identity residual (hidden == hidden)
    out = _gcn_conv(x1, edge_index, W1, b1, n)
    out = jnp.maximum(_bn(out, bn1_w, bn1_b), 0.0)
    x2 = out + x1
    logits = x2 @ Wh.T + bh
    num_g = NUM_GRAPHS
    pooled = jnp.zeros((num_g, logits.shape[-1]), dtype=logits.dtype).at[batch].add(logits)
    cnt = jnp.clip(jnp.bincount(batch, length=num_g), 1, None).astype(logits.dtype)[:, None]
    return pooled / cnt


def setup_inputs(seed: int = 0):
    key = jax.random.key(seed)
    ks = jax.random.split(key, 16)
    s = 0.05
    return {
        "x": jax.random.normal(ks[0], (N, IN_DIM), dtype=jnp.float32),
        "edge_index": jax.random.randint(ks[1], (2, E), 0, N),
        "batch": jnp.sort(jax.random.randint(ks[2], (N,), 0, NUM_GRAPHS)),
        "W0": jax.random.normal(ks[3], (IN_DIM, HIDDEN), dtype=jnp.float32) * s,
        "b0": jnp.zeros((HIDDEN,), dtype=jnp.float32),
        "bn0_w": jnp.ones((HIDDEN,), dtype=jnp.float32),
        "bn0_b": jnp.zeros((HIDDEN,), dtype=jnp.float32),
        "res0_W": jax.random.normal(ks[4], (HIDDEN, IN_DIM), dtype=jnp.float32) * s,
        "res0_b": jnp.zeros((HIDDEN,), dtype=jnp.float32),
        "W1": jax.random.normal(ks[5], (HIDDEN, HIDDEN), dtype=jnp.float32) * s,
        "b1": jnp.zeros((HIDDEN,), dtype=jnp.float32),
        "bn1_w": jnp.ones((HIDDEN,), dtype=jnp.float32),
        "bn1_b": jnp.zeros((HIDDEN,), dtype=jnp.float32),
        "Wh": jax.random.normal(ks[6], (NUM_CLASSES, HIDDEN), dtype=jnp.float32) * s,
        "bh": jnp.zeros((NUM_CLASSES,), dtype=jnp.float32),
    }


def reference(x, edge_index, batch, W0, b0, bn0_w, bn0_b, res0_W, res0_b, W1, b1, bn1_w, bn1_b, Wh, bh):
    return _forward(x, edge_index, batch, W0, b0, bn0_w, bn0_b, res0_W, res0_b, W1, b1, bn1_w, bn1_b, Wh, bh)

if __name__ == "__main__":
    import jax
    _d = setup_inputs()
    print(jax.jit(kernel)(*tuple(_d.values())))

</pallas_src>

<mosaic_0001>
#map = affine_map<(d0, d1) -> (0, 0, 0)>
#map1 = affine_map<(d0, d1) -> (0, 0)>
module attributes {stable_mosaic.version = 14 : i64} {
  func.func @k(%arg0: i32, %arg1: i32, %arg2: memref<32x80x125xi32, #tpu.memory_space<hbm>>, %arg3: memref<10000x8xf32, #tpu.memory_space<hbm>>, %arg4: memref<125x8xf32, #tpu.memory_space<hbm>>, %arg5: memref<2x10000x8xf32, #tpu.memory_space<hbm>>, %arg6: memref<80x125xi32, #tpu.memory_space<vmem>>, %arg7: memref<125x8xf32, #tpu.memory_space<vmem>>, %arg8: memref<10000x8xf32, #tpu.memory_space<vmem_shared>>) attributes {dimension_semantics = [#tpu.dimension_semantics<core_parallel>, #tpu.dimension_semantics<subcore_parallel>], iteration_bounds = array<i64: 2, 16>, scalar_prefetch = 0 : i64, scratch_operands = 3 : i64, tpu.core_type = #tpu.core_type<sc_vector_subcore>, window_params = [{transform_indices = #map}, {transform_indices = #map1}, {transform_indices = #map1}, {transform_indices = #map}]} {
    %mul3A = arith.constant 624 : i32
    %mul3A_0 = arith.muli %arg1, %mul3A : i32
    "tpu.region"() ({
      %run_scoped3A = tpu.sem_alloc : memref<!tpu.dma_semaphore, #tpu.memory_space<semaphore_mem>>
      %dma_start3A = arith.constant 0 : i32
      %dma_start3A_17 = tpu.memref_slice %arg8[%mul3A_0, %dma_start3A] : memref<10000x8xf32, #tpu.memory_space<vmem_shared>> -> memref<624x8xf32, #tpu.memory_space<vmem_shared>>
      %dma_start3A_18 = arith.constant 0 : i32
      %dma_start3A_19 = tpu.memref_slice %arg3[%mul3A_0, %dma_start3A_18] : memref<10000x8xf32, #tpu.memory_space<hbm>> -> memref<624x8xf32, #tpu.memory_space<hbm>>
      tpu.enqueue_dma source(%dma_start3A_19 : memref<624x8xf32, #tpu.memory_space<hbm>>) target(%dma_start3A_17 : memref<624x8xf32, #tpu.memory_space<vmem_shared>>) target_semaphore(%run_scoped3A : memref<!tpu.dma_semaphore, #tpu.memory_space<semaphore_mem>>)
      %dma_wait3A = arith.constant 0 : i32
      %dma_wait3A_20 = tpu.memref_slice %arg8[%mul3A_0, %dma_wait3A] : memref<10000x8xf32, #tpu.memory_space<vmem_shared>> -> memref<624x8xf32, #tpu.memory_space<vmem_shared>>
      %dma_wait3A_21 = arith.constant 0 : i32
      %dma_wait3A_22 = tpu.memref_slice %arg3[%mul3A_0, %dma_wait3A_21] : memref<10000x8xf32, #tpu.memory_space<hbm>> -> memref<624x8xf32, #tpu.memory_space<hbm>>
      tpu.wait_dma2 semaphore(%run_scoped3A : memref<!tpu.dma_semaphore, #tpu.memory_space<semaphore_mem>>) src(%dma_wait3A_22 : memref<624x8xf32, #tpu.memory_space<hbm>>) dst(%dma_wait3A_20 : memref<624x8xf32, #tpu.memory_space<vmem_shared>>)
      tpu.yield
    }) : () -> ()
    %eq3A = arith.constant 15 : i32
    %eq3A_1 = arith.cmpi eq, %arg1, %eq3A : i32
    %convert_element_type3A = arith.extui %eq3A_1 : i1 to i32
    %cond3A = arith.constant 0 : i32
    %cond3A_2 = arith.cmpi ne, %convert_element_type3A, %cond3A : i32
    scf.if %cond3A_2 {
      "tpu.region"() ({
        %run_scoped3A = tpu.sem_alloc : memref<!tpu.dma_semaphore, #tpu.memory_space<semaphore_mem>>
        %dma_start3A = arith.constant 9984 : i32
        %dma_start3A_17 = arith.constant 0 : i32
        %dma_start3A_18 = tpu.memref_slice %arg8[%dma_start3A, %dma_start3A_17] : memref<10000x8xf32, #tpu.memory_space<vmem_shared>> -> memref<16x8xf32, #tpu.memory_space<vmem_shared>>
        %dma_start3A_19 = arith.constant 9984 : i32
        %dma_start3A_20 = arith.constant 0 : i32
        %dma_start3A_21 = tpu.memref_slice %arg3[%dma_start3A_19, %dma_start3A_20] : memref<10000x8xf32, #tpu.memory_space<hbm>> -> memref<16x8xf32, #tpu.memory_space<hbm>>
        tpu.enqueue_dma source(%dma_start3A_21 : memref<16x8xf32, #tpu.memory_space<hbm>>) target(%dma_start3A_18 : memref<16x8xf32, #tpu.memory_space<vmem_shared>>) target_semaphore(%run_scoped3A : memref<!tpu.dma_semaphore, #tpu.memory_space<semaphore_mem>>)
        %dma_wait3A = arith.constant 9984 : i32
        %dma_wait3A_22 = arith.constant 0 : i32
        %dma_wait3A_23 = tpu.memref_slice %arg8[%dma_wait3A, %dma_wait3A_22] : memref<10000x8xf32, #tpu.memory_space<vmem_shared>> -> memref<16x8xf32, #tpu.memory_space<vmem_shared>>
        %dma_wait3A_24 = arith.constant 9984 : i32
        %dma_wait3A_25 = arith.constant 0 : i32
        %dma_wait3A_26 = tpu.memref_slice %arg3[%dma_wait3A_24, %dma_wait3A_25] : memref<10000x8xf32, #tpu.memory_space<hbm>> -> memref<16x8xf32, #tpu.memory_space<hbm>>
        tpu.wait_dma2 semaphore(%run_scoped3A : memref<!tpu.dma_semaphore, #tpu.memory_space<semaphore_mem>>) src(%dma_wait3A_26 : memref<16x8xf32, #tpu.memory_space<hbm>>) dst(%dma_wait3A_23 : memref<16x8xf32, #tpu.memory_space<vmem_shared>>)
        tpu.yield
      }) : () -> ()
    } else {
    }
    %mul3A_3 = arith.constant 16 : i32
    %mul3A_4 = arith.muli %arg0, %mul3A_3 : i32
    %add3A = arith.addi %mul3A_4, %arg1 : i32
    "tpu.region"() ({
      %run_scoped3A = tpu.sem_alloc : memref<!tpu.dma_semaphore, #tpu.memory_space<semaphore_mem>>
      %dma_start3A = arith.constant 0 : i32
      %dma_start3A_17 = arith.constant 0 : i32
      %dma_start3A_18 = tpu.memref_slice %arg2[%add3A, %dma_start3A, %dma_start3A_17] : memref<32x80x125xi32, #tpu.memory_space<hbm>> -> memref<1x80x125xi32, #tpu.memory_space<hbm>>
      %dma_start3A_19 = tpu.memref_squeeze %dma_start3A_18 : memref<1x80x125xi32, #tpu.memory_space<hbm>> -> memref<80x125xi32, #tpu.memory_space<hbm>>
      %dma_start3A_20 = arith.constant 0 : i32
      %dma_start3A_21 = arith.constant 0 : i32
      %dma_start3A_22 = tpu.memref_slice %arg2[%add3A, %dma_start3A_20, %dma_start3A_21] : memref<32x80x125xi32, #tpu.memory_space<hbm>> -> memref<1x80x125xi32, #tpu.memory_space<hbm>>
      %dma_start3A_23 = tpu.memref_squeeze %dma_start3A_22 : memref<1x80x125xi32, #tpu.memory_space<hbm>> -> memref<80x125xi32, #tpu.memory_space<hbm>>
      tpu.enqueue_dma source(%dma_start3A_23 : memref<80x125xi32, #tpu.memory_space<hbm>>) target(%arg6 : memref<80x125xi32, #tpu.memory_space<vmem>>) target_semaphore(%run_scoped3A : memref<!tpu.dma_semaphore, #tpu.memory_space<semaphore_mem>>)
      %dma_wait3A = arith.constant 0 : i32
      %dma_wait3A_24 = arith.constant 0 : i32
      %dma_wait3A_25 = tpu.memref_slice %arg2[%add3A, %dma_wait3A, %dma_wait3A_24] : memref<32x80x125xi32, #tpu.memory_space<hbm>> -> memref<1x80x125xi32, #tpu.memory_space<hbm>>
      %dma_wait3A_26 = tpu.memref_squeeze %dma_wait3A_25 : memref<1x80x125xi32, #tpu.memory_space<hbm>> -> memref<80x125xi32, #tpu.memory_space<hbm>>
      %dma_wait3A_27 = arith.constant 0 : i32
      %dma_wait3A_28 = arith.constant 0 : i32
      %dma_wait3A_29 = tpu.memref_slice %arg2[%add3A, %dma_wait3A_27, %dma_wait3A_28] : memref<32x80x125xi32, #tpu.memory_space<hbm>> -> memref<1x80x125xi32, #tpu.memory_space<hbm>>
      %dma_wait3A_30 = tpu.memref_squeeze %dma_wait3A_29 : memref<1x80x125xi32, #tpu.memory_space<hbm>> -> memref<80x125xi32, #tpu.memory_space<hbm>>
      tpu.wait_dma2 semaphore(%run_scoped3A : memref<!tpu.dma_semaphore, #tpu.memory_space<semaphore_mem>>) src(%dma_wait3A_30 : memref<80x125xi32, #tpu.memory_space<hbm>>) dst(%arg6 : memref<80x125xi32, #tpu.memory_space<vmem>>)
      tpu.yield
    }) : () -> ()
    "tpu.region"() ({
      %run_scoped3A = tpu.sem_alloc : memref<!tpu.dma_semaphore, #tpu.memory_space<semaphore_mem>>
      tpu.enqueue_dma source(%arg4 : memref<125x8xf32, #tpu.memory_space<hbm>>) target(%arg7 : memref<125x8xf32, #tpu.memory_space<vmem>>) target_semaphore(%run_scoped3A : memref<!tpu.dma_semaphore, #tpu.memory_space<semaphore_mem>>)
      tpu.wait_dma2 semaphore(%run_scoped3A : memref<!tpu.dma_semaphore, #tpu.memory_space<semaphore_mem>>) src(%arg4 : memref<125x8xf32, #tpu.memory_space<hbm>>) dst(%arg7 : memref<125x8xf32, #tpu.memory_space<vmem>>)
      tpu.yield
    }) : () -> ()
    %barrier3A = arith.constant 0 : index
    tpu.barrier barrier_id(%barrier3A)
    %scan3A = arith.constant 0 : i32
    %scan3A_5 = arith.constant 80 : i32
    %scan3A_6 = arith.addi %scan3A, %scan3A_5 : i32
    %scan3A_7 = arith.constant 1 : i32
    scf.for %scan3A_17 = %scan3A to %scan3A_6 step %scan3A_7  : i32 {
      %mul3A_18 = arith.constant 1 : i32
      %mul3A_19 = arith.muli %scan3A_17, %mul3A_18 : i32
      %add3A_20 = arith.constant 0 : i32
      %add3A_21 = arith.addi %add3A_20, %mul3A_19 : i32
      "tpu.region"() ({
        %run_scoped3A = tpu.sem_alloc : memref<!tpu.dma_semaphore, #tpu.memory_space<semaphore_mem>>
        %dma_start3A = arith.constant 0 : i32
        %dma_start3A_22 = tpu.memref_slice %arg6[%add3A_21, %dma_start3A] : memref<80x125xi32, #tpu.memory_space<vmem>> -> memref<1x125xi32, #tpu.memory_space<vmem>>
        %dma_start3A_23 = tpu.memref_squeeze %dma_start3A_22 : memref<1x125xi32, #tpu.memory_space<vmem>> -> memref<125xi32, #tpu.memory_space<vmem>>
        %dma_start3A_24 = arith.constant 0 : i32
        %dma_start3A_25 = arith.constant 0 : i32
        %dma_start3A_26 = tpu.memref_slice %arg8[%dma_start3A_24, %dma_start3A_25] : memref<10000x8xf32, #tpu.memory_space<vmem_shared>> -> memref<10000x8xf32, #tpu.memory_space<vmem_shared>>
        tpu.enqueue_indirect_dma source(%arg7 : memref<125x8xf32, #tpu.memory_space<vmem>>) target(%dma_start3A_26 : memref<10000x8xf32, #tpu.memory_space<vmem_shared>>) offsets(%dma_start3A_23 : memref<125xi32, #tpu.memory_space<vmem>>) semaphore(%run_scoped3A : memref<!tpu.dma_semaphore, #tpu.memory_space<semaphore_mem>>) {add = true}
        %dma_wait3A = arith.constant 0 : i32
        %dma_wait3A_27 = tpu.memref_slice %arg6[%add3A_21, %dma_wait3A] : memref<80x125xi32, #tpu.memory_space<vmem>> -> memref<1x125xi32, #tpu.memory_space<vmem>>
        %dma_wait3A_28 = tpu.memref_squeeze %dma_wait3A_27 : memref<1x125xi32, #tpu.memory_space<vmem>> -> memref<125xi32, #tpu.memory_space<vmem>>
        %dma_wait3A_29 = arith.constant 0 : i32
        %dma_wait3A_30 = arith.constant 0 : i32
        %dma_wait3A_31 = tpu.memref_slice %arg8[%dma_wait3A_29, %dma_wait3A_30] : memref<10000x8xf32, #tpu.memory_space<vmem_shared>> -> memref<10000x8xf32, #tpu.memory_space<vmem_shared>>
        tpu.wait_indirect_dma semaphore(%run_scoped3A : memref<!tpu.dma_semaphore, #tpu.memory_space<semaphore_mem>>) src(%arg7 : memref<125x8xf32, #tpu.memory_space<vmem>>) dst(%dma_wait3A_31 : memref<10000x8xf32, #tpu.memory_space<vmem_shared>>)
        tpu.yield
      }) : () -> ()
    }
    %scan3A_8 = arith.constant 80 : i32
    %barrier3A_9 = arith.constant 0 : index
    tpu.barrier barrier_id(%barrier3A_9)
    %mul3A_10 = arith.constant 624 : i32
    %mul3A_11 = arith.muli %arg1, %mul3A_10 : i32
    "tpu.region"() ({
      %run_scoped3A = tpu.sem_alloc : memref<!tpu.dma_semaphore, #tpu.memory_space<semaphore_mem>>
      %dma_start3A = arith.constant 0 : i32
      %dma_start3A_17 = tpu.memref_slice %arg5[%arg0, %mul3A_11, %dma_start3A] : memref<2x10000x8xf32, #tpu.memory_space<hbm>> -> memref<1x624x8xf32, #tpu.memory_space<hbm>>
      %dma_start3A_18 = tpu.memref_squeeze %dma_start3A_17 : memref<1x624x8xf32, #tpu.memory_space<hbm>> -> memref<624x8xf32, #tpu.memory_space<hbm>>
      %dma_start3A_19 = arith.constant 0 : i32
      %dma_start3A_20 = tpu.memref_slice %arg8[%mul3A_11, %dma_start3A_19] : memref<10000x8xf32, #tpu.memory_space<vmem_shared>> -> memref<624x8xf32, #tpu.memory_space<vmem_shared>>
      tpu.enqueue_dma source(%dma_start3A_20 : memref<624x8xf32, #tpu.memory_space<vmem_shared>>) target(%dma_start3A_18 : memref<624x8xf32, #tpu.memory_space<hbm>>) target_semaphore(%run_scoped3A : memref<!tpu.dma_semaphore, #tpu.memory_space<semaphore_mem>>)
      %dma_wait3A = arith.constant 0 : i32
      %dma_wait3A_21 = tpu.memref_slice %arg5[%arg0, %mul3A_11, %dma_wait3A] : memref<2x10000x8xf32, #tpu.memory_space<hbm>> -> memref<1x624x8xf32, #tpu.memory_space<hbm>>
      %dma_wait3A_22 = tpu.memref_squeeze %dma_wait3A_21 : memref<1x624x8xf32, #tpu.memory_space<hbm>> -> memref<624x8xf32, #tpu.memory_space<hbm>>
      %dma_wait3A_23 = arith.constant 0 : i32
      %dma_wait3A_24 = tpu.memref_slice %arg8[%mul3A_11, %dma_wait3A_23] : memref<10000x8xf32, #tpu.memory_space<vmem_shared>> -> memref<624x8xf32, #tpu.memory_space<vmem_shared>>
      tpu.wait_dma2 semaphore(%run_scoped3A : memref<!tpu.dma_semaphore, #tpu.memory_space<semaphore_mem>>) src(%dma_wait3A_24 : memref<624x8xf32, #tpu.memory_space<vmem_shared>>) dst(%dma_wait3A_22 : memref<624x8xf32, #tpu.memory_space<hbm>>)
      tpu.yield
    }) : () -> ()
    %eq3A_12 = arith.constant 15 : i32
    %eq3A_13 = arith.cmpi eq, %arg1, %eq3A_12 : i32
    %convert_element_type3A_14 = arith.extui %eq3A_13 : i1 to i32
    %cond3A_15 = arith.constant 0 : i32
    %cond3A_16 = arith.cmpi ne, %convert_element_type3A_14, %cond3A_15 : i32
    scf.if %cond3A_16 {
      "tpu.region"() ({
        %run_scoped3A = tpu.sem_alloc : memref<!tpu.dma_semaphore, #tpu.memory_space<semaphore_mem>>
        %dma_start3A = arith.constant 9984 : i32
        %dma_start3A_17 = arith.constant 0 : i32
        %dma_start3A_18 = tpu.memref_slice %arg5[%arg0, %dma_start3A, %dma_start3A_17] : memref<2x10000x8xf32, #tpu.memory_space<hbm>> -> memref<1x16x8xf32, #tpu.memory_space<hbm>>
        %dma_start3A_19 = tpu.memref_squeeze %dma_start3A_18 : memref<1x16x8xf32, #tpu.memory_space<hbm>> -> memref<16x8xf32, #tpu.memory_space<hbm>>
        %dma_start3A_20 = arith.constant 9984 : i32
        %dma_start3A_21 = arith.constant 0 : i32
        %dma_start3A_22 = tpu.memref_slice %arg8[%dma_start3A_20, %dma_start3A_21] : memref<10000x8xf32, #tpu.memory_space<vmem_shared>> -> memref<16x8xf32, #tpu.memory_space<vmem_shared>>
        tpu.enqueue_dma source(%dma_start3A_22 : memref<16x8xf32, #tpu.memory_space<vmem_shared>>) target(%dma_start3A_19 : memref<16x8xf32, #tpu.memory_space<hbm>>) target_semaphore(%run_scoped3A : memref<!tpu.dma_semaphore, #tpu.memory_space<semaphore_mem>>)
        %dma_wait3A = arith.constant 9984 : i32
        %dma_wait3A_23 = arith.constant 0 : i32
        %dma_wait3A_24 = tpu.memref_slice %arg5[%arg0, %dma_wait3A, %dma_wait3A_23] : memref<2x10000x8xf32, #tpu.memory_space<hbm>> -> memref<1x16x8xf32, #tpu.memory_space<hbm>>
        %dma_wait3A_25 = tpu.memref_squeeze %dma_wait3A_24 : memref<1x16x8xf32, #tpu.memory_space<hbm>> -> memref<16x8xf32, #tpu.memory_space<hbm>>
        %dma_wait3A_26 = arith.constant 9984 : i32
        %dma_wait3A_27 = arith.constant 0 : i32
        %dma_wait3A_28 = tpu.memref_slice %arg8[%dma_wait3A_26, %dma_wait3A_27] : memref<10000x8xf32, #tpu.memory_space<vmem_shared>> -> memref<16x8xf32, #tpu.memory_space<vmem_shared>>
        tpu.wait_dma2 semaphore(%run_scoped3A : memref<!tpu.dma_semaphore, #tpu.memory_space<semaphore_mem>>) src(%dma_wait3A_28 : memref<16x8xf32, #tpu.memory_space<vmem_shared>>) dst(%dma_wait3A_25 : memref<16x8xf32, #tpu.memory_space<hbm>>)
        tpu.yield
      }) : () -> ()
    } else {
    }
    return
  }
}

#map = affine_map<(d0, d1) -> (0, 0)>
#map1 = affine_map<(d0, d1) -> (0, 0, 0)>
module attributes {stable_mosaic.version = 14 : i64} {
  func.func @k(%arg0: i32, %arg1: i32, %arg2: memref<40000x64xf32, #tpu.memory_space<hbm>>, %arg3: memref<10000x64xf32, #tpu.memory_space<hbm>>, %arg4: memref<16x160x125xi32, #tpu.memory_space<hbm>>, %arg5: memref<16x160x125xi32, #tpu.memory_space<hbm>>, %arg6: memref<10000x256xf32, #tpu.memory_space<hbm>>, %arg7: memref<160x125xi32, #tpu.memory_space<vmem>>, %arg8: memref<160x125xi32, #tpu.memory_space<vmem>>, %arg9: memref<125x64xf32, #tpu.memory_space<vmem>>, %arg10: memref<125x64xf32, #tpu.memory_space<vmem>>, %arg11: memref<125x64xf32, #tpu.memory_space<vmem>>, %arg12: memref<125x64xf32, #tpu.memory_space<vmem>>, %arg13: memref<125x64xf32, #tpu.memory_space<vmem>>, %arg14: memref<10000x64xf32, #tpu.memory_space<vmem_shared>>, %arg15: memref<!tpu.dma_semaphore, #tpu.memory_space<semaphore_mem>>, %arg16: memref<!tpu.dma_semaphore, #tpu.memory_space<semaphore_mem>>, %arg17: memref<!tpu.dma_semaphore, #tpu.memory_space<semaphore_mem>>, %arg18: memref<!tpu.dma_semaphore, #tpu.memory_space<semaphore_mem>>, %arg19: memref<!tpu.dma_semaphore, #tpu.memory_space<semaphore_mem>>, %arg20: memref<!tpu.dma_semaphore, #tpu.memory_space<semaphore_mem>>, %arg21: memref<!tpu.dma_semaphore, #tpu.memory_space<semaphore_mem>>, %arg22: memref<!tpu.dma_semaphore, #tpu.memory_space<semaphore_mem>>, %arg23: memref<!tpu.dma_semaphore, #tpu.memory_space<semaphore_mem>>, %arg24: memref<!tpu.dma_semaphore, #tpu.memory_space<semaphore_mem>>) attributes {dimension_semantics = [#tpu.dimension_semantics<core_parallel>, #tpu.dimension_semantics<subcore_parallel>], iteration_bounds = array<i64: 2, 16>, scalar_prefetch = 0 : i64, scratch_operands = 18 : i64, tpu.core_type = #tpu.core_type<sc_vector_subcore>, window_params = [{transform_indices = #map}, {transform_indices = #map}, {transform_indices = #map1}, {transform_indices = #map1}, {transform_indices = #map}]} {
    "tpu.region"() ({
      %run_scoped3A = tpu.sem_alloc : memref<!tpu.dma_semaphore, #tpu.memory_space<semaphore_mem>>
      %dma_start3A_205 = arith.constant 0 : i32
      %dma_start3A_206 = arith.constant 0 : i32
      %dma_start3A_207 = tpu.memref_slice %arg5[%arg1, %dma_start3A_205, %dma_start3A_206] : memref<16x160x125xi32, #tpu.memory_space<hbm>> -> memref<1x160x125xi32, #tpu.memory_space<hbm>>
      %dma_start3A_208 = tpu.memref_squeeze %dma_start3A_207 : memref<1x160x125xi32, #tpu.memory_space<hbm>> -> memref<160x125xi32, #tpu.memory_space<hbm>>
      %dma_start3A_209 = arith.constant 0 : i32
      %dma_start3A_210 = arith.constant 0 : i32
      %dma_start3A_211 = tpu.memref_slice %arg5[%arg1, %dma_start3A_209, %dma_start3A_210] : memref<16x160x125xi32, #tpu.memory_space<hbm>> -> memref<1x160x125xi32, #tpu.memory_space<hbm>>
      %dma_start3A_212 = tpu.memref_squeeze %dma_start3A_211 : memref<1x160x125xi32, #tpu.memory_space<hbm>> -> memref<160x125xi32, #tpu.memory_space<hbm>>
      tpu.enqueue_dma source(%dma_start3A_212 : memref<160x125xi32, #tpu.memory_space<hbm>>) target(%arg8 : memref<160x125xi32, #tpu.memory_space<vmem>>) target_semaphore(%run_scoped3A : memref<!tpu.dma_semaphore, #tpu.memory_space<semaphore_mem>>)
      %dma_wait3A_213 = arith.constant 0 : i32
      %dma_wait3A_214 = arith.constant 0 : i32
      %dma_wait3A_215 = tpu.memref_slice %arg5[%arg1, %dma_wait3A_213, %dma_wait3A_214] : memref<16x160x125xi32, #tpu.memory_space<hbm>> -> memref<1x160x125xi32, #tpu.memory_space<hbm>>
      %dma_wait3A_216 = tpu.memref_squeeze %dma_wait3A_215 : memref<1x160x125xi32, #tpu.memory_space<hbm>> -> memref<160x125xi32, #tpu.memory_space<hbm>>
      %dma_wait3A_217 = arith.constant 0 : i32
      %dma_wait3A_218 = arith.constant 0 : i32
      %dma_wait3A_219 = tpu.memref_slice %arg5[%arg1, %dma_wait3A_217, %dma_wait3A_218] : memref<16x160x125xi32, #tpu.memory_space<hbm>> -> memref<1x160x125xi32, #tpu.memory_space<hbm>>
      %dma_wait3A_220 = tpu.memref_squeeze %dma_wait3A_219 : memref<1x160x125xi32, #tpu.memory_space<hbm>> -> memref<160x125xi32, #tpu.memory_space<hbm>>
      tpu.wait_dma2 semaphore(%run_scoped3A : memref<!tpu.dma_semaphore, #tpu.memory_space<semaphore_mem>>) src(%dma_wait3A_220 : memref<160x125xi32, #tpu.memory_space<hbm>>) dst(%arg8 : memref<160x125xi32, #tpu.memory_space<vmem>>)
      tpu.yield
    }) : () -> ()
    "tpu.region"() ({
      %run_scoped3A = tpu.sem_alloc : memref<!tpu.dma_semaphore, #tpu.memory_space<semaphore_mem>>
      %dma_start3A_205 = arith.constant 0 : i32
      %dma_start3A_206 = arith.constant 0 : i32
      %dma_start3A_207 = tpu.memref_slice %arg4[%arg1, %dma_start3A_205, %dma_start3A_206] : memref<16x160x125xi32, #tpu.memory_space<hbm>> -> memref<1x160x125xi32, #tpu.memory_space<hbm>>
      %dma_start3A_208 = tpu.memref_squeeze %dma_start3A_207 : memref<1x160x125xi32, #tpu.memory_space<hbm>> -> memref<160x125xi32, #tpu.memory_space<hbm>>
      %dma_start3A_209 = arith.constant 0 : i32
      %dma_start3A_210 = arith.constant 0 : i32
      %dma_start3A_211 = tpu.memref_slice %arg4[%arg1, %dma_start3A_209, %dma_start3A_210] : memref<16x160x125xi32, #tpu.memory_space<hbm>> -> memref<1x160x125xi32, #tpu.memory_space<hbm>>
      %dma_start3A_212 = tpu.memref_squeeze %dma_start3A_211 : memref<1x160x125xi32, #tpu.memory_space<hbm>> -> memref<160x125xi32, #tpu.memory_space<hbm>>
      tpu.enqueue_dma source(%dma_start3A_212 : memref<160x125xi32, #tpu.memory_space<hbm>>) target(%arg7 : memref<160x125xi32, #tpu.memory_space<vmem>>) target_semaphore(%run_scoped3A : memref<!tpu.dma_semaphore, #tpu.memory_space<semaphore_mem>>)
      %dma_wait3A_213 = arith.constant 0 : i32
      %dma_wait3A_214 = arith.constant 0 : i32
      %dma_wait3A_215 = tpu.memref_slice %arg4[%arg1, %dma_wait3A_213, %dma_wait3A_214] : memref<16x160x125xi32, #tpu.memory_space<hbm>> -> memref<1x160x125xi32, #tpu.memory_space<hbm>>
      %dma_wait3A_216 = tpu.memref_squeeze %dma_wait3A_215 : memref<1x160x125xi32, #tpu.memory_space<hbm>> -> memref<160x125xi32, #tpu.memory_space<hbm>>
      %dma_wait3A_217 = arith.constant 0 : i32
      %dma_wait3A_218 = arith.constant 0 : i32
      %dma_wait3A_219 = tpu.memref_slice %arg4[%arg1, %dma_wait3A_217, %dma_wait3A_218] : memref<16x160x125xi32, #tpu.memory_space<hbm>> -> memref<1x160x125xi32, #tpu.memory_space<hbm>>
      %dma_wait3A_220 = tpu.memref_squeeze %dma_wait3A_219 : memref<1x160x125xi32, #tpu.memory_space<hbm>> -> memref<160x125xi32, #tpu.memory_space<hbm>>
      tpu.wait_dma2 semaphore(%run_scoped3A : memref<!tpu.dma_semaphore, #tpu.memory_space<semaphore_mem>>) src(%dma_wait3A_220 : memref<160x125xi32, #tpu.memory_space<hbm>>) dst(%arg7 : memref<160x125xi32, #tpu.memory_space<vmem>>)
      tpu.yield
    }) : () -> ()
    %mul3A = arith.constant 2 : i32
    %mul3A_0 = arith.muli %arg0, %mul3A : i32
    %add3A = arith.constant 0 : i32
    %add3A_1 = arith.addi %mul3A_0, %add3A : i32
    %mul3A_2 = arith.constant 624 : i32
    %mul3A_3 = arith.muli %arg1, %mul3A_2 : i32
    "tpu.region"() ({
      %run_scoped3A = tpu.sem_alloc : memref<!tpu.dma_semaphore, #tpu.memory_space<semaphore_mem>>
      %dma_start3A_205 = arith.constant 0 : i32
      %dma_start3A_206 = tpu.memref_slice %arg14[%mul3A_3, %dma_start3A_205] : memref<10000x64xf32, #tpu.memory_space<vmem_shared>> -> memref<624x64xf32, #tpu.memory_space<vmem_shared>>
      %dma_start3A_207 = arith.constant 0 : i32
      %dma_start3A_208 = tpu.memref_slice %arg3[%mul3A_3, %dma_start3A_207] : memref<10000x64xf32, #tpu.memory_space<hbm>> -> memref<624x64xf32, #tpu.memory_space<hbm>>
      tpu.enqueue_dma source(%dma_start3A_208 : memref<624x64xf32, #tpu.memory_space<hbm>>) target(%dma_start3A_206 : memref<624x64xf32, #tpu.memory_space<vmem_shared>>) target_semaphore(%run_scoped3A : memref<!tpu.dma_semaphore, #tpu.memory_space<semaphore_mem>>)
      %dma_wait3A_209 = arith.constant 0 : i32
      %dma_wait3A_210 = tpu.memref_slice %arg14[%mul3A_3, %dma_wait3A_209] : memref<10000x64xf32, #tpu.memory_space<vmem_shared>> -> memref<624x64xf32, #tpu.memory_space<vmem_shared>>
      %dma_wait3A_211 = arith.constant 0 : i32
      %dma_wait3A_212 = tpu.memref_slice %arg3[%mul3A_3, %dma_wait3A_211] : memref<10000x64xf32, #tpu.memory_space<hbm>> -> memref<624x64xf32, #tpu.memory_space<hbm>>
      tpu.wait_dma2 semaphore(%run_scoped3A : memref<!tpu.dma_semaphore, #tpu.memory_space<semaphore_mem>>) src(%dma_wait3A_212 : memref<624x64xf32, #tpu.memory_space<hbm>>) dst(%dma_wait3A_210 : memref<624x64xf32, #tpu.memory_space<vmem_shared>>)
      tpu.yield
    }) : () -> ()
    %eq3A = arith.constant 15 : i32
    %eq3A_4 = arith.cmpi eq, %arg1, %eq3A : i32
    %convert_element_type3A = arith.extui %eq3A_4 : i1 to i32
    %cond3A = arith.constant 0 : i32
    %cond3A_5 = arith.cmpi ne, %convert_element_type3A, %cond3A : i32
    scf.if %cond3A_5 {
      "tpu.region"() ({
        %run_scoped3A = tpu.sem_alloc : memref<!tpu.dma_semaphore, #tpu.memory_space<semaphore_mem>>
        %dma_start3A_205 = arith.constant 9984 : i32
        %dma_start3A_206 = arith.constant 0 : i32
        %dma_start3A_207 = tpu.memref_slice %arg14[%dma_start3A_205, %dma_start3A_206] : memref<10000x64xf32, #tpu.memory_space<vmem_shared>> -> memref<16x64xf32, #tpu.memory_space<vmem_shared>>
        %dma_start3A_208 = arith.constant 9984 : i32
        %dma_start3A_209 = arith.constant 0 : i32
        %dma_start3A_210 = tpu.memref_slice %arg3[%dma_start3A_208, %dma_start3A_209] : memref<10000x64xf32, #tpu.memory_space<hbm>> -> memref<16x64xf32, #tpu.memory_space<hbm>>
        tpu.enqueue_dma source(%dma_start3A_210 : memref<16x64xf32, #tpu.memory_space<hbm>>) target(%dma_start3A_207 : memref<16x64xf32, #tpu.memory_space<vmem_shared>>) target_semaphore(%run_scoped3A : memref<!tpu.dma_semaphore, #tpu.memory_space<semaphore_mem>>)
        %dma_wait3A_211 = arith.constant 9984 : i32
        %dma_wait3A_212 = arith.constant 0 : i32
        %dma_wait3A_213 = tpu.memref_slice %arg14[%dma_wait3A_211, %dma_wait3A_212] : memref<10000x64xf32, #tpu.memory_space<vmem_shared>> -> memref<16x64xf32, #tpu.memory_space<vmem_shared>>
        %dma_wait3A_214 = arith.constant 9984 : i32
        %dma_wait3A_215 = arith.constant 0 : i32
        %dma_wait3A_216 = tpu.memref_slice %arg3[%dma_wait3A_214, %dma_wait3A_215] : memref<10000x64xf32, #tpu.memory_space<hbm>> -> memref<16x64xf32, #tpu.memory_space<hbm>>
        tpu.wait_dma2 semaphore(%run_scoped3A : memref<!tpu.dma_semaphore, #tpu.memory_space<semaphore_mem>>) src(%dma_wait3A_216 : memref<16x64xf32, #tpu.memory_space<hbm>>) dst(%dma_wait3A_213 : memref<16x64xf32, #tpu.memory_space<vmem_shared>>)
        tpu.yield
      }) : () -> ()
    } else {
    }
    %barrier3A = arith.constant 0 : index
    tpu.barrier barrier_id(%barrier3A)
    %dma_start3A = arith.constant 0 : i32
    %dma_start3A_6 = arith.constant 0 : i32
    %dma_start3A_7 = tpu.memref_slice %arg7[%dma_start3A, %dma_start3A_6] : memref<160x125xi32, #tpu.memory_space<vmem>> -> memref<1x125xi32, #tpu.memory_space<vmem>>
    %dma_start3A_8 = tpu.memref_squeeze %dma_start3A_7 : memref<1x125xi32, #tpu.memory_space<vmem>> -> memref<125xi32, #tpu.memory_space<vmem>>
    %dma_start3A_9 = arith.constant 0 : i32
    %dma_start3A_10 = tpu.memref_slice %arg2[%add3A_1, %dma_start3A_9] : memref<40000x64xf32, #tpu.memory_space<hbm>> -> memref<39997x64xf32, #tpu.memory_space<hbm>>
    %dma_start3A_11 = arith.constant 0 : i32
    %dma_start3A_12 = arith.constant 0 : i32
    %dma_start3A_13 = tpu.memref_slice %dma_start3A_10[%dma_start3A_11, %dma_start3A_12] : memref<39997x64xf32, #tpu.memory_space<hbm>> -> memref<39997x64xf32, #tpu.memory_space<hbm>>
    tpu.enqueue_indirect_dma source(%dma_start3A_13 : memref<39997x64xf32, #tpu.memory_space<hbm>>) target(%arg9 : memref<125x64xf32, #tpu.memory_space<vmem>>) offsets(%dma_start3A_8 : memref<125xi32, #tpu.memory_space<vmem>>) semaphore(%arg15 : memref<!tpu.dma_semaphore, #tpu.memory_space<semaphore_mem>>)
    %dma_start3A_14 = arith.constant 1 : i32
    %dma_start3A_15 = arith.constant 0 : i32
    %dma_start3A_16 = tpu.memref_slice %arg7[%dma_start3A_14, %dma_start3A_15] : memref<160x125xi32, #tpu.memory_space<vmem>> -> memref<1x125xi32, #tpu.memory_space<vmem>>
    %dma_start3A_17 = tpu.memref_squeeze %dma_start3A_16 : memref<1x125xi32, #tpu.memory_space<vmem>> -> memref<125xi32, #tpu.memory_space<vmem>>
    %dma_start3A_18 = arith.constant 0 : i32
    %dma_start3A_19 = tpu.memref_slice %arg2[%add3A_1, %dma_start3A_18] : memref<40000x64xf32, #tpu.memory_space<hbm>> -> memref<39997x64xf32, #tpu.memory_space<hbm>>
    %dma_start3A_20 = arith.constant 0 : i32
    %dma_start3A_21 = arith.constant 0 : i32
    %dma_start3A_22 = tpu.memref_slice %dma_start3A_19[%dma_start3A_20, %dma_start3A_21] : memref<39997x64xf32, #tpu.memory_space<hbm>> -> memref<39997x64xf32, #tpu.memory_space<hbm>>
    tpu.enqueue_indirect_dma source(%dma_start3A_22 : memref<39997x64xf32, #tpu.memory_space<hbm>>) target(%arg10 : memref<125x64xf32, #tpu.memory_space<vmem>>) offsets(%dma_start3A_17 : memref<125xi32, #tpu.memory_space<vmem>>) semaphore(%arg16 : memref<!tpu.dma_semaphore, #tpu.memory_space<semaphore_mem>>)
    %dma_start3A_23 = arith.constant 2 : i32
    %dma_start3A_24 = arith.constant 0 : i32
    %dma_start3A_25 = tpu.memref_slice %arg7[%dma_start3A_23, %dma_start3A_24] : memref<160x125xi32, #tpu.memory_space<vmem>> -> memref<1x125xi32, #tpu.memory_space<vmem>>
    %dma_start3A_26 = tpu.memref_squeeze %dma_start3A_25 : memref<1x125xi32, #tpu.memory_space<vmem>> -> memref<125xi32, #tpu.memory_space<vmem>>
    %dma_start3A_27 = arith.constant 0 : i32
    %dma_start3A_28 = tpu.memref_slice %arg2[%add3A_1, %dma_start3A_27] : memref<40000x64xf32, #tpu.memory_space<hbm>> -> memref<39997x64xf32, #tpu.memory_space<hbm>>
    %dma_start3A_29 = arith.constant 0 : i32
    %dma_start3A_30 = arith.constant 0 : i32
    %dma_start3A_31 = tpu.memref_slice %dma_start3A_28[%dma_start3A_29, %dma_start3A_30] : memref<39997x64xf32, #tpu.memory_space<hbm>> -> memref<39997x64xf32, #tpu.memory_space<hbm>>
    tpu.enqueue_indirect_dma source(%dma_start3A_31 : memref<39997x64xf32, #tpu.memory_space<hbm>>) target(%arg11 : memref<125x64xf32, #tpu.memory_space<vmem>>) offsets(%dma_start3A_26 : memref<125xi32, #tpu.memory_space<vmem>>) semaphore(%arg17 : memref<!tpu.dma_semaphore, #tpu.memory_space<semaphore_mem>>)
    %dma_start3A_32 = arith.constant 3 : i32
    %dma_start3A_33 = arith.constant 0 : i32
    %dma_start3A_34 = tpu.memref_slice %arg7[%dma_start3A_32, %dma_start3A_33] : memref<160x125xi32, #tpu.memory_space<vmem>> -> memref<1x125xi32, #tpu.memory_space<vmem>>
    %dma_start3A_35 = tpu.memref_squeeze %dma_start3A_34 : memref<1x125xi32, #tpu.memory_space<vmem>> -> memref<125xi32, #tpu.memory_space<vmem>>
    %dma_start3A_36 = arith.constant 0 : i32
    %dma_start3A_37 = tpu.memref_slice %arg2[%add3A_1, %dma_start3A_36] : memref<40000x64xf32, #tpu.memory_space<hbm>> -> memref<39997x64xf32, #tpu.memory_space<hbm>>
    %dma_start3A_38 = arith.constant 0 : i32
    %dma_start3A_39 = arith.constant 0 : i32
    %dma_start3A_40 = tpu.memref_slice %dma_start3A_37[%dma_start3A_38, %dma_start3A_39] : memref<39997x64xf32, #tpu.memory_space<hbm>> -> memref<39997x64xf32, #tpu.memory_space<hbm>>
    tpu.enqueue_indirect_dma source(%dma_start3A_40 : memref<39997x64xf32, #tpu.memory_space<hbm>>) target(%arg12 : memref<125x64xf32, #tpu.memory_space<vmem>>) offsets(%dma_start3A_35 : memref<125xi32, #tpu.memory_space<vmem>>) semaphore(%arg18 : memref<!tpu.dma_semaphore, #tpu.memory_space<semaphore_mem>>)
    %dma_start3A_41 = arith.constant 4 : i32
    %dma_start3A_42 = arith.constant 0 : i32
    %dma_start3A_43 = tpu.memref_slice %arg7[%dma_start3A_41, %dma_start3A_42] : memref<160x125xi32, #tpu.memory_space<vmem>> -> memref<1x125xi32, #tpu.memory_space<vmem>>
    %dma_start3A_44 = tpu.memref_squeeze %dma_start3A_43 : memref<1x125xi32, #tpu.memory_space<vmem>> -> memref<125xi32, #tpu.memory_space<vmem>>
    %dma_start3A_45 = arith.constant 0 : i32
    %dma_start3A_46 = tpu.memref_slice %arg2[%add3A_1, %dma_start3A_45] : memref<40000x64xf32, #tpu.memory_space<hbm>> -> memref<39997x64xf32, #tpu.memory_space<hbm>>
    %dma_start3A_47 = arith.constant 0 : i32
    %dma_start3A_48 = arith.constant 0 : i32
    %dma_start3A_49 = tpu.memref_slice %dma_start3A_46[%dma_start3A_47, %dma_start3A_48] : memref<39997x64xf32, #tpu.memory_space<hbm>> -> memref<39997x64xf32, #tpu.memory_space<hbm>>
    tpu.enqueue_indirect_dma source(%dma_start3A_49 : memref<39997x64xf32, #tpu.memory_space<hbm>>) target(%arg13 : memref<125x64xf32, #tpu.memory_space<vmem>>) offsets(%dma_start3A_44 : memref<125xi32, #tpu.memory_space<vmem>>) semaphore(%arg19 : memref<!tpu.dma_semaphore, #tpu.memory_space<semaphore_mem>>)
    %scan3A = arith.constant 0 : i32
    %scan3A_50 = arith.constant 32 : i32
    %scan3A_51 = arith.addi %scan3A, %scan3A_50 : i32
    %scan3A_52 = arith.constant 1 : i32
    scf.for %scan3A_205 = %scan3A to %scan3A_51 step %scan3A_52  : i32 {
      %mul3A_206 = arith.constant 1 : i32
      %mul3A_207 = arith.muli %scan3A_205, %mul3A_206 : i32
      %add3A_208 = arith.constant 0 : i32
      %add3A_209 = arith.addi %add3A_208, %mul3A_207 : i32
      %mul3A_210 = arith.constant 5 : i32
      %mul3A_211 = arith.muli %add3A_209, %mul3A_210 : i32
      %add3A_212 = arith.constant 0 : i32
      %add3A_213 = arith.addi %mul3A_211, %add3A_212 : i32
      %dma_wait3A_214 = arith.constant 0 : i32
      %dma_wait3A_215 = arith.constant 0 : i32
      %dma_wait3A_216 = tpu.memref_slice %arg7[%dma_wait3A_214, %dma_wait3A_215] : memref<160x125xi32, #tpu.memory_space<vmem>> -> memref<1x125xi32, #tpu.memory_space<vmem>>
      %dma_wait3A_217 = tpu.memref_squeeze %dma_wait3A_216 : memref<1x125xi32, #tpu.memory_space<vmem>> -> memref<125xi32, #tpu.memory_space<vmem>>
      %dma_wait3A_218 = arith.constant 0 : i32
      %dma_wait3A_219 = tpu.memref_slice %arg2[%add3A_1, %dma_wait3A_218] : memref<40000x64xf32, #tpu.memory_space<hbm>> -> memref<39997x64xf32, #tpu.memory_space<hbm>>
      %dma_wait3A_220 = arith.constant 0 : i32
      %dma_wait3A_221 = arith.constant 0 : i32
      %dma_wait3A_222 = tpu.memref_slice %dma_wait3A_219[%dma_wait3A_220, %dma_wait3A_221] : memref<39997x64xf32, #tpu.memory_space<hbm>> -> memref<39997x64xf32, #tpu.memory_space<hbm>>
      tpu.wait_indirect_dma semaphore(%arg15 : memref<!tpu.dma_semaphore, #tpu.memory_space<semaphore_mem>>) src(%dma_wait3A_222 : memref<39997x64xf32, #tpu.memory_space<hbm>>) dst(%arg9 : memref<125x64xf32, #tpu.memory_space<vmem>>)
      %dma_start3A_223 = arith.constant 0 : i32
      %dma_start3A_224 = tpu.memref_slice %arg8[%add3A_213, %dma_start3A_223] : memref<160x125xi32, #tpu.memory_space<vmem>> -> memref<1x125xi32, #tpu.memory_space<vmem>>
      %dma_start3A_225 = tpu.memref_squeeze %dma_start3A_224 : memref<1x125xi32, #tpu.memory_space<vmem>> -> memref<125xi32, #tpu.memory_space<vmem>>
      %dma_start3A_226 = arith.constant 0 : i32
      %dma_start3A_227 = arith.constant 0 : i32
      %dma_start3A_228 = tpu.memref_slice %arg14[%dma_start3A_226, %dma_start3A_227] : memref<10000x64xf32, #tpu.memory_space<vmem_shared>> -> memref<10000x64xf32, #tpu.memory_space<vmem_shared>>
      tpu.enqueue_indirect_dma source(%arg9 : memref<125x64xf32, #tpu.memory_space<vmem>>) target(%dma_start3A_228 : memref<10000x64xf32, #tpu.memory_space<vmem_shared>>) offsets(%dma_start3A_225 : memref<125xi32, #tpu.memory_space<vmem>>) semaphore(%arg20 : memref<!tpu.dma_semaphore, #tpu.memory_space<semaphore_mem>>) {add = true}
      %add3A_229 = arith.constant 5 : i32
      %add3A_230 = arith.addi %add3A_213, %add3A_229 : i32
      %lt3A = arith.constant 160 : i32
      %lt3A_231 = arith.cmpi slt, %add3A_230, %lt3A : i32
      %convert_element_type3A_232 = arith.extui %lt3A_231 : i1 to i32
      %cond3A_233 = arith.constant 0 : i32
      %cond3A_234 = arith.cmpi ne, %convert_element_type3A_232, %cond3A_233 : i32
      scf.if %cond3A_234 {
        %dma_wait3A_331 = arith.constant 0 : i32
        %dma_wait3A_332 = arith.constant 0 : i32
        %dma_wait3A_333 = tpu.memref_slice %arg8[%dma_wait3A_331, %dma_wait3A_332] : memref<160x125xi32, #tpu.memory_space<vmem>> -> memref<1x125xi32, #tpu.memory_space<vmem>>
        %dma_wait3A_334 = tpu.memref_squeeze %dma_wait3A_333 : memref<1x125xi32, #tpu.memory_space<vmem>> -> memref<125xi32, #tpu.memory_space<vmem>>
        %dma_wait3A_335 = arith.constant 0 : i32
        %dma_wait3A_336 = arith.constant 0 : i32
        %dma_wait3A_337 = tpu.memref_slice %arg14[%dma_wait3A_335, %dma_wait3A_336] : memref<10000x64xf32, #tpu.memory_space<vmem_shared>> -> memref<10000x64xf32, #tpu.memory_space<vmem_shared>>
        tpu.wait_indirect_dma semaphore(%arg20 : memref<!tpu.dma_semaphore, #tpu.memory_space<semaphore_mem>>) src(%arg9 : memref<125x64xf32, #tpu.memory_space<vmem>>) dst(%dma_wait3A_337 : memref<10000x64xf32, #tpu.memory_space<vmem_shared>>)
        %add3A_338 = arith.constant 5 : i32
        %add3A_339 = arith.addi %add3A_213, %add3A_338 : i32
        %dma_start3A_340 = arith.constant 0 : i32
        %dma_start3A_341 = tpu.memref_slice %arg7[%add3A_339, %dma_start3A_340] : memref<160x125xi32, #tpu.memory_space<vmem>> -> memref<1x125xi32, #tpu.memory_space<vmem>>
        %dma_start3A_342 = tpu.memref_squeeze %dma_start3A_341 : memref<1x125xi32, #tpu.memory_space<vmem>> -> memref<125xi32, #tpu.memory_space<vmem>>
        %dma_start3A_343 = arith.constant 0 : i32
        %dma_start3A_344 = tpu.memref_slice %arg2[%add3A_1, %dma_start3A_343] : memref<40000x64xf32, #tpu.memory_space<hbm>> -> memref<39997x64xf32, #tpu.memory_space<hbm>>
        %dma_start3A_345 = arith.constant 0 : i32
        %dma_start3A_346 = arith.constant 0 : i32
        %dma_start3A_347 = tpu.memref_slice %dma_start3A_344[%dma_start3A_345, %dma_start3A_346] : memref<39997x64xf32, #tpu.memory_space<hbm>> -> memref<39997x64xf32, #tpu.memory_space<hbm>>
        tpu.enqueue_indirect_dma source(%dma_start3A_347 : memref<39997x64xf32, #tpu.memory_space<hbm>>) target(%arg9 : memref<125x64xf32, #tpu.memory_space<vmem>>) offsets(%dma_start3A_342 : memref<125xi32, #tpu.memory_space<vmem>>) semaphore(%arg15 : memref<!tpu.dma_semaphore, #tpu.memory_space<semaphore_mem>>)
      } else {
      }
      %add3A_235 = arith.constant 1 : i32
      %add3A_236 = arith.addi %mul3A_211, %add3A_235 : i32
      %dma_wait3A_237 = arith.constant 0 : i32
      %dma_wait3A_238 = arith.constant 0 : i32
      %dma_wait3A_239 = tpu.memref_slice %arg7[%dma_wait3A_237, %dma_wait3A_238] : memref<160x125xi32, #tpu.memory_space<vmem>> -> memref<1x125xi32, #tpu.memory_space<vmem>>
      %dma_wait3A_240 = tpu.memref_squeeze %dma_wait3A_239 : memref<1x125xi32, #tpu.memory_space<vmem>> -> memref<125xi32, #tpu.memory_space<vmem>>
      %dma_wait3A_241 = arith.constant 0 : i32
      %dma_wait3A_242 = tpu.memref_slice %arg2[%add3A_1, %dma_wait3A_241] : memref<40000x64xf32, #tpu.memory_space<hbm>> -> memref<39997x64xf32, #tpu.memory_space<hbm>>
      %dma_wait3A_243 = arith.constant 0 : i32
      %dma_wait3A_244 = arith.constant 0 : i32
      %dma_wait3A_245 = tpu.memref_slice %dma_wait3A_242[%dma_wait3A_243, %dma_wait3A_244] : memref<39997x64xf32, #tpu.memory_space<hbm>> -> memref<39997x64xf32, #tpu.memory_space<hbm>>
      tpu.wait_indirect_dma semaphore(%arg16 : memref<!tpu.dma_semaphore, #tpu.memory_space<semaphore_mem>>) src(%dma_wait3A_245 : memref<39997x64xf32, #tpu.memory_space<hbm>>) dst(%arg10 : memref<125x64xf32, #tpu.memory_space<vmem>>)
      %dma_start3A_246 = arith.constant 0 : i32
      %dma_start3A_247 = tpu.memref_slice %arg8[%add3A_236, %dma_start3A_246] : memref<160x125xi32, #tpu.memory_space<vmem>> -> memref<1x125xi32, #tpu.memory_space<vmem>>
      %dma_start3A_248 = tpu.memref_squeeze %dma_start3A_247 : memref<1x125xi32, #tpu.memory_space<vmem>> -> memref<125xi32, #tpu.memory_space<vmem>>
      %dma_start3A_249 = arith.constant 0 : i32
      %dma_start3A_250 = arith.constant 0 : i32
      %dma_start3A_251 = tpu.memref_slice %arg14[%dma_start3A_249, %dma_start3A_250] : memref<10000x64xf32, #tpu.memory_space<vmem_shared>> -> memref<10000x64xf32, #tpu.memory_space<vmem_shared>>
      tpu.enqueue_indirect_dma source(%arg10 : memref<125x64xf32, #tpu.memory_space<vmem>>) target(%dma_start3A_251 : memref<10000x64xf32, #tpu.memory_space<vmem_shared>>) offsets(%dma_start3A_248 : memref<125xi32, #tpu.memory_space<vmem>>) semaphore(%arg21 : memref<!tpu.dma_semaphore, #tpu.memory_space<semaphore_mem>>) {add = true}
      %add3A_252 = arith.constant 5 : i32
      %add3A_253 = arith.addi %add3A_236, %add3A_252 : i32
      %lt3A_254 = arith.constant 160 : i32
      %lt3A_255 = arith.cmpi slt, %add3A_253, %lt3A_254 : i32
      %convert_element_type3A_256 = arith.extui %lt3A_255 : i1 to i32
      %cond3A_257 = arith.constant 0 : i32
      %cond3A_258 = arith.cmpi ne, %convert_element_type3A_256, %cond3A_257 : i32
      scf.if %cond3A_258 {
        %dma_wait3A_331 = arith.constant 0 : i32
        %dma_wait3A_332 = arith.constant 0 : i32
        %dma_wait3A_333 = tpu.memref_slice %arg8[%dma_wait3A_331, %dma_wait3A_332] : memref<160x125xi32, #tpu.memory_space<vmem>> -> memref<1x125xi32, #tpu.memory_space<vmem>>
        %dma_wait3A_334 = tpu.memref_squeeze %dma_wait3A_333 : memref<1x125xi32, #tpu.memory_space<vmem>> -> memref<125xi32, #tpu.memory_space<vmem>>
        %dma_wait3A_335 = arith.constant 0 : i32
        %dma_wait3A_336 = arith.constant 0 : i32
        %dma_wait3A_337 = tpu.memref_slice %arg14[%dma_wait3A_335, %dma_wait3A_336] : memref<10000x64xf32, #tpu.memory_space<vmem_shared>> -> memref<10000x64xf32, #tpu.memory_space<vmem_shared>>
        tpu.wait_indirect_dma semaphore(%arg21 : memref<!tpu.dma_semaphore, #tpu.memory_space<semaphore_mem>>) src(%arg10 : memref<125x64xf32, #tpu.memory_space<vmem>>) dst(%dma_wait3A_337 : memref<10000x64xf32, #tpu.memory_space<vmem_shared>>)
        %add3A_338 = arith.constant 5 : i32
        %add3A_339 = arith.addi %add3A_236, %add3A_338 : i32
        %dma_start3A_340 = arith.constant 0 : i32
        %dma_start3A_341 = tpu.memref_slice %arg7[%add3A_339, %dma_start3A_340] : memref<160x125xi32, #tpu.memory_space<vmem>> -> memref<1x125xi32, #tpu.memory_space<vmem>>
        %dma_start3A_342 = tpu.memref_squeeze %dma_start3A_341 : memref<1x125xi32, #tpu.memory_space<vmem>> -> memref<125xi32, #tpu.memory_space<vmem>>
        %dma_start3A_343 = arith.constant 0 : i32
        %dma_start3A_344 = tpu.memref_slice %arg2[%add3A_1, %dma_start3A_343] : memref<40000x64xf32, #tpu.memory_space<hbm>> -> memref<39997x64xf32, #tpu.memory_space<hbm>>
        %dma_start3A_345 = arith.constant 0 : i32
        %dma_start3A_346 = arith.constant 0 : i32
        %dma_start3A_347 = tpu.memref_slice %dma_start3A_344[%dma_start3A_345, %dma_start3A_346] : memref<39997x64xf32, #tpu.memory_space<hbm>> -> memref<39997x64xf32, #tpu.memory_space<hbm>>
        tpu.enqueue_indirect_dma source(%dma_start3A_347 : memref<39997x64xf32, #tpu.memory_space<hbm>>) target(%arg10 : memref<125x64xf32, #tpu.memory_space<vmem>>) offsets(%dma_start3A_342 : memref<125xi32, #tpu.memory_space<vmem>>) semaphore(%arg16 : memref<!tpu.dma_semaphore, #tpu.memory_space<semaphore_mem>>)
      } else {
      }
      %add3A_259 = arith.constant 2 : i32
      %add3A_260 = arith.addi %mul3A_211, %add3A_259 : i32
      %dma_wait3A_261 = arith.constant 0 : i32
      %dma_wait3A_262 = arith.constant 0 : i32
      %dma_wait3A_263 = tpu.memref_slice %arg7[%dma_wait3A_261, %dma_wait3A_262] : memref<160x125xi32, #tpu.memory_space<vmem>> -> memref<1x125xi32, #tpu.memory_space<vmem>>
      %dma_wait3A_264 = tpu.memref_squeeze %dma_wait3A_263 : memref<1x125xi32, #tpu.memory_space<vmem>> -> memref<125xi32, #tpu.memory_space<vmem>>
      %dma_wait3A_265 = arith.constant 0 : i32
      %dma_wait3A_266 = tpu.memref_slice %arg2[%add3A_1, %dma_wait3A_265] : memref<40000x64xf32, #tpu.memory_space<hbm>> -> memref<39997x64xf32, #tpu.memory_space<hbm>>
      %dma_wait3A_267 = arith.constant 0 : i32
      %dma_wait3A_268 = arith.constant 0 : i32
      %dma_wait3A_269 = tpu.memref_slice %dma_wait3A_266[%dma_wait3A_267, %dma_wait3A_268] : memref<39997x64xf32, #tpu.memory_space<hbm>> -> memref<39997x64xf32, #tpu.memory_space<hbm>>
      tpu.wait_indirect_dma semaphore(%arg17 : memref<!tpu.dma_semaphore, #tpu.memory_space<semaphore_mem>>) src(%dma_wait3A_269 : memref<39997x64xf32, #tpu.memory_space<hbm>>) dst(%arg11 : memref<125x64xf32, #tpu.memory_space<vmem>>)
      %dma_start3A_270 = arith.constant 0 : i32
      %dma_start3A_271 = tpu.memref_slice %arg8[%add3A_260, %dma_start3A_270] : memref<160x125xi32, #tpu.memory_space<vmem>> -> memref<1x125xi32, #tpu.memory_space<vmem>>
      %dma_start3A_272 = tpu.memref_squeeze %dma_start3A_271 : memref<1x125xi32, #tpu.memory_space<vmem>> -> memref<125xi32, #tpu.memory_space<vmem>>
      %dma_start3A_273 = arith.constant 0 : i32
      %dma_start3A_274 = arith.constant 0 : i32
      %dma_start3A_275 = tpu.memref_slice %arg14[%dma_start3A_273, %dma_start3A_274] : memref<10000x64xf32, #tpu.memory_space<vmem_shared>> -> memref<10000x64xf32, #tpu.memory_space<vmem_shared>>
      tpu.enqueue_indirect_dma source(%arg11 : memref<125x64xf32, #tpu.memory_space<vmem>>) target(%dma_start3A_275 : memref<10000x64xf32, #tpu.memory_space<vmem_shared>>) offsets(%dma_start3A_272 : memref<125xi32, #tpu.memory_space<vmem>>) semaphore(%arg22 : memref<!tpu.dma_semaphore, #tpu.memory_space<semaphore_mem>>) {add = true}
      %add3A_276 = arith.constant 5 : i32
      %add3A_277 = arith.addi %add3A_260, %add3A_276 : i32
      %lt3A_278 = arith.constant 160 : i32
      %lt3A_279 = arith.cmpi slt, %add3A_277, %lt3A_278 : i32
      %convert_element_type3A_280 = arith.extui %lt3A_279 : i1 to i32
      %cond3A_281 = arith.constant 0 : i32
      %cond3A_282 = arith.cmpi ne, %convert_element_type3A_280, %cond3A_281 : i32
      scf.if %cond3A_282 {
        %dma_wait3A_331 = arith.constant 0 : i32
        %dma_wait3A_332 = arith.constant 0 : i32
        %dma_wait3A_333 = tpu.memref_slice %arg8[%dma_wait3A_331, %dma_wait3A_332] : memref<160x125xi32, #tpu.memory_space<vmem>> -> memref<1x125xi32, #tpu.memory_space<vmem>>
        %dma_wait3A_334 = tpu.memref_squeeze %dma_wait3A_333 : memref<1x125xi32, #tpu.memory_space<vmem>> -> memref<125xi32, #tpu.memory_space<vmem>>
        %dma_wait3A_335 = arith.constant 0 : i32
        %dma_wait3A_336 = arith.constant 0 : i32
        %dma_wait3A_337 = tpu.memref_slice %arg14[%dma_wait3A_335, %dma_wait3A_336] : memref<10000x64xf32, #tpu.memory_space<vmem_shared>> -> memref<10000x64xf32, #tpu.memory_space<vmem_shared>>
        tpu.wait_indirect_dma semaphore(%arg22 : memref<!tpu.dma_semaphore, #tpu.memory_space<semaphore_mem>>) src(%arg11 : memref<125x64xf32, #tpu.memory_space<vmem>>) dst(%dma_wait3A_337 : memref<10000x64xf32, #tpu.memory_space<vmem_shared>>)
        %add3A_338 = arith.constant 5 : i32
        %add3A_339 = arith.addi %add3A_260, %add3A_338 : i32
        %dma_start3A_340 = arith.constant 0 : i32
        %dma_start3A_341 = tpu.memref_slice %arg7[%add3A_339, %dma_start3A_340] : memref<160x125xi32, #tpu.memory_space<vmem>> -> memref<1x125xi32, #tpu.memory_space<vmem>>
        %dma_start3A_342 = tpu.memref_squeeze %dma_start3A_341 : memref<1x125xi32, #tpu.memory_space<vmem>> -> memref<125xi32, #tpu.memory_space<vmem>>
        %dma_start3A_343 = arith.constant 0 : i32
        %dma_start3A_344 = tpu.memref_slice %arg2[%add3A_1, %dma_start3A_343] : memref<40000x64xf32, #tpu.memory_space<hbm>> -> memref<39997x64xf32, #tpu.memory_space<hbm>>
        %dma_start3A_345 = arith.constant 0 : i32
        %dma_start3A_346 = arith.constant 0 : i32
        %dma_start3A_347 = tpu.memref_slice %dma_start3A_344[%dma_start3A_345, %dma_start3A_346] : memref<39997x64xf32, #tpu.memory_space<hbm>> -> memref<39997x64xf32, #tpu.memory_space<hbm>>
        tpu.enqueue_indirect_dma source(%dma_start3A_347 : memref<39997x64xf32, #tpu.memory_space<hbm>>) target(%arg11 : memref<125x64xf32, #tpu.memory_space<vmem>>) offsets(%dma_start3A_342 : memref<125xi32, #tpu.memory_space<vmem>>) semaphore(%arg17 : memref<!tpu.dma_semaphore, #tpu.memory_space<semaphore_mem>>)
      } else {
      }
      %add3A_283 = arith.constant 3 : i32
      %add3A_284 = arith.addi %mul3A_211, %add3A_283 : i32
      %dma_wait3A_285 = arith.constant 0 : i32
      %dma_wait3A_286 = arith.constant 0 : i32
      %dma_wait3A_287 = tpu.memref_slice %arg7[%dma_wait3A_285, %dma_wait3A_286] : memref<160x125xi32, #tpu.memory_space<vmem>> -> memref<1x125xi32, #tpu.memory_space<vmem>>
      %dma_wait3A_288 = tpu.memref_squeeze %dma_wait3A_287 : memref<1x125xi32, #tpu.memory_space<vmem>> -> memref<125xi32, #tpu.memory_space<vmem>>
      %dma_wait3A_289 = arith.constant 0 : i32
      %dma_wait3A_290 = tpu.memref_slice %arg2[%add3A_1, %dma_wait3A_289] : memref<40000x64xf32, #tpu.memory_space<hbm>> -> memref<39997x64xf32, #tpu.memory_space<hbm>>
      %dma_wait3A_291 = arith.constant 0 : i32
      %dma_wait3A_292 = arith.constant 0 : i32
      %dma_wait3A_293 = tpu.memref_slice %dma_wait3A_290[%dma_wait3A_291, %dma_wait3A_292] : memref<39997x64xf32, #tpu.memory_space<hbm>> -> memref<39997x64xf32, #tpu.memory_space<hbm>>
      tpu.wait_indirect_dma semaphore(%arg18 : memref<!tpu.dma_semaphore, #tpu.memory_space<semaphore_mem>>) src(%dma_wait3A_293 : memref<39997x64xf32, #tpu.memory_space<hbm>>) dst(%arg12 : memref<125x64xf32, #tpu.memory_space<vmem>>)
      %dma_start3A_294 = arith.constant 0 : i32
      %dma_start3A_295 = tpu.memref_slice %arg8[%add3A_284, %dma_start3A_294] : memref<160x125xi32, #tpu.memory_space<vmem>> -> memref<1x125xi32, #tpu.memory_space<vmem>>
      %dma_start3A_296 = tpu.memref_squeeze %dma_start3A_295 : memref<1x125xi32, #tpu.memory_space<vmem>> -> memref<125xi32, #tpu.memory_space<vmem>>
      %dma_start3A_297 = arith.constant 0 : i32
      %dma_start3A_298 = arith.constant 0 : i32
      %dma_start3A_299 = tpu.memref_slice %arg14[%dma_start3A_297, %dma_start3A_298] : memref<10000x64xf32, #tpu.memory_space<vmem_shared>> -> memref<10000x64xf32, #tpu.memory_space<vmem_shared>>
      tpu.enqueue_indirect_dma source(%arg12 : memref<125x64xf32, #tpu.memory_space<vmem>>) target(%dma_start3A_299 : memref<10000x64xf32, #tpu.memory_space<vmem_shared>>) offsets(%dma_start3A_296 : memref<125xi32, #tpu.memory_space<vmem>>) semaphore(%arg23 : memref<!tpu.dma_semaphore, #tpu.memory_space<semaphore_mem>>) {add = true}
      %add3A_300 = arith.constant 5 : i32
      %add3A_301 = arith.addi %add3A_284, %add3A_300 : i32
      %lt3A_302 = arith.constant 160 : i32
      %lt3A_303 = arith.cmpi slt, %add3A_301, %lt3A_302 : i32
      %convert_element_type3A_304 = arith.extui %lt3A_303 : i1 to i32
      %cond3A_305 = arith.constant 0 : i32
      %cond3A_306 = arith.cmpi ne, %convert_element_type3A_304, %cond3A_305 : i32
      scf.if %cond3A_306 {
        %dma_wait3A_331 = arith.constant 0 : i32
        %dma_wait3A_332 = arith.constant 0 : i32
        %dma_wait3A_333 = tpu.memref_slice %arg8[%dma_wait3A_331, %dma_wait3A_332] : memref<160x125xi32, #tpu.memory_space<vmem>> -> memref<1x125xi32, #tpu.memory_space<vmem>>
        %dma_wait3A_334 = tpu.memref_squeeze %dma_wait3A_333 : memref<1x125xi32, #tpu.memory_space<vmem>> -> memref<125xi32, #tpu.memory_space<vmem>>
        %dma_wait3A_335 = arith.constant 0 : i32
        %dma_wait3A_336 = arith.constant 0 : i32
        %dma_wait3A_337 = tpu.memref_slice %arg14[%dma_wait3A_335, %dma_wait3A_336] : memref<10000x64xf32, #tpu.memory_space<vmem_shared>> -> memref<10000x64xf32, #tpu.memory_space<vmem_shared>>
        tpu.wait_indirect_dma semaphore(%arg23 : memref<!tpu.dma_semaphore, #tpu.memory_space<semaphore_mem>>) src(%arg12 : memref<125x64xf32, #tpu.memory_space<vmem>>) dst(%dma_wait3A_337 : memref<10000x64xf32, #tpu.memory_space<vmem_shared>>)
        %add3A_338 = arith.constant 5 : i32
        %add3A_339 = arith.addi %add3A_284, %add3A_338 : i32
        %dma_start3A_340 = arith.constant 0 : i32
        %dma_start3A_341 = tpu.memref_slice %arg7[%add3A_339, %dma_start3A_340] : memref<160x125xi32, #tpu.memory_space<vmem>> -> memref<1x125xi32, #tpu.memory_space<vmem>>
        %dma_start3A_342 = tpu.memref_squeeze %dma_start3A_341 : memref<1x125xi32, #tpu.memory_space<vmem>> -> memref<125xi32, #tpu.memory_space<vmem>>
        %dma_start3A_343 = arith.constant 0 : i32
        %dma_start3A_344 = tpu.memref_slice %arg2[%add3A_1, %dma_start3A_343] : memref<40000x64xf32, #tpu.memory_space<hbm>> -> memref<39997x64xf32, #tpu.memory_space<hbm>>
        %dma_start3A_345 = arith.constant 0 : i32
        %dma_start3A_346 = arith.constant 0 : i32
        %dma_start3A_347 = tpu.memref_slice %dma_start3A_344[%dma_start3A_345, %dma_start3A_346] : memref<39997x64xf32, #tpu.memory_space<hbm>> -> memref<39997x64xf32, #tpu.memory_space<hbm>>
        tpu.enqueue_indirect_dma source(%dma_start3A_347 : memref<39997x64xf32, #tpu.memory_space<hbm>>) target(%arg12 : memref<125x64xf32, #tpu.memory_space<vmem>>) offsets(%dma_start3A_342 : memref<125xi32, #tpu.memory_space<vmem>>) semaphore(%arg18 : memref<!tpu.dma_semaphore, #tpu.memory_space<semaphore_mem>>)
      } else {
      }
      %add3A_307 = arith.constant 4 : i32
      %add3A_308 = arith.addi %mul3A_211, %add3A_307 : i32
      %dma_wait3A_309 = arith.constant 0 : i32
      %dma_wait3A_310 = arith.constant 0 : i32
      %dma_wait3A_311 = tpu.memref_slice %arg7[%dma_wait3A_309, %dma_wait3A_310] : memref<160x125xi32, #tpu.memory_space<vmem>> -> memref<1x125xi32, #tpu.memory_space<vmem>>
      %dma_wait3A_312 = tpu.memref_squeeze %dma_wait3A_311 : memref<1x125xi32, #tpu.memory_space<vmem>> -> memref<125xi32, #tpu.memory_space<vmem>>
      %dma_wait3A_313 = arith.constant 0 : i32
      %dma_wait3A_314 = tpu.memref_slice %arg2[%add3A_1, %dma_wait3A_313] : memref<40000x64xf32, #tpu.memory_space<hbm>> -> memref<39997x64xf32, #tpu.memory_space<hbm>>
      %dma_wait3A_315 = arith.constant 0 : i32
      %dma_wait3A_316 = arith.constant 0 : i32
      %dma_wait3A_317 = tpu.memref_slice %dma_wait3A_314[%dma_wait3A_315, %dma_wait3A_316] : memref<39997x64xf32, #tpu.memory_space<hbm>> -> memref<39997x64xf32, #tpu.memory_space<hbm>>
      tpu.wait_indirect_dma semaphore(%arg19 : memref<!tpu.dma_semaphore, #tpu.memory_space<semaphore_mem>>) src(%dma_wait3A_317 : memref<39997x64xf32, #tpu.memory_space<hbm>>) dst(%arg13 : memref<125x64xf32, #tpu.memory_space<vmem>>)
      %dma_start3A_318 = arith.constant 0 : i32
      %dma_start3A_319 = tpu.memref_slice %arg8[%add3A_308, %dma_start3A_318] : memref<160x125xi32, #tpu.memory_space<vmem>> -> memref<1x125xi32, #tpu.memory_space<vmem>>
      %dma_start3A_320 = tpu.memref_squeeze %dma_start3A_319 : memref<1x125xi32, #tpu.memory_space<vmem>> -> memref<125xi32, #tpu.memory_space<vmem>>
      %dma_start3A_321 = arith.constant 0 : i32
      %dma_start3A_322 = arith.constant 0 : i32
      %dma_start3A_323 = tpu.memref_slice %arg14[%dma_start3A_321, %dma_start3A_322] : memref<10000x64xf32, #tpu.memory_space<vmem_shared>> -> memref<10000x64xf32, #tpu.memory_space<vmem_shared>>
      tpu.enqueue_indirect_dma source(%arg13 : memref<125x64xf32, #tpu.memory_space<vmem>>) target(%dma_start3A_323 : memref<10000x64xf32, #tpu.memory_space<vmem_shared>>) offsets(%dma_start3A_320 : memref<125xi32, #tpu.memory_space<vmem>>) semaphore(%arg24 : memref<!tpu.dma_semaphore, #tpu.memory_space<semaphore_mem>>) {add = true}
      %add3A_324 = arith.constant 5 : i32
      %add3A_325 = arith.addi %add3A_308, %add3A_324 : i32
      %lt3A_326 = arith.constant 160 : i32
      %lt3A_327 = arith.cmpi slt, %add3A_325, %lt3A_326 : i32
      %convert_element_type3A_328 = arith.extui %lt3A_327 : i1 to i32
      %cond3A_329 = arith.constant 0 : i32
      %cond3A_330 = arith.cmpi ne, %convert_element_type3A_328, %cond3A_329 : i32
      scf.if %cond3A_330 {
        %dma_wait3A_331 = arith.constant 0 : i32
        %dma_wait3A_332 = arith.constant 0 : i32
        %dma_wait3A_333 = tpu.memref_slice %arg8[%dma_wait3A_331, %dma_wait3A_332] : memref<160x125xi32, #tpu.memory_space<vmem>> -> memref<1x125xi32, #tpu.memory_space<vmem>>
        %dma_wait3A_334 = tpu.memref_squeeze %dma_wait3A_333 : memref<1x125xi32, #tpu.memory_space<vmem>> -> memref<125xi32, #tpu.memory_space<vmem>>
        %dma_wait3A_335 = arith.constant 0 : i32
        %dma_wait3A_336 = arith.constant 0 : i32
        %dma_wait3A_337 = tpu.memref_slice %arg14[%dma_wait3A_335, %dma_wait3A_336] : memref<10000x64xf32, #tpu.memory_space<vmem_shared>> -> memref<10000x64xf32, #tpu.memory_space<vmem_shared>>
        tpu.wait_indirect_dma semaphore(%arg24 : memref<!tpu.dma_semaphore, #tpu.memory_space<semaphore_mem>>) src(%arg13 : memref<125x64xf32, #tpu.memory_space<vmem>>) dst(%dma_wait3A_337 : memref<10000x64xf32, #tpu.memory_space<vmem_shared>>)
        %add3A_338 = arith.constant 5 : i32
        %add3A_339 = arith.addi %add3A_308, %add3A_338 : i32
        %dma_start3A_340 = arith.constant 0 : i32
        %dma_start3A_341 = tpu.memref_slice %arg7[%add3A_339, %dma_start3A_340] : memref<160x125xi32, #tpu.memory_space<vmem>> -> memref<1x125xi32, #tpu.memory_space<vmem>>
        %dma_start3A_342 = tpu.memref_squeeze %dma_start3A_341 : memref<1x125xi32, #tpu.memory_space<vmem>> -> memref<125xi32, #tpu.memory_space<vmem>>
        %dma_start3A_343 = arith.constant 0 : i32
        %dma_start3A_344 = tpu.memref_slice %arg2[%add3A_1, %dma_start3A_343] : memref<40000x64xf32, #tpu.memory_space<hbm>> -> memref<39997x64xf32, #tpu.memory_space<hbm>>
        %dma_start3A_345 = arith.constant 0 : i32
        %dma_start3A_346 = arith.constant 0 : i32
        %dma_start3A_347 = tpu.memref_slice %dma_start3A_344[%dma_start3A_345, %dma_start3A_346] : memref<39997x64xf32, #tpu.memory_space<hbm>> -> memref<39997x64xf32, #tpu.memory_space<hbm>>
        tpu.enqueue_indirect_dma source(%dma_start3A_347 : memref<39997x64xf32, #tpu.memory_space<hbm>>) target(%arg13 : memref<125x64xf32, #tpu.memory_space<vmem>>) offsets(%dma_start3A_342 : memref<125xi32, #tpu.memory_space<vmem>>) semaphore(%arg19 : memref<!tpu.dma_semaphore, #tpu.memory_space<semaphore_mem>>)
      } else {
      }
    }
    %scan3A_53 = arith.constant 32 : i32
    %dma_wait3A = arith.constant 0 : i32
    %dma_wait3A_54 = arith.constant 0 : i32
    %dma_wait3A_55 = tpu.memref_slice %arg8[%dma_wait3A, %dma_wait3A_54] : memref<160x125xi32, #tpu.memory_space<vmem>> -> memref<1x125xi32, #tpu.memory_space<vmem>>
    %dma_wait3A_56 = tpu.memref_squeeze %dma_wait3A_55 : memref<1x125xi32, #tpu.memory_space<vmem>> -> memref<125xi32, #tpu.memory_space<vmem>>
    %dma_wait3A_57 = arith.constant 0 : i32
    %dma_wait3A_58 = arith.constant 0 : i32
    %dma_wait3A_59 = tpu.memref_slice %arg14[%dma_wait3A_57, %dma_wait3A_58] : memref<10000x64xf32, #tpu.memory_space<vmem_shared>> -> memref<10000x64xf32, #tpu.memory_space<vmem_shared>>
    tpu.wait_indirect_dma semaphore(%arg20 : memref<!tpu.dma_semaphore, #tpu.memory_space<semaphore_mem>>) src(%arg9 : memref<125x64xf32, #tpu.memory_space<vmem>>) dst(%dma_wait3A_59 : memref<10000x64xf32, #tpu.memory_space<vmem_shared>>)
    %dma_wait3A_60 = arith.constant 0 : i32
    %dma_wait3A_61 = arith.constant 0 : i32
    %dma_wait3A_62 = tpu.memref_slice %arg8[%dma_wait3A_60, %dma_wait3A_61] : memref<160x125xi32, #tpu.memory_space<vmem>> -> memref<1x125xi32, #tpu.memory_space<vmem>>
    %dma_wait3A_63 = tpu.memref_squeeze %dma_wait3A_62 : memref<1x125xi32, #tpu.memory_space<vmem>> -> memref<125xi32, #tpu.memory_space<vmem>>
    %dma_wait3A_64 = arith.constant 0 : i32
    %dma_wait3A_65 = arith.constant 0 : i32
    %dma_wait3A_66 = tpu.memref_slice %arg14[%dma_wait3A_64, %dma_wait3A_65] : memref<10000x64xf32, #tpu.memory_space<vmem_shared>> -> memref<10000x64xf32, #tpu.memory_space<vmem_shared>>
    tpu.wait_indirect_dma semaphore(%arg21 : memref<!tpu.dma_semaphore, #tpu.memory_space<semaphore_mem>>) src(%arg10 : memref<125x64xf32, #tpu.memory_space<vmem>>) dst(%dma_wait3A_66 : memref<10000x64xf32, #tpu.memory_space<vmem_shared>>)
    %dma_wait3A_67 = arith.constant 0 : i32
    %dma_wait3A_68 = arith.constant 0 : i32
    %dma_wait3A_69 = tpu.memref_slice %arg8[%dma_wait3A_67, %dma_wait3A_68] : memref<160x125xi32, #tpu.memory_space<vmem>> -> memref<1x125xi32, #tpu.memory_space<vmem>>
    %dma_wait3A_70 = tpu.memref_squeeze %dma_wait3A_69 : memref<1x125xi32, #tpu.memory_space<vmem>> -> memref<125xi32, #tpu.memory_space<vmem>>
    %dma_wait3A_71 = arith.constant 0 : i32
    %dma_wait3A_72 = arith.constant 0 : i32
    %dma_wait3A_73 = tpu.memref_slice %arg14[%dma_wait3A_71, %dma_wait3A_72] : memref<10000x64xf32, #tpu.memory_space<vmem_shared>> -> memref<10000x64xf32, #tpu.memory_space<vmem_shared>>
    tpu.wait_indirect_dma semaphore(%arg22 : memref<!tpu.dma_semaphore, #tpu.memory_space<semaphore_mem>>) src(%arg11 : memref<125x64xf32, #tpu.memory_space<vmem>>) dst(%dma_wait3A_73 : memref<10000x64xf32, #tpu.memory_space<vmem_shared>>)
    %dma_wait3A_74 = arith.constant 0 : i32
    %dma_wait3A_75 = arith.constant 0 : i32
    %dma_wait3A_76 = tpu.memref_slice %arg8[%dma_wait3A_74, %dma_wait3A_75] : memref<160x125xi32, #tpu.memory_space<vmem>> -> memref<1x125xi32, #tpu.memory_space<vmem>>
    %dma_wait3A_77 = tpu.memref_squeeze %dma_wait3A_76 : memref<1x125xi32, #tpu.memory_space<vmem>> -> memref<125xi32, #tpu.memory_space<vmem>>
    %dma_wait3A_78 = arith.constant 0 : i32
    %dma_wait3A_79 = arith.constant 0 : i32
    %dma_wait3A_80 = tpu.memref_slice %arg14[%dma_wait3A_78, %dma_wait3A_79] : memref<10000x64xf32, #tpu.memory_space<vmem_shared>> -> memref<10000x64xf32, #tpu.memory_space<vmem_shared>>
    tpu.wait_indirect_dma semaphore(%arg23 : memref<!tpu.dma_semaphore, #tpu.memory_space<semaphore_mem>>) src(%arg12 : memref<125x64xf32, #tpu.memory_space<vmem>>) dst(%dma_wait3A_80 : memref<10000x64xf32, #tpu.memory_space<vmem_shared>>)
    %dma_wait3A_81 = arith.constant 0 : i32
    %dma_wait3A_82 = arith.constant 0 : i32
    %dma_wait3A_83 = tpu.memref_slice %arg8[%dma_wait3A_81, %dma_wait3A_82] : memref<160x125xi32, #tpu.memory_space<vmem>> -> memref<1x125xi32, #tpu.memory_space<vmem>>
    %dma_wait3A_84 = tpu.memref_squeeze %dma_wait3A_83 : memref<1x125xi32, #tpu.memory_space<vmem>> -> memref<125xi32, #tpu.memory_space<vmem>>
    %dma_wait3A_85 = arith.constant 0 : i32
    %dma_wait3A_86 = arith.constant 0 : i32
    %dma_wait3A_87 = tpu.memref_slice %arg14[%dma_wait3A_85, %dma_wait3A_86] : memref<10000x64xf32, #tpu.memory_space<vmem_shared>> -> memref<10000x64xf32, #tpu.memory_space<vmem_shared>>
    tpu.wait_indirect_dma semaphore(%arg24 : memref<!tpu.dma_semaphore, #tpu.memory_space<semaphore_mem>>) src(%arg13 : memref<125x64xf32, #tpu.memory_space<vmem>>) dst(%dma_wait3A_87 : memref<10000x64xf32, #tpu.memory_space<vmem_shared>>)
    %barrier3A_88 = arith.constant 0 : index
    tpu.barrier barrier_id(%barrier3A_88)
    %mul3A_89 = arith.constant 624 : i32
    %mul3A_90 = arith.muli %arg1, %mul3A_89 : i32
    %mul3A_91 = arith.constant 64 : i32
    %mul3A_92 = arith.muli %add3A_1, %mul3A_91 : i32
    "tpu.region"() ({
      %run_scoped3A = tpu.sem_alloc : memref<!tpu.dma_semaphore, #tpu.memory_space<semaphore_mem>>
      %dma_start3A_205 = tpu.memref_slice %arg6[%mul3A_90, %mul3A_92] : memref<10000x256xf32, #tpu.memory_space<hbm>> -> memref<624x64xf32, #tpu.memory_space<hbm>>
      %dma_start3A_206 = arith.constant 0 : i32
      %dma_start3A_207 = tpu.memref_slice %arg14[%mul3A_90, %dma_start3A_206] : memref<10000x64xf32, #tpu.memory_space<vmem_shared>> -> memref<624x64xf32, #tpu.memory_space<vmem_shared>>
      tpu.enqueue_dma source(%dma_start3A_207 : memref<624x64xf32, #tpu.memory_space<vmem_shared>>) target(%dma_start3A_205 : memref<624x64xf32, #tpu.memory_space<hbm>>) target_semaphore(%run_scoped3A : memref<!tpu.dma_semaphore, #tpu.memory_space<semaphore_mem>>)
      %dma_wait3A_208 = tpu.memref_slice %arg6[%mul3A_90, %mul3A_92] : memref<10000x256xf32, #tpu.memory_space<hbm>> -> memref<624x64xf32, #tpu.memory_space<hbm>>
      %dma_wait3A_209 = arith.constant 0 : i32
      %dma_wait3A_210 = tpu.memref_slice %arg14[%mul3A_90, %dma_wait3A_209] : memref<10000x64xf32, #tpu.memory_space<vmem_shared>> -> memref<624x64xf32, #tpu.memory_space<vmem_shared>>
      tpu.wait_dma2 semaphore(%run_scoped3A : memref<!tpu.dma_semaphore, #tpu.memory_space<semaphore_mem>>) src(%dma_wait3A_210 : memref<624x64xf32, #tpu.memory_space<vmem_shared>>) dst(%dma_wait3A_208 : memref<624x64xf32, #tpu.memory_space<hbm>>)
      tpu.yield
    }) : () -> ()
    %eq3A_93 = arith.constant 15 : i32
    %eq3A_94 = arith.cmpi eq, %arg1, %eq3A_93 : i32
    %convert_element_type3A_95 = arith.extui %eq3A_94 : i1 to i32
    %cond3A_96 = arith.constant 0 : i32
    %cond3A_97 = arith.cmpi ne, %convert_element_type3A_95, %cond3A_96 : i32
    scf.if %cond3A_97 {
      %mul3A_205 = arith.constant 64 : i32
      %mul3A_206 = arith.muli %add3A_1, %mul3A_205 : i32
      "tpu.region"() ({
        %run_scoped3A = tpu.sem_alloc : memref<!tpu.dma_semaphore, #tpu.memory_space<semaphore_mem>>
        %dma_start3A_207 = arith.constant 9984 : i32
        %dma_start3A_208 = tpu.memref_slice %arg6[%dma_start3A_207, %mul3A_206] : memref<10000x256xf32, #tpu.memory_space<hbm>> -> memref<16x64xf32, #tpu.memory_space<hbm>>
        %dma_start3A_209 = arith.constant 9984 : i32
        %dma_start3A_210 = arith.constant 0 : i32
        %dma_start3A_211 = tpu.memref_slice %arg14[%dma_start3A_209, %dma_start3A_210] : memref<10000x64xf32, #tpu.memory_space<vmem_shared>> -> memref<16x64xf32, #tpu.memory_space<vmem_shared>>
        tpu.enqueue_dma source(%dma_start3A_211 : memref<16x64xf32, #tpu.memory_space<vmem_shared>>) target(%dma_start3A_208 : memref<16x64xf32, #tpu.memory_space<hbm>>) target_semaphore(%run_scoped3A : memref<!tpu.dma_semaphore, #tpu.memory_space<semaphore_mem>>)
        %dma_wait3A_212 = arith.constant 9984 : i32
        %dma_wait3A_213 = tpu.memref_slice %arg6[%dma_wait3A_212, %mul3A_206] : memref<10000x256xf32, #tpu.memory_space<hbm>> -> memref<16x64xf32, #tpu.memory_space<hbm>>
        %dma_wait3A_214 = arith.constant 9984 : i32
        %dma_wait3A_215 = arith.constant 0 : i32
        %dma_wait3A_216 = tpu.memref_slice %arg14[%dma_wait3A_214, %dma_wait3A_215] : memref<10000x64xf32, #tpu.memory_space<vmem_shared>> -> memref<16x64xf32, #tpu.memory_space<vmem_shared>>
        tpu.wait_dma2 semaphore(%run_scoped3A : memref<!tpu.dma_semaphore, #tpu.memory_space<semaphore_mem>>) src(%dma_wait3A_216 : memref<16x64xf32, #tpu.memory_space<vmem_shared>>) dst(%dma_wait3A_213 : memref<16x64xf32, #tpu.memory_space<hbm>>)
        tpu.yield
      }) : () -> ()
    } else {
    }
    %mul3A_98 = arith.constant 2 : i32
    %mul3A_99 = arith.muli %arg0, %mul3A_98 : i32
    %add3A_100 = arith.constant 1 : i32
    %add3A_101 = arith.addi %mul3A_99, %add3A_100 : i32
    %mul3A_102 = arith.constant 624 : i32
    %mul3A_103 = arith.muli %arg1, %mul3A_102 : i32
    "tpu.region"() ({
      %run_scoped3A = tpu.sem_alloc : memref<!tpu.dma_semaphore, #tpu.memory_space<semaphore_mem>>
      %dma_start3A_205 = arith.constant 0 : i32
      %dma_start3A_206 = tpu.memref_slice %arg14[%mul3A_103, %dma_start3A_205] : memref<10000x64xf32, #tpu.memory_space<vmem_shared>> -> memref<624x64xf32, #tpu.memory_space<vmem_shared>>
      %dma_start3A_207 = arith.constant 0 : i32
      %dma_start3A_208 = tpu.memref_slice %arg3[%mul3A_103, %dma_start3A_207] : memref<10000x64xf32, #tpu.memory_space<hbm>> -> memref<624x64xf32, #tpu.memory_space<hbm>>
      tpu.enqueue_dma source(%dma_start3A_208 : memref<624x64xf32, #tpu.memory_space<hbm>>) target(%dma_start3A_206 : memref<624x64xf32, #tpu.memory_space<vmem_shared>>) target_semaphore(%run_scoped3A : memref<!tpu.dma_semaphore, #tpu.memory_space<semaphore_mem>>)
      %dma_wait3A_209 = arith.constant 0 : i32
      %dma_wait3A_210 = tpu.memref_slice %arg14[%mul3A_103, %dma_wait3A_209] : memref<10000x64xf32, #tpu.memory_space<vmem_shared>> -> memref<624x64xf32, #tpu.memory_space<vmem_shared>>
      %dma_wait3A_211 = arith.constant 0 : i32
      %dma_wait3A_212 = tpu.memref_slice %arg3[%mul3A_103, %dma_wait3A_211] : memref<10000x64xf32, #tpu.memory_space<hbm>> -> memref<624x64xf32, #tpu.memory_space<hbm>>
      tpu.wait_dma2 semaphore(%run_scoped3A : memref<!tpu.dma_semaphore, #tpu.memory_space<semaphore_mem>>) src(%dma_wait3A_212 : memref<624x64xf32, #tpu.memory_space<hbm>>) dst(%dma_wait3A_210 : memref<624x64xf32, #tpu.memory_space<vmem_shared>>)
      tpu.yield
    }) : () -> ()
    %eq3A_104 = arith.constant 15 : i32
    %eq3A_105 = arith.cmpi eq, %arg1, %eq3A_104 : i32
    %convert_element_type3A_106 = arith.extui %eq3A_105 : i1 to i32
    %cond3A_107 = arith.constant 0 : i32
    %cond3A_108 = arith.cmpi ne, %convert_element_type3A_106, %cond3A_107 : i32
    scf.if %cond3A_108 {
      "tpu.region"() ({
        %run_scoped3A = tpu.sem_alloc : memref<!tpu.dma_semaphore, #tpu.memory_space<semaphore_mem>>
        %dma_start3A_205 = arith.constant 9984 : i32
        %dma_start3A_206 = arith.constant 0 : i32
        %dma_start3A_207 = tpu.memref_slice %arg14[%dma_start3A_205, %dma_start3A_206] : memref<10000x64xf32, #tpu.memory_space<vmem_shared>> -> memref<16x64xf32, #tpu.memory_space<vmem_shared>>
        %dma_start3A_208 = arith.constant 9984 : i32
        %dma_start3A_209 = arith.constant 0 : i32
        %dma_start3A_210 = tpu.memref_slice %arg3[%dma_start3A_208, %dma_start3A_209] : memref<10000x64xf32, #tpu.memory_space<hbm>> -> memref<16x64xf32, #tpu.memory_space<hbm>>
        tpu.enqueue_dma source(%dma_start3A_210 : memref<16x64xf32, #tpu.memory_space<hbm>>) target(%dma_start3A_207 : memref<16x64xf32, #tpu.memory_space<vmem_shared>>) target_semaphore(%run_scoped3A : memref<!tpu.dma_semaphore, #tpu.memory_space<semaphore_mem>>)
        %dma_wait3A_211 = arith.constant 9984 : i32
        %dma_wait3A_212 = arith.constant 0 : i32
        %dma_wait3A_213 = tpu.memref_slice %arg14[%dma_wait3A_211, %dma_wait3A_212] : memref<10000x64xf32, #tpu.memory_space<vmem_shared>> -> memref<16x64xf32, #tpu.memory_space<vmem_shared>>
        %dma_wait3A_214 = arith.constant 9984 : i32
        %dma_wait3A_215 = arith.constant 0 : i32
        %dma_wait3A_216 = tpu.memref_slice %arg3[%dma_wait3A_214, %dma_wait3A_215] : memref<10000x64xf32, #tpu.memory_space<hbm>> -> memref<16x64xf32, #tpu.memory_space<hbm>>
        tpu.wait_dma2 semaphore(%run_scoped3A : memref<!tpu.dma_semaphore, #tpu.memory_space<semaphore_mem>>) src(%dma_wait3A_216 : memref<16x64xf32, #tpu.memory_space<hbm>>) dst(%dma_wait3A_213 : memref<16x64xf32, #tpu.memory_space<vmem_shared>>)
        tpu.yield
      }) : () -> ()
    } else {
    }
    %barrier3A_109 = arith.constant 0 : index
    tpu.barrier barrier_id(%barrier3A_109)
    %dma_start3A_110 = arith.constant 0 : i32
    %dma_start3A_111 = arith.constant 0 : i32
    %dma_start3A_112 = tpu.memref_slice %arg7[%dma_start3A_110, %dma_start3A_111] : memref<160x125xi32, #tpu.memory_space<vmem>> -> memref<1x125xi32, #tpu.memory_space<vmem>>
    %dma_start3A_113 = tpu.memref_squeeze %dma_start3A_112 : memref<1x125xi32, #tpu.memory_space<vmem>> -> memref<125xi32, #tpu.memory_space<vmem>>
    %dma_start3A_114 = arith.constant 0 : i32
    %dma_start3A_115 = tpu.memref_slice %arg2[%add3A_101, %dma_start3A_114] : memref<40000x64xf32, #tpu.memory_space<hbm>> -> memref<39997x64xf32, #tpu.memory_space<hbm>>
    %dma_start3A_116 = arith.constant 0 : i32
    %dma_start3A_117 = arith.constant 0 : i32
    %dma_start3A_118 = tpu.memref_slice %dma_start3A_115[%dma_start3A_116, %dma_start3A_117] : memref<39997x64xf32, #tpu.memory_space<hbm>> -> memref<39997x64xf32, #tpu.memory_space<hbm>>
    tpu.enqueue_indirect_dma source(%dma_start3A_118 : memref<39997x64xf32, #tpu.memory_space<hbm>>) target(%arg9 : memref<125x64xf32, #tpu.memory_space<vmem>>) offsets(%dma_start3A_113 : memref<125xi32, #tpu.memory_space<vmem>>) semaphore(%arg15 : memref<!tpu.dma_semaphore, #tpu.memory_space<semaphore_mem>>)
    %dma_start3A_119 = arith.constant 1 : i32
    %dma_start3A_120 = arith.constant 0 : i32
    %dma_start3A_121 = tpu.memref_slice %arg7[%dma_start3A_119, %dma_start3A_120] : memref<160x125xi32, #tpu.memory_space<vmem>> -> memref<1x125xi32, #tpu.memory_space<vmem>>
    %dma_start3A_122 = tpu.memref_squeeze %dma_start3A_121 : memref<1x125xi32, #tpu.memory_space<vmem>> -> memref<125xi32, #tpu.memory_space<vmem>>
    %dma_start3A_123 = arith.constant 0 : i32
    %dma_start3A_124 = tpu.memref_slice %arg2[%add3A_101, %dma_start3A_123] : memref<40000x64xf32, #tpu.memory_space<hbm>> -> memref<39997x64xf32, #tpu.memory_space<hbm>>
    %dma_start3A_125 = arith.constant 0 : i32
    %dma_start3A_126 = arith.constant 0 : i32
    %dma_start3A_127 = tpu.memref_slice %dma_start3A_124[%dma_start3A_125, %dma_start3A_126] : memref<39997x64xf32, #tpu.memory_space<hbm>> -> memref<39997x64xf32, #tpu.memory_space<hbm>>
    tpu.enqueue_indirect_dma source(%dma_start3A_127 : memref<39997x64xf32, #tpu.memory_space<hbm>>) target(%arg10 : memref<125x64xf32, #tpu.memory_space<vmem>>) offsets(%dma_start3A_122 : memref<125xi32, #tpu.memory_space<vmem>>) semaphore(%arg16 : memref<!tpu.dma_semaphore, #tpu.memory_space<semaphore_mem>>)
    %dma_start3A_128 = arith.constant 2 : i32
    %dma_start3A_129 = arith.constant 0 : i32
    %dma_start3A_130 = tpu.memref_slice %arg7[%dma_start3A_128, %dma_start3A_129] : memref<160x125xi32, #tpu.memory_space<vmem>> -> memref<1x125xi32, #tpu.memory_space<vmem>>
    %dma_start3A_131 = tpu.memref_squeeze %dma_start3A_130 : memref<1x125xi32, #tpu.memory_space<vmem>> -> memref<125xi32, #tpu.memory_space<vmem>>
    %dma_start3A_132 = arith.constant 0 : i32
    %dma_start3A_133 = tpu.memref_slice %arg2[%add3A_101, %dma_start3A_132] : memref<40000x64xf32, #tpu.memory_space<hbm>> -> memref<39997x64xf32, #tpu.memory_space<hbm>>
    %dma_start3A_134 = arith.constant 0 : i32
    %dma_start3A_135 = arith.constant 0 : i32
    %dma_start3A_136 = tpu.memref_slice %dma_start3A_133[%dma_start3A_134, %dma_start3A_135] : memref<39997x64xf32, #tpu.memory_space<hbm>> -> memref<39997x64xf32, #tpu.memory_space<hbm>>
    tpu.enqueue_indirect_dma source(%dma_start3A_136 : memref<39997x64xf32, #tpu.memory_space<hbm>>) target(%arg11 : memref<125x64xf32, #tpu.memory_space<vmem>>) offsets(%dma_start3A_131 : memref<125xi32, #tpu.memory_space<vmem>>) semaphore(%arg17 : memref<!tpu.dma_semaphore, #tpu.memory_space<semaphore_mem>>)
    %dma_start3A_137 = arith.constant 3 : i32
    %dma_start3A_138 = arith.constant 0 : i32
    %dma_start3A_139 = tpu.memref_slice %arg7[%dma_start3A_137, %dma_start3A_138] : memref<160x125xi32, #tpu.memory_space<vmem>> -> memref<1x125xi32, #tpu.memory_space<vmem>>
    %dma_start3A_140 = tpu.memref_squeeze %dma_start3A_139 : memref<1x125xi32, #tpu.memory_space<vmem>> -> memref<125xi32, #tpu.memory_space<vmem>>
    %dma_start3A_141 = arith.constant 0 : i32
    %dma_start3A_142 = tpu.memref_slice %arg2[%add3A_101, %dma_start3A_141] : memref<40000x64xf32, #tpu.memory_space<hbm>> -> memref<39997x64xf32, #tpu.memory_space<hbm>>
    %dma_start3A_143 = arith.constant 0 : i32
    %dma_start3A_144 = arith.constant 0 : i32
    %dma_start3A_145 = tpu.memref_slice %dma_start3A_142[%dma_start3A_143, %dma_start3A_144] : memref<39997x64xf32, #tpu.memory_space<hbm>> -> memref<39997x64xf32, #tpu.memory_space<hbm>>
    tpu.enqueue_indirect_dma source(%dma_start3A_145 : memref<39997x64xf32, #tpu.memory_space<hbm>>) target(%arg12 : memref<125x64xf32, #tpu.memory_space<vmem>>) offsets(%dma_start3A_140 : memref<125xi32, #tpu.memory_space<vmem>>) semaphore(%arg18 : memref<!tpu.dma_semaphore, #tpu.memory_space<semaphore_mem>>)
    %dma_start3A_146 = arith.constant 4 : i32
    %dma_start3A_147 = arith.constant 0 : i32
    %dma_start3A_148 = tpu.memref_slice %arg7[%dma_start3A_146, %dma_start3A_147] : memref<160x125xi32, #tpu.memory_space<vmem>> -> memref<1x125xi32, #tpu.memory_space<vmem>>
    %dma_start3A_149 = tpu.memref_squeeze %dma_start3A_148 : memref<1x125xi32, #tpu.memory_space<vmem>> -> memref<125xi32, #tpu.memory_space<vmem>>
    %dma_start3A_150 = arith.constant 0 : i32
    %dma_start3A_151 = tpu.memref_slice %arg2[%add3A_101, %dma_start3A_150] : memref<40000x64xf32, #tpu.memory_space<hbm>> -> memref<39997x64xf32, #tpu.memory_space<hbm>>
    %dma_start3A_152 = arith.constant 0 : i32
    %dma_start3A_153 = arith.constant 0 : i32
    %dma_start3A_154 = tpu.memref_slice %dma_start3A_151[%dma_start3A_152, %dma_start3A_153] : memref<39997x64xf32, #tpu.memory_space<hbm>> -> memref<39997x64xf32, #tpu.memory_space<hbm>>
    tpu.enqueue_indirect_dma source(%dma_start3A_154 : memref<39997x64xf32, #tpu.memory_space<hbm>>) target(%arg13 : memref<125x64xf32, #tpu.memory_space<vmem>>) offsets(%dma_start3A_149 : memref<125xi32, #tpu.memory_space<vmem>>) semaphore(%arg19 : memref<!tpu.dma_semaphore, #tpu.memory_space<semaphore_mem>>)
    %scan3A_155 = arith.constant 0 : i32
    %scan3A_156 = arith.constant 32 : i32
    %scan3A_157 = arith.addi %scan3A_155, %scan3A_156 : i32
    %scan3A_158 = arith.constant 1 : i32
    scf.for %scan3A_205 = %scan3A_155 to %scan3A_157 step %scan3A_158  : i32 {
      %mul3A_206 = arith.constant 1 : i32
      %mul3A_207 = arith.muli %scan3A_205, %mul3A_206 : i32
      %add3A_208 = arith.constant 0 : i32
      %add3A_209 = arith.addi %add3A_208, %mul3A_207 : i32
      %mul3A_210 = arith.constant 5 : i32
      %mul3A_211 = arith.muli %add3A_209, %mul3A_210 : i32
      %add3A_212 = arith.constant 0 : i32
      %add3A_213 = arith.addi %mul3A_211, %add3A_212 : i32
      %dma_wait3A_214 = arith.constant 0 : i32
      %dma_wait3A_215 = arith.constant 0 : i32
      %dma_wait3A_216 = tpu.memref_slice %arg7[%dma_wait3A_214, %dma_wait3A_215] : memref<160x125xi32, #tpu.memory_space<vmem>> -> memref<1x125xi32, #tpu.memory_space<vmem>>
      %dma_wait3A_217 = tpu.memref_squeeze %dma_wait3A_216 : memref<1x125xi32, #tpu.memory_space<vmem>> -> memref<125xi32, #tpu.memory_space<vmem>>
      %dma_wait3A_218 = arith.constant 0 : i32
      %dma_wait3A_219 = tpu.memref_slice %arg2[%add3A_101, %dma_wait3A_218] : memref<40000x64xf32, #tpu.memory_space<hbm>> -> memref<39997x64xf32, #tpu.memory_space<hbm>>
      %dma_wait3A_220 = arith.constant 0 : i32
      %dma_wait3A_221 = arith.constant 0 : i32
      %dma_wait3A_222 = tpu.memref_slice %dma_wait3A_219[%dma_wait3A_220, %dma_wait3A_221] : memref<39997x64xf32, #tpu.memory_space<hbm>> -> memref<39997x64xf32, #tpu.memory_space<hbm>>
      tpu.wait_indirect_dma semaphore(%arg15 : memref<!tpu.dma_semaphore, #tpu.memory_space<semaphore_mem>>) src(%dma_wait3A_222 : memref<39997x64xf32, #tpu.memory_space<hbm>>) dst(%arg9 : memref<125x64xf32, #tpu.memory_space<vmem>>)
      %dma_start3A_223 = arith.constant 0 : i32
      %dma_start3A_224 = tpu.memref_slice %arg8[%add3A_213, %dma_start3A_223] : memref<160x125xi32, #tpu.memory_space<vmem>> -> memref<1x125xi32, #tpu.memory_space<vmem>>
      %dma_start3A_225 = tpu.memref_squeeze %dma_start3A_224 : memref<1x125xi32, #tpu.memory_space<vmem>> -> memref<125xi32, #tpu.memory_space<vmem>>
      %dma_start3A_226 = arith.constant 0 : i32
      %dma_start3A_227 = arith.constant 0 : i32
      %dma_start3A_228 = tpu.memref_slice %arg14[%dma_start3A_226, %dma_start3A_227] : memref<10000x64xf32, #tpu.memory_space<vmem_shared>> -> memref<10000x64xf32, #tpu.memory_space<vmem_shared>>
      tpu.enqueue_indirect_dma source(%arg9 : memref<125x64xf32, #tpu.memory_space<vmem>>) target(%dma_start3A_228 : memref<10000x64xf32, #tpu.memory_space<vmem_shared>>) offsets(%dma_start3A_225 : memref<125xi32, #tpu.memory_space<vmem>>) semaphore(%arg20 : memref<!tpu.dma_semaphore, #tpu.memory_space<semaphore_mem>>) {add = true}
      %add3A_229 = arith.constant 5 : i32
      %add3A_230 = arith.addi %add3A_213, %add3A_229 : i32
      %lt3A = arith.constant 160 : i32
      %lt3A_231 = arith.cmpi slt, %add3A_230, %lt3A : i32
      %convert_element_type3A_232 = arith.extui %lt3A_231 : i1 to i32
      %cond3A_233 = arith.constant 0 : i32
      %cond3A_234 = arith.cmpi ne, %convert_element_type3A_232, %cond3A_233 : i32
      scf.if %cond3A_234 {
        %dma_wait3A_331 = arith.constant 0 : i32
        %dma_wait3A_332 = arith.constant 0 : i32
        %dma_wait3A_333 = tpu.memref_slice %arg8[%dma_wait3A_331, %dma_wait3A_332] : memref<160x125xi32, #tpu.memory_space<vmem>> -> memref<1x125xi32, #tpu.memory_space<vmem>>
        %dma_wait3A_334 = tpu.memref_squeeze %dma_wait3A_333 : memref<1x125xi32, #tpu.memory_space<vmem>> -> memref<125xi32, #tpu.memory_space<vmem>>
        %dma_wait3A_335 = arith.constant 0 : i32
        %dma_wait3A_336 = arith.constant 0 : i32
        %dma_wait3A_337 = tpu.memref_slice %arg14[%dma_wait3A_335, %dma_wait3A_336] : memref<10000x64xf32, #tpu.memory_space<vmem_shared>> -> memref<10000x64xf32, #tpu.memory_space<vmem_shared>>
        tpu.wait_indirect_dma semaphore(%arg20 : memref<!tpu.dma_semaphore, #tpu.memory_space<semaphore_mem>>) src(%arg9 : memref<125x64xf32, #tpu.memory_space<vmem>>) dst(%dma_wait3A_337 : memref<10000x64xf32, #tpu.memory_space<vmem_shared>>)
        %add3A_338 = arith.constant 5 : i32
        %add3A_339 = arith.addi %add3A_213, %add3A_338 : i32
        %dma_start3A_340 = arith.constant 0 : i32
        %dma_start3A_341 = tpu.memref_slice %arg7[%add3A_339, %dma_start3A_340] : memref<160x125xi32, #tpu.memory_space<vmem>> -> memref<1x125xi32, #tpu.memory_space<vmem>>
        %dma_start3A_342 = tpu.memref_squeeze %dma_start3A_341 : memref<1x125xi32, #tpu.memory_space<vmem>> -> memref<125xi32, #tpu.memory_space<vmem>>
        %dma_start3A_343 = arith.constant 0 : i32
        %dma_start3A_344 = tpu.memref_slice %arg2[%add3A_101, %dma_start3A_343] : memref<40000x64xf32, #tpu.memory_space<hbm>> -> memref<39997x64xf32, #tpu.memory_space<hbm>>
        %dma_start3A_345 = arith.constant 0 : i32
        %dma_start3A_346 = arith.constant 0 : i32
        %dma_start3A_347 = tpu.memref_slice %dma_start3A_344[%dma_start3A_345, %dma_start3A_346] : memref<39997x64xf32, #tpu.memory_space<hbm>> -> memref<39997x64xf32, #tpu.memory_space<hbm>>
        tpu.enqueue_indirect_dma source(%dma_start3A_347 : memref<39997x64xf32, #tpu.memory_space<hbm>>) target(%arg9 : memref<125x64xf32, #tpu.memory_space<vmem>>) offsets(%dma_start3A_342 : memref<125xi32, #tpu.memory_space<vmem>>) semaphore(%arg15 : memref<!tpu.dma_semaphore, #tpu.memory_space<semaphore_mem>>)
      } else {
      }
      %add3A_235 = arith.constant 1 : i32
      %add3A_236 = arith.addi %mul3A_211, %add3A_235 : i32
      %dma_wait3A_237 = arith.constant 0 : i32
      %dma_wait3A_238 = arith.constant 0 : i32
      %dma_wait3A_239 = tpu.memref_slice %arg7[%dma_wait3A_237, %dma_wait3A_238] : memref<160x125xi32, #tpu.memory_space<vmem>> -> memref<1x125xi32, #tpu.memory_space<vmem>>
      %dma_wait3A_240 = tpu.memref_squeeze %dma_wait3A_239 : memref<1x125xi32, #tpu.memory_space<vmem>> -> memref<125xi32, #tpu.memory_space<vmem>>
      %dma_wait3A_241 = arith.constant 0 : i32
      %dma_wait3A_242 = tpu.memref_slice %arg2[%add3A_101, %dma_wait3A_241] : memref<40000x64xf32, #tpu.memory_space<hbm>> -> memref<39997x64xf32, #tpu.memory_space<hbm>>
      %dma_wait3A_243 = arith.constant 0 : i32
      %dma_wait3A_244 = arith.constant 0 : i32
      %dma_wait3A_245 = tpu.memref_slice %dma_wait3A_242[%dma_wait3A_243, %dma_wait3A_244] : memref<39997x64xf32, #tpu.memory_space<hbm>> -> memref<39997x64xf32, #tpu.memory_space<hbm>>
      tpu.wait_indirect_dma semaphore(%arg16 : memref<!tpu.dma_semaphore, #tpu.memory_space<semaphore_mem>>) src(%dma_wait3A_245 : memref<39997x64xf32, #tpu.memory_space<hbm>>) dst(%arg10 : memref<125x64xf32, #tpu.memory_space<vmem>>)
      %dma_start3A_246 = arith.constant 0 : i32
      %dma_start3A_247 = tpu.memref_slice %arg8[%add3A_236, %dma_start3A_246] : memref<160x125xi32, #tpu.memory_space<vmem>> -> memref<1x125xi32, #tpu.memory_space<vmem>>
      %dma_start3A_248 = tpu.memref_squeeze %dma_start3A_247 : memref<1x125xi32, #tpu.memory_space<vmem>> -> memref<125xi32, #tpu.memory_space<vmem>>
      %dma_start3A_249 = arith.constant 0 : i32
      %dma_start3A_250 = arith.constant 0 : i32
      %dma_start3A_251 = tpu.memref_slice %arg14[%dma_start3A_249, %dma_start3A_250] : memref<10000x64xf32, #tpu.memory_space<vmem_shared>> -> memref<10000x64xf32, #tpu.memory_space<vmem_shared>>
      tpu.enqueue_indirect_dma source(%arg10 : memref<125x64xf32, #tpu.memory_space<vmem>>) target(%dma_start3A_251 : memref<10000x64xf32, #tpu.memory_space<vmem_shared>>) offsets(%dma_start3A_248 : memref<125xi32, #tpu.memory_space<vmem>>) semaphore(%arg21 : memref<!tpu.dma_semaphore, #tpu.memory_space<semaphore_mem>>) {add = true}
      %add3A_252 = arith.constant 5 : i32
      %add3A_253 = arith.addi %add3A_236, %add3A_252 : i32
      %lt3A_254 = arith.constant 160 : i32
      %lt3A_255 = arith.cmpi slt, %add3A_253, %lt3A_254 : i32
      %convert_element_type3A_256 = arith.extui %lt3A_255 : i1 to i32
      %cond3A_257 = arith.constant 0 : i32
      %cond3A_258 = arith.cmpi ne, %convert_element_type3A_256, %cond3A_257 : i32
      scf.if %cond3A_258 {
        %dma_wait3A_331 = arith.constant 0 : i32
        %dma_wait3A_332 = arith.constant 0 : i32
        %dma_wait3A_333 = tpu.memref_slice %arg8[%dma_wait3A_331, %dma_wait3A_332] : memref<160x125xi32, #tpu.memory_space<vmem>> -> memref<1x125xi32, #tpu.memory_space<vmem>>
        %dma_wait3A_334 = tpu.memref_squeeze %dma_wait3A_333 : memref<1x125xi32, #tpu.memory_space<vmem>> -> memref<125xi32, #tpu.memory_space<vmem>>
        %dma_wait3A_335 = arith.constant 0 : i32
        %dma_wait3A_336 = arith.constant 0 : i32
        %dma_wait3A_337 = tpu.memref_slice %arg14[%dma_wait3A_335, %dma_wait3A_336] : memref<10000x64xf32, #tpu.memory_space<vmem_shared>> -> memref<10000x64xf32, #tpu.memory_space<vmem_shared>>
        tpu.wait_indirect_dma semaphore(%arg21 : memref<!tpu.dma_semaphore, #tpu.memory_space<semaphore_mem>>) src(%arg10 : memref<125x64xf32, #tpu.memory_space<vmem>>) dst(%dma_wait3A_337 : memref<10000x64xf32, #tpu.memory_space<vmem_shared>>)
        %add3A_338 = arith.constant 5 : i32
        %add3A_339 = arith.addi %add3A_236, %add3A_338 : i32
        %dma_start3A_340 = arith.constant 0 : i32
        %dma_start3A_341 = tpu.memref_slice %arg7[%add3A_339, %dma_start3A_340] : memref<160x125xi32, #tpu.memory_space<vmem>> -> memref<1x125xi32, #tpu.memory_space<vmem>>
        %dma_start3A_342 = tpu.memref_squeeze %dma_start3A_341 : memref<1x125xi32, #tpu.memory_space<vmem>> -> memref<125xi32, #tpu.memory_space<vmem>>
        %dma_start3A_343 = arith.constant 0 : i32
        %dma_start3A_344 = tpu.memref_slice %arg2[%add3A_101, %dma_start3A_343] : memref<40000x64xf32, #tpu.memory_space<hbm>> -> memref<39997x64xf32, #tpu.memory_space<hbm>>
        %dma_start3A_345 = arith.constant 0 : i32
        %dma_start3A_346 = arith.constant 0 : i32
        %dma_start3A_347 = tpu.memref_slice %dma_start3A_344[%dma_start3A_345, %dma_start3A_346] : memref<39997x64xf32, #tpu.memory_space<hbm>> -> memref<39997x64xf32, #tpu.memory_space<hbm>>
        tpu.enqueue_indirect_dma source(%dma_start3A_347 : memref<39997x64xf32, #tpu.memory_space<hbm>>) target(%arg10 : memref<125x64xf32, #tpu.memory_space<vmem>>) offsets(%dma_start3A_342 : memref<125xi32, #tpu.memory_space<vmem>>) semaphore(%arg16 : memref<!tpu.dma_semaphore, #tpu.memory_space<semaphore_mem>>)
      } else {
      }
      %add3A_259 = arith.constant 2 : i32
      %add3A_260 = arith.addi %mul3A_211, %add3A_259 : i32
      %dma_wait3A_261 = arith.constant 0 : i32
      %dma_wait3A_262 = arith.constant 0 : i32
      %dma_wait3A_263 = tpu.memref_slice %arg7[%dma_wait3A_261, %dma_wait3A_262] : memref<160x125xi32, #tpu.memory_space<vmem>> -> memref<1x125xi32, #tpu.memory_space<vmem>>
      %dma_wait3A_264 = tpu.memref_squeeze %dma_wait3A_263 : memref<1x125xi32, #tpu.memory_space<vmem>> -> memref<125xi32, #tpu.memory_space<vmem>>
      %dma_wait3A_265 = arith.constant 0 : i32
      %dma_wait3A_266 = tpu.memref_slice %arg2[%add3A_101, %dma_wait3A_265] : memref<40000x64xf32, #tpu.memory_space<hbm>> -> memref<39997x64xf32, #tpu.memory_space<hbm>>
      %dma_wait3A_267 = arith.constant 0 : i32
      %dma_wait3A_268 = arith.constant 0 : i32
      %dma_wait3A_269 = tpu.memref_slice %dma_wait3A_266[%dma_wait3A_267, %dma_wait3A_268] : memref<39997x64xf32, #tpu.memory_space<hbm>> -> memref<39997x64xf32, #tpu.memory_space<hbm>>
      tpu.wait_indirect_dma semaphore(%arg17 : memref<!tpu.dma_semaphore, #tpu.memory_space<semaphore_mem>>) src(%dma_wait3A_269 : memref<39997x64xf32, #tpu.memory_space<hbm>>) dst(%arg11 : memref<125x64xf32, #tpu.memory_space<vmem>>)
      %dma_start3A_270 = arith.constant 0 : i32
      %dma_start3A_271 = tpu.memref_slice %arg8[%add3A_260, %dma_start3A_270] : memref<160x125xi32, #tpu.memory_space<vmem>> -> memref<1x125xi32, #tpu.memory_space<vmem>>
      %dma_start3A_272 = tpu.memref_squeeze %dma_start3A_271 : memref<1x125xi32, #tpu.memory_space<vmem>> -> memref<125xi32, #tpu.memory_space<vmem>>
      %dma_start3A_273 = arith.constant 0 : i32
      %dma_start3A_274 = arith.constant 0 : i32
      %dma_start3A_275 = tpu.memref_slice %arg14[%dma_start3A_273, %dma_start3A_274] : memref<10000x64xf32, #tpu.memory_space<vmem_shared>> -> memref<10000x64xf32, #tpu.memory_space<vmem_shared>>
      tpu.enqueue_indirect_dma source(%arg11 : memref<125x64xf32, #tpu.memory_space<vmem>>) target(%dma_start3A_275 : memref<10000x64xf32, #tpu.memory_space<vmem_shared>>) offsets(%dma_start3A_272 : memref<125xi32, #tpu.memory_space<vmem>>) semaphore(%arg22 : memref<!tpu.dma_semaphore, #tpu.memory_space<semaphore_mem>>) {add = true}
      %add3A_276 = arith.constant 5 : i32
      %add3A_277 = arith.addi %add3A_260, %add3A_276 : i32
      %lt3A_278 = arith.constant 160 : i32
      %lt3A_279 = arith.cmpi slt, %add3A_277, %lt3A_278 : i32
      %convert_element_type3A_280 = arith.extui %lt3A_279 : i1 to i32
      %cond3A_281 = arith.constant 0 : i32
      %cond3A_282 = arith.cmpi ne, %convert_element_type3A_280, %cond3A_281 : i32
      scf.if %cond3A_282 {
        %dma_wait3A_331 = arith.constant 0 : i32
        %dma_wait3A_332 = arith.constant 0 : i32
        %dma_wait3A_333 = tpu.memref_slice %arg8[%dma_wait3A_331, %dma_wait3A_332] : memref<160x125xi32, #tpu.memory_space<vmem>> -> memref<1x125xi32, #tpu.memory_space<vmem>>
        %dma_wait3A_334 = tpu.memref_squeeze %dma_wait3A_333 : memref<1x125xi32, #tpu.memory_space<vmem>> -> memref<125xi32, #tpu.memory_space<vmem>>
        %dma_wait3A_335 = arith.constant 0 : i32
        %dma_wait3A_336 = arith.constant 0 : i32
        %dma_wait3A_337 = tpu.memref_slice %arg14[%dma_wait3A_335, %dma_wait3A_336] : memref<10000x64xf32, #tpu.memory_space<vmem_shared>> -> memref<10000x64xf32, #tpu.memory_space<vmem_shared>>
        tpu.wait_indirect_dma semaphore(%arg22 : memref<!tpu.dma_semaphore, #tpu.memory_space<semaphore_mem>>) src(%arg11 : memref<125x64xf32, #tpu.memory_space<vmem>>) dst(%dma_wait3A_337 : memref<10000x64xf32, #tpu.memory_space<vmem_shared>>)
        %add3A_338 = arith.constant 5 : i32
        %add3A_339 = arith.addi %add3A_260, %add3A_338 : i32
        %dma_start3A_340 = arith.constant 0 : i32
        %dma_start3A_341 = tpu.memref_slice %arg7[%add3A_339, %dma_start3A_340] : memref<160x125xi32, #tpu.memory_space<vmem>> -> memref<1x125xi32, #tpu.memory_space<vmem>>
        %dma_start3A_342 = tpu.memref_squeeze %dma_start3A_341 : memref<1x125xi32, #tpu.memory_space<vmem>> -> memref<125xi32, #tpu.memory_space<vmem>>
        %dma_start3A_343 = arith.constant 0 : i32
        %dma_start3A_344 = tpu.memref_slice %arg2[%add3A_101, %dma_start3A_343] : memref<40000x64xf32, #tpu.memory_space<hbm>> -> memref<39997x64xf32, #tpu.memory_space<hbm>>
        %dma_start3A_345 = arith.constant 0 : i32
        %dma_start3A_346 = arith.constant 0 : i32
        %dma_start3A_347 = tpu.memref_slice %dma_start3A_344[%dma_start3A_345, %dma_start3A_346] : memref<39997x64xf32, #tpu.memory_space<hbm>> -> memref<39997x64xf32, #tpu.memory_space<hbm>>
        tpu.enqueue_indirect_dma source(%dma_start3A_347 : memref<39997x64xf32, #tpu.memory_space<hbm>>) target(%arg11 : memref<125x64xf32, #tpu.memory_space<vmem>>) offsets(%dma_start3A_342 : memref<125xi32, #tpu.memory_space<vmem>>) semaphore(%arg17 : memref<!tpu.dma_semaphore, #tpu.memory_space<semaphore_mem>>)
      } else {
      }
      %add3A_283 = arith.constant 3 : i32
      %add3A_284 = arith.addi %mul3A_211, %add3A_283 : i32
      %dma_wait3A_285 = arith.constant 0 : i32
      %dma_wait3A_286 = arith.constant 0 : i32
      %dma_wait3A_287 = tpu.memref_slice %arg7[%dma_wait3A_285, %dma_wait3A_286] : memref<160x125xi32, #tpu.memory_space<vmem>> -> memref<1x125xi32, #tpu.memory_space<vmem>>
      %dma_wait3A_288 = tpu.memref_squeeze %dma_wait3A_287 : memref<1x125xi32, #tpu.memory_space<vmem>> -> memref<125xi32, #tpu.memory_space<vmem>>
      %dma_wait3A_289 = arith.constant 0 : i32
      %dma_wait3A_290 = tpu.memref_slice %arg2[%add3A_101, %dma_wait3A_289] : memref<40000x64xf32, #tpu.memory_space<hbm>> -> memref<39997x64xf32, #tpu.memory_space<hbm>>
      %dma_wait3A_291 = arith.constant 0 : i32
      %dma_wait3A_292 = arith.constant 0 : i32
      %dma_wait3A_293 = tpu.memref_slice %dma_wait3A_290[%dma_wait3A_291, %dma_wait3A_292] : memref<39997x64xf32, #tpu.memory_space<hbm>> -> memref<39997x64xf32, #tpu.memory_space<hbm>>
      tpu.wait_indirect_dma semaphore(%arg18 : memref<!tpu.dma_semaphore, #tpu.memory_space<semaphore_mem>>) src(%dma_wait3A_293 : memref<39997x64xf32, #tpu.memory_space<hbm>>) dst(%arg12 : memref<125x64xf32, #tpu.memory_space<vmem>>)
      %dma_start3A_294 = arith.constant 0 : i32
      %dma_start3A_295 = tpu.memref_slice %arg8[%add3A_284, %dma_start3A_294] : memref<160x125xi32, #tpu.memory_space<vmem>> -> memref<1x125xi32, #tpu.memory_space<vmem>>
      %dma_start3A_296 = tpu.memref_squeeze %dma_start3A_295 : memref<1x125xi32, #tpu.memory_space<vmem>> -> memref<125xi32, #tpu.memory_space<vmem>>
      %dma_start3A_297 = arith.constant 0 : i32
      %dma_start3A_298 = arith.constant 0 : i32
      %dma_start3A_299 = tpu.memref_slice %arg14[%dma_start3A_297, %dma_start3A_298] : memref<10000x64xf32, #tpu.memory_space<vmem_shared>> -> memref<10000x64xf32, #tpu.memory_space<vmem_shared>>
      tpu.enqueue_indirect_dma source(%arg12 : memref<125x64xf32, #tpu.memory_space<vmem>>) target(%dma_start3A_299 : memref<10000x64xf32, #tpu.memory_space<vmem_shared>>) offsets(%dma_start3A_296 : memref<125xi32, #tpu.memory_space<vmem>>) semaphore(%arg23 : memref<!tpu.dma_semaphore, #tpu.memory_space<semaphore_mem>>) {add = true}
      %add3A_300 = arith.constant 5 : i32
      %add3A_301 = arith.addi %add3A_284, %add3A_300 : i32
      %lt3A_302 = arith.constant 160 : i32
      %lt3A_303 = arith.cmpi slt, %add3A_301, %lt3A_302 : i32
      %convert_element_type3A_304 = arith.extui %lt3A_303 : i1 to i32
      %cond3A_305 = arith.constant 0 : i32
      %cond3A_306 = arith.cmpi ne, %convert_element_type3A_304, %cond3A_305 : i32
      scf.if %cond3A_306 {
        %dma_wait3A_331 = arith.constant 0 : i32
        %dma_wait3A_332 = arith.constant 0 : i32
        %dma_wait3A_333 = tpu.memref_slice %arg8[%dma_wait3A_331, %dma_wait3A_332] : memref<160x125xi32, #tpu.memory_space<vmem>> -> memref<1x125xi32, #tpu.memory_space<vmem>>
        %dma_wait3A_334 = tpu.memref_squeeze %dma_wait3A_333 : memref<1x125xi32, #tpu.memory_space<vmem>> -> memref<125xi32, #tpu.memory_space<vmem>>
        %dma_wait3A_335 = arith.constant 0 : i32
        %dma_wait3A_336 = arith.constant 0 : i32
        %dma_wait3A_337 = tpu.memref_slice %arg14[%dma_wait3A_335, %dma_wait3A_336] : memref<10000x64xf32, #tpu.memory_space<vmem_shared>> -> memref<10000x64xf32, #tpu.memory_space<vmem_shared>>
        tpu.wait_indirect_dma semaphore(%arg23 : memref<!tpu.dma_semaphore, #tpu.memory_space<semaphore_mem>>) src(%arg12 : memref<125x64xf32, #tpu.memory_space<vmem>>) dst(%dma_wait3A_337 : memref<10000x64xf32, #tpu.memory_space<vmem_shared>>)
        %add3A_338 = arith.constant 5 : i32
        %add3A_339 = arith.addi %add3A_284, %add3A_338 : i32
        %dma_start3A_340 = arith.constant 0 : i32
        %dma_start3A_341 = tpu.memref_slice %arg7[%add3A_339, %dma_start3A_340] : memref<160x125xi32, #tpu.memory_space<vmem>> -> memref<1x125xi32, #tpu.memory_space<vmem>>
        %dma_start3A_342 = tpu.memref_squeeze %dma_start3A_341 : memref<1x125xi32, #tpu.memory_space<vmem>> -> memref<125xi32, #tpu.memory_space<vmem>>
        %dma_start3A_343 = arith.constant 0 : i32
        %dma_start3A_344 = tpu.memref_slice %arg2[%add3A_101, %dma_start3A_343] : memref<40000x64xf32, #tpu.memory_space<hbm>> -> memref<39997x64xf32, #tpu.memory_space<hbm>>
        %dma_start3A_345 = arith.constant 0 : i32
        %dma_start3A_346 = arith.constant 0 : i32
        %dma_start3A_347 = tpu.memref_slice %dma_start3A_344[%dma_start3A_345, %dma_start3A_346] : memref<39997x64xf32, #tpu.memory_space<hbm>> -> memref<39997x64xf32, #tpu.memory_space<hbm>>
        tpu.enqueue_indirect_dma source(%dma_start3A_347 : memref<39997x64xf32, #tpu.memory_space<hbm>>) target(%arg12 : memref<125x64xf32, #tpu.memory_space<vmem>>) offsets(%dma_start3A_342 : memref<125xi32, #tpu.memory_space<vmem>>) semaphore(%arg18 : memref<!tpu.dma_semaphore, #tpu.memory_space<semaphore_mem>>)
      } else {
      }
      %add3A_307 = arith.constant 4 : i32
      %add3A_308 = arith.addi %mul3A_211, %add3A_307 : i32
      %dma_wait3A_309 = arith.constant 0 : i32
      %dma_wait3A_310 = arith.constant 0 : i32
      %dma_wait3A_311 = tpu.memref_slice %arg7[%dma_wait3A_309, %dma_wait3A_310] : memref<160x125xi32, #tpu.memory_space<vmem>> -> memref<1x125xi32, #tpu.memory_space<vmem>>
      %dma_wait3A_312 = tpu.memref_squeeze %dma_wait3A_311 : memref<1x125xi32, #tpu.memory_space<vmem>> -> memref<125xi32, #tpu.memory_space<vmem>>
      %dma_wait3A_313 = arith.constant 0 : i32
      %dma_wait3A_314 = tpu.memref_slice %arg2[%add3A_101, %dma_wait3A_313] : memref<40000x64xf32, #tpu.memory_space<hbm>> -> memref<39997x64xf32, #tpu.memory_space<hbm>>
      %dma_wait3A_315 = arith.constant 0 : i32
      %dma_wait3A_316 = arith.constant 0 : i32
      %dma_wait3A_317 = tpu.memref_slice %dma_wait3A_314[%dma_wait3A_315, %dma_wait3A_316] : memref<39997x64xf32, #tpu.memory_space<hbm>> -> memref<39997x64xf32, #tpu.memory_space<hbm>>
      tpu.wait_indirect_dma semaphore(%arg19 : memref<!tpu.dma_semaphore, #tpu.memory_space<semaphore_mem>>) src(%dma_wait3A_317 : memref<39997x64xf32, #tpu.memory_space<hbm>>) dst(%arg13 : memref<125x64xf32, #tpu.memory_space<vmem>>)
      %dma_start3A_318 = arith.constant 0 : i32
      %dma_start3A_319 = tpu.memref_slice %arg8[%add3A_308, %dma_start3A_318] : memref<160x125xi32, #tpu.memory_space<vmem>> -> memref<1x125xi32, #tpu.memory_space<vmem>>
      %dma_start3A_320 = tpu.memref_squeeze %dma_start3A_319 : memref<1x125xi32, #tpu.memory_space<vmem>> -> memref<125xi32, #tpu.memory_space<vmem>>
      %dma_start3A_321 = arith.constant 0 : i32
      %dma_start3A_322 = arith.constant 0 : i32
      %dma_start3A_323 = tpu.memref_slice %arg14[%dma_start3A_321, %dma_start3A_322] : memref<10000x64xf32, #tpu.memory_space<vmem_shared>> -> memref<10000x64xf32, #tpu.memory_space<vmem_shared>>
      tpu.enqueue_indirect_dma source(%arg13 : memref<125x64xf32, #tpu.memory_space<vmem>>) target(%dma_start3A_323 : memref<10000x64xf32, #tpu.memory_space<vmem_shared>>) offsets(%dma_start3A_320 : memref<125xi32, #tpu.memory_space<vmem>>) semaphore(%arg24 : memref<!tpu.dma_semaphore, #tpu.memory_space<semaphore_mem>>) {add = true}
      %add3A_324 = arith.constant 5 : i32
      %add3A_325 = arith.addi %add3A_308, %add3A_324 : i32
      %lt3A_326 = arith.constant 160 : i32
      %lt3A_327 = arith.cmpi slt, %add3A_325, %lt3A_326 : i32
      %convert_element_type3A_328 = arith.extui %lt3A_327 : i1 to i32
      %cond3A_329 = arith.constant 0 : i32
      %cond3A_330 = arith.cmpi ne, %convert_element_type3A_328, %cond3A_329 : i32
      scf.if %cond3A_330 {
        %dma_wait3A_331 = arith.constant 0 : i32
        %dma_wait3A_332 = arith.constant 0 : i32
        %dma_wait3A_333 = tpu.memref_slice %arg8[%dma_wait3A_331, %dma_wait3A_332] : memref<160x125xi32, #tpu.memory_space<vmem>> -> memref<1x125xi32, #tpu.memory_space<vmem>>
        %dma_wait3A_334 = tpu.memref_squeeze %dma_wait3A_333 : memref<1x125xi32, #tpu.memory_space<vmem>> -> memref<125xi32, #tpu.memory_space<vmem>>
        %dma_wait3A_335 = arith.constant 0 : i32
        %dma_wait3A_336 = arith.constant 0 : i32
        %dma_wait3A_337 = tpu.memref_slice %arg14[%dma_wait3A_335, %dma_wait3A_336] : memref<10000x64xf32, #tpu.memory_space<vmem_shared>> -> memref<10000x64xf32, #tpu.memory_space<vmem_shared>>
        tpu.wait_indirect_dma semaphore(%arg24 : memref<!tpu.dma_semaphore, #tpu.memory_space<semaphore_mem>>) src(%arg13 : memref<125x64xf32, #tpu.memory_space<vmem>>) dst(%dma_wait3A_337 : memref<10000x64xf32, #tpu.memory_space<vmem_shared>>)
        %add3A_338 = arith.constant 5 : i32
        %add3A_339 = arith.addi %add3A_308, %add3A_338 : i32
        %dma_start3A_340 = arith.constant 0 : i32
        %dma_start3A_341 = tpu.memref_slice %arg7[%add3A_339, %dma_start3A_340] : memref<160x125xi32, #tpu.memory_space<vmem>> -> memref<1x125xi32, #tpu.memory_space<vmem>>
        %dma_start3A_342 = tpu.memref_squeeze %dma_start3A_341 : memref<1x125xi32, #tpu.memory_space<vmem>> -> memref<125xi32, #tpu.memory_space<vmem>>
        %dma_start3A_343 = arith.constant 0 : i32
        %dma_start3A_344 = tpu.memref_slice %arg2[%add3A_101, %dma_start3A_343] : memref<40000x64xf32, #tpu.memory_space<hbm>> -> memref<39997x64xf32, #tpu.memory_space<hbm>>
        %dma_start3A_345 = arith.constant 0 : i32
        %dma_start3A_346 = arith.constant 0 : i32
        %dma_start3A_347 = tpu.memref_slice %dma_start3A_344[%dma_start3A_345, %dma_start3A_346] : memref<39997x64xf32, #tpu.memory_space<hbm>> -> memref<39997x64xf32, #tpu.memory_space<hbm>>
        tpu.enqueue_indirect_dma source(%dma_start3A_347 : memref<39997x64xf32, #tpu.memory_space<hbm>>) target(%arg13 : memref<125x64xf32, #tpu.memory_space<vmem>>) offsets(%dma_start3A_342 : memref<125xi32, #tpu.memory_space<vmem>>) semaphore(%arg19 : memref<!tpu.dma_semaphore, #tpu.memory_space<semaphore_mem>>)
      } else {
      }
    }
    %scan3A_159 = arith.constant 32 : i32
    %dma_wait3A_160 = arith.constant 0 : i32
    %dma_wait3A_161 = arith.constant 0 : i32
    %dma_wait3A_162 = tpu.memref_slice %arg8[%dma_wait3A_160, %dma_wait3A_161] : memref<160x125xi32, #tpu.memory_space<vmem>> -> memref<1x125xi32, #tpu.memory_space<vmem>>
    %dma_wait3A_163 = tpu.memref_squeeze %dma_wait3A_162 : memref<1x125xi32, #tpu.memory_space<vmem>> -> memref<125xi32, #tpu.memory_space<vmem>>
    %dma_wait3A_164 = arith.constant 0 : i32
    %dma_wait3A_165 = arith.constant 0 : i32
    %dma_wait3A_166 = tpu.memref_slice %arg14[%dma_wait3A_164, %dma_wait3A_165] : memref<10000x64xf32, #tpu.memory_space<vmem_shared>> -> memref<10000x64xf32, #tpu.memory_space<vmem_shared>>
    tpu.wait_indirect_dma semaphore(%arg20 : memref<!tpu.dma_semaphore, #tpu.memory_space<semaphore_mem>>) src(%arg9 : memref<125x64xf32, #tpu.memory_space<vmem>>) dst(%dma_wait3A_166 : memref<10000x64xf32, #tpu.memory_space<vmem_shared>>)
    %dma_wait3A_167 = arith.constant 0 : i32
    %dma_wait3A_168 = arith.constant 0 : i32
    %dma_wait3A_169 = tpu.memref_slice %arg8[%dma_wait3A_167, %dma_wait3A_168] : memref<160x125xi32, #tpu.memory_space<vmem>> -> memref<1x125xi32, #tpu.memory_space<vmem>>
    %dma_wait3A_170 = tpu.memref_squeeze %dma_wait3A_169 : memref<1x125xi32, #tpu.memory_space<vmem>> -> memref<125xi32, #tpu.memory_space<vmem>>
    %dma_wait3A_171 = arith.constant 0 : i32
    %dma_wait3A_172 = arith.constant 0 : i32
    %dma_wait3A_173 = tpu.memref_slice %arg14[%dma_wait3A_171, %dma_wait3A_172] : memref<10000x64xf32, #tpu.memory_space<vmem_shared>> -> memref<10000x64xf32, #tpu.memory_space<vmem_shared>>
    tpu.wait_indirect_dma semaphore(%arg21 : memref<!tpu.dma_semaphore, #tpu.memory_space<semaphore_mem>>) src(%arg10 : memref<125x64xf32, #tpu.memory_space<vmem>>) dst(%dma_wait3A_173 : memref<10000x64xf32, #tpu.memory_space<vmem_shared>>)
    %dma_wait3A_174 = arith.constant 0 : i32
    %dma_wait3A_175 = arith.constant 0 : i32
    %dma_wait3A_176 = tpu.memref_slice %arg8[%dma_wait3A_174, %dma_wait3A_175] : memref<160x125xi32, #tpu.memory_space<vmem>> -> memref<1x125xi32, #tpu.memory_space<vmem>>
    %dma_wait3A_177 = tpu.memref_squeeze %dma_wait3A_176 : memref<1x125xi32, #tpu.memory_space<vmem>> -> memref<125xi32, #tpu.memory_space<vmem>>
    %dma_wait3A_178 = arith.constant 0 : i32
    %dma_wait3A_179 = arith.constant 0 : i32
    %dma_wait3A_180 = tpu.memref_slice %arg14[%dma_wait3A_178, %dma_wait3A_179] : memref<10000x64xf32, #tpu.memory_space<vmem_shared>> -> memref<10000x64xf32, #tpu.memory_space<vmem_shared>>
    tpu.wait_indirect_dma semaphore(%arg22 : memref<!tpu.dma_semaphore, #tpu.memory_space<semaphore_mem>>) src(%arg11 : memref<125x64xf32, #tpu.memory_space<vmem>>) dst(%dma_wait3A_180 : memref<10000x64xf32, #tpu.memory_space<vmem_shared>>)
    %dma_wait3A_181 = arith.constant 0 : i32
    %dma_wait3A_182 = arith.constant 0 : i32
    %dma_wait3A_183 = tpu.memref_slice %arg8[%dma_wait3A_181, %dma_wait3A_182] : memref<160x125xi32, #tpu.memory_space<vmem>> -> memref<1x125xi32, #tpu.memory_space<vmem>>
    %dma_wait3A_184 = tpu.memref_squeeze %dma_wait3A_183 : memref<1x125xi32, #tpu.memory_space<vmem>> -> memref<125xi32, #tpu.memory_space<vmem>>
    %dma_wait3A_185 = arith.constant 0 : i32
    %dma_wait3A_186 = arith.constant 0 : i32
    %dma_wait3A_187 = tpu.memref_slice %arg14[%dma_wait3A_185, %dma_wait3A_186] : memref<10000x64xf32, #tpu.memory_space<vmem_shared>> -> memref<10000x64xf32, #tpu.memory_space<vmem_shared>>
    tpu.wait_indirect_dma semaphore(%arg23 : memref<!tpu.dma_semaphore, #tpu.memory_space<semaphore_mem>>) src(%arg12 : memref<125x64xf32, #tpu.memory_space<vmem>>) dst(%dma_wait3A_187 : memref<10000x64xf32, #tpu.memory_space<vmem_shared>>)
    %dma_wait3A_188 = arith.constant 0 : i32
    %dma_wait3A_189 = arith.constant 0 : i32
    %dma_wait3A_190 = tpu.memref_slice %arg8[%dma_wait3A_188, %dma_wait3A_189] : memref<160x125xi32, #tpu.memory_space<vmem>> -> memref<1x125xi32, #tpu.memory_space<vmem>>
    %dma_wait3A_191 = tpu.memref_squeeze %dma_wait3A_190 : memref<1x125xi32, #tpu.memory_space<vmem>> -> memref<125xi32, #tpu.memory_space<vmem>>
    %dma_wait3A_192 = arith.constant 0 : i32
    %dma_wait3A_193 = arith.constant 0 : i32
    %dma_wait3A_194 = tpu.memref_slice %arg14[%dma_wait3A_192, %dma_wait3A_193] : memref<10000x64xf32, #tpu.memory_space<vmem_shared>> -> memref<10000x64xf32, #tpu.memory_space<vmem_shared>>
    tpu.wait_indirect_dma semaphore(%arg24 : memref<!tpu.dma_semaphore, #tpu.memory_space<semaphore_mem>>) src(%arg13 : memref<125x64xf32, #tpu.memory_space<vmem>>) dst(%dma_wait3A_194 : memref<10000x64xf32, #tpu.memory_space<vmem_shared>>)
    %barrier3A_195 = arith.constant 0 : index
    tpu.barrier barrier_id(%barrier3A_195)
    %mul3A_196 = arith.constant 624 : i32
    %mul3A_197 = arith.muli %arg1, %mul3A_196 : i32
    %mul3A_198 = arith.constant 64 : i32
    %mul3A_199 = arith.muli %add3A_101, %mul3A_198 : i32
    "tpu.region"() ({
      %run_scoped3A = tpu.sem_alloc : memref<!tpu.dma_semaphore, #tpu.memory_space<semaphore_mem>>
      %dma_start3A_205 = tpu.memref_slice %arg6[%mul3A_197, %mul3A_199] : memref<10000x256xf32, #tpu.memory_space<hbm>> -> memref<624x64xf32, #tpu.memory_space<hbm>>
      %dma_start3A_206 = arith.constant 0 : i32
      %dma_start3A_207 = tpu.memref_slice %arg14[%mul3A_197, %dma_start3A_206] : memref<10000x64xf32, #tpu.memory_space<vmem_shared>> -> memref<624x64xf32, #tpu.memory_space<vmem_shared>>
      tpu.enqueue_dma source(%dma_start3A_207 : memref<624x64xf32, #tpu.memory_space<vmem_shared>>) target(%dma_start3A_205 : memref<624x64xf32, #tpu.memory_space<hbm>>) target_semaphore(%run_scoped3A : memref<!tpu.dma_semaphore, #tpu.memory_space<semaphore_mem>>)
      %dma_wait3A_208 = tpu.memref_slice %arg6[%mul3A_197, %mul3A_199] : memref<10000x256xf32, #tpu.memory_space<hbm>> -> memref<624x64xf32, #tpu.memory_space<hbm>>
      %dma_wait3A_209 = arith.constant 0 : i32
      %dma_wait3A_210 = tpu.memref_slice %arg14[%mul3A_197, %dma_wait3A_209] : memref<10000x64xf32, #tpu.memory_space<vmem_shared>> -> memref<624x64xf32, #tpu.memory_space<vmem_shared>>
      tpu.wait_dma2 semaphore(%run_scoped3A : memref<!tpu.dma_semaphore, #tpu.memory_space<semaphore_mem>>) src(%dma_wait3A_210 : memref<624x64xf32, #tpu.memory_space<vmem_shared>>) dst(%dma_wait3A_208 : memref<624x64xf32, #tpu.memory_space<hbm>>)
      tpu.yield
    }) : () -> ()
    %eq3A_200 = arith.constant 15 : i32
    %eq3A_201 = arith.cmpi eq, %arg1, %eq3A_200 : i32
    %convert_element_type3A_202 = arith.extui %eq3A_201 : i1 to i32
    %cond3A_203 = arith.constant 0 : i32
    %cond3A_204 = arith.cmpi ne, %convert_element_type3A_202, %cond3A_203 : i32
    scf.if %cond3A_204 {
      %mul3A_205 = arith.constant 64 : i32
      %mul3A_206 = arith.muli %add3A_101, %mul3A_205 : i32
      "tpu.region"() ({
        %run_scoped3A = tpu.sem_alloc : memref<!tpu.dma_semaphore, #tpu.memory_space<semaphore_mem>>
        %dma_start3A_207 = arith.constant 9984 : i32
        %dma_start3A_208 = tpu.memref_slice %arg6[%dma_start3A_207, %mul3A_206] : memref<10000x256xf32, #tpu.memory_space<hbm>> -> memref<16x64xf32, #tpu.memory_space<hbm>>
        %dma_start3A_209 = arith.constant 9984 : i32
        %dma_start3A_210 = arith.constant 0 : i32
        %dma_start3A_211 = tpu.memref_slice %arg14[%dma_start3A_209, %dma_start3A_210] : memref<10000x64xf32, #tpu.memory_space<vmem_shared>> -> memref<16x64xf32, #tpu.memory_space<vmem_shared>>
        tpu.enqueue_dma source(%dma_start3A_211 : memref<16x64xf32, #tpu.memory_space<vmem_shared>>) target(%dma_start3A_208 : memref<16x64xf32, #tpu.memory_space<hbm>>) target_semaphore(%run_scoped3A : memref<!tpu.dma_semaphore, #tpu.memory_space<semaphore_mem>>)
        %dma_wait3A_212 = arith.constant 9984 : i32
        %dma_wait3A_213 = tpu.memref_slice %arg6[%dma_wait3A_212, %mul3A_206] : memref<10000x256xf32, #tpu.memory_space<hbm>> -> memref<16x64xf32, #tpu.memory_space<hbm>>
        %dma_wait3A_214 = arith.constant 9984 : i32
        %dma_wait3A_215 = arith.constant 0 : i32
        %dma_wait3A_216 = tpu.memref_slice %arg14[%dma_wait3A_214, %dma_wait3A_215] : memref<10000x64xf32, #tpu.memory_space<vmem_shared>> -> memref<16x64xf32, #tpu.memory_space<vmem_shared>>
        tpu.wait_dma2 semaphore(%run_scoped3A : memref<!tpu.dma_semaphore, #tpu.memory_space<semaphore_mem>>) src(%dma_wait3A_216 : memref<16x64xf32, #tpu.memory_space<vmem_shared>>) dst(%dma_wait3A_213 : memref<16x64xf32, #tpu.memory_space<hbm>>)
        tpu.yield
      }) : () -> ()
    } else {
    }
    return
  }
}

#map = affine_map<(d0, d1) -> (0, 0)>
#map1 = affine_map<(d0, d1) -> (0, 0, 0)>
module attributes {stable_mosaic.version = 14 : i64} {
  func.func @k(%arg0: i32, %arg1: i32, %arg2: memref<40000x64xf32, #tpu.memory_space<hbm>>, %arg3: memref<10000x64xf32, #tpu.memory_space<hbm>>, %arg4: memref<16x160x125xi32, #tpu.memory_space<hbm>>, %arg5: memref<16x160x125xi32, #tpu.memory_space<hbm>>, %arg6: memref<10000x256xf32, #tpu.memory_space<hbm>>, %arg7: memref<160x125xi32, #tpu.memory_space<vmem>>, %arg8: memref<160x125xi32, #tpu.memory_space<vmem>>, %arg9: memref<125x64xf32, #tpu.memory_space<vmem>>, %arg10: memref<125x64xf32, #tpu.memory_space<vmem>>, %arg11: memref<125x64xf32, #tpu.memory_space<vmem>>, %arg12: memref<125x64xf32, #tpu.memory_space<vmem>>, %arg13: memref<125x64xf32, #tpu.memory_space<vmem>>, %arg14: memref<10000x64xf32, #tpu.memory_space<vmem_shared>>, %arg15: memref<!tpu.dma_semaphore, #tpu.memory_space<semaphore_mem>>, %arg16: memref<!tpu.dma_semaphore, #tpu.memory_space<semaphore_mem>>, %arg17: memref<!tpu.dma_semaphore, #tpu.memory_space<semaphore_mem>>, %arg18: memref<!tpu.dma_semaphore, #tpu.memory_space<semaphore_mem>>, %arg19: memref<!tpu.dma_semaphore, #tpu.memory_space<semaphore_mem>>, %arg20: memref<!tpu.dma_semaphore, #tpu.memory_space<semaphore_mem>>, %arg21: memref<!tpu.dma_semaphore, #tpu.memory_space<semaphore_mem>>, %arg22: memref<!tpu.dma_semaphore, #tpu.memory_space<semaphore_mem>>, %arg23: memref<!tpu.dma_semaphore, #tpu.memory_space<semaphore_mem>>, %arg24: memref<!tpu.dma_semaphore, #tpu.memory_space<semaphore_mem>>) attributes {dimension_semantics = [#tpu.dimension_semantics<core_parallel>, #tpu.dimension_semantics<subcore_parallel>], iteration_bounds = array<i64: 2, 16>, scalar_prefetch = 0 : i64, scratch_operands = 18 : i64, tpu.core_type = #tpu.core_type<sc_vector_subcore>, window_params = [{transform_indices = #map}, {transform_indices = #map}, {transform_indices = #map1}, {transform_indices = #map1}, {transform_indices = #map}]} {
    "tpu.region"() ({
      %run_scoped3A = tpu.sem_alloc : memref<!tpu.dma_semaphore, #tpu.memory_space<semaphore_mem>>
      %dma_start3A_205 = arith.constant 0 : i32
      %dma_start3A_206 = arith.constant 0 : i32
      %dma_start3A_207 = tpu.memref_slice %arg5[%arg1, %dma_start3A_205, %dma_start3A_206] : memref<16x160x125xi32, #tpu.memory_space<hbm>> -> memref<1x160x125xi32, #tpu.memory_space<hbm>>
      %dma_start3A_208 = tpu.memref_squeeze %dma_start3A_207 : memref<1x160x125xi32, #tpu.memory_space<hbm>> -> memref<160x125xi32, #tpu.memory_space<hbm>>
      %dma_start3A_209 = arith.constant 0 : i32
      %dma_start3A_210 = arith.constant 0 : i32
      %dma_start3A_211 = tpu.memref_slice %arg5[%arg1, %dma_start3A_209, %dma_start3A_210] : memref<16x160x125xi32, #tpu.memory_space<hbm>> -> memref<1x160x125xi32, #tpu.memory_space<hbm>>
      %dma_start3A_212 = tpu.memref_squeeze %dma_start3A_211 : memref<1x160x125xi32, #tpu.memory_space<hbm>> -> memref<160x125xi32, #tpu.memory_space<hbm>>
      tpu.enqueue_dma source(%dma_start3A_212 : memref<160x125xi32, #tpu.memory_space<hbm>>) target(%arg8 : memref<160x125xi32, #tpu.memory_space<vmem>>) target_semaphore(%run_scoped3A : memref<!tpu.dma_semaphore, #tpu.memory_space<semaphore_mem>>)
      %dma_wait3A_213 = arith.constant 0 : i32
      %dma_wait3A_214 = arith.constant 0 : i32
      %dma_wait3A_215 = tpu.memref_slice %arg5[%arg1, %dma_wait3A_213, %dma_wait3A_214] : memref<16x160x125xi32, #tpu.memory_space<hbm>> -> memref<1x160x125xi32, #tpu.memory_space<hbm>>
      %dma_wait3A_216 = tpu.memref_squeeze %dma_wait3A_215 : memref<1x160x125xi32, #tpu.memory_space<hbm>> -> memref<160x125xi32, #tpu.memory_space<hbm>>
      %dma_wait3A_217 = arith.constant 0 : i32
      %dma_wait3A_218 = arith.constant 0 : i32
      %dma_wait3A_219 = tpu.memref_slice %arg5[%arg1, %dma_wait3A_217, %dma_wait3A_218] : memref<16x160x125xi32, #tpu.memory_space<hbm>> -> memref<1x160x125xi32, #tpu.memory_space<hbm>>
      %dma_wait3A_220 = tpu.memref_squeeze %dma_wait3A_219 : memref<1x160x125xi32, #tpu.memory_space<hbm>> -> memref<160x125xi32, #tpu.memory_space<hbm>>
      tpu.wait_dma2 semaphore(%run_scoped3A : memref<!tpu.dma_semaphore, #tpu.memory_space<semaphore_mem>>) src(%dma_wait3A_220 : memref<160x125xi32, #tpu.memory_space<hbm>>) dst(%arg8 : memref<160x125xi32, #tpu.memory_space<vmem>>)
      tpu.yield
    }) : () -> ()
    "tpu.region"() ({
      %run_scoped3A = tpu.sem_alloc : memref<!tpu.dma_semaphore, #tpu.memory_space<semaphore_mem>>
      %dma_start3A_205 = arith.constant 0 : i32
      %dma_start3A_206 = arith.constant 0 : i32
      %dma_start3A_207 = tpu.memref_slice %arg4[%arg1, %dma_start3A_205, %dma_start3A_206] : memref<16x160x125xi32, #tpu.memory_space<hbm>> -> memref<1x160x125xi32, #tpu.memory_space<hbm>>
      %dma_start3A_208 = tpu.memref_squeeze %dma_start3A_207 : memref<1x160x125xi32, #tpu.memory_space<hbm>> -> memref<160x125xi32, #tpu.memory_space<hbm>>
      %dma_start3A_209 = arith.constant 0 : i32
      %dma_start3A_210 = arith.constant 0 : i32
      %dma_start3A_211 = tpu.memref_slice %arg4[%arg1, %dma_start3A_209, %dma_start3A_210] : memref<16x160x125xi32, #tpu.memory_space<hbm>> -> memref<1x160x125xi32, #tpu.memory_space<hbm>>
      %dma_start3A_212 = tpu.memref_squeeze %dma_start3A_211 : memref<1x160x125xi32, #tpu.memory_space<hbm>> -> memref<160x125xi32, #tpu.memory_space<hbm>>
      tpu.enqueue_dma source(%dma_start3A_212 : memref<160x125xi32, #tpu.memory_space<hbm>>) target(%arg7 : memref<160x125xi32, #tpu.memory_space<vmem>>) target_semaphore(%run_scoped3A : memref<!tpu.dma_semaphore, #tpu.memory_space<semaphore_mem>>)
      %dma_wait3A_213 = arith.constant 0 : i32
      %dma_wait3A_214 = arith.constant 0 : i32
      %dma_wait3A_215 = tpu.memref_slice %arg4[%arg1, %dma_wait3A_213, %dma_wait3A_214] : memref<16x160x125xi32, #tpu.memory_space<hbm>> -> memref<1x160x125xi32, #tpu.memory_space<hbm>>
      %dma_wait3A_216 = tpu.memref_squeeze %dma_wait3A_215 : memref<1x160x125xi32, #tpu.memory_space<hbm>> -> memref<160x125xi32, #tpu.memory_space<hbm>>
      %dma_wait3A_217 = arith.constant 0 : i32
      %dma_wait3A_218 = arith.constant 0 : i32
      %dma_wait3A_219 = tpu.memref_slice %arg4[%arg1, %dma_wait3A_217, %dma_wait3A_218] : memref<16x160x125xi32, #tpu.memory_space<hbm>> -> memref<1x160x125xi32, #tpu.memory_space<hbm>>
      %dma_wait3A_220 = tpu.memref_squeeze %dma_wait3A_219 : memref<1x160x125xi32, #tpu.memory_space<hbm>> -> memref<160x125xi32, #tpu.memory_space<hbm>>
      tpu.wait_dma2 semaphore(%run_scoped3A : memref<!tpu.dma_semaphore, #tpu.memory_space<semaphore_mem>>) src(%dma_wait3A_220 : memref<160x125xi32, #tpu.memory_space<hbm>>) dst(%arg7 : memref<160x125xi32, #tpu.memory_space<vmem>>)
      tpu.yield
    }) : () -> ()
    %mul3A = arith.constant 2 : i32
    %mul3A_0 = arith.muli %arg0, %mul3A : i32
    %add3A = arith.constant 0 : i32
    %add3A_1 = arith.addi %mul3A_0, %add3A : i32
    %mul3A_2 = arith.constant 624 : i32
    %mul3A_3 = arith.muli %arg1, %mul3A_2 : i32
    "tpu.region"() ({
      %run_scoped3A = tpu.sem_alloc : memref<!tpu.dma_semaphore, #tpu.memory_space<semaphore_mem>>
      %dma_start3A_205 = arith.constant 0 : i32
      %dma_start3A_206 = tpu.memref_slice %arg14[%mul3A_3, %dma_start3A_205] : memref<10000x64xf32, #tpu.memory_space<vmem_shared>> -> memref<624x64xf32, #tpu.memory_space<vmem_shared>>
      %dma_start3A_207 = arith.constant 0 : i32
      %dma_start3A_208 = tpu.memref_slice %arg3[%mul3A_3, %dma_start3A_207] : memref<10000x64xf32, #tpu.memory_space<hbm>> -> memref<624x64xf32, #tpu.memory_space<hbm>>
      tpu.enqueue_dma source(%dma_start3A_208 : memref<624x64xf32, #tpu.memory_space<hbm>>) target(%dma_start3A_206 : memref<624x64xf32, #tpu.memory_space<vmem_shared>>) target_semaphore(%run_scoped3A : memref<!tpu.dma_semaphore, #tpu.memory_space<semaphore_mem>>)
      %dma_wait3A_209 = arith.constant 0 : i32
      %dma_wait3A_210 = tpu.memref_slice %arg14[%mul3A_3, %dma_wait3A_209] : memref<10000x64xf32, #tpu.memory_space<vmem_shared>> -> memref<624x64xf32, #tpu.memory_space<vmem_shared>>
      %dma_wait3A_211 = arith.constant 0 : i32
      %dma_wait3A_212 = tpu.memref_slice %arg3[%mul3A_3, %dma_wait3A_211] : memref<10000x64xf32, #tpu.memory_space<hbm>> -> memref<624x64xf32, #tpu.memory_space<hbm>>
      tpu.wait_dma2 semaphore(%run_scoped3A : memref<!tpu.dma_semaphore, #tpu.memory_space<semaphore_mem>>) src(%dma_wait3A_212 : memref<624x64xf32, #tpu.memory_space<hbm>>) dst(%dma_wait3A_210 : memref<624x64xf32, #tpu.memory_space<vmem_shared>>)
      tpu.yield
    }) : () -> ()
    %eq3A = arith.constant 15 : i32
    %eq3A_4 = arith.cmpi eq, %arg1, %eq3A : i32
    %convert_element_type3A = arith.extui %eq3A_4 : i1 to i32
    %cond3A = arith.constant 0 : i32
    %cond3A_5 = arith.cmpi ne, %convert_element_type3A, %cond3A : i32
    scf.if %cond3A_5 {
      "tpu.region"() ({
        %run_scoped3A = tpu.sem_alloc : memref<!tpu.dma_semaphore, #tpu.memory_space<semaphore_mem>>
        %dma_start3A_205 = arith.constant 9984 : i32
        %dma_start3A_206 = arith.constant 0 : i32
        %dma_start3A_207 = tpu.memref_slice %arg14[%dma_start3A_205, %dma_start3A_206] : memref<10000x64xf32, #tpu.memory_space<vmem_shared>> -> memref<16x64xf32, #tpu.memory_space<vmem_shared>>
        %dma_start3A_208 = arith.constant 9984 : i32
        %dma_start3A_209 = arith.constant 0 : i32
        %dma_start3A_210 = tpu.memref_slice %arg3[%dma_start3A_208, %dma_start3A_209] : memref<10000x64xf32, #tpu.memory_space<hbm>> -> memref<16x64xf32, #tpu.memory_space<hbm>>
        tpu.enqueue_dma source(%dma_start3A_210 : memref<16x64xf32, #tpu.memory_space<hbm>>) target(%dma_start3A_207 : memref<16x64xf32, #tpu.memory_space<vmem_shared>>) target_semaphore(%run_scoped3A : memref<!tpu.dma_semaphore, #tpu.memory_space<semaphore_mem>>)
        %dma_wait3A_211 = arith.constant 9984 : i32
        %dma_wait3A_212 = arith.constant 0 : i32
        %dma_wait3A_213 = tpu.memref_slice %arg14[%dma_wait3A_211, %dma_wait3A_212] : memref<10000x64xf32, #tpu.memory_space<vmem_shared>> -> memref<16x64xf32, #tpu.memory_space<vmem_shared>>
        %dma_wait3A_214 = arith.constant 9984 : i32
        %dma_wait3A_215 = arith.constant 0 : i32
        %dma_wait3A_216 = tpu.memref_slice %arg3[%dma_wait3A_214, %dma_wait3A_215] : memref<10000x64xf32, #tpu.memory_space<hbm>> -> memref<16x64xf32, #tpu.memory_space<hbm>>
        tpu.wait_dma2 semaphore(%run_scoped3A : memref<!tpu.dma_semaphore, #tpu.memory_space<semaphore_mem>>) src(%dma_wait3A_216 : memref<16x64xf32, #tpu.memory_space<hbm>>) dst(%dma_wait3A_213 : memref<16x64xf32, #tpu.memory_space<vmem_shared>>)
        tpu.yield
      }) : () -> ()
    } else {
    }
    %barrier3A = arith.constant 0 : index
    tpu.barrier barrier_id(%barrier3A)
    %dma_start3A = arith.constant 0 : i32
    %dma_start3A_6 = arith.constant 0 : i32
    %dma_start3A_7 = tpu.memref_slice %arg7[%dma_start3A, %dma_start3A_6] : memref<160x125xi32, #tpu.memory_space<vmem>> -> memref<1x125xi32, #tpu.memory_space<vmem>>
    %dma_start3A_8 = tpu.memref_squeeze %dma_start3A_7 : memref<1x125xi32, #tpu.memory_space<vmem>> -> memref<125xi32, #tpu.memory_space<vmem>>
    %dma_start3A_9 = arith.constant 0 : i32
    %dma_start3A_10 = tpu.memref_slice %arg2[%add3A_1, %dma_start3A_9] : memref<40000x64xf32, #tpu.memory_space<hbm>> -> memref<39997x64xf32, #tpu.memory_space<hbm>>
    %dma_start3A_11 = arith.constant 0 : i32
    %dma_start3A_12 = arith.constant 0 : i32
    %dma_start3A_13 = tpu.memref_slice %dma_start3A_10[%dma_start3A_11, %dma_start3A_12] : memref<39997x64xf32, #tpu.memory_space<hbm>> -> memref<39997x64xf32, #tpu.memory_space<hbm>>
    tpu.enqueue_indirect_dma source(%dma_start3A_13 : memref<39997x64xf32, #tpu.memory_space<hbm>>) target(%arg9 : memref<125x64xf32, #tpu.memory_space<vmem>>) offsets(%dma_start3A_8 : memref<125xi32, #tpu.memory_space<vmem>>) semaphore(%arg15 : memref<!tpu.dma_semaphore, #tpu.memory_space<semaphore_mem>>)
    %dma_start3A_14 = arith.constant 1 : i32
    %dma_start3A_15 = arith.constant 0 : i32
    %dma_start3A_16 = tpu.memref_slice %arg7[%dma_start3A_14, %dma_start3A_15] : memref<160x125xi32, #tpu.memory_space<vmem>> -> memref<1x125xi32, #tpu.memory_space<vmem>>
    %dma_start3A_17 = tpu.memref_squeeze %dma_start3A_16 : memref<1x125xi32, #tpu.memory_space<vmem>> -> memref<125xi32, #tpu.memory_space<vmem>>
    %dma_start3A_18 = arith.constant 0 : i32
    %dma_start3A_19 = tpu.memref_slice %arg2[%add3A_1, %dma_start3A_18] : memref<40000x64xf32, #tpu.memory_space<hbm>> -> memref<39997x64xf32, #tpu.memory_space<hbm>>
    %dma_start3A_20 = arith.constant 0 : i32
    %dma_start3A_21 = arith.constant 0 : i32
    %dma_start3A_22 = tpu.memref_slice %dma_start3A_19[%dma_start3A_20, %dma_start3A_21] : memref<39997x64xf32, #tpu.memory_space<hbm>> -> memref<39997x64xf32, #tpu.memory_space<hbm>>
    tpu.enqueue_indirect_dma source(%dma_start3A_22 : memref<39997x64xf32, #tpu.memory_space<hbm>>) target(%arg10 : memref<125x64xf32, #tpu.memory_space<vmem>>) offsets(%dma_start3A_17 : memref<125xi32, #tpu.memory_space<vmem>>) semaphore(%arg16 : memref<!tpu.dma_semaphore, #tpu.memory_space<semaphore_mem>>)
    %dma_start3A_23 = arith.constant 2 : i32
    %dma_start3A_24 = arith.constant 0 : i32
    %dma_start3A_25 = tpu.memref_slice %arg7[%dma_start3A_23, %dma_start3A_24] : memref<160x125xi32, #tpu.memory_space<vmem>> -> memref<1x125xi32, #tpu.memory_space<vmem>>
    %dma_start3A_26 = tpu.memref_squeeze %dma_start3A_25 : memref<1x125xi32, #tpu.memory_space<vmem>> -> memref<125xi32, #tpu.memory_space<vmem>>
    %dma_start3A_27 = arith.constant 0 : i32
    %dma_start3A_28 = tpu.memref_slice %arg2[%add3A_1, %dma_start3A_27] : memref<40000x64xf32, #tpu.memory_space<hbm>> -> memref<39997x64xf32, #tpu.memory_space<hbm>>
    %dma_start3A_29 = arith.constant 0 : i32
    %dma_start3A_30 = arith.constant 0 : i32
    %dma_start3A_31 = tpu.memref_slice %dma_start3A_28[%dma_start3A_29, %dma_start3A_30] : memref<39997x64xf32, #tpu.memory_space<hbm>> -> memref<39997x64xf32, #tpu.memory_space<hbm>>
    tpu.enqueue_indirect_dma source(%dma_start3A_31 : memref<39997x64xf32, #tpu.memory_space<hbm>>) target(%arg11 : memref<125x64xf32, #tpu.memory_space<vmem>>) offsets(%dma_start3A_26 : memref<125xi32, #tpu.memory_space<vmem>>) semaphore(%arg17 : memref<!tpu.dma_semaphore, #tpu.memory_space<semaphore_mem>>)
    %dma_start3A_32 = arith.constant 3 : i32
    %dma_start3A_33 = arith.constant 0 : i32
    %dma_start3A_34 = tpu.memref_slice %arg7[%dma_start3A_32, %dma_start3A_33] : memref<160x125xi32, #tpu.memory_space<vmem>> -> memref<1x125xi32, #tpu.memory_space<vmem>>
    %dma_start3A_35 = tpu.memref_squeeze %dma_start3A_34 : memref<1x125xi32, #tpu.memory_space<vmem>> -> memref<125xi32, #tpu.memory_space<vmem>>
    %dma_start3A_36 = arith.constant 0 : i32
    %dma_start3A_37 = tpu.memref_slice %arg2[%add3A_1, %dma_start3A_36] : memref<40000x64xf32, #tpu.memory_space<hbm>> -> memref<39997x64xf32, #tpu.memory_space<hbm>>
    %dma_start3A_38 = arith.constant 0 : i32
    %dma_start3A_39 = arith.constant 0 : i32
    %dma_start3A_40 = tpu.memref_slice %dma_start3A_37[%dma_start3A_38, %dma_start3A_39] : memref<39997x64xf32, #tpu.memory_space<hbm>> -> memref<39997x64xf32, #tpu.memory_space<hbm>>
    tpu.enqueue_indirect_dma source(%dma_start3A_40 : memref<39997x64xf32, #tpu.memory_space<hbm>>) target(%arg12 : memref<125x64xf32, #tpu.memory_space<vmem>>) offsets(%dma_start3A_35 : memref<125xi32, #tpu.memory_space<vmem>>) semaphore(%arg18 : memref<!tpu.dma_semaphore, #tpu.memory_space<semaphore_mem>>)
    %dma_start3A_41 = arith.constant 4 : i32
    %dma_start3A_42 = arith.constant 0 : i32
    %dma_start3A_43 = tpu.memref_slice %arg7[%dma_start3A_41, %dma_start3A_42] : memref<160x125xi32, #tpu.memory_space<vmem>> -> memref<1x125xi32, #tpu.memory_space<vmem>>
    %dma_start3A_44 = tpu.memref_squeeze %dma_start3A_43 : memref<1x125xi32, #tpu.memory_space<vmem>> -> memref<125xi32, #tpu.memory_space<vmem>>
    %dma_start3A_45 = arith.constant 0 : i32
    %dma_start3A_46 = tpu.memref_slice %arg2[%add3A_1, %dma_start3A_45] : memref<40000x64xf32, #tpu.memory_space<hbm>> -> memref<39997x64xf32, #tpu.memory_space<hbm>>
    %dma_start3A_47 = arith.constant 0 : i32
    %dma_start3A_48 = arith.constant 0 : i32
    %dma_start3A_49 = tpu.memref_slice %dma_start3A_46[%dma_start3A_47, %dma_start3A_48] : memref<39997x64xf32, #tpu.memory_space<hbm>> -> memref<39997x64xf32, #tpu.memory_space<hbm>>
    tpu.enqueue_indirect_dma source(%dma_start3A_49 : memref<39997x64xf32, #tpu.memory_space<hbm>>) target(%arg13 : memref<125x64xf32, #tpu.memory_space<vmem>>) offsets(%dma_start3A_44 : memref<125xi32, #tpu.memory_space<vmem>>) semaphore(%arg19 : memref<!tpu.dma_semaphore, #tpu.memory_space<semaphore_mem>>)
    %scan3A = arith.constant 0 : i32
    %scan3A_50 = arith.constant 32 : i32
    %scan3A_51 = arith.addi %scan3A, %scan3A_50 : i32
    %scan3A_52 = arith.constant 1 : i32
    scf.for %scan3A_205 = %scan3A to %scan3A_51 step %scan3A_52  : i32 {
      %mul3A_206 = arith.constant 1 : i32
      %mul3A_207 = arith.muli %scan3A_205, %mul3A_206 : i32
      %add3A_208 = arith.constant 0 : i32
      %add3A_209 = arith.addi %add3A_208, %mul3A_207 : i32
      %mul3A_210 = arith.constant 5 : i32
      %mul3A_211 = arith.muli %add3A_209, %mul3A_210 : i32
      %add3A_212 = arith.constant 0 : i32
      %add3A_213 = arith.addi %mul3A_211, %add3A_212 : i32
      %dma_wait3A_214 = arith.constant 0 : i32
      %dma_wait3A_215 = arith.constant 0 : i32
      %dma_wait3A_216 = tpu.memref_slice %arg7[%dma_wait3A_214, %dma_wait3A_215] : memref<160x125xi32, #tpu.memory_space<vmem>> -> memref<1x125xi32, #tpu.memory_space<vmem>>
      %dma_wait3A_217 = tpu.memref_squeeze %dma_wait3A_216 : memref<1x125xi32, #tpu.memory_space<vmem>> -> memref<125xi32, #tpu.memory_space<vmem>>
      %dma_wait3A_218 = arith.constant 0 : i32
      %dma_wait3A_219 = tpu.memref_slice %arg2[%add3A_1, %dma_wait3A_218] : memref<40000x64xf32, #tpu.memory_space<hbm>> -> memref<39997x64xf32, #tpu.memory_space<hbm>>
      %dma_wait3A_220 = arith.constant 0 : i32
      %dma_wait3A_221 = arith.constant 0 : i32
      %dma_wait3A_222 = tpu.memref_slice %dma_wait3A_219[%dma_wait3A_220, %dma_wait3A_221] : memref<39997x64xf32, #tpu.memory_space<hbm>> -> memref<39997x64xf32, #tpu.memory_space<hbm>>
      tpu.wait_indirect_dma semaphore(%arg15 : memref<!tpu.dma_semaphore, #tpu.memory_space<semaphore_mem>>) src(%dma_wait3A_222 : memref<39997x64xf32, #tpu.memory_space<hbm>>) dst(%arg9 : memref<125x64xf32, #tpu.memory_space<vmem>>)
      %dma_start3A_223 = arith.constant 0 : i32
      %dma_start3A_224 = tpu.memref_slice %arg8[%add3A_213, %dma_start3A_223] : memref<160x125xi32, #tpu.memory_space<vmem>> -> memref<1x125xi32, #tpu.memory_space<vmem>>
      %dma_start3A_225 = tpu.memref_squeeze %dma_start3A_224 : memref<1x125xi32, #tpu.memory_space<vmem>> -> memref<125xi32, #tpu.memory_space<vmem>>
      %dma_start3A_226 = arith.constant 0 : i32
      %dma_start3A_227 = arith.constant 0 : i32
      %dma_start3A_228 = tpu.memref_slice %arg14[%dma_start3A_226, %dma_start3A_227] : memref<10000x64xf32, #tpu.memory_space<vmem_shared>> -> memref<10000x64xf32, #tpu.memory_space<vmem_shared>>
      tpu.enqueue_indirect_dma source(%arg9 : memref<125x64xf32, #tpu.memory_space<vmem>>) target(%dma_start3A_228 : memref<10000x64xf32, #tpu.memory_space<vmem_shared>>) offsets(%dma_start3A_225 : memref<125xi32, #tpu.memory_space<vmem>>) semaphore(%arg20 : memref<!tpu.dma_semaphore, #tpu.memory_space<semaphore_mem>>) {add = true}
      %add3A_229 = arith.constant 5 : i32
      %add3A_230 = arith.addi %add3A_213, %add3A_229 : i32
      %lt3A = arith.constant 160 : i32
      %lt3A_231 = arith.cmpi slt, %add3A_230, %lt3A : i32
      %convert_element_type3A_232 = arith.extui %lt3A_231 : i1 to i32
      %cond3A_233 = arith.constant 0 : i32
      %cond3A_234 = arith.cmpi ne, %convert_element_type3A_232, %cond3A_233 : i32
      scf.if %cond3A_234 {
        %dma_wait3A_331 = arith.constant 0 : i32
        %dma_wait3A_332 = arith.constant 0 : i32
        %dma_wait3A_333 = tpu.memref_slice %arg8[%dma_wait3A_331, %dma_wait3A_332] : memref<160x125xi32, #tpu.memory_space<vmem>> -> memref<1x125xi32, #tpu.memory_space<vmem>>
        %dma_wait3A_334 = tpu.memref_squeeze %dma_wait3A_333 : memref<1x125xi32, #tpu.memory_space<vmem>> -> memref<125xi32, #tpu.memory_space<vmem>>
        %dma_wait3A_335 = arith.constant 0 : i32
        %dma_wait3A_336 = arith.constant 0 : i32
        %dma_wait3A_337 = tpu.memref_slice %arg14[%dma_wait3A_335, %dma_wait3A_336] : memref<10000x64xf32, #tpu.memory_space<vmem_shared>> -> memref<10000x64xf32, #tpu.memory_space<vmem_shared>>
        tpu.wait_indirect_dma semaphore(%arg20 : memref<!tpu.dma_semaphore, #tpu.memory_space<semaphore_mem>>) src(%arg9 : memref<125x64xf32, #tpu.memory_space<vmem>>) dst(%dma_wait3A_337 : memref<10000x64xf32, #tpu.memory_space<vmem_shared>>)
        %add3A_338 = arith.constant 5 : i32
        %add3A_339 = arith.addi %add3A_213, %add3A_338 : i32
        %dma_start3A_340 = arith.constant 0 : i32
        %dma_start3A_341 = tpu.memref_slice %arg7[%add3A_339, %dma_start3A_340] : memref<160x125xi32, #tpu.memory_space<vmem>> -> memref<1x125xi32, #tpu.memory_space<vmem>>
        %dma_start3A_342 = tpu.memref_squeeze %dma_start3A_341 : memref<1x125xi32, #tpu.memory_space<vmem>> -> memref<125xi32, #tpu.memory_space<vmem>>
        %dma_start3A_343 = arith.constant 0 : i32
        %dma_start3A_344 = tpu.memref_slice %arg2[%add3A_1, %dma_start3A_343] : memref<40000x64xf32, #tpu.memory_space<hbm>> -> memref<39997x64xf32, #tpu.memory_space<hbm>>
        %dma_start3A_345 = arith.constant 0 : i32
        %dma_start3A_346 = arith.constant 0 : i32
        %dma_start3A_347 = tpu.memref_slice %dma_start3A_344[%dma_start3A_345, %dma_start3A_346] : memref<39997x64xf32, #tpu.memory_space<hbm>> -> memref<39997x64xf32, #tpu.memory_space<hbm>>
        tpu.enqueue_indirect_dma source(%dma_start3A_347 : memref<39997x64xf32, #tpu.memory_space<hbm>>) target(%arg9 : memref<125x64xf32, #tpu.memory_space<vmem>>) offsets(%dma_start3A_342 : memref<125xi32, #tpu.memory_space<vmem>>) semaphore(%arg15 : memref<!tpu.dma_semaphore, #tpu.memory_space<semaphore_mem>>)
      } else {
      }
      %add3A_235 = arith.constant 1 : i32
      %add3A_236 = arith.addi %mul3A_211, %add3A_235 : i32
      %dma_wait3A_237 = arith.constant 0 : i32
      %dma_wait3A_238 = arith.constant 0 : i32
      %dma_wait3A_239 = tpu.memref_slice %arg7[%dma_wait3A_237, %dma_wait3A_238] : memref<160x125xi32, #tpu.memory_space<vmem>> -> memref<1x125xi32, #tpu.memory_space<vmem>>
      %dma_wait3A_240 = tpu.memref_squeeze %dma_wait3A_239 : memref<1x125xi32, #tpu.memory_space<vmem>> -> memref<125xi32, #tpu.memory_space<vmem>>
      %dma_wait3A_241 = arith.constant 0 : i32
      %dma_wait3A_242 = tpu.memref_slice %arg2[%add3A_1, %dma_wait3A_241] : memref<40000x64xf32, #tpu.memory_space<hbm>> -> memref<39997x64xf32, #tpu.memory_space<hbm>>
      %dma_wait3A_243 = arith.constant 0 : i32
      %dma_wait3A_244 = arith.constant 0 : i32
      %dma_wait3A_245 = tpu.memref_slice %dma_wait3A_242[%dma_wait3A_243, %dma_wait3A_244] : memref<39997x64xf32, #tpu.memory_space<hbm>> -> memref<39997x64xf32, #tpu.memory_space<hbm>>
      tpu.wait_indirect_dma semaphore(%arg16 : memref<!tpu.dma_semaphore, #tpu.memory_space<semaphore_mem>>) src(%dma_wait3A_245 : memref<39997x64xf32, #tpu.memory_space<hbm>>) dst(%arg10 : memref<125x64xf32, #tpu.memory_space<vmem>>)
      %dma_start3A_246 = arith.constant 0 : i32
      %dma_start3A_247 = tpu.memref_slice %arg8[%add3A_236, %dma_start3A_246] : memref<160x125xi32, #tpu.memory_space<vmem>> -> memref<1x125xi32, #tpu.memory_space<vmem>>
      %dma_start3A_248 = tpu.memref_squeeze %dma_start3A_247 : memref<1x125xi32, #tpu.memory_space<vmem>> -> memref<125xi32, #tpu.memory_space<vmem>>
      %dma_start3A_249 = arith.constant 0 : i32
      %dma_start3A_250 = arith.constant 0 : i32
      %dma_start3A_251 = tpu.memref_slice %arg14[%dma_start3A_249, %dma_start3A_250] : memref<10000x64xf32, #tpu.memory_space<vmem_shared>> -> memref<10000x64xf32, #tpu.memory_space<vmem_shared>>
      tpu.enqueue_indirect_dma source(%arg10 : memref<125x64xf32, #tpu.memory_space<vmem>>) target(%dma_start3A_251 : memref<10000x64xf32, #tpu.memory_space<vmem_shared>>) offsets(%dma_start3A_248 : memref<125xi32, #tpu.memory_space<vmem>>) semaphore(%arg21 : memref<!tpu.dma_semaphore, #tpu.memory_space<semaphore_mem>>) {add = true}
      %add3A_252 = arith.constant 5 : i32
      %add3A_253 = arith.addi %add3A_236, %add3A_252 : i32
      %lt3A_254 = arith.constant 160 : i32
      %lt3A_255 = arith.cmpi slt, %add3A_253, %lt3A_254 : i32
      %convert_element_type3A_256 = arith.extui %lt3A_255 : i1 to i32
      %cond3A_257 = arith.constant 0 : i32
      %cond3A_258 = arith.cmpi ne, %convert_element_type3A_256, %cond3A_257 : i32
      scf.if %cond3A_258 {
        %dma_wait3A_331 = arith.constant 0 : i32
        %dma_wait3A_332 = arith.constant 0 : i32
        %dma_wait3A_333 = tpu.memref_slice %arg8[%dma_wait3A_331, %dma_wait3A_332] : memref<160x125xi32, #tpu.memory_space<vmem>> -> memref<1x125xi32, #tpu.memory_space<vmem>>
        %dma_wait3A_334 = tpu.memref_squeeze %dma_wait3A_333 : memref<1x125xi32, #tpu.memory_space<vmem>> -> memref<125xi32, #tpu.memory_space<vmem>>
        %dma_wait3A_335 = arith.constant 0 : i32
        %dma_wait3A_336 = arith.constant 0 : i32
        %dma_wait3A_337 = tpu.memref_slice %arg14[%dma_wait3A_335, %dma_wait3A_336] : memref<10000x64xf32, #tpu.memory_space<vmem_shared>> -> memref<10000x64xf32, #tpu.memory_space<vmem_shared>>
        tpu.wait_indirect_dma semaphore(%arg21 : memref<!tpu.dma_semaphore, #tpu.memory_space<semaphore_mem>>) src(%arg10 : memref<125x64xf32, #tpu.memory_space<vmem>>) dst(%dma_wait3A_337 : memref<10000x64xf32, #tpu.memory_space<vmem_shared>>)
        %add3A_338 = arith.constant 5 : i32
        %add3A_339 = arith.addi %add3A_236, %add3A_338 : i32
        %dma_start3A_340 = arith.constant 0 : i32
        %dma_start3A_341 = tpu.memref_slice %arg7[%add3A_339, %dma_start3A_340] : memref<160x125xi32, #tpu.memory_space<vmem>> -> memref<1x125xi32, #tpu.memory_space<vmem>>
        %dma_start3A_342 = tpu.memref_squeeze %dma_start3A_341 : memref<1x125xi32, #tpu.memory_space<vmem>> -> memref<125xi32, #tpu.memory_space<vmem>>
        %dma_start3A_343 = arith.constant 0 : i32
        %dma_start3A_344 = tpu.memref_slice %arg2[%add3A_1, %dma_start3A_343] : memref<40000x64xf32, #tpu.memory_space<hbm>> -> memref<39997x64xf32, #tpu.memory_space<hbm>>
        %dma_start3A_345 = arith.constant 0 : i32
        %dma_start3A_346 = arith.constant 0 : i32
        %dma_start3A_347 = tpu.memref_slice %dma_start3A_344[%dma_start3A_345, %dma_start3A_346] : memref<39997x64xf32, #tpu.memory_space<hbm>> -> memref<39997x64xf32, #tpu.memory_space<hbm>>
        tpu.enqueue_indirect_dma source(%dma_start3A_347 : memref<39997x64xf32, #tpu.memory_space<hbm>>) target(%arg10 : memref<125x64xf32, #tpu.memory_space<vmem>>) offsets(%dma_start3A_342 : memref<125xi32, #tpu.memory_space<vmem>>) semaphore(%arg16 : memref<!tpu.dma_semaphore, #tpu.memory_space<semaphore_mem>>)
      } else {
      }
      %add3A_259 = arith.constant 2 : i32
      %add3A_260 = arith.addi %mul3A_211, %add3A_259 : i32
      %dma_wait3A_261 = arith.constant 0 : i32
      %dma_wait3A_262 = arith.constant 0 : i32
      %dma_wait3A_263 = tpu.memref_slice %arg7[%dma_wait3A_261, %dma_wait3A_262] : memref<160x125xi32, #tpu.memory_space<vmem>> -> memref<1x125xi32, #tpu.memory_space<vmem>>
      %dma_wait3A_264 = tpu.memref_squeeze %dma_wait3A_263 : memref<1x125xi32, #tpu.memory_space<vmem>> -> memref<125xi32, #tpu.memory_space<vmem>>
      %dma_wait3A_265 = arith.constant 0 : i32
      %dma_wait3A_266 = tpu.memref_slice %arg2[%add3A_1, %dma_wait3A_265] : memref<40000x64xf32, #tpu.memory_space<hbm>> -> memref<39997x64xf32, #tpu.memory_space<hbm>>
      %dma_wait3A_267 = arith.constant 0 : i32
      %dma_wait3A_268 = arith.constant 0 : i32
      %dma_wait3A_269 = tpu.memref_slice %dma_wait3A_266[%dma_wait3A_267, %dma_wait3A_268] : memref<39997x64xf32, #tpu.memory_space<hbm>> -> memref<39997x64xf32, #tpu.memory_space<hbm>>
      tpu.wait_indirect_dma semaphore(%arg17 : memref<!tpu.dma_semaphore, #tpu.memory_space<semaphore_mem>>) src(%dma_wait3A_269 : memref<39997x64xf32, #tpu.memory_space<hbm>>) dst(%arg11 : memref<125x64xf32, #tpu.memory_space<vmem>>)
      %dma_start3A_270 = arith.constant 0 : i32
      %dma_start3A_271 = tpu.memref_slice %arg8[%add3A_260, %dma_start3A_270] : memref<160x125xi32, #tpu.memory_space<vmem>> -> memref<1x125xi32, #tpu.memory_space<vmem>>
      %dma_start3A_272 = tpu.memref_squeeze %dma_start3A_271 : memref<1x125xi32, #tpu.memory_space<vmem>> -> memref<125xi32, #tpu.memory_space<vmem>>
      %dma_start3A_273 = arith.constant 0 : i32
      %dma_start3A_274 = arith.constant 0 : i32
      %dma_start3A_275 = tpu.memref_slice %arg14[%dma_start3A_273, %dma_start3A_274] : memref<10000x64xf32, #tpu.memory_space<vmem_shared>> -> memref<10000x64xf32, #tpu.memory_space<vmem_shared>>
      tpu.enqueue_indirect_dma source(%arg11 : memref<125x64xf32, #tpu.memory_space<vmem>>) target(%dma_start3A_275 : memref<10000x64xf32, #tpu.memory_space<vmem_shared>>) offsets(%dma_start3A_272 : memref<125xi32, #tpu.memory_space<vmem>>) semaphore(%arg22 : memref<!tpu.dma_semaphore, #tpu.memory_space<semaphore_mem>>) {add = true}
      %add3A_276 = arith.constant 5 : i32
      %add3A_277 = arith.addi %add3A_260, %add3A_276 : i32
      %lt3A_278 = arith.constant 160 : i32
      %lt3A_279 = arith.cmpi slt, %add3A_277, %lt3A_278 : i32
      %convert_element_type3A_280 = arith.extui %lt3A_279 : i1 to i32
      %cond3A_281 = arith.constant 0 : i32
      %cond3A_282 = arith.cmpi ne, %convert_element_type3A_280, %cond3A_281 : i32
      scf.if %cond3A_282 {
        %dma_wait3A_331 = arith.constant 0 : i32
        %dma_wait3A_332 = arith.constant 0 : i32
        %dma_wait3A_333 = tpu.memref_slice %arg8[%dma_wait3A_331, %dma_wait3A_332] : memref<160x125xi32, #tpu.memory_space<vmem>> -> memref<1x125xi32, #tpu.memory_space<vmem>>
        %dma_wait3A_334 = tpu.memref_squeeze %dma_wait3A_333 : memref<1x125xi32, #tpu.memory_space<vmem>> -> memref<125xi32, #tpu.memory_space<vmem>>
        %dma_wait3A_335 = arith.constant 0 : i32
        %dma_wait3A_336 = arith.constant 0 : i32
        %dma_wait3A_337 = tpu.memref_slice %arg14[%dma_wait3A_335, %dma_wait3A_336] : memref<10000x64xf32, #tpu.memory_space<vmem_shared>> -> memref<10000x64xf32, #tpu.memory_space<vmem_shared>>
        tpu.wait_indirect_dma semaphore(%arg22 : memref<!tpu.dma_semaphore, #tpu.memory_space<semaphore_mem>>) src(%arg11 : memref<125x64xf32, #tpu.memory_space<vmem>>) dst(%dma_wait3A_337 : memref<10000x64xf32, #tpu.memory_space<vmem_shared>>)
        %add3A_338 = arith.constant 5 : i32
        %add3A_339 = arith.addi %add3A_260, %add3A_338 : i32
        %dma_start3A_340 = arith.constant 0 : i32
        %dma_start3A_341 = tpu.memref_slice %arg7[%add3A_339, %dma_start3A_340] : memref<160x125xi32, #tpu.memory_space<vmem>> -> memref<1x125xi32, #tpu.memory_space<vmem>>
        %dma_start3A_342 = tpu.memref_squeeze %dma_start3A_341 : memref<1x125xi32, #tpu.memory_space<vmem>> -> memref<125xi32, #tpu.memory_space<vmem>>
        %dma_start3A_343 = arith.constant 0 : i32
        %dma_start3A_344 = tpu.memref_slice %arg2[%add3A_1, %dma_start3A_343] : memref<40000x64xf32, #tpu.memory_space<hbm>> -> memref<39997x64xf32, #tpu.memory_space<hbm>>
        %dma_start3A_345 = arith.constant 0 : i32
        %dma_start3A_346 = arith.constant 0 : i32
        %dma_start3A_347 = tpu.memref_slice %dma_start3A_344[%dma_start3A_345, %dma_start3A_346] : memref<39997x64xf32, #tpu.memory_space<hbm>> -> memref<39997x64xf32, #tpu.memory_space<hbm>>
        tpu.enqueue_indirect_dma source(%dma_start3A_347 : memref<39997x64xf32, #tpu.memory_space<hbm>>) target(%arg11 : memref<125x64xf32, #tpu.memory_space<vmem>>) offsets(%dma_start3A_342 : memref<125xi32, #tpu.memory_space<vmem>>) semaphore(%arg17 : memref<!tpu.dma_semaphore, #tpu.memory_space<semaphore_mem>>)
      } else {
      }
      %add3A_283 = arith.constant 3 : i32
      %add3A_284 = arith.addi %mul3A_211, %add3A_283 : i32
      %dma_wait3A_285 = arith.constant 0 : i32
      %dma_wait3A_286 = arith.constant 0 : i32
      %dma_wait3A_287 = tpu.memref_slice %arg7[%dma_wait3A_285, %dma_wait3A_286] : memref<160x125xi32, #tpu.memory_space<vmem>> -> memref<1x125xi32, #tpu.memory_space<vmem>>
      %dma_wait3A_288 = tpu.memref_squeeze %dma_wait3A_287 : memref<1x125xi32, #tpu.memory_space<vmem>> -> memref<125xi32, #tpu.memory_space<vmem>>
      %dma_wait3A_289 = arith.constant 0 : i32
      %dma_wait3A_290 = tpu.memref_slice %arg2[%add3A_1, %dma_wait3A_289] : memref<40000x64xf32, #tpu.memory_space<hbm>> -> memref<39997x64xf32, #tpu.memory_space<hbm>>
      %dma_wait3A_291 = arith.constant 0 : i32
      %dma_wait3A_292 = arith.constant 0 : i32
      %dma_wait3A_293 = tpu.memref_slice %dma_wait3A_290[%dma_wait3A_291, %dma_wait3A_292] : memref<39997x64xf32, #tpu.memory_space<hbm>> -> memref<39997x64xf32, #tpu.memory_space<hbm>>
      tpu.wait_indirect_dma semaphore(%arg18 : memref<!tpu.dma_semaphore, #tpu.memory_space<semaphore_mem>>) src(%dma_wait3A_293 : memref<39997x64xf32, #tpu.memory_space<hbm>>) dst(%arg12 : memref<125x64xf32, #tpu.memory_space<vmem>>)
      %dma_start3A_294 = arith.constant 0 : i32
      %dma_start3A_295 = tpu.memref_slice %arg8[%add3A_284, %dma_start3A_294] : memref<160x125xi32, #tpu.memory_space<vmem>> -> memref<1x125xi32, #tpu.memory_space<vmem>>
      %dma_start3A_296 = tpu.memref_squeeze %dma_start3A_295 : memref<1x125xi32, #tpu.memory_space<vmem>> -> memref<125xi32, #tpu.memory_space<vmem>>
      %dma_start3A_297 = arith.constant 0 : i32
      %dma_start3A_298 = arith.constant 0 : i32
      %dma_start3A_299 = tpu.memref_slice %arg14[%dma_start3A_297, %dma_start3A_298] : memref<10000x64xf32, #tpu.memory_space<vmem_shared>> -> memref<10000x64xf32, #tpu.memory_space<vmem_shared>>
      tpu.enqueue_indirect_dma source(%arg12 : memref<125x64xf32, #tpu.memory_space<vmem>>) target(%dma_start3A_299 : memref<10000x64xf32, #tpu.memory_space<vmem_shared>>) offsets(%dma_start3A_296 : memref<125xi32, #tpu.memory_space<vmem>>) semaphore(%arg23 : memref<!tpu.dma_semaphore, #tpu.memory_space<semaphore_mem>>) {add = true}
      %add3A_300 = arith.constant 5 : i32
      %add3A_301 = arith.addi %add3A_284, %add3A_300 : i32
      %lt3A_302 = arith.constant 160 : i32
      %lt3A_303 = arith.cmpi slt, %add3A_301, %lt3A_302 : i32
      %convert_element_type3A_304 = arith.extui %lt3A_303 : i1 to i32
      %cond3A_305 = arith.constant 0 : i32
      %cond3A_306 = arith.cmpi ne, %convert_element_type3A_304, %cond3A_305 : i32
      scf.if %cond3A_306 {
        %dma_wait3A_331 = arith.constant 0 : i32
        %dma_wait3A_332 = arith.constant 0 : i32
        %dma_wait3A_333 = tpu.memref_slice %arg8[%dma_wait3A_331, %dma_wait3A_332] : memref<160x125xi32, #tpu.memory_space<vmem>> -> memref<1x125xi32, #tpu.memory_space<vmem>>
        %dma_wait3A_334 = tpu.memref_squeeze %dma_wait3A_333 : memref<1x125xi32, #tpu.memory_space<vmem>> -> memref<125xi32, #tpu.memory_space<vmem>>
        %dma_wait3A_335 = arith.constant 0 : i32
        %dma_wait3A_336 = arith.constant 0 : i32
        %dma_wait3A_337 = tpu.memref_slice %arg14[%dma_wait3A_335, %dma_wait3A_336] : memref<10000x64xf32, #tpu.memory_space<vmem_shared>> -> memref<10000x64xf32, #tpu.memory_space<vmem_shared>>
        tpu.wait_indirect_dma semaphore(%arg23 : memref<!tpu.dma_semaphore, #tpu.memory_space<semaphore_mem>>) src(%arg12 : memref<125x64xf32, #tpu.memory_space<vmem>>) dst(%dma_wait3A_337 : memref<10000x64xf32, #tpu.memory_space<vmem_shared>>)
        %add3A_338 = arith.constant 5 : i32
        %add3A_339 = arith.addi %add3A_284, %add3A_338 : i32
        %dma_start3A_340 = arith.constant 0 : i32
        %dma_start3A_341 = tpu.memref_slice %arg7[%add3A_339, %dma_start3A_340] : memref<160x125xi32, #tpu.memory_space<vmem>> -> memref<1x125xi32, #tpu.memory_space<vmem>>
        %dma_start3A_342 = tpu.memref_squeeze %dma_start3A_341 : memref<1x125xi32, #tpu.memory_space<vmem>> -> memref<125xi32, #tpu.memory_space<vmem>>
        %dma_start3A_343 = arith.constant 0 : i32
        %dma_start3A_344 = tpu.memref_slice %arg2[%add3A_1, %dma_start3A_343] : memref<40000x64xf32, #tpu.memory_space<hbm>> -> memref<39997x64xf32, #tpu.memory_space<hbm>>
        %dma_start3A_345 = arith.constant 0 : i32
        %dma_start3A_346 = arith.constant 0 : i32
        %dma_start3A_347 = tpu.memref_slice %dma_start3A_344[%dma_start3A_345, %dma_start3A_346] : memref<39997x64xf32, #tpu.memory_space<hbm>> -> memref<39997x64xf32, #tpu.memory_space<hbm>>
        tpu.enqueue_indirect_dma source(%dma_start3A_347 : memref<39997x64xf32, #tpu.memory_space<hbm>>) target(%arg12 : memref<125x64xf32, #tpu.memory_space<vmem>>) offsets(%dma_start3A_342 : memref<125xi32, #tpu.memory_space<vmem>>) semaphore(%arg18 : memref<!tpu.dma_semaphore, #tpu.memory_space<semaphore_mem>>)
      } else {
      }
      %add3A_307 = arith.constant 4 : i32
      %add3A_308 = arith.addi %mul3A_211, %add3A_307 : i32
      %dma_wait3A_309 = arith.constant 0 : i32
      %dma_wait3A_310 = arith.constant 0 : i32
      %dma_wait3A_311 = tpu.memref_slice %arg7[%dma_wait3A_309, %dma_wait3A_310] : memref<160x125xi32, #tpu.memory_space<vmem>> -> memref<1x125xi32, #tpu.memory_space<vmem>>
      %dma_wait3A_312 = tpu.memref_squeeze %dma_wait3A_311 : memref<1x125xi32, #tpu.memory_space<vmem>> -> memref<125xi32, #tpu.memory_space<vmem>>
      %dma_wait3A_313 = arith.constant 0 : i32
      %dma_wait3A_314 = tpu.memref_slice %arg2[%add3A_1, %dma_wait3A_313] : memref<40000x64xf32, #tpu.memory_space<hbm>> -> memref<39997x64xf32, #tpu.memory_space<hbm>>
      %dma_wait3A_315 = arith.constant 0 : i32
      %dma_wait3A_316 = arith.constant 0 : i32
      %dma_wait3A_317 = tpu.memref_slice %dma_wait3A_314[%dma_wait3A_315, %dma_wait3A_316] : memref<39997x64xf32, #tpu.memory_space<hbm>> -> memref<39997x64xf32, #tpu.memory_space<hbm>>
      tpu.wait_indirect_dma semaphore(%arg19 : memref<!tpu.dma_semaphore, #tpu.memory_space<semaphore_mem>>) src(%dma_wait3A_317 : memref<39997x64xf32, #tpu.memory_space<hbm>>) dst(%arg13 : memref<125x64xf32, #tpu.memory_space<vmem>>)
      %dma_start3A_318 = arith.constant 0 : i32
      %dma_start3A_319 = tpu.memref_slice %arg8[%add3A_308, %dma_start3A_318] : memref<160x125xi32, #tpu.memory_space<vmem>> -> memref<1x125xi32, #tpu.memory_space<vmem>>
      %dma_start3A_320 = tpu.memref_squeeze %dma_start3A_319 : memref<1x125xi32, #tpu.memory_space<vmem>> -> memref<125xi32, #tpu.memory_space<vmem>>
      %dma_start3A_321 = arith.constant 0 : i32
      %dma_start3A_322 = arith.constant 0 : i32
      %dma_start3A_323 = tpu.memref_slice %arg14[%dma_start3A_321, %dma_start3A_322] : memref<10000x64xf32, #tpu.memory_space<vmem_shared>> -> memref<10000x64xf32, #tpu.memory_space<vmem_shared>>
      tpu.enqueue_indirect_dma source(%arg13 : memref<125x64xf32, #tpu.memory_space<vmem>>) target(%dma_start3A_323 : memref<10000x64xf32, #tpu.memory_space<vmem_shared>>) offsets(%dma_start3A_320 : memref<125xi32, #tpu.memory_space<vmem>>) semaphore(%arg24 : memref<!tpu.dma_semaphore, #tpu.memory_space<semaphore_mem>>) {add = true}
      %add3A_324 = arith.constant 5 : i32
      %add3A_325 = arith.addi %add3A_308, %add3A_324 : i32
      %lt3A_326 = arith.constant 160 : i32
      %lt3A_327 = arith.cmpi slt, %add3A_325, %lt3A_326 : i32
      %convert_element_type3A_328 = arith.extui %lt3A_327 : i1 to i32
      %cond3A_329 = arith.constant 0 : i32
      %cond3A_330 = arith.cmpi ne, %convert_element_type3A_328, %cond3A_329 : i32
      scf.if %cond3A_330 {
        %dma_wait3A_331 = arith.constant 0 : i32
        %dma_wait3A_332 = arith.constant 0 : i32
        %dma_wait3A_333 = tpu.memref_slice %arg8[%dma_wait3A_331, %dma_wait3A_332] : memref<160x125xi32, #tpu.memory_space<vmem>> -> memref<1x125xi32, #tpu.memory_space<vmem>>
        %dma_wait3A_334 = tpu.memref_squeeze %dma_wait3A_333 : memref<1x125xi32, #tpu.memory_space<vmem>> -> memref<125xi32, #tpu.memory_space<vmem>>
        %dma_wait3A_335 = arith.constant 0 : i32
        %dma_wait3A_336 = arith.constant 0 : i32
        %dma_wait3A_337 = tpu.memref_slice %arg14[%dma_wait3A_335, %dma_wait3A_336] : memref<10000x64xf32, #tpu.memory_space<vmem_shared>> -> memref<10000x64xf32, #tpu.memory_space<vmem_shared>>
        tpu.wait_indirect_dma semaphore(%arg24 : memref<!tpu.dma_semaphore, #tpu.memory_space<semaphore_mem>>) src(%arg13 : memref<125x64xf32, #tpu.memory_space<vmem>>) dst(%dma_wait3A_337 : memref<10000x64xf32, #tpu.memory_space<vmem_shared>>)
        %add3A_338 = arith.constant 5 : i32
        %add3A_339 = arith.addi %add3A_308, %add3A_338 : i32
        %dma_start3A_340 = arith.constant 0 : i32
        %dma_start3A_341 = tpu.memref_slice %arg7[%add3A_339, %dma_start3A_340] : memref<160x125xi32, #tpu.memory_space<vmem>> -> memref<1x125xi32, #tpu.memory_space<vmem>>
        %dma_start3A_342 = tpu.memref_squeeze %dma_start3A_341 : memref<1x125xi32, #tpu.memory_space<vmem>> -> memref<125xi32, #tpu.memory_space<vmem>>
        %dma_start3A_343 = arith.constant 0 : i32
        %dma_start3A_344 = tpu.memref_slice %arg2[%add3A_1, %dma_start3A_343] : memref<40000x64xf32, #tpu.memory_space<hbm>> -> memref<39997x64xf32, #tpu.memory_space<hbm>>
        %dma_start3A_345 = arith.constant 0 : i32
        %dma_start3A_346 = arith.constant 0 : i32
        %dma_start3A_347 = tpu.memref_slice %dma_start3A_344[%dma_start3A_345, %dma_start3A_346] : memref<39997x64xf32, #tpu.memory_space<hbm>> -> memref<39997x64xf32, #tpu.memory_space<hbm>>
        tpu.enqueue_indirect_dma source(%dma_start3A_347 : memref<39997x64xf32, #tpu.memory_space<hbm>>) target(%arg13 : memref<125x64xf32, #tpu.memory_space<vmem>>) offsets(%dma_start3A_342 : memref<125xi32, #tpu.memory_space<vmem>>) semaphore(%arg19 : memref<!tpu.dma_semaphore, #tpu.memory_space<semaphore_mem>>)
      } else {
      }
    }
    %scan3A_53 = arith.constant 32 : i32
    %dma_wait3A = arith.constant 0 : i32
    %dma_wait3A_54 = arith.constant 0 : i32
    %dma_wait3A_55 = tpu.memref_slice %arg8[%dma_wait3A, %dma_wait3A_54] : memref<160x125xi32, #tpu.memory_space<vmem>> -> memref<1x125xi32, #tpu.memory_space<vmem>>
    %dma_wait3A_56 = tpu.memref_squeeze %dma_wait3A_55 : memref<1x125xi32, #tpu.memory_space<vmem>> -> memref<125xi32, #tpu.memory_space<vmem>>
    %dma_wait3A_57 = arith.constant 0 : i32
    %dma_wait3A_58 = arith.constant 0 : i32
    %dma_wait3A_59 = tpu.memref_slice %arg14[%dma_wait3A_57, %dma_wait3A_58] : memref<10000x64xf32, #tpu.memory_space<vmem_shared>> -> memref<10000x64xf32, #tpu.memory_space<vmem_shared>>
    tpu.wait_indirect_dma semaphore(%arg20 : memref<!tpu.dma_semaphore, #tpu.memory_space<semaphore_mem>>) src(%arg9 : memref<125x64xf32, #tpu.memory_space<vmem>>) dst(%dma_wait3A_59 : memref<10000x64xf32, #tpu.memory_space<vmem_shared>>)
    %dma_wait3A_60 = arith.constant 0 : i32
    %dma_wait3A_61 = arith.constant 0 : i32
    %dma_wait3A_62 = tpu.memref_slice %arg8[%dma_wait3A_60, %dma_wait3A_61] : memref<160x125xi32, #tpu.memory_space<vmem>> -> memref<1x125xi32, #tpu.memory_space<vmem>>
    %dma_wait3A_63 = tpu.memref_squeeze %dma_wait3A_62 : memref<1x125xi32, #tpu.memory_space<vmem>> -> memref<125xi32, #tpu.memory_space<vmem>>
    %dma_wait3A_64 = arith.constant 0 : i32
    %dma_wait3A_65 = arith.constant 0 : i32
    %dma_wait3A_66 = tpu.memref_slice %arg14[%dma_wait3A_64, %dma_wait3A_65] : memref<10000x64xf32, #tpu.memory_space<vmem_shared>> -> memref<10000x64xf32, #tpu.memory_space<vmem_shared>>
    tpu.wait_indirect_dma semaphore(%arg21 : memref<!tpu.dma_semaphore, #tpu.memory_space<semaphore_mem>>) src(%arg10 : memref<125x64xf32, #tpu.memory_space<vmem>>) dst(%dma_wait3A_66 : memref<10000x64xf32, #tpu.memory_space<vmem_shared>>)
    %dma_wait3A_67 = arith.constant 0 : i32
    %dma_wait3A_68 = arith.constant 0 : i32
    %dma_wait3A_69 = tpu.memref_slice %arg8[%dma_wait3A_67, %dma_wait3A_68] : memref<160x125xi32, #tpu.memory_space<vmem>> -> memref<1x125xi32, #tpu.memory_space<vmem>>
    %dma_wait3A_70 = tpu.memref_squeeze %dma_wait3A_69 : memref<1x125xi32, #tpu.memory_space<vmem>> -> memref<125xi32, #tpu.memory_space<vmem>>
    %dma_wait3A_71 = arith.constant 0 : i32
    %dma_wait3A_72 = arith.constant 0 : i32
    %dma_wait3A_73 = tpu.memref_slice %arg14[%dma_wait3A_71, %dma_wait3A_72] : memref<10000x64xf32, #tpu.memory_space<vmem_shared>> -> memref<10000x64xf32, #tpu.memory_space<vmem_shared>>
    tpu.wait_indirect_dma semaphore(%arg22 : memref<!tpu.dma_semaphore, #tpu.memory_space<semaphore_mem>>) src(%arg11 : memref<125x64xf32, #tpu.memory_space<vmem>>) dst(%dma_wait3A_73 : memref<10000x64xf32, #tpu.memory_space<vmem_shared>>)
    %dma_wait3A_74 = arith.constant 0 : i32
    %dma_wait3A_75 = arith.constant 0 : i32
    %dma_wait3A_76 = tpu.memref_slice %arg8[%dma_wait3A_74, %dma_wait3A_75] : memref<160x125xi32, #tpu.memory_space<vmem>> -> memref<1x125xi32, #tpu.memory_space<vmem>>
    %dma_wait3A_77 = tpu.memref_squeeze %dma_wait3A_76 : memref<1x125xi32, #tpu.memory_space<vmem>> -> memref<125xi32, #tpu.memory_space<vmem>>
    %dma_wait3A_78 = arith.constant 0 : i32
    %dma_wait3A_79 = arith.constant 0 : i32
    %dma_wait3A_80 = tpu.memref_slice %arg14[%dma_wait3A_78, %dma_wait3A_79] : memref<10000x64xf32, #tpu.memory_space<vmem_shared>> -> memref<10000x64xf32, #tpu.memory_space<vmem_shared>>
    tpu.wait_indirect_dma semaphore(%arg23 : memref<!tpu.dma_semaphore, #tpu.memory_space<semaphore_mem>>) src(%arg12 : memref<125x64xf32, #tpu.memory_space<vmem>>) dst(%dma_wait3A_80 : memref<10000x64xf32, #tpu.memory_space<vmem_shared>>)
    %dma_wait3A_81 = arith.constant 0 : i32
    %dma_wait3A_82 = arith.constant 0 : i32
    %dma_wait3A_83 = tpu.memref_slice %arg8[%dma_wait3A_81, %dma_wait3A_82] : memref<160x125xi32, #tpu.memory_space<vmem>> -> memref<1x125xi32, #tpu.memory_space<vmem>>
    %dma_wait3A_84 = tpu.memref_squeeze %dma_wait3A_83 : memref<1x125xi32, #tpu.memory_space<vmem>> -> memref<125xi32, #tpu.memory_space<vmem>>
    %dma_wait3A_85 = arith.constant 0 : i32
    %dma_wait3A_86 = arith.constant 0 : i32
    %dma_wait3A_87 = tpu.memref_slice %arg14[%dma_wait3A_85, %dma_wait3A_86] : memref<10000x64xf32, #tpu.memory_space<vmem_shared>> -> memref<10000x64xf32, #tpu.memory_space<vmem_shared>>
    tpu.wait_indirect_dma semaphore(%arg24 : memref<!tpu.dma_semaphore, #tpu.memory_space<semaphore_mem>>) src(%arg13 : memref<125x64xf32, #tpu.memory_space<vmem>>) dst(%dma_wait3A_87 : memref<10000x64xf32, #tpu.memory_space<vmem_shared>>)
    %barrier3A_88 = arith.constant 0 : index
    tpu.barrier barrier_id(%barrier3A_88)
    %mul3A_89 = arith.constant 624 : i32
    %mul3A_90 = arith.muli %arg1, %mul3A_89 : i32
    %mul3A_91 = arith.constant 64 : i32
    %mul3A_92 = arith.muli %add3A_1, %mul3A_91 : i32
    "tpu.region"() ({
      %run_scoped3A = tpu.sem_alloc : memref<!tpu.dma_semaphore, #tpu.memory_space<semaphore_mem>>
      %dma_start3A_205 = tpu.memref_slice %arg6[%mul3A_90, %mul3A_92] : memref<10000x256xf32, #tpu.memory_space<hbm>> -> memref<624x64xf32, #tpu.memory_space<hbm>>
      %dma_start3A_206 = arith.constant 0 : i32
      %dma_start3A_207 = tpu.memref_slice %arg14[%mul3A_90, %dma_start3A_206] : memref<10000x64xf32, #tpu.memory_space<vmem_shared>> -> memref<624x64xf32, #tpu.memory_space<vmem_shared>>
      tpu.enqueue_dma source(%dma_start3A_207 : memref<624x64xf32, #tpu.memory_space<vmem_shared>>) target(%dma_start3A_205 : memref<624x64xf32, #tpu.memory_space<hbm>>) target_semaphore(%run_scoped3A : memref<!tpu.dma_semaphore, #tpu.memory_space<semaphore_mem>>)
      %dma_wait3A_208 = tpu.memref_slice %arg6[%mul3A_90, %mul3A_92] : memref<10000x256xf32, #tpu.memory_space<hbm>> -> memref<624x64xf32, #tpu.memory_space<hbm>>
      %dma_wait3A_209 = arith.constant 0 : i32
      %dma_wait3A_210 = tpu.memref_slice %arg14[%mul3A_90, %dma_wait3A_209] : memref<10000x64xf32, #tpu.memory_space<vmem_shared>> -> memref<624x64xf32, #tpu.memory_space<vmem_shared>>
      tpu.wait_dma2 semaphore(%run_scoped3A : memref<!tpu.dma_semaphore, #tpu.memory_space<semaphore_mem>>) src(%dma_wait3A_210 : memref<624x64xf32, #tpu.memory_space<vmem_shared>>) dst(%dma_wait3A_208 : memref<624x64xf32, #tpu.memory_space<hbm>>)
      tpu.yield
    }) : () -> ()
    %eq3A_93 = arith.constant 15 : i32
    %eq3A_94 = arith.cmpi eq, %arg1, %eq3A_93 : i32
    %convert_element_type3A_95 = arith.extui %eq3A_94 : i1 to i32
    %cond3A_96 = arith.constant 0 : i32
    %cond3A_97 = arith.cmpi ne, %convert_element_type3A_95, %cond3A_96 : i32
    scf.if %cond3A_97 {
      %mul3A_205 = arith.constant 64 : i32
      %mul3A_206 = arith.muli %add3A_1, %mul3A_205 : i32
      "tpu.region"() ({
        %run_scoped3A = tpu.sem_alloc : memref<!tpu.dma_semaphore, #tpu.memory_space<semaphore_mem>>
        %dma_start3A_207 = arith.constant 9984 : i32
        %dma_start3A_208 = tpu.memref_slice %arg6[%dma_start3A_207, %mul3A_206] : memref<10000x256xf32, #tpu.memory_space<hbm>> -> memref<16x64xf32, #tpu.memory_space<hbm>>
        %dma_start3A_209 = arith.constant 9984 : i32
        %dma_start3A_210 = arith.constant 0 : i32
        %dma_start3A_211 = tpu.memref_slice %arg14[%dma_start3A_209, %dma_start3A_210] : memref<10000x64xf32, #tpu.memory_space<vmem_shared>> -> memref<16x64xf32, #tpu.memory_space<vmem_shared>>
        tpu.enqueue_dma source(%dma_start3A_211 : memref<16x64xf32, #tpu.memory_space<vmem_shared>>) target(%dma_start3A_208 : memref<16x64xf32, #tpu.memory_space<hbm>>) target_semaphore(%run_scoped3A : memref<!tpu.dma_semaphore, #tpu.memory_space<semaphore_mem>>)
        %dma_wait3A_212 = arith.constant 9984 : i32
        %dma_wait3A_213 = tpu.memref_slice %arg6[%dma_wait3A_212, %mul3A_206] : memref<10000x256xf32, #tpu.memory_space<hbm>> -> memref<16x64xf32, #tpu.memory_space<hbm>>
        %dma_wait3A_214 = arith.constant 9984 : i32
        %dma_wait3A_215 = arith.constant 0 : i32
        %dma_wait3A_216 = tpu.memref_slice %arg14[%dma_wait3A_214, %dma_wait3A_215] : memref<10000x64xf32, #tpu.memory_space<vmem_shared>> -> memref<16x64xf32, #tpu.memory_space<vmem_shared>>
        tpu.wait_dma2 semaphore(%run_scoped3A : memref<!tpu.dma_semaphore, #tpu.memory_space<semaphore_mem>>) src(%dma_wait3A_216 : memref<16x64xf32, #tpu.memory_space<vmem_shared>>) dst(%dma_wait3A_213 : memref<16x64xf32, #tpu.memory_space<hbm>>)
        tpu.yield
      }) : () -> ()
    } else {
    }
    %mul3A_98 = arith.constant 2 : i32
    %mul3A_99 = arith.muli %arg0, %mul3A_98 : i32
    %add3A_100 = arith.constant 1 : i32
    %add3A_101 = arith.addi %mul3A_99, %add3A_100 : i32
    %mul3A_102 = arith.constant 624 : i32
    %mul3A_103 = arith.muli %arg1, %mul3A_102 : i32
    "tpu.region"() ({
      %run_scoped3A = tpu.sem_alloc : memref<!tpu.dma_semaphore, #tpu.memory_space<semaphore_mem>>
      %dma_start3A_205 = arith.constant 0 : i32
      %dma_start3A_206 = tpu.memref_slice %arg14[%mul3A_103, %dma_start3A_205] : memref<10000x64xf32, #tpu.memory_space<vmem_shared>> -> memref<624x64xf32, #tpu.memory_space<vmem_shared>>
      %dma_start3A_207 = arith.constant 0 : i32
      %dma_start3A_208 = tpu.memref_slice %arg3[%mul3A_103, %dma_start3A_207] : memref<10000x64xf32, #tpu.memory_space<hbm>> -> memref<624x64xf32, #tpu.memory_space<hbm>>
      tpu.enqueue_dma source(%dma_start3A_208 : memref<624x64xf32, #tpu.memory_space<hbm>>) target(%dma_start3A_206 : memref<624x64xf32, #tpu.memory_space<vmem_shared>>) target_semaphore(%run_scoped3A : memref<!tpu.dma_semaphore, #tpu.memory_space<semaphore_mem>>)
      %dma_wait3A_209 = arith.constant 0 : i32
      %dma_wait3A_210 = tpu.memref_slice %arg14[%mul3A_103, %dma_wait3A_209] : memref<10000x64xf32, #tpu.memory_space<vmem_shared>> -> memref<624x64xf32, #tpu.memory_space<vmem_shared>>
      %dma_wait3A_211 = arith.constant 0 : i32
      %dma_wait3A_212 = tpu.memref_slice %arg3[%mul3A_103, %dma_wait3A_211] : memref<10000x64xf32, #tpu.memory_space<hbm>> -> memref<624x64xf32, #tpu.memory_space<hbm>>
      tpu.wait_dma2 semaphore(%run_scoped3A : memref<!tpu.dma_semaphore, #tpu.memory_space<semaphore_mem>>) src(%dma_wait3A_212 : memref<624x64xf32, #tpu.memory_space<hbm>>) dst(%dma_wait3A_210 : memref<624x64xf32, #tpu.memory_space<vmem_shared>>)
      tpu.yield
    }) : () -> ()
    %eq3A_104 = arith.constant 15 : i32
    %eq3A_105 = arith.cmpi eq, %arg1, %eq3A_104 : i32
    %convert_element_type3A_106 = arith.extui %eq3A_105 : i1 to i32
    %cond3A_107 = arith.constant 0 : i32
    %cond3A_108 = arith.cmpi ne, %convert_element_type3A_106, %cond3A_107 : i32
    scf.if %cond3A_108 {
      "tpu.region"() ({
        %run_scoped3A = tpu.sem_alloc : memref<!tpu.dma_semaphore, #tpu.memory_space<semaphore_mem>>
        %dma_start3A_205 = arith.constant 9984 : i32
        %dma_start3A_206 = arith.constant 0 : i32
        %dma_start3A_207 = tpu.memref_slice %arg14[%dma_start3A_205, %dma_start3A_206] : memref<10000x64xf32, #tpu.memory_space<vmem_shared>> -> memref<16x64xf32, #tpu.memory_space<vmem_shared>>
        %dma_start3A_208 = arith.constant 9984 : i32
        %dma_start3A_209 = arith.constant 0 : i32
        %dma_start3A_210 = tpu.memref_slice %arg3[%dma_start3A_208, %dma_start3A_209] : memref<10000x64xf32, #tpu.memory_space<hbm>> -> memref<16x64xf32, #tpu.memory_space<hbm>>
        tpu.enqueue_dma source(%dma_start3A_210 : memref<16x64xf32, #tpu.memory_space<hbm>>) target(%dma_start3A_207 : memref<16x64xf32, #tpu.memory_space<vmem_shared>>) target_semaphore(%run_scoped3A : memref<!tpu.dma_semaphore, #tpu.memory_space<semaphore_mem>>)
        %dma_wait3A_211 = arith.constant 9984 : i32
        %dma_wait3A_212 = arith.constant 0 : i32
        %dma_wait3A_213 = tpu.memref_slice %arg14[%dma_wait3A_211, %dma_wait3A_212] : memref<10000x64xf32, #tpu.memory_space<vmem_shared>> -> memref<16x64xf32, #tpu.memory_space<vmem_shared>>
        %dma_wait3A_214 = arith.constant 9984 : i32
        %dma_wait3A_215 = arith.constant 0 : i32
        %dma_wait3A_216 = tpu.memref_slice %arg3[%dma_wait3A_214, %dma_wait3A_215] : memref<10000x64xf32, #tpu.memory_space<hbm>> -> memref<16x64xf32, #tpu.memory_space<hbm>>
        tpu.wait_dma2 semaphore(%run_scoped3A : memref<!tpu.dma_semaphore, #tpu.memory_space<semaphore_mem>>) src(%dma_wait3A_216 : memref<16x64xf32, #tpu.memory_space<hbm>>) dst(%dma_wait3A_213 : memref<16x64xf32, #tpu.memory_space<vmem_shared>>)
        tpu.yield
      }) : () -> ()
    } else {
    }
    %barrier3A_109 = arith.constant 0 : index
    tpu.barrier barrier_id(%barrier3A_109)
    %dma_start3A_110 = arith.constant 0 : i32
    %dma_start3A_111 = arith.constant 0 : i32
    %dma_start3A_112 = tpu.memref_slice %arg7[%dma_start3A_110, %dma_start3A_111] : memref<160x125xi32, #tpu.memory_space<vmem>> -> memref<1x125xi32, #tpu.memory_space<vmem>>
    %dma_start3A_113 = tpu.memref_squeeze %dma_start3A_112 : memref<1x125xi32, #tpu.memory_space<vmem>> -> memref<125xi32, #tpu.memory_space<vmem>>
    %dma_start3A_114 = arith.constant 0 : i32
    %dma_start3A_115 = tpu.memref_slice %arg2[%add3A_101, %dma_start3A_114] : memref<40000x64xf32, #tpu.memory_space<hbm>> -> memref<39997x64xf32, #tpu.memory_space<hbm>>
    %dma_start3A_116 = arith.constant 0 : i32
    %dma_start3A_117 = arith.constant 0 : i32
    %dma_start3A_118 = tpu.memref_slice %dma_start3A_115[%dma_start3A_116, %dma_start3A_117] : memref<39997x64xf32, #tpu.memory_space<hbm>> -> memref<39997x64xf32, #tpu.memory_space<hbm>>
    tpu.enqueue_indirect_dma source(%dma_start3A_118 : memref<39997x64xf32, #tpu.memory_space<hbm>>) target(%arg9 : memref<125x64xf32, #tpu.memory_space<vmem>>) offsets(%dma_start3A_113 : memref<125xi32, #tpu.memory_space<vmem>>) semaphore(%arg15 : memref<!tpu.dma_semaphore, #tpu.memory_space<semaphore_mem>>)
    %dma_start3A_119 = arith.constant 1 : i32
    %dma_start3A_120 = arith.constant 0 : i32
    %dma_start3A_121 = tpu.memref_slice %arg7[%dma_start3A_119, %dma_start3A_120] : memref<160x125xi32, #tpu.memory_space<vmem>> -> memref<1x125xi32, #tpu.memory_space<vmem>>
    %dma_start3A_122 = tpu.memref_squeeze %dma_start3A_121 : memref<1x125xi32, #tpu.memory_space<vmem>> -> memref<125xi32, #tpu.memory_space<vmem>>
    %dma_start3A_123 = arith.constant 0 : i32
    %dma_start3A_124 = tpu.memref_slice %arg2[%add3A_101, %dma_start3A_123] : memref<40000x64xf32, #tpu.memory_space<hbm>> -> memref<39997x64xf32, #tpu.memory_space<hbm>>
    %dma_start3A_125 = arith.constant 0 : i32
    %dma_start3A_126 = arith.constant 0 : i32
    %dma_start3A_127 = tpu.memref_slice %dma_start3A_124[%dma_start3A_125, %dma_start3A_126] : memref<39997x64xf32, #tpu.memory_space<hbm>> -> memref<39997x64xf32, #tpu.memory_space<hbm>>
    tpu.enqueue_indirect_dma source(%dma_start3A_127 : memref<39997x64xf32, #tpu.memory_space<hbm>>) target(%arg10 : memref<125x64xf32, #tpu.memory_space<vmem>>) offsets(%dma_start3A_122 : memref<125xi32, #tpu.memory_space<vmem>>) semaphore(%arg16 : memref<!tpu.dma_semaphore, #tpu.memory_space<semaphore_mem>>)
    %dma_start3A_128 = arith.constant 2 : i32
    %dma_start3A_129 = arith.constant 0 : i32
    %dma_start3A_130 = tpu.memref_slice %arg7[%dma_start3A_128, %dma_start3A_129] : memref<160x125xi32, #tpu.memory_space<vmem>> -> memref<1x125xi32, #tpu.memory_space<vmem>>
    %dma_start3A_131 = tpu.memref_squeeze %dma_start3A_130 : memref<1x125xi32, #tpu.memory_space<vmem>> -> memref<125xi32, #tpu.memory_space<vmem>>
    %dma_start3A_132 = arith.constant 0 : i32
    %dma_start3A_133 = tpu.memref_slice %arg2[%add3A_101, %dma_start3A_132] : memref<40000x64xf32, #tpu.memory_space<hbm>> -> memref<39997x64xf32, #tpu.memory_space<hbm>>
    %dma_start3A_134 = arith.constant 0 : i32
    %dma_start3A_135 = arith.constant 0 : i32
    %dma_start3A_136 = tpu.memref_slice %dma_start3A_133[%dma_start3A_134, %dma_start3A_135] : memref<39997x64xf32, #tpu.memory_space<hbm>> -> memref<39997x64xf32, #tpu.memory_space<hbm>>
    tpu.enqueue_indirect_dma source(%dma_start3A_136 : memref<39997x64xf32, #tpu.memory_space<hbm>>) target(%arg11 : memref<125x64xf32, #tpu.memory_space<vmem>>) offsets(%dma_start3A_131 : memref<125xi32, #tpu.memory_space<vmem>>) semaphore(%arg17 : memref<!tpu.dma_semaphore, #tpu.memory_space<semaphore_mem>>)
    %dma_start3A_137 = arith.constant 3 : i32
    %dma_start3A_138 = arith.constant 0 : i32
    %dma_start3A_139 = tpu.memref_slice %arg7[%dma_start3A_137, %dma_start3A_138] : memref<160x125xi32, #tpu.memory_space<vmem>> -> memref<1x125xi32, #tpu.memory_space<vmem>>
    %dma_start3A_140 = tpu.memref_squeeze %dma_start3A_139 : memref<1x125xi32, #tpu.memory_space<vmem>> -> memref<125xi32, #tpu.memory_space<vmem>>
    %dma_start3A_141 = arith.constant 0 : i32
    %dma_start3A_142 = tpu.memref_slice %arg2[%add3A_101, %dma_start3A_141] : memref<40000x64xf32, #tpu.memory_space<hbm>> -> memref<39997x64xf32, #tpu.memory_space<hbm>>
    %dma_start3A_143 = arith.constant 0 : i32
    %dma_start3A_144 = arith.constant 0 : i32
    %dma_start3A_145 = tpu.memref_slice %dma_start3A_142[%dma_start3A_143, %dma_start3A_144] : memref<39997x64xf32, #tpu.memory_space<hbm>> -> memref<39997x64xf32, #tpu.memory_space<hbm>>
    tpu.enqueue_indirect_dma source(%dma_start3A_145 : memref<39997x64xf32, #tpu.memory_space<hbm>>) target(%arg12 : memref<125x64xf32, #tpu.memory_space<vmem>>) offsets(%dma_start3A_140 : memref<125xi32, #tpu.memory_space<vmem>>) semaphore(%arg18 : memref<!tpu.dma_semaphore, #tpu.memory_space<semaphore_mem>>)
    %dma_start3A_146 = arith.constant 4 : i32
    %dma_start3A_147 = arith.constant 0 : i32
    %dma_start3A_148 = tpu.memref_slice %arg7[%dma_start3A_146, %dma_start3A_147] : memref<160x125xi32, #tpu.memory_space<vmem>> -> memref<1x125xi32, #tpu.memory_space<vmem>>
    %dma_start3A_149 = tpu.memref_squeeze %dma_start3A_148 : memref<1x125xi32, #tpu.memory_space<vmem>> -> memref<125xi32, #tpu.memory_space<vmem>>
    %dma_start3A_150 = arith.constant 0 : i32
    %dma_start3A_151 = tpu.memref_slice %arg2[%add3A_101, %dma_start3A_150] : memref<40000x64xf32, #tpu.memory_space<hbm>> -> memref<39997x64xf32, #tpu.memory_space<hbm>>
    %dma_start3A_152 = arith.constant 0 : i32
    %dma_start3A_153 = arith.constant 0 : i32
    %dma_start3A_154 = tpu.memref_slice %dma_start3A_151[%dma_start3A_152, %dma_start3A_153] : memref<39997x64xf32, #tpu.memory_space<hbm>> -> memref<39997x64xf32, #tpu.memory_space<hbm>>
    tpu.enqueue_indirect_dma source(%dma_start3A_154 : memref<39997x64xf32, #tpu.memory_space<hbm>>) target(%arg13 : memref<125x64xf32, #tpu.memory_space<vmem>>) offsets(%dma_start3A_149 : memref<125xi32, #tpu.memory_space<vmem>>) semaphore(%arg19 : memref<!tpu.dma_semaphore, #tpu.memory_space<semaphore_mem>>)
    %scan3A_155 = arith.constant 0 : i32
    %scan3A_156 = arith.constant 32 : i32
    %scan3A_157 = arith.addi %scan3A_155, %scan3A_156 : i32
    %scan3A_158 = arith.constant 1 : i32
    scf.for %scan3A_205 = %scan3A_155 to %scan3A_157 step %scan3A_158  : i32 {
      %mul3A_206 = arith.constant 1 : i32
      %mul3A_207 = arith.muli %scan3A_205, %mul3A_206 : i32
      %add3A_208 = arith.constant 0 : i32
      %add3A_209 = arith.addi %add3A_208, %mul3A_207 : i32
      %mul3A_210 = arith.constant 5 : i32
      %mul3A_211 = arith.muli %add3A_209, %mul3A_210 : i32
      %add3A_212 = arith.constant 0 : i32
      %add3A_213 = arith.addi %mul3A_211, %add3A_212 : i32
      %dma_wait3A_214 = arith.constant 0 : i32
      %dma_wait3A_215 = arith.constant 0 : i32
      %dma_wait3A_216 = tpu.memref_slice %arg7[%dma_wait3A_214, %dma_wait3A_215] : memref<160x125xi32, #tpu.memory_space<vmem>> -> memref<1x125xi32, #tpu.memory_space<vmem>>
      %dma_wait3A_217 = tpu.memref_squeeze %dma_wait3A_216 : memref<1x125xi32, #tpu.memory_space<vmem>> -> memref<125xi32, #tpu.memory_space<vmem>>
      %dma_wait3A_218 = arith.constant 0 : i32
      %dma_wait3A_219 = tpu.memref_slice %arg2[%add3A_101, %dma_wait3A_218] : memref<40000x64xf32, #tpu.memory_space<hbm>> -> memref<39997x64xf32, #tpu.memory_space<hbm>>
      %dma_wait3A_220 = arith.constant 0 : i32
      %dma_wait3A_221 = arith.constant 0 : i32
      %dma_wait3A_222 = tpu.memref_slice %dma_wait3A_219[%dma_wait3A_220, %dma_wait3A_221] : memref<39997x64xf32, #tpu.memory_space<hbm>> -> memref<39997x64xf32, #tpu.memory_space<hbm>>
      tpu.wait_indirect_dma semaphore(%arg15 : memref<!tpu.dma_semaphore, #tpu.memory_space<semaphore_mem>>) src(%dma_wait3A_222 : memref<39997x64xf32, #tpu.memory_space<hbm>>) dst(%arg9 : memref<125x64xf32, #tpu.memory_space<vmem>>)
      %dma_start3A_223 = arith.constant 0 : i32
      %dma_start3A_224 = tpu.memref_slice %arg8[%add3A_213, %dma_start3A_223] : memref<160x125xi32, #tpu.memory_space<vmem>> -> memref<1x125xi32, #tpu.memory_space<vmem>>
      %dma_start3A_225 = tpu.memref_squeeze %dma_start3A_224 : memref<1x125xi32, #tpu.memory_space<vmem>> -> memref<125xi32, #tpu.memory_space<vmem>>
      %dma_start3A_226 = arith.constant 0 : i32
      %dma_start3A_227 = arith.constant 0 : i32
      %dma_start3A_228 = tpu.memref_slice %arg14[%dma_start3A_226, %dma_start3A_227] : memref<10000x64xf32, #tpu.memory_space<vmem_shared>> -> memref<10000x64xf32, #tpu.memory_space<vmem_shared>>
      tpu.enqueue_indirect_dma source(%arg9 : memref<125x64xf32, #tpu.memory_space<vmem>>) target(%dma_start3A_228 : memref<10000x64xf32, #tpu.memory_space<vmem_shared>>) offsets(%dma_start3A_225 : memref<125xi32, #tpu.memory_space<vmem>>) semaphore(%arg20 : memref<!tpu.dma_semaphore, #tpu.memory_space<semaphore_mem>>) {add = true}
      %add3A_229 = arith.constant 5 : i32
      %add3A_230 = arith.addi %add3A_213, %add3A_229 : i32
      %lt3A = arith.constant 160 : i32
      %lt3A_231 = arith.cmpi slt, %add3A_230, %lt3A : i32
      %convert_element_type3A_232 = arith.extui %lt3A_231 : i1 to i32
      %cond3A_233 = arith.constant 0 : i32
      %cond3A_234 = arith.cmpi ne, %convert_element_type3A_232, %cond3A_233 : i32
      scf.if %cond3A_234 {
        %dma_wait3A_331 = arith.constant 0 : i32
        %dma_wait3A_332 = arith.constant 0 : i32
        %dma_wait3A_333 = tpu.memref_slice %arg8[%dma_wait3A_331, %dma_wait3A_332] : memref<160x125xi32, #tpu.memory_space<vmem>> -> memref<1x125xi32, #tpu.memory_space<vmem>>
        %dma_wait3A_334 = tpu.memref_squeeze %dma_wait3A_333 : memref<1x125xi32, #tpu.memory_space<vmem>> -> memref<125xi32, #tpu.memory_space<vmem>>
        %dma_wait3A_335 = arith.constant 0 : i32
        %dma_wait3A_336 = arith.constant 0 : i32
        %dma_wait3A_337 = tpu.memref_slice %arg14[%dma_wait3A_335, %dma_wait3A_336] : memref<10000x64xf32, #tpu.memory_space<vmem_shared>> -> memref<10000x64xf32, #tpu.memory_space<vmem_shared>>
        tpu.wait_indirect_dma semaphore(%arg20 : memref<!tpu.dma_semaphore, #tpu.memory_space<semaphore_mem>>) src(%arg9 : memref<125x64xf32, #tpu.memory_space<vmem>>) dst(%dma_wait3A_337 : memref<10000x64xf32, #tpu.memory_space<vmem_shared>>)
        %add3A_338 = arith.constant 5 : i32
        %add3A_339 = arith.addi %add3A_213, %add3A_338 : i32
        %dma_start3A_340 = arith.constant 0 : i32
        %dma_start3A_341 = tpu.memref_slice %arg7[%add3A_339, %dma_start3A_340] : memref<160x125xi32, #tpu.memory_space<vmem>> -> memref<1x125xi32, #tpu.memory_space<vmem>>
        %dma_start3A_342 = tpu.memref_squeeze %dma_start3A_341 : memref<1x125xi32, #tpu.memory_space<vmem>> -> memref<125xi32, #tpu.memory_space<vmem>>
        %dma_start3A_343 = arith.constant 0 : i32
        %dma_start3A_344 = tpu.memref_slice %arg2[%add3A_101, %dma_start3A_343] : memref<40000x64xf32, #tpu.memory_space<hbm>> -> memref<39997x64xf32, #tpu.memory_space<hbm>>
        %dma_start3A_345 = arith.constant 0 : i32
        %dma_start3A_346 = arith.constant 0 : i32
        %dma_start3A_347 = tpu.memref_slice %dma_start3A_344[%dma_start3A_345, %dma_start3A_346] : memref<39997x64xf32, #tpu.memory_space<hbm>> -> memref<39997x64xf32, #tpu.memory_space<hbm>>
        tpu.enqueue_indirect_dma source(%dma_start3A_347 : memref<39997x64xf32, #tpu.memory_space<hbm>>) target(%arg9 : memref<125x64xf32, #tpu.memory_space<vmem>>) offsets(%dma_start3A_342 : memref<125xi32, #tpu.memory_space<vmem>>) semaphore(%arg15 : memref<!tpu.dma_semaphore, #tpu.memory_space<semaphore_mem>>)
      } else {
      }
      %add3A_235 = arith.constant 1 : i32
      %add3A_236 = arith.addi %mul3A_211, %add3A_235 : i32
      %dma_wait3A_237 = arith.constant 0 : i32
      %dma_wait3A_238 = arith.constant 0 : i32
      %dma_wait3A_239 = tpu.memref_slice %arg7[%dma_wait3A_237, %dma_wait3A_238] : memref<160x125xi32, #tpu.memory_space<vmem>> -> memref<1x125xi32, #tpu.memory_space<vmem>>
      %dma_wait3A_240 = tpu.memref_squeeze %dma_wait3A_239 : memref<1x125xi32, #tpu.memory_space<vmem>> -> memref<125xi32, #tpu.memory_space<vmem>>
      %dma_wait3A_241 = arith.constant 0 : i32
      %dma_wait3A_242 = tpu.memref_slice %arg2[%add3A_101, %dma_wait3A_241] : memref<40000x64xf32, #tpu.memory_space<hbm>> -> memref<39997x64xf32, #tpu.memory_space<hbm>>
      %dma_wait3A_243 = arith.constant 0 : i32
      %dma_wait3A_244 = arith.constant 0 : i32
      %dma_wait3A_245 = tpu.memref_slice %dma_wait3A_242[%dma_wait3A_243, %dma_wait3A_244] : memref<39997x64xf32, #tpu.memory_space<hbm>> -> memref<39997x64xf32, #tpu.memory_space<hbm>>
      tpu.wait_indirect_dma semaphore(%arg16 : memref<!tpu.dma_semaphore, #tpu.memory_space<semaphore_mem>>) src(%dma_wait3A_245 : memref<39997x64xf32, #tpu.memory_space<hbm>>) dst(%arg10 : memref<125x64xf32, #tpu.memory_space<vmem>>)
      %dma_start3A_246 = arith.constant 0 : i32
      %dma_start3A_247 = tpu.memref_slice %arg8[%add3A_236, %dma_start3A_246] : memref<160x125xi32, #tpu.memory_space<vmem>> -> memref<1x125xi32, #tpu.memory_space<vmem>>
      %dma_start3A_248 = tpu.memref_squeeze %dma_start3A_247 : memref<1x125xi32, #tpu.memory_space<vmem>> -> memref<125xi32, #tpu.memory_space<vmem>>
      %dma_start3A_249 = arith.constant 0 : i32
      %dma_start3A_250 = arith.constant 0 : i32
      %dma_start3A_251 = tpu.memref_slice %arg14[%dma_start3A_249, %dma_start3A_250] : memref<10000x64xf32, #tpu.memory_space<vmem_shared>> -> memref<10000x64xf32, #tpu.memory_space<vmem_shared>>
      tpu.enqueue_indirect_dma source(%arg10 : memref<125x64xf32, #tpu.memory_space<vmem>>) target(%dma_start3A_251 : memref<10000x64xf32, #tpu.memory_space<vmem_shared>>) offsets(%dma_start3A_248 : memref<125xi32, #tpu.memory_space<vmem>>) semaphore(%arg21 : memref<!tpu.dma_semaphore, #tpu.memory_space<semaphore_mem>>) {add = true}
      %add3A_252 = arith.constant 5 : i32
      %add3A_253 = arith.addi %add3A_236, %add3A_252 : i32
      %lt3A_254 = arith.constant 160 : i32
      %lt3A_255 = arith.cmpi slt, %add3A_253, %lt3A_254 : i32
      %convert_element_type3A_256 = arith.extui %lt3A_255 : i1 to i32
      %cond3A_257 = arith.constant 0 : i32
      %cond3A_258 = arith.cmpi ne, %convert_element_type3A_256, %cond3A_257 : i32
      scf.if %cond3A_258 {
        %dma_wait3A_331 = arith.constant 0 : i32
        %dma_wait3A_332 = arith.constant 0 : i32
        %dma_wait3A_333 = tpu.memref_slice %arg8[%dma_wait3A_331, %dma_wait3A_332] : memref<160x125xi32, #tpu.memory_space<vmem>> -> memref<1x125xi32, #tpu.memory_space<vmem>>
        %dma_wait3A_334 = tpu.memref_squeeze %dma_wait3A_333 : memref<1x125xi32, #tpu.memory_space<vmem>> -> memref<125xi32, #tpu.memory_space<vmem>>
        %dma_wait3A_335 = arith.constant 0 : i32
        %dma_wait3A_336 = arith.constant 0 : i32
        %dma_wait3A_337 = tpu.memref_slice %arg14[%dma_wait3A_335, %dma_wait3A_336] : memref<10000x64xf32, #tpu.memory_space<vmem_shared>> -> memref<10000x64xf32, #tpu.memory_space<vmem_shared>>
        tpu.wait_indirect_dma semaphore(%arg21 : memref<!tpu.dma_semaphore, #tpu.memory_space<semaphore_mem>>) src(%arg10 : memref<125x64xf32, #tpu.memory_space<vmem>>) dst(%dma_wait3A_337 : memref<10000x64xf32, #tpu.memory_space<vmem_shared>>)
        %add3A_338 = arith.constant 5 : i32
        %add3A_339 = arith.addi %add3A_236, %add3A_338 : i32
        %dma_start3A_340 = arith.constant 0 : i32
        %dma_start3A_341 = tpu.memref_slice %arg7[%add3A_339, %dma_start3A_340] : memref<160x125xi32, #tpu.memory_space<vmem>> -> memref<1x125xi32, #tpu.memory_space<vmem>>
        %dma_start3A_342 = tpu.memref_squeeze %dma_start3A_341 : memref<1x125xi32, #tpu.memory_space<vmem>> -> memref<125xi32, #tpu.memory_space<vmem>>
        %dma_start3A_343 = arith.constant 0 : i32
        %dma_start3A_344 = tpu.memref_slice %arg2[%add3A_101, %dma_start3A_343] : memref<40000x64xf32, #tpu.memory_space<hbm>> -> memref<39997x64xf32, #tpu.memory_space<hbm>>
        %dma_start3A_345 = arith.constant 0 : i32
        %dma_start3A_346 = arith.constant 0 : i32
        %dma_start3A_347 = tpu.memref_slice %dma_start3A_344[%dma_start3A_345, %dma_start3A_346] : memref<39997x64xf32, #tpu.memory_space<hbm>> -> memref<39997x64xf32, #tpu.memory_space<hbm>>
        tpu.enqueue_indirect_dma source(%dma_start3A_347 : memref<39997x64xf32, #tpu.memory_space<hbm>>) target(%arg10 : memref<125x64xf32, #tpu.memory_space<vmem>>) offsets(%dma_start3A_342 : memref<125xi32, #tpu.memory_space<vmem>>) semaphore(%arg16 : memref<!tpu.dma_semaphore, #tpu.memory_space<semaphore_mem>>)
      } else {
      }
      %add3A_259 = arith.constant 2 : i32
      %add3A_260 = arith.addi %mul3A_211, %add3A_259 : i32
      %dma_wait3A_261 = arith.constant 0 : i32
      %dma_wait3A_262 = arith.constant 0 : i32
      %dma_wait3A_263 = tpu.memref_slice %arg7[%dma_wait3A_261, %dma_wait3A_262] : memref<160x125xi32, #tpu.memory_space<vmem>> -> memref<1x125xi32, #tpu.memory_space<vmem>>
      %dma_wait3A_264 = tpu.memref_squeeze %dma_wait3A_263 : memref<1x125xi32, #tpu.memory_space<vmem>> -> memref<125xi32, #tpu.memory_space<vmem>>
      %dma_wait3A_265 = arith.constant 0 : i32
      %dma_wait3A_266 = tpu.memref_slice %arg2[%add3A_101, %dma_wait3A_265] : memref<40000x64xf32, #tpu.memory_space<hbm>> -> memref<39997x64xf32, #tpu.memory_space<hbm>>
      %dma_wait3A_267 = arith.constant 0 : i32
      %dma_wait3A_268 = arith.constant 0 : i32
      %dma_wait3A_269 = tpu.memref_slice %dma_wait3A_266[%dma_wait3A_267, %dma_wait3A_268] : memref<39997x64xf32, #tpu.memory_space<hbm>> -> memref<39997x64xf32, #tpu.memory_space<hbm>>
      tpu.wait_indirect_dma semaphore(%arg17 : memref<!tpu.dma_semaphore, #tpu.memory_space<semaphore_mem>>) src(%dma_wait3A_269 : memref<39997x64xf32, #tpu.memory_space<hbm>>) dst(%arg11 : memref<125x64xf32, #tpu.memory_space<vmem>>)
      %dma_start3A_270 = arith.constant 0 : i32
      %dma_start3A_271 = tpu.memref_slice %arg8[%add3A_260, %dma_start3A_270] : memref<160x125xi32, #tpu.memory_space<vmem>> -> memref<1x125xi32, #tpu.memory_space<vmem>>
      %dma_start3A_272 = tpu.memref_squeeze %dma_start3A_271 : memref<1x125xi32, #tpu.memory_space<vmem>> -> memref<125xi32, #tpu.memory_space<vmem>>
      %dma_start3A_273 = arith.constant 0 : i32
      %dma_start3A_274 = arith.constant 0 : i32
      %dma_start3A_275 = tpu.memref_slice %arg14[%dma_start3A_273, %dma_start3A_274] : memref<10000x64xf32, #tpu.memory_space<vmem_shared>> -> memref<10000x64xf32, #tpu.memory_space<vmem_shared>>
      tpu.enqueue_indirect_dma source(%arg11 : memref<125x64xf32, #tpu.memory_space<vmem>>) target(%dma_start3A_275 : memref<10000x64xf32, #tpu.memory_space<vmem_shared>>) offsets(%dma_start3A_272 : memref<125xi32, #tpu.memory_space<vmem>>) semaphore(%arg22 : memref<!tpu.dma_semaphore, #tpu.memory_space<semaphore_mem>>) {add = true}
      %add3A_276 = arith.constant 5 : i32
      %add3A_277 = arith.addi %add3A_260, %add3A_276 : i32
      %lt3A_278 = arith.constant 160 : i32
      %lt3A_279 = arith.cmpi slt, %add3A_277, %lt3A_278 : i32
      %convert_element_type3A_280 = arith.extui %lt3A_279 : i1 to i32
      %cond3A_281 = arith.constant 0 : i32
      %cond3A_282 = arith.cmpi ne, %convert_element_type3A_280, %cond3A_281 : i32
      scf.if %cond3A_282 {
        %dma_wait3A_331 = arith.constant 0 : i32
        %dma_wait3A_332 = arith.constant 0 : i32
        %dma_wait3A_333 = tpu.memref_slice %arg8[%dma_wait3A_331, %dma_wait3A_332] : memref<160x125xi32, #tpu.memory_space<vmem>> -> memref<1x125xi32, #tpu.memory_space<vmem>>
        %dma_wait3A_334 = tpu.memref_squeeze %dma_wait3A_333 : memref<1x125xi32, #tpu.memory_space<vmem>> -> memref<125xi32, #tpu.memory_space<vmem>>
        %dma_wait3A_335 = arith.constant 0 : i32
        %dma_wait3A_336 = arith.constant 0 : i32
        %dma_wait3A_337 = tpu.memref_slice %arg14[%dma_wait3A_335, %dma_wait3A_336] : memref<10000x64xf32, #tpu.memory_space<vmem_shared>> -> memref<10000x64xf32, #tpu.memory_space<vmem_shared>>
        tpu.wait_indirect_dma semaphore(%arg22 : memref<!tpu.dma_semaphore, #tpu.memory_space<semaphore_mem>>) src(%arg11 : memref<125x64xf32, #tpu.memory_space<vmem>>) dst(%dma_wait3A_337 : memref<10000x64xf32, #tpu.memory_space<vmem_shared>>)
        %add3A_338 = arith.constant 5 : i32
        %add3A_339 = arith.addi %add3A_260, %add3A_338 : i32
        %dma_start3A_340 = arith.constant 0 : i32
        %dma_start3A_341 = tpu.memref_slice %arg7[%add3A_339, %dma_start3A_340] : memref<160x125xi32, #tpu.memory_space<vmem>> -> memref<1x125xi32, #tpu.memory_space<vmem>>
        %dma_start3A_342 = tpu.memref_squeeze %dma_start3A_341 : memref<1x125xi32, #tpu.memory_space<vmem>> -> memref<125xi32, #tpu.memory_space<vmem>>
        %dma_start3A_343 = arith.constant 0 : i32
        %dma_start3A_344 = tpu.memref_slice %arg2[%add3A_101, %dma_start3A_343] : memref<40000x64xf32, #tpu.memory_space<hbm>> -> memref<39997x64xf32, #tpu.memory_space<hbm>>
        %dma_start3A_345 = arith.constant 0 : i32
        %dma_start3A_346 = arith.constant 0 : i32
        %dma_start3A_347 = tpu.memref_slice %dma_start3A_344[%dma_start3A_345, %dma_start3A_346] : memref<39997x64xf32, #tpu.memory_space<hbm>> -> memref<39997x64xf32, #tpu.memory_space<hbm>>
        tpu.enqueue_indirect_dma source(%dma_start3A_347 : memref<39997x64xf32, #tpu.memory_space<hbm>>) target(%arg11 : memref<125x64xf32, #tpu.memory_space<vmem>>) offsets(%dma_start3A_342 : memref<125xi32, #tpu.memory_space<vmem>>) semaphore(%arg17 : memref<!tpu.dma_semaphore, #tpu.memory_space<semaphore_mem>>)
      } else {
      }
      %add3A_283 = arith.constant 3 : i32
      %add3A_284 = arith.addi %mul3A_211, %add3A_283 : i32
      %dma_wait3A_285 = arith.constant 0 : i32
      %dma_wait3A_286 = arith.constant 0 : i32
      %dma_wait3A_287 = tpu.memref_slice %arg7[%dma_wait3A_285, %dma_wait3A_286] : memref<160x125xi32, #tpu.memory_space<vmem>> -> memref<1x125xi32, #tpu.memory_space<vmem>>
      %dma_wait3A_288 = tpu.memref_squeeze %dma_wait3A_287 : memref<1x125xi32, #tpu.memory_space<vmem>> -> memref<125xi32, #tpu.memory_space<vmem>>
      %dma_wait3A_289 = arith.constant 0 : i32
      %dma_wait3A_290 = tpu.memref_slice %arg2[%add3A_101, %dma_wait3A_289] : memref<40000x64xf32, #tpu.memory_space<hbm>> -> memref<39997x64xf32, #tpu.memory_space<hbm>>
      %dma_wait3A_291 = arith.constant 0 : i32
      %dma_wait3A_292 = arith.constant 0 : i32
      %dma_wait3A_293 = tpu.memref_slice %dma_wait3A_290[%dma_wait3A_291, %dma_wait3A_292] : memref<39997x64xf32, #tpu.memory_space<hbm>> -> memref<39997x64xf32, #tpu.memory_space<hbm>>
      tpu.wait_indirect_dma semaphore(%arg18 : memref<!tpu.dma_semaphore, #tpu.memory_space<semaphore_mem>>) src(%dma_wait3A_293 : memref<39997x64xf32, #tpu.memory_space<hbm>>) dst(%arg12 : memref<125x64xf32, #tpu.memory_space<vmem>>)
      %dma_start3A_294 = arith.constant 0 : i32
      %dma_start3A_295 = tpu.memref_slice %arg8[%add3A_284, %dma_start3A_294] : memref<160x125xi32, #tpu.memory_space<vmem>> -> memref<1x125xi32, #tpu.memory_space<vmem>>
      %dma_start3A_296 = tpu.memref_squeeze %dma_start3A_295 : memref<1x125xi32, #tpu.memory_space<vmem>> -> memref<125xi32, #tpu.memory_space<vmem>>
      %dma_start3A_297 = arith.constant 0 : i32
      %dma_start3A_298 = arith.constant 0 : i32
      %dma_start3A_299 = tpu.memref_slice %arg14[%dma_start3A_297, %dma_start3A_298] : memref<10000x64xf32, #tpu.memory_space<vmem_shared>> -> memref<10000x64xf32, #tpu.memory_space<vmem_shared>>
      tpu.enqueue_indirect_dma source(%arg12 : memref<125x64xf32, #tpu.memory_space<vmem>>) target(%dma_start3A_299 : memref<10000x64xf32, #tpu.memory_space<vmem_shared>>) offsets(%dma_start3A_296 : memref<125xi32, #tpu.memory_space<vmem>>) semaphore(%arg23 : memref<!tpu.dma_semaphore, #tpu.memory_space<semaphore_mem>>) {add = true}
      %add3A_300 = arith.constant 5 : i32
      %add3A_301 = arith.addi %add3A_284, %add3A_300 : i32
      %lt3A_302 = arith.constant 160 : i32
      %lt3A_303 = arith.cmpi slt, %add3A_301, %lt3A_302 : i32
      %convert_element_type3A_304 = arith.extui %lt3A_303 : i1 to i32
      %cond3A_305 = arith.constant 0 : i32
      %cond3A_306 = arith.cmpi ne, %convert_element_type3A_304, %cond3A_305 : i32
      scf.if %cond3A_306 {
        %dma_wait3A_331 = arith.constant 0 : i32
        %dma_wait3A_332 = arith.constant 0 : i32
        %dma_wait3A_333 = tpu.memref_slice %arg8[%dma_wait3A_331, %dma_wait3A_332] : memref<160x125xi32, #tpu.memory_space<vmem>> -> memref<1x125xi32, #tpu.memory_space<vmem>>
        %dma_wait3A_334 = tpu.memref_squeeze %dma_wait3A_333 : memref<1x125xi32, #tpu.memory_space<vmem>> -> memref<125xi32, #tpu.memory_space<vmem>>
        %dma_wait3A_335 = arith.constant 0 : i32
        %dma_wait3A_336 = arith.constant 0 : i32
        %dma_wait3A_337 = tpu.memref_slice %arg14[%dma_wait3A_335, %dma_wait3A_336] : memref<10000x64xf32, #tpu.memory_space<vmem_shared>> -> memref<10000x64xf32, #tpu.memory_space<vmem_shared>>
        tpu.wait_indirect_dma semaphore(%arg23 : memref<!tpu.dma_semaphore, #tpu.memory_space<semaphore_mem>>) src(%arg12 : memref<125x64xf32, #tpu.memory_space<vmem>>) dst(%dma_wait3A_337 : memref<10000x64xf32, #tpu.memory_space<vmem_shared>>)
        %add3A_338 = arith.constant 5 : i32
        %add3A_339 = arith.addi %add3A_284, %add3A_338 : i32
        %dma_start3A_340 = arith.constant 0 : i32
        %dma_start3A_341 = tpu.memref_slice %arg7[%add3A_339, %dma_start3A_340] : memref<160x125xi32, #tpu.memory_space<vmem>> -> memref<1x125xi32, #tpu.memory_space<vmem>>
        %dma_start3A_342 = tpu.memref_squeeze %dma_start3A_341 : memref<1x125xi32, #tpu.memory_space<vmem>> -> memref<125xi32, #tpu.memory_space<vmem>>
        %dma_start3A_343 = arith.constant 0 : i32
        %dma_start3A_344 = tpu.memref_slice %arg2[%add3A_101, %dma_start3A_343] : memref<40000x64xf32, #tpu.memory_space<hbm>> -> memref<39997x64xf32, #tpu.memory_space<hbm>>
        %dma_start3A_345 = arith.constant 0 : i32
        %dma_start3A_346 = arith.constant 0 : i32
        %dma_start3A_347 = tpu.memref_slice %dma_start3A_344[%dma_start3A_345, %dma_start3A_346] : memref<39997x64xf32, #tpu.memory_space<hbm>> -> memref<39997x64xf32, #tpu.memory_space<hbm>>
        tpu.enqueue_indirect_dma source(%dma_start3A_347 : memref<39997x64xf32, #tpu.memory_space<hbm>>) target(%arg12 : memref<125x64xf32, #tpu.memory_space<vmem>>) offsets(%dma_start3A_342 : memref<125xi32, #tpu.memory_space<vmem>>) semaphore(%arg18 : memref<!tpu.dma_semaphore, #tpu.memory_space<semaphore_mem>>)
      } else {
      }
      %add3A_307 = arith.constant 4 : i32
      %add3A_308 = arith.addi %mul3A_211, %add3A_307 : i32
      %dma_wait3A_309 = arith.constant 0 : i32
      %dma_wait3A_310 = arith.constant 0 : i32
      %dma_wait3A_311 = tpu.memref_slice %arg7[%dma_wait3A_309, %dma_wait3A_310] : memref<160x125xi32, #tpu.memory_space<vmem>> -> memref<1x125xi32, #tpu.memory_space<vmem>>
      %dma_wait3A_312 = tpu.memref_squeeze %dma_wait3A_311 : memref<1x125xi32, #tpu.memory_space<vmem>> -> memref<125xi32, #tpu.memory_space<vmem>>
      %dma_wait3A_313 = arith.constant 0 : i32
      %dma_wait3A_314 = tpu.memref_slice %arg2[%add3A_101, %dma_wait3A_313] : memref<40000x64xf32, #tpu.memory_space<hbm>> -> memref<39997x64xf32, #tpu.memory_space<hbm>>
      %dma_wait3A_315 = arith.constant 0 : i32
      %dma_wait3A_316 = arith.constant 0 : i32
      %dma_wait3A_317 = tpu.memref_slice %dma_wait3A_314[%dma_wait3A_315, %dma_wait3A_316] : memref<39997x64xf32, #tpu.memory_space<hbm>> -> memref<39997x64xf32, #tpu.memory_space<hbm>>
      tpu.wait_indirect_dma semaphore(%arg19 : memref<!tpu.dma_semaphore, #tpu.memory_space<semaphore_mem>>) src(%dma_wait3A_317 : memref<39997x64xf32, #tpu.memory_space<hbm>>) dst(%arg13 : memref<125x64xf32, #tpu.memory_space<vmem>>)
      %dma_start3A_318 = arith.constant 0 : i32
      %dma_start3A_319 = tpu.memref_slice %arg8[%add3A_308, %dma_start3A_318] : memref<160x125xi32, #tpu.memory_space<vmem>> -> memref<1x125xi32, #tpu.memory_space<vmem>>
      %dma_start3A_320 = tpu.memref_squeeze %dma_start3A_319 : memref<1x125xi32, #tpu.memory_space<vmem>> -> memref<125xi32, #tpu.memory_space<vmem>>
      %dma_start3A_321 = arith.constant 0 : i32
      %dma_start3A_322 = arith.constant 0 : i32
      %dma_start3A_323 = tpu.memref_slice %arg14[%dma_start3A_321, %dma_start3A_322] : memref<10000x64xf32, #tpu.memory_space<vmem_shared>> -> memref<10000x64xf32, #tpu.memory_space<vmem_shared>>
      tpu.enqueue_indirect_dma source(%arg13 : memref<125x64xf32, #tpu.memory_space<vmem>>) target(%dma_start3A_323 : memref<10000x64xf32, #tpu.memory_space<vmem_shared>>) offsets(%dma_start3A_320 : memref<125xi32, #tpu.memory_space<vmem>>) semaphore(%arg24 : memref<!tpu.dma_semaphore, #tpu.memory_space<semaphore_mem>>) {add = true}
      %add3A_324 = arith.constant 5 : i32
      %add3A_325 = arith.addi %add3A_308, %add3A_324 : i32
      %lt3A_326 = arith.constant 160 : i32
      %lt3A_327 = arith.cmpi slt, %add3A_325, %lt3A_326 : i32
      %convert_element_type3A_328 = arith.extui %lt3A_327 : i1 to i32
      %cond3A_329 = arith.constant 0 : i32
      %cond3A_330 = arith.cmpi ne, %convert_element_type3A_328, %cond3A_329 : i32
      scf.if %cond3A_330 {
        %dma_wait3A_331 = arith.constant 0 : i32
        %dma_wait3A_332 = arith.constant 0 : i32
        %dma_wait3A_333 = tpu.memref_slice %arg8[%dma_wait3A_331, %dma_wait3A_332] : memref<160x125xi32, #tpu.memory_space<vmem>> -> memref<1x125xi32, #tpu.memory_space<vmem>>
        %dma_wait3A_334 = tpu.memref_squeeze %dma_wait3A_333 : memref<1x125xi32, #tpu.memory_space<vmem>> -> memref<125xi32, #tpu.memory_space<vmem>>
        %dma_wait3A_335 = arith.constant 0 : i32
        %dma_wait3A_336 = arith.constant 0 : i32
        %dma_wait3A_337 = tpu.memref_slice %arg14[%dma_wait3A_335, %dma_wait3A_336] : memref<10000x64xf32, #tpu.memory_space<vmem_shared>> -> memref<10000x64xf32, #tpu.memory_space<vmem_shared>>
        tpu.wait_indirect_dma semaphore(%arg24 : memref<!tpu.dma_semaphore, #tpu.memory_space<semaphore_mem>>) src(%arg13 : memref<125x64xf32, #tpu.memory_space<vmem>>) dst(%dma_wait3A_337 : memref<10000x64xf32, #tpu.memory_space<vmem_shared>>)
        %add3A_338 = arith.constant 5 : i32
        %add3A_339 = arith.addi %add3A_308, %add3A_338 : i32
        %dma_start3A_340 = arith.constant 0 : i32
        %dma_start3A_341 = tpu.memref_slice %arg7[%add3A_339, %dma_start3A_340] : memref<160x125xi32, #tpu.memory_space<vmem>> -> memref<1x125xi32, #tpu.memory_space<vmem>>
        %dma_start3A_342 = tpu.memref_squeeze %dma_start3A_341 : memref<1x125xi32, #tpu.memory_space<vmem>> -> memref<125xi32, #tpu.memory_space<vmem>>
        %dma_start3A_343 = arith.constant 0 : i32
        %dma_start3A_344 = tpu.memref_slice %arg2[%add3A_101, %dma_start3A_343] : memref<40000x64xf32, #tpu.memory_space<hbm>> -> memref<39997x64xf32, #tpu.memory_space<hbm>>
        %dma_start3A_345 = arith.constant 0 : i32
        %dma_start3A_346 = arith.constant 0 : i32
        %dma_start3A_347 = tpu.memref_slice %dma_start3A_344[%dma_start3A_345, %dma_start3A_346] : memref<39997x64xf32, #tpu.memory_space<hbm>> -> memref<39997x64xf32, #tpu.memory_space<hbm>>
        tpu.enqueue_indirect_dma source(%dma_start3A_347 : memref<39997x64xf32, #tpu.memory_space<hbm>>) target(%arg13 : memref<125x64xf32, #tpu.memory_space<vmem>>) offsets(%dma_start3A_342 : memref<125xi32, #tpu.memory_space<vmem>>) semaphore(%arg19 : memref<!tpu.dma_semaphore, #tpu.memory_space<semaphore_mem>>)
      } else {
      }
    }
    %scan3A_159 = arith.constant 32 : i32
    %dma_wait3A_160 = arith.constant 0 : i32
    %dma_wait3A_161 = arith.constant 0 : i32
    %dma_wait3A_162 = tpu.memref_slice %arg8[%dma_wait3A_160, %dma_wait3A_161] : memref<160x125xi32, #tpu.memory_space<vmem>> -> memref<1x125xi32, #tpu.memory_space<vmem>>
    %dma_wait3A_163 = tpu.memref_squeeze %dma_wait3A_162 : memref<1x125xi32, #tpu.memory_space<vmem>> -> memref<125xi32, #tpu.memory_space<vmem>>
    %dma_wait3A_164 = arith.constant 0 : i32
    %dma_wait3A_165 = arith.constant 0 : i32
    %dma_wait3A_166 = tpu.memref_slice %arg14[%dma_wait3A_164, %dma_wait3A_165] : memref<10000x64xf32, #tpu.memory_space<vmem_shared>> -> memref<10000x64xf32, #tpu.memory_space<vmem_shared>>
    tpu.wait_indirect_dma semaphore(%arg20 : memref<!tpu.dma_semaphore, #tpu.memory_space<semaphore_mem>>) src(%arg9 : memref<125x64xf32, #tpu.memory_space<vmem>>) dst(%dma_wait3A_166 : memref<10000x64xf32, #tpu.memory_space<vmem_shared>>)
    %dma_wait3A_167 = arith.constant 0 : i32
    %dma_wait3A_168 = arith.constant 0 : i32
    %dma_wait3A_169 = tpu.memref_slice %arg8[%dma_wait3A_167, %dma_wait3A_168] : memref<160x125xi32, #tpu.memory_space<vmem>> -> memref<1x125xi32, #tpu.memory_space<vmem>>
    %dma_wait3A_170 = tpu.memref_squeeze %dma_wait3A_169 : memref<1x125xi32, #tpu.memory_space<vmem>> -> memref<125xi32, #tpu.memory_space<vmem>>
    %dma_wait3A_171 = arith.constant 0 : i32
    %dma_wait3A_172 = arith.constant 0 : i32
    %dma_wait3A_173 = tpu.memref_slice %arg14[%dma_wait3A_171, %dma_wait3A_172] : memref<10000x64xf32, #tpu.memory_space<vmem_shared>> -> memref<10000x64xf32, #tpu.memory_space<vmem_shared>>
    tpu.wait_indirect_dma semaphore(%arg21 : memref<!tpu.dma_semaphore, #tpu.memory_space<semaphore_mem>>) src(%arg10 : memref<125x64xf32, #tpu.memory_space<vmem>>) dst(%dma_wait3A_173 : memref<10000x64xf32, #tpu.memory_space<vmem_shared>>)
    %dma_wait3A_174 = arith.constant 0 : i32
    %dma_wait3A_175 = arith.constant 0 : i32
    %dma_wait3A_176 = tpu.memref_slice %arg8[%dma_wait3A_174, %dma_wait3A_175] : memref<160x125xi32, #tpu.memory_space<vmem>> -> memref<1x125xi32, #tpu.memory_space<vmem>>
    %dma_wait3A_177 = tpu.memref_squeeze %dma_wait3A_176 : memref<1x125xi32, #tpu.memory_space<vmem>> -> memref<125xi32, #tpu.memory_space<vmem>>
    %dma_wait3A_178 = arith.constant 0 : i32
    %dma_wait3A_179 = arith.constant 0 : i32
    %dma_wait3A_180 = tpu.memref_slice %arg14[%dma_wait3A_178, %dma_wait3A_179] : memref<10000x64xf32, #tpu.memory_space<vmem_shared>> -> memref<10000x64xf32, #tpu.memory_space<vmem_shared>>
    tpu.wait_indirect_dma semaphore(%arg22 : memref<!tpu.dma_semaphore, #tpu.memory_space<semaphore_mem>>) src(%arg11 : memref<125x64xf32, #tpu.memory_space<vmem>>) dst(%dma_wait3A_180 : memref<10000x64xf32, #tpu.memory_space<vmem_shared>>)
    %dma_wait3A_181 = arith.constant 0 : i32
    %dma_wait3A_182 = arith.constant 0 : i32
    %dma_wait3A_183 = tpu.memref_slice %arg8[%dma_wait3A_181, %dma_wait3A_182] : memref<160x125xi32, #tpu.memory_space<vmem>> -> memref<1x125xi32, #tpu.memory_space<vmem>>
    %dma_wait3A_184 = tpu.memref_squeeze %dma_wait3A_183 : memref<1x125xi32, #tpu.memory_space<vmem>> -> memref<125xi32, #tpu.memory_space<vmem>>
    %dma_wait3A_185 = arith.constant 0 : i32
    %dma_wait3A_186 = arith.constant 0 : i32
    %dma_wait3A_187 = tpu.memref_slice %arg14[%dma_wait3A_185, %dma_wait3A_186] : memref<10000x64xf32, #tpu.memory_space<vmem_shared>> -> memref<10000x64xf32, #tpu.memory_space<vmem_shared>>
    tpu.wait_indirect_dma semaphore(%arg23 : memref<!tpu.dma_semaphore, #tpu.memory_space<semaphore_mem>>) src(%arg12 : memref<125x64xf32, #tpu.memory_space<vmem>>) dst(%dma_wait3A_187 : memref<10000x64xf32, #tpu.memory_space<vmem_shared>>)
    %dma_wait3A_188 = arith.constant 0 : i32
    %dma_wait3A_189 = arith.constant 0 : i32
    %dma_wait3A_190 = tpu.memref_slice %arg8[%dma_wait3A_188, %dma_wait3A_189] : memref<160x125xi32, #tpu.memory_space<vmem>> -> memref<1x125xi32, #tpu.memory_space<vmem>>
    %dma_wait3A_191 = tpu.memref_squeeze %dma_wait3A_190 : memref<1x125xi32, #tpu.memory_space<vmem>> -> memref<125xi32, #tpu.memory_space<vmem>>
    %dma_wait3A_192 = arith.constant 0 : i32
    %dma_wait3A_193 = arith.constant 0 : i32
    %dma_wait3A_194 = tpu.memref_slice %arg14[%dma_wait3A_192, %dma_wait3A_193] : memref<10000x64xf32, #tpu.memory_space<vmem_shared>> -> memref<10000x64xf32, #tpu.memory_space<vmem_shared>>
    tpu.wait_indirect_dma semaphore(%arg24 : memref<!tpu.dma_semaphore, #tpu.memory_space<semaphore_mem>>) src(%arg13 : memref<125x64xf32, #tpu.memory_space<vmem>>) dst(%dma_wait3A_194 : memref<10000x64xf32, #tpu.memory_space<vmem_shared>>)
    %barrier3A_195 = arith.constant 0 : index
    tpu.barrier barrier_id(%barrier3A_195)
    %mul3A_196 = arith.constant 624 : i32
    %mul3A_197 = arith.muli %arg1, %mul3A_196 : i32
    %mul3A_198 = arith.constant 64 : i32
    %mul3A_199 = arith.muli %add3A_101, %mul3A_198 : i32
    "tpu.region"() ({
      %run_scoped3A = tpu.sem_alloc : memref<!tpu.dma_semaphore, #tpu.memory_space<semaphore_mem>>
      %dma_start3A_205 = tpu.memref_slice %arg6[%mul3A_197, %mul3A_199] : memref<10000x256xf32, #tpu.memory_space<hbm>> -> memref<624x64xf32, #tpu.memory_space<hbm>>
      %dma_start3A_206 = arith.constant 0 : i32
      %dma_start3A_207 = tpu.memref_slice %arg14[%mul3A_197, %dma_start3A_206] : memref<10000x64xf32, #tpu.memory_space<vmem_shared>> -> memref<624x64xf32, #tpu.memory_space<vmem_shared>>
      tpu.enqueue_dma source(%dma_start3A_207 : memref<624x64xf32, #tpu.memory_space<vmem_shared>>) target(%dma_start3A_205 : memref<624x64xf32, #tpu.memory_space<hbm>>) target_semaphore(%run_scoped3A : memref<!tpu.dma_semaphore, #tpu.memory_space<semaphore_mem>>)
      %dma_wait3A_208 = tpu.memref_slice %arg6[%mul3A_197, %mul3A_199] : memref<10000x256xf32, #tpu.memory_space<hbm>> -> memref<624x64xf32, #tpu.memory_space<hbm>>
      %dma_wait3A_209 = arith.constant 0 : i32
      %dma_wait3A_210 = tpu.memref_slice %arg14[%mul3A_197, %dma_wait3A_209] : memref<10000x64xf32, #tpu.memory_space<vmem_shared>> -> memref<624x64xf32, #tpu.memory_space<vmem_shared>>
      tpu.wait_dma2 semaphore(%run_scoped3A : memref<!tpu.dma_semaphore, #tpu.memory_space<semaphore_mem>>) src(%dma_wait3A_210 : memref<624x64xf32, #tpu.memory_space<vmem_shared>>) dst(%dma_wait3A_208 : memref<624x64xf32, #tpu.memory_space<hbm>>)
      tpu.yield
    }) : () -> ()
    %eq3A_200 = arith.constant 15 : i32
    %eq3A_201 = arith.cmpi eq, %arg1, %eq3A_200 : i32
    %convert_element_type3A_202 = arith.extui %eq3A_201 : i1 to i32
    %cond3A_203 = arith.constant 0 : i32
    %cond3A_204 = arith.cmpi ne, %convert_element_type3A_202, %cond3A_203 : i32
    scf.if %cond3A_204 {
      %mul3A_205 = arith.constant 64 : i32
      %mul3A_206 = arith.muli %add3A_101, %mul3A_205 : i32
      "tpu.region"() ({
        %run_scoped3A = tpu.sem_alloc : memref<!tpu.dma_semaphore, #tpu.memory_space<semaphore_mem>>
        %dma_start3A_207 = arith.constant 9984 : i32
        %dma_start3A_208 = tpu.memref_slice %arg6[%dma_start3A_207, %mul3A_206] : memref<10000x256xf32, #tpu.memory_space<hbm>> -> memref<16x64xf32, #tpu.memory_space<hbm>>
        %dma_start3A_209 = arith.constant 9984 : i32
        %dma_start3A_210 = arith.constant 0 : i32
        %dma_start3A_211 = tpu.memref_slice %arg14[%dma_start3A_209, %dma_start3A_210] : memref<10000x64xf32, #tpu.memory_space<vmem_shared>> -> memref<16x64xf32, #tpu.memory_space<vmem_shared>>
        tpu.enqueue_dma source(%dma_start3A_211 : memref<16x64xf32, #tpu.memory_space<vmem_shared>>) target(%dma_start3A_208 : memref<16x64xf32, #tpu.memory_space<hbm>>) target_semaphore(%run_scoped3A : memref<!tpu.dma_semaphore, #tpu.memory_space<semaphore_mem>>)
        %dma_wait3A_212 = arith.constant 9984 : i32
        %dma_wait3A_213 = tpu.memref_slice %arg6[%dma_wait3A_212, %mul3A_206] : memref<10000x256xf32, #tpu.memory_space<hbm>> -> memref<16x64xf32, #tpu.memory_space<hbm>>
        %dma_wait3A_214 = arith.constant 9984 : i32
        %dma_wait3A_215 = arith.constant 0 : i32
        %dma_wait3A_216 = tpu.memref_slice %arg14[%dma_wait3A_214, %dma_wait3A_215] : memref<10000x64xf32, #tpu.memory_space<vmem_shared>> -> memref<16x64xf32, #tpu.memory_space<vmem_shared>>
        tpu.wait_dma2 semaphore(%run_scoped3A : memref<!tpu.dma_semaphore, #tpu.memory_space<semaphore_mem>>) src(%dma_wait3A_216 : memref<16x64xf32, #tpu.memory_space<vmem_shared>>) dst(%dma_wait3A_213 : memref<16x64xf32, #tpu.memory_space<hbm>>)
        tpu.yield
      }) : () -> ()
    } else {
    }
    return
  }
}

module attributes {stable_mosaic.version = 14 : i64} {
  func.func @body(%arg0: i32, %arg1: memref<2000x128xf32, #tpu.memory_space<vmem>>, %arg2: memref<128x256xf32, #tpu.memory_space<vmem>>, %arg3: memref<256x128xf32, #tpu.memory_space<vmem>>, %arg4: memref<256xf32, #tpu.memory_space<vmem>>, %arg5: memref<2x2000x8xf32, #tpu.memory_space<vmem>>, %arg6: memref<2000x256xf32, #tpu.memory_space<vmem>>, %arg7: memref<2000x256xf32, #tpu.memory_space<vmem>>, %arg8: memref<2000x64xf32, #tpu.memory_space<vmem>>) attributes {dimension_semantics = [#tpu.dimension_semantics<arbitrary>], iteration_bounds = array<i64: 5>, scalar_prefetch = 0 : i64, scratch_operands = 0 : i64, tpu.core_type = #tpu.core_type<tc>, window_params = [{transform_indices = @transform_0, window_bounds = array<i64: 2000, 128>}, {pipeline_mode = #tpu.pipeline_mode<synchronous>, transform_indices = @transform_1, window_bounds = array<i64: 128, 256>}, {pipeline_mode = #tpu.pipeline_mode<synchronous>, transform_indices = @transform_2, window_bounds = array<i64: 256, 128>}, {pipeline_mode = #tpu.pipeline_mode<synchronous>, transform_indices = @transform_3, window_bounds = array<i64: 256>}, {transform_indices = @transform_4, window_bounds = array<i64: 2, 2000, 8>}, {transform_indices = @transform_5, window_bounds = array<i64: 2000, 256>}, {transform_indices = @transform_6, window_bounds = array<i64: 2000, 256>}, {transform_indices = @transform_7, window_bounds = array<i64: 2000, 64>}]} {
    %get3A = arith.constant 0 : index
    %get3A_0 = arith.constant 0 : index
    %get3A_1 = arith.constant 0 : index
    %get3A_2 = vector.load %arg5[%get3A, %get3A_0, %get3A_1] : memref<2x2000x8xf32, #tpu.memory_space<vmem>>, vector<1x2000x1xf32>
    %get3A_3 = vector.shape_cast %get3A_2 : vector<1x2000x1xf32> to vector<2000x1xf32>
    %get3A_4 = arith.constant 1 : index
    %get3A_5 = arith.constant 0 : index
    %get3A_6 = arith.constant 0 : index
    %get3A_7 = vector.load %arg5[%get3A_4, %get3A_5, %get3A_6] : memref<2x2000x8xf32, #tpu.memory_space<vmem>>, vector<1x2000x1xf32>
    %get3A_8 = vector.shape_cast %get3A_7 : vector<1x2000x1xf32> to vector<2000x1xf32>
    %add3A = arith.addf %get3A_3, %get3A_8 : vector<2000x1xf32>
    %add3A_9 = arith.constant 1.000000e+00 : f32
    %add3A_10 = vector.broadcast %add3A_9 : f32 to vector<2000x1xf32>
    %add3A_11 = arith.addf %add3A, %add3A_10 : vector<2000x1xf32>
    %rsqrt3A = math.rsqrt %add3A_11 : vector<2000x1xf32>
    %broadcast_in_dim3A = vector.shape_cast %rsqrt3A : vector<2000x1xf32> to vector<2000x1xf32>
    %broadcast_in_dim3A_12 = vector.broadcast %broadcast_in_dim3A : vector<2000x1xf32> to vector<2000x64xf32>
    %swap3A = arith.constant 0 : index
    %swap3A_13 = arith.constant 0 : index
    %swap3A_14 = vector.load %arg8[%swap3A, %swap3A_13] : memref<2000x64xf32, #tpu.memory_space<vmem>>, vector<2000x64xf32>
    tpu.vector_store %arg8[%swap3A, %swap3A_13], %broadcast_in_dim3A_12 {strides = array<i32>} : memref<2000x64xf32, #tpu.memory_space<vmem>>, vector<2000x64xf32>,
    %concatenate3A = tpu.concatenate %broadcast_in_dim3A_12, %broadcast_in_dim3A_12, %broadcast_in_dim3A_12, %broadcast_in_dim3A_12 in 1 : vector<2000x64xf32>, vector<2000x64xf32>, vector<2000x64xf32>, vector<2000x64xf32> -> vector<2000x256xf32>
    %get3A_15 = arith.constant 0 : index
    %get3A_16 = arith.constant 0 : index
    %get3A_17 = vector.load %arg1[%get3A_15, %get3A_16] : memref<2000x128xf32, #tpu.memory_space<vmem>>, vector<2000x128xf32>
    %get3A_18 = arith.constant 0 : index
    %get3A_19 = arith.constant 0 : index
    %get3A_20 = vector.load %arg2[%get3A_18, %get3A_19] : memref<128x256xf32, #tpu.memory_space<vmem>>, vector<128x256xf32>
    %dot_general3A = arith.constant dense<0.000000e+00> : vector<2000x256xf32>
    %dot_general3A_21 = tpu.matmul %get3A_17, %get3A_20, %dot_general3A {dimension_numbers = #tpu.dot_dimension_numbers<[1], [0], [0], [1], [0, 0, 1, 1], [], []>, precision = #tpu.contract_precision<fp32>, transpose_lhs_hint = false} : vector<2000x128xf32>, vector<128x256xf32>, vector<2000x256xf32> -> vector<2000x256xf32>
    %mul3A = arith.mulf %concatenate3A, %dot_general3A_21 : vector<2000x256xf32>
    %swap3A_22 = arith.constant 0 : index
    %swap3A_23 = arith.constant 0 : index
    %swap3A_24 = vector.load %arg6[%swap3A_22, %swap3A_23] : memref<2000x256xf32, #tpu.memory_space<vmem>>, vector<2000x256xf32>
    tpu.vector_store %arg6[%swap3A_22, %swap3A_23], %mul3A {strides = array<i32>} : memref<2000x256xf32, #tpu.memory_space<vmem>>, vector<2000x256xf32>,
    %get3A_25 = arith.constant 0 : index
    %get3A_26 = arith.constant 0 : index
    %get3A_27 = vector.load %arg3[%get3A_25, %get3A_26] : memref<256x128xf32, #tpu.memory_space<vmem>>, vector<256x128xf32>
    %dot_general3A_28 = arith.constant dense<0.000000e+00> : vector<2000x256xf32>
    %dot_general3A_29 = tpu.matmul %get3A_17, %get3A_27, %dot_general3A_28 {dimension_numbers = #tpu.dot_dimension_numbers<[1], [1], [0], [0], [0, 0, 1, 0], [], []>, precision = #tpu.contract_precision<fp32>, transpose_lhs_hint = false} : vector<2000x128xf32>, vector<256x128xf32>, vector<2000x256xf32> -> vector<2000x256xf32>
    %get3A_30 = arith.constant 0 : index
    %get3A_31 = vector.load %arg4[%get3A_30] : memref<256xf32, #tpu.memory_space<vmem>>, vector<256xf32>
    %broadcast_in_dim3A_32 = vector.shape_cast %get3A_31 : vector<256xf32> to vector<1x256xf32>
    %add3A_33 = vector.broadcast %broadcast_in_dim3A_32 : vector<1x256xf32> to vector<2000x256xf32>
    %add3A_34 = arith.addf %dot_general3A_29, %add3A_33 : vector<2000x256xf32>
    %swap3A_35 = arith.constant 0 : index
    %swap3A_36 = arith.constant 0 : index
    %swap3A_37 = vector.load %arg7[%swap3A_35, %swap3A_36] : memref<2000x256xf32, #tpu.memory_space<vmem>>, vector<2000x256xf32>
    tpu.vector_store %arg7[%swap3A_35, %swap3A_36], %add3A_34 {strides = array<i32>} : memref<2000x256xf32, #tpu.memory_space<vmem>>, vector<2000x256xf32>,
    return
  }
  func.func @transform_0(%arg0: i32) -> (i32, i32) {
    %c0_i32 = arith.constant 0 : i32
    %c0_i32_0 = arith.constant 0 : i32
    return %arg0, %c0_i32 : i32, i32
  }
  func.func @transform_1(%arg0: i32) -> (i32, i32) {
    %c0_i32 = arith.constant 0 : i32
    %c0_i32_0 = arith.constant 0 : i32
    %c0_i32_1 = arith.constant 0 : i32
    return %c0_i32, %c0_i32_0 : i32, i32
  }
  func.func @transform_2(%arg0: i32) -> (i32, i32) {
    %c0_i32 = arith.constant 0 : i32
    %c0_i32_0 = arith.constant 0 : i32
    %c0_i32_1 = arith.constant 0 : i32
    return %c0_i32, %c0_i32_0 : i32, i32
  }
  func.func @transform_3(%arg0: i32) -> i32 {
    %c0_i32 = arith.constant 0 : i32
    %c0_i32_0 = arith.constant 0 : i32
    return %c0_i32 : i32
  }
  func.func @transform_4(%arg0: i32) -> (i32, i32, i32) {
    %c0_i32 = arith.constant 0 : i32
    %c0_i32_0 = arith.constant 0 : i32
    %c0_i32_1 = arith.constant 0 : i32
    return %c0_i32, %arg0, %c0_i32_0 : i32, i32, i32
  }
  func.func @transform_5(%arg0: i32) -> (i32, i32) {
    %c0_i32 = arith.constant 0 : i32
    %c0_i32_0 = arith.constant 0 : i32
    return %arg0, %c0_i32 : i32, i32
  }
  func.func @transform_6(%arg0: i32) -> (i32, i32) {
    %c0_i32 = arith.constant 0 : i32
    %c0_i32_0 = arith.constant 0 : i32
    return %arg0, %c0_i32 : i32, i32
  }
  func.func @transform_7(%arg0: i32) -> (i32, i32) {
    %c0_i32 = arith.constant 0 : i32
    %c0_i32_0 = arith.constant 0 : i32
    return %arg0, %c0_i32 : i32, i32
  }
}

module attributes {stable_mosaic.version = 14 : i64} {
  func.func @body(%arg0: i32, %arg1: memref<2000x256xf32, #tpu.memory_space<vmem>>, %arg2: memref<2000x256xf32, #tpu.memory_space<vmem>>, %arg3: memref<2000x64xf32, #tpu.memory_space<vmem>>, %arg4: memref<256xf32, #tpu.memory_space<vmem>>, %arg5: memref<2000x256xf32, #tpu.memory_space<vmem>>, %arg6: memref<2x256xf32, #tpu.memory_space<vmem>>) attributes {dimension_semantics = [#tpu.dimension_semantics<arbitrary>], iteration_bounds = array<i64: 5>, scalar_prefetch = 0 : i64, scratch_operands = 0 : i64, tpu.core_type = #tpu.core_type<tc>, window_params = [{transform_indices = @transform_0, window_bounds = array<i64: 2000, 256>}, {transform_indices = @transform_1, window_bounds = array<i64: 2000, 256>}, {transform_indices = @transform_2, window_bounds = array<i64: 2000, 64>}, {pipeline_mode = #tpu.pipeline_mode<synchronous>, transform_indices = @transform_3, window_bounds = array<i64: 256>}, {transform_indices = @transform_4, window_bounds = array<i64: 2000, 256>}, {pipeline_mode = #tpu.pipeline_mode<synchronous>, transform_indices = @transform_5, window_bounds = array<i64: 2, 256>}]} {
    %get3A = arith.constant 0 : index
    %get3A_0 = arith.constant 0 : index
    %get3A_1 = vector.load %arg3[%get3A, %get3A_0] : memref<2000x64xf32, #tpu.memory_space<vmem>>, vector<2000x64xf32>
    %concatenate3A = tpu.concatenate %get3A_1, %get3A_1, %get3A_1, %get3A_1 in 1 : vector<2000x64xf32>, vector<2000x64xf32>, vector<2000x64xf32>, vector<2000x64xf32> -> vector<2000x256xf32>
    %get3A_2 = arith.constant 0 : index
    %get3A_3 = arith.constant 0 : index
    %get3A_4 = vector.load %arg1[%get3A_2, %get3A_3] : memref<2000x256xf32, #tpu.memory_space<vmem>>, vector<2000x256xf32>
    %get3A_5 = arith.constant 0 : index
    %get3A_6 = arith.constant 0 : index
    %get3A_7 = vector.load %arg2[%get3A_5, %get3A_6] : memref<2000x256xf32, #tpu.memory_space<vmem>>, vector<2000x256xf32>
    %add3A = arith.addf %get3A_4, %get3A_7 : vector<2000x256xf32>
    %mul3A = arith.mulf %concatenate3A, %add3A : vector<2000x256xf32>
    %get3A_8 = arith.constant 0 : index
    %get3A_9 = vector.load %arg4[%get3A_8] : memref<256xf32, #tpu.memory_space<vmem>>, vector<256xf32>
    %broadcast_in_dim3A = vector.shape_cast %get3A_9 : vector<256xf32> to vector<1x256xf32>
    %add3A_10 = vector.broadcast %broadcast_in_dim3A : vector<1x256xf32> to vector<2000x256xf32>
    %add3A_11 = arith.addf %mul3A, %add3A_10 : vector<2000x256xf32>
    %swap3A = arith.constant 0 : index
    %swap3A_12 = arith.constant 0 : index
    %swap3A_13 = vector.load %arg5[%swap3A, %swap3A_12] : memref<2000x256xf32, #tpu.memory_space<vmem>>, vector<2000x256xf32>
    tpu.vector_store %arg5[%swap3A, %swap3A_12], %add3A_11 {strides = array<i32>} : memref<2000x256xf32, #tpu.memory_space<vmem>>, vector<2000x256xf32>,
    %eq3A = arith.constant 0 : i32
    %eq3A_14 = arith.cmpi eq, %arg0, %eq3A : i32
    %convert_element_type3A = arith.extui %eq3A_14 : i1 to i32
    %cond3A = arith.constant 0 : i32
    %cond3A_15 = arith.cmpi ne, %convert_element_type3A, %cond3A : i32
    scf.if %cond3A_15 {
      %broadcast_in_dim3A_36 = arith.constant 0.000000e+00 : f32
      %broadcast_in_dim3A_37 = vector.broadcast %broadcast_in_dim3A_36 : f32 to vector<2x256xf32>
      %swap3A_38 = arith.constant 0 : index
      %swap3A_39 = arith.constant 0 : index
      %swap3A_40 = vector.load %arg6[%swap3A_38, %swap3A_39] : memref<2x256xf32, #tpu.memory_space<vmem>>, vector<2x256xf32>
      tpu.vector_store %arg6[%swap3A_38, %swap3A_39], %broadcast_in_dim3A_37 {strides = array<i32>} : memref<2x256xf32, #tpu.memory_space<vmem>>, vector<2x256xf32>,
    } else {
    }
    %get3A_16 = arith.constant 0 : index
    %get3A_17 = arith.constant 0 : index
    %get3A_18 = vector.load %arg6[%get3A_16, %get3A_17] : memref<2x256xf32, #tpu.memory_space<vmem>>, vector<1x256xf32>
    %reduce_sum3A = arith.constant dense<0.000000e+00> : vector<256xf32>
    %reduce_sum3A_19 = vector.multi_reduction <add>, %add3A_11, %reduce_sum3A [0] : vector<2000x256xf32> to vector<256xf32>
    %broadcast_in_dim3A_20 = vector.shape_cast %reduce_sum3A_19 : vector<256xf32> to vector<1x256xf32>
    %add3A_21 = arith.addf %get3A_18, %broadcast_in_dim3A_20 : vector<1x256xf32>
    %swap3A_22 = arith.constant 0 : index
    %swap3A_23 = arith.constant 0 : index
    %swap3A_24 = vector.load %arg6[%swap3A_22, %swap3A_23] : memref<2x256xf32, #tpu.memory_space<vmem>>, vector<1x256xf32>
    tpu.vector_store %arg6[%swap3A_22, %swap3A_23], %add3A_21 {strides = array<i32>} : memref<2x256xf32, #tpu.memory_space<vmem>>, vector<1x256xf32>,
    %get3A_25 = arith.constant 1 : index
    %get3A_26 = arith.constant 0 : index
    %get3A_27 = vector.load %arg6[%get3A_25, %get3A_26] : memref<2x256xf32, #tpu.memory_space<vmem>>, vector<1x256xf32>
    %mul3A_28 = arith.mulf %add3A_11, %add3A_11 : vector<2000x256xf32>
    %reduce_sum3A_29 = arith.constant dense<0.000000e+00> : vector<256xf32>
    %reduce_sum3A_30 = vector.multi_reduction <add>, %mul3A_28, %reduce_sum3A_29 [0] : vector<2000x256xf32> to vector<256xf32>
    %broadcast_in_dim3A_31 = vector.shape_cast %reduce_sum3A_30 : vector<256xf32> to vector<1x256xf32>
    %add3A_32 = arith.addf %get3A_27, %broadcast_in_dim3A_31 : vector<1x256xf32>
    %swap3A_33 = arith.constant 1 : index
    %swap3A_34 = arith.constant 0 : index
    %swap3A_35 = vector.load %arg6[%swap3A_33, %swap3A_34] : memref<2x256xf32, #tpu.memory_space<vmem>>, vector<1x256xf32>
    tpu.vector_store %arg6[%swap3A_33, %swap3A_34], %add3A_32 {strides = array<i32>} : memref<2x256xf32, #tpu.memory_space<vmem>>, vector<1x256xf32>,
    return
  }
  func.func @transform_0(%arg0: i32) -> (i32, i32) {
    %c0_i32 = arith.constant 0 : i32
    %c0_i32_0 = arith.constant 0 : i32
    return %arg0, %c0_i32 : i32, i32
  }
  func.func @transform_1(%arg0: i32) -> (i32, i32) {
    %c0_i32 = arith.constant 0 : i32
    %c0_i32_0 = arith.constant 0 : i32
    return %arg0, %c0_i32 : i32, i32
  }
  func.func @transform_2(%arg0: i32) -> (i32, i32) {
    %c0_i32 = arith.constant 0 : i32
    %c0_i32_0 = arith.constant 0 : i32
    return %arg0, %c0_i32 : i32, i32
  }
  func.func @transform_3(%arg0: i32) -> i32 {
    %c0_i32 = arith.constant 0 : i32
    %c0_i32_0 = arith.constant 0 : i32
    return %c0_i32 : i32
  }
  func.func @transform_4(%arg0: i32) -> (i32, i32) {
    %c0_i32 = arith.constant 0 : i32
    %c0_i32_0 = arith.constant 0 : i32
    return %arg0, %c0_i32 : i32, i32
  }
  func.func @transform_5(%arg0: i32) -> (i32, i32) {
    %c0_i32 = arith.constant 0 : i32
    %c0_i32_0 = arith.constant 0 : i32
    %c0_i32_1 = arith.constant 0 : i32
    return %c0_i32, %c0_i32_0 : i32, i32
  }
}

module attributes {stable_mosaic.version = 14 : i64} {
  func.func @body(%arg0: i32, %arg1: memref<2000x256xf32, #tpu.memory_space<vmem>>, %arg2: memref<2x256xf32, #tpu.memory_space<vmem>>, %arg3: memref<256xf32, #tpu.memory_space<vmem>>, %arg4: memref<256xf32, #tpu.memory_space<vmem>>, %arg5: memref<2000x256xf32, #tpu.memory_space<vmem>>, %arg6: memref<256x256xf32, #tpu.memory_space<vmem>>, %arg7: memref<2000x64xf32, #tpu.memory_space<vmem>>, %arg8: memref<2000x256xf32, #tpu.memory_space<vmem>>, %arg9: memref<2000x256xf32, #tpu.memory_space<vmem>>) attributes {dimension_semantics = [#tpu.dimension_semantics<arbitrary>], iteration_bounds = array<i64: 5>, scalar_prefetch = 0 : i64, scratch_operands = 0 : i64, tpu.core_type = #tpu.core_type<tc>, window_params = [{transform_indices = @transform_0, window_bounds = array<i64: 2000, 256>}, {pipeline_mode = #tpu.pipeline_mode<synchronous>, transform_indices = @transform_1, window_bounds = array<i64: 2, 256>}, {pipeline_mode = #tpu.pipeline_mode<synchronous>, transform_indices = @transform_2, window_bounds = array<i64: 256>}, {pipeline_mode = #tpu.pipeline_mode<synchronous>, transform_indices = @transform_3, window_bounds = array<i64: 256>}, {transform_indices = @transform_4, window_bounds = array<i64: 2000, 256>}, {pipeline_mode = #tpu.pipeline_mode<synchronous>, transform_indices = @transform_5, window_bounds = array<i64: 256, 256>}, {transform_indices = @transform_6, window_bounds = array<i64: 2000, 64>}, {transform_indices = @transform_7, window_bounds = array<i64: 2000, 256>}, {transform_indices = @transform_8, window_bounds = array<i64: 2000, 256>}]} {
    %get3A = arith.constant 0 : index
    %get3A_0 = arith.constant 0 : index
    %get3A_1 = vector.load %arg2[%get3A, %get3A_0] : memref<2x256xf32, #tpu.memory_space<vmem>>, vector<1x256xf32>
    %mul3A = arith.constant 9.99999974E-5 : f32
    %mul3A_2 = vector.broadcast %mul3A : f32 to vector<1x256xf32>
    %mul3A_3 = arith.mulf %get3A_1, %mul3A_2 : vector<1x256xf32>
    %get3A_4 = arith.constant 1 : index
    %get3A_5 = arith.constant 0 : index
    %get3A_6 = vector.load %arg2[%get3A_4, %get3A_5] : memref<2x256xf32, #tpu.memory_space<vmem>>, vector<1x256xf32>
    %mul3A_7 = arith.constant 9.99999974E-5 : f32
    %mul3A_8 = vector.broadcast %mul3A_7 : f32 to vector<1x256xf32>
    %mul3A_9 = arith.mulf %get3A_6, %mul3A_8 : vector<1x256xf32>
    %mul3A_10 = arith.mulf %mul3A_3, %mul3A_3 : vector<1x256xf32>
    %sub3A = arith.subf %mul3A_9, %mul3A_10 : vector<1x256xf32>
    %get3A_11 = arith.constant 0 : index
    %get3A_12 = arith.constant 0 : index
    %get3A_13 = vector.load %arg1[%get3A_11, %get3A_12] : memref<2000x256xf32, #tpu.memory_space<vmem>>, vector<2000x256xf32>
    %sub3A_14 = vector.broadcast %mul3A_3 : vector<1x256xf32> to vector<2000x256xf32>
    %sub3A_15 = arith.subf %get3A_13, %sub3A_14 : vector<2000x256xf32>
    %add3A = arith.constant 9.99999974E-6 : f32
    %add3A_16 = vector.broadcast %add3A : f32 to vector<1x256xf32>
    %add3A_17 = arith.addf %sub3A, %add3A_16 : vector<1x256xf32>
    %rsqrt3A = math.rsqrt %add3A_17 : vector<1x256xf32>
    %mul3A_18 = vector.broadcast %rsqrt3A : vector<1x256xf32> to vector<2000x256xf32>
    %mul3A_19 = arith.mulf %sub3A_15, %mul3A_18 : vector<2000x256xf32>
    %get3A_20 = arith.constant 0 : index
    %get3A_21 = vector.load %arg3[%get3A_20] : memref<256xf32, #tpu.memory_space<vmem>>, vector<256xf32>
    %broadcast_in_dim3A = vector.shape_cast %get3A_21 : vector<256xf32> to vector<1x256xf32>
    %mul3A_22 = vector.broadcast %broadcast_in_dim3A : vector<1x256xf32> to vector<2000x256xf32>
    %mul3A_23 = arith.mulf %mul3A_19, %mul3A_22 : vector<2000x256xf32>
    %get3A_24 = arith.constant 0 : index
    %get3A_25 = vector.load %arg4[%get3A_24] : memref<256xf32, #tpu.memory_space<vmem>>, vector<256xf32>
    %broadcast_in_dim3A_26 = vector.shape_cast %get3A_25 : vector<256xf32> to vector<1x256xf32>
    %add3A_27 = vector.broadcast %broadcast_in_dim3A_26 : vector<1x256xf32> to vector<2000x256xf32>
    %add3A_28 = arith.addf %mul3A_23, %add3A_27 : vector<2000x256xf32>
    %max3A = arith.constant 0.000000e+00 : f32
    %max3A_29 = vector.broadcast %max3A : f32 to vector<2000x256xf32>
    %max3A_30 = arith.maximumf %add3A_28, %max3A_29 : vector<2000x256xf32>
    %get3A_31 = arith.constant 0 : index
    %get3A_32 = arith.constant 0 : index
    %get3A_33 = vector.load %arg5[%get3A_31, %get3A_32] : memref<2000x256xf32, #tpu.memory_space<vmem>>, vector<2000x256xf32>
    %add3A_34 = arith.addf %max3A_30, %get3A_33 : vector<2000x256xf32>
    %swap3A = arith.constant 0 : index
    %swap3A_35 = arith.constant 0 : index
    %swap3A_36 = vector.load %arg8[%swap3A, %swap3A_35] : memref<2000x256xf32, #tpu.memory_space<vmem>>, vector<2000x256xf32>
    tpu.vector_store %arg8[%swap3A, %swap3A_35], %add3A_34 {strides = array<i32>} : memref<2000x256xf32, #tpu.memory_space<vmem>>, vector<2000x256xf32>,
    %get3A_37 = arith.constant 0 : index
    %get3A_38 = arith.constant 0 : index
    %get3A_39 = vector.load %arg6[%get3A_37, %get3A_38] : memref<256x256xf32, #tpu.memory_space<vmem>>, vector<256x256xf32>
    %dot_general3A = arith.constant dense<0.000000e+00> : vector<2000x256xf32>
    %dot_general3A_40 = tpu.matmul %add3A_34, %get3A_39, %dot_general3A {dimension_numbers = #tpu.dot_dimension_numbers<[1], [0], [0], [1], [0, 0, 1, 1], [], []>, precision = #tpu.contract_precision<fp32>, transpose_lhs_hint = false} : vector<2000x256xf32>, vector<256x256xf32>, vector<2000x256xf32> -> vector<2000x256xf32>
    %get3A_41 = arith.constant 0 : index
    %get3A_42 = arith.constant 0 : index
    %get3A_43 = vector.load %arg7[%get3A_41, %get3A_42] : memref<2000x64xf32, #tpu.memory_space<vmem>>, vector<2000x64xf32>
    %concatenate3A = tpu.concatenate %get3A_43, %get3A_43, %get3A_43, %get3A_43 in 1 : vector<2000x64xf32>, vector<2000x64xf32>, vector<2000x64xf32>, vector<2000x64xf32> -> vector<2000x256xf32>
    %mul3A_44 = arith.mulf %concatenate3A, %dot_general3A_40 : vector<2000x256xf32>
    %swap3A_45 = arith.constant 0 : index
    %swap3A_46 = arith.constant 0 : index
    %swap3A_47 = vector.load %arg9[%swap3A_45, %swap3A_46] : memref<2000x256xf32, #tpu.memory_space<vmem>>, vector<2000x256xf32>
    tpu.vector_store %arg9[%swap3A_45, %swap3A_46], %mul3A_44 {strides = array<i32>} : memref<2000x256xf32, #tpu.memory_space<vmem>>, vector<2000x256xf32>,
    return
  }
  func.func @transform_0(%arg0: i32) -> (i32, i32) {
    %c0_i32 = arith.constant 0 : i32
    %c0_i32_0 = arith.constant 0 : i32
    return %arg0, %c0_i32 : i32, i32
  }
  func.func @transform_1(%arg0: i32) -> (i32, i32) {
    %c0_i32 = arith.constant 0 : i32
    %c0_i32_0 = arith.constant 0 : i32
    %c0_i32_1 = arith.constant 0 : i32
    return %c0_i32, %c0_i32_0 : i32, i32
  }
  func.func @transform_2(%arg0: i32) -> i32 {
    %c0_i32 = arith.constant 0 : i32
    %c0_i32_0 = arith.constant 0 : i32
    return %c0_i32 : i32
  }
  func.func @transform_3(%arg0: i32) -> i32 {
    %c0_i32 = arith.constant 0 : i32
    %c0_i32_0 = arith.constant 0 : i32
    return %c0_i32 : i32
  }
  func.func @transform_4(%arg0: i32) -> (i32, i32) {
    %c0_i32 = arith.constant 0 : i32
    %c0_i32_0 = arith.constant 0 : i32
    return %arg0, %c0_i32 : i32, i32
  }
  func.func @transform_5(%arg0: i32) -> (i32, i32) {
    %c0_i32 = arith.constant 0 : i32
    %c0_i32_0 = arith.constant 0 : i32
    %c0_i32_1 = arith.constant 0 : i32
    return %c0_i32, %c0_i32_0 : i32, i32
  }
  func.func @transform_6(%arg0: i32) -> (i32, i32) {
    %c0_i32 = arith.constant 0 : i32
    %c0_i32_0 = arith.constant 0 : i32
    return %arg0, %c0_i32 : i32, i32
  }
  func.func @transform_7(%arg0: i32) -> (i32, i32) {
    %c0_i32 = arith.constant 0 : i32
    %c0_i32_0 = arith.constant 0 : i32
    return %arg0, %c0_i32 : i32, i32
  }
  func.func @transform_8(%arg0: i32) -> (i32, i32) {
    %c0_i32 = arith.constant 0 : i32
    %c0_i32_0 = arith.constant 0 : i32
    return %arg0, %c0_i32 : i32, i32
  }
}

module attributes {stable_mosaic.version = 14 : i64} {
  func.func @body(%arg0: memref<10000x256xf32, #tpu.memory_space<vmem>>, %arg1: memref<2x256xf32, #tpu.memory_space<vmem>>, %arg2: memref<256xf32, #tpu.memory_space<vmem>>, %arg3: memref<256xf32, #tpu.memory_space<vmem>>, %arg4: memref<10000x256xf32, #tpu.memory_space<vmem>>, %arg5: memref<64x256xf32, #tpu.memory_space<vmem>>, %arg6: memref<64xf32, #tpu.memory_space<vmem>>, %arg7: memref<1x10000xi32, #tpu.memory_space<vmem>>, %arg8: memref<64x64xf32, #tpu.memory_space<vmem>>) attributes {dimension_semantics = [], scalar_prefetch = 0 : i64, scratch_operands = 0 : i64, tpu.core_type = #tpu.core_type<tc>} {
    %get3A = arith.constant 0 : index
    %get3A_0 = arith.constant 0 : index
    %get3A_1 = vector.load %arg1[%get3A, %get3A_0] : memref<2x256xf32, #tpu.memory_space<vmem>>, vector<1x256xf32>
    %mul3A = arith.constant 9.99999974E-5 : f32
    %mul3A_2 = vector.broadcast %mul3A : f32 to vector<1x256xf32>
    %mul3A_3 = arith.mulf %get3A_1, %mul3A_2 : vector<1x256xf32>
    %get3A_4 = arith.constant 1 : index
    %get3A_5 = arith.constant 0 : index
    %get3A_6 = vector.load %arg1[%get3A_4, %get3A_5] : memref<2x256xf32, #tpu.memory_space<vmem>>, vector<1x256xf32>
    %mul3A_7 = arith.constant 9.99999974E-5 : f32
    %mul3A_8 = vector.broadcast %mul3A_7 : f32 to vector<1x256xf32>
    %mul3A_9 = arith.mulf %get3A_6, %mul3A_8 : vector<1x256xf32>
    %mul3A_10 = arith.mulf %mul3A_3, %mul3A_3 : vector<1x256xf32>
    %sub3A = arith.subf %mul3A_9, %mul3A_10 : vector<1x256xf32>
    %get3A_11 = arith.constant 0 : index
    %get3A_12 = arith.constant 0 : index
    %get3A_13 = vector.load %arg0[%get3A_11, %get3A_12] : memref<10000x256xf32, #tpu.memory_space<vmem>>, vector<10000x256xf32>
    %sub3A_14 = vector.broadcast %mul3A_3 : vector<1x256xf32> to vector<10000x256xf32>
    %sub3A_15 = arith.subf %get3A_13, %sub3A_14 : vector<10000x256xf32>
    %add3A = arith.constant 9.99999974E-6 : f32
    %add3A_16 = vector.broadcast %add3A : f32 to vector<1x256xf32>
    %add3A_17 = arith.addf %sub3A, %add3A_16 : vector<1x256xf32>
    %rsqrt3A = math.rsqrt %add3A_17 : vector<1x256xf32>
    %mul3A_18 = vector.broadcast %rsqrt3A : vector<1x256xf32> to vector<10000x256xf32>
    %mul3A_19 = arith.mulf %sub3A_15, %mul3A_18 : vector<10000x256xf32>
    %get3A_20 = arith.constant 0 : index
    %get3A_21 = vector.load %arg2[%get3A_20] : memref<256xf32, #tpu.memory_space<vmem>>, vector<256xf32>
    %broadcast_in_dim3A = vector.shape_cast %get3A_21 : vector<256xf32> to vector<1x256xf32>
    %mul3A_22 = vector.broadcast %broadcast_in_dim3A : vector<1x256xf32> to vector<10000x256xf32>
    %mul3A_23 = arith.mulf %mul3A_19, %mul3A_22 : vector<10000x256xf32>
    %get3A_24 = arith.constant 0 : index
    %get3A_25 = vector.load %arg3[%get3A_24] : memref<256xf32, #tpu.memory_space<vmem>>, vector<256xf32>
    %broadcast_in_dim3A_26 = vector.shape_cast %get3A_25 : vector<256xf32> to vector<1x256xf32>
    %add3A_27 = vector.broadcast %broadcast_in_dim3A_26 : vector<1x256xf32> to vector<10000x256xf32>
    %add3A_28 = arith.addf %mul3A_23, %add3A_27 : vector<10000x256xf32>
    %max3A = arith.constant 0.000000e+00 : f32
    %max3A_29 = vector.broadcast %max3A : f32 to vector<10000x256xf32>
    %max3A_30 = arith.maximumf %add3A_28, %max3A_29 : vector<10000x256xf32>
    %get3A_31 = arith.constant 0 : index
    %get3A_32 = arith.constant 0 : index
    %get3A_33 = vector.load %arg4[%get3A_31, %get3A_32] : memref<10000x256xf32, #tpu.memory_space<vmem>>, vector<10000x256xf32>
    %add3A_34 = arith.addf %max3A_30, %get3A_33 : vector<10000x256xf32>
    %get3A_35 = arith.constant 0 : index
    %get3A_36 = arith.constant 0 : index
    %get3A_37 = vector.load %arg5[%get3A_35, %get3A_36] : memref<64x256xf32, #tpu.memory_space<vmem>>, vector<64x256xf32>
    %dot_general3A = arith.constant dense<0.000000e+00> : vector<10000x64xf32>
    %dot_general3A_38 = tpu.matmul %add3A_34, %get3A_37, %dot_general3A {dimension_numbers = #tpu.dot_dimension_numbers<[1], [1], [0], [0], [0, 0, 1, 0], [], []>, precision = #tpu.contract_precision<fp32>, transpose_lhs_hint = false} : vector<10000x256xf32>, vector<64x256xf32>, vector<10000x64xf32> -> vector<10000x64xf32>
    %get3A_39 = arith.constant 0 : index
    %get3A_40 = vector.load %arg6[%get3A_39] : memref<64xf32, #tpu.memory_space<vmem>>, vector<64xf32>
    %broadcast_in_dim3A_41 = vector.shape_cast %get3A_40 : vector<64xf32> to vector<1x64xf32>
    %add3A_42 = vector.broadcast %broadcast_in_dim3A_41 : vector<1x64xf32> to vector<10000x64xf32>
    %add3A_43 = arith.addf %dot_general3A_38, %add3A_42 : vector<10000x64xf32>
    %iota3A = tpu.iota {dimensions = array<i32: 0>} : vector<64x10000xi32>
    %get3A_44 = arith.constant 0 : index
    %get3A_45 = arith.constant 0 : index
    %get3A_46 = vector.load %arg7[%get3A_44, %get3A_45] : memref<1x10000xi32, #tpu.memory_space<vmem>>, vector<1x10000xi32>
    %eq3A = vector.broadcast %get3A_46 : vector<1x10000xi32> to vector<64x10000xi32>
    %eq3A_47 = arith.cmpi eq, %eq3A, %iota3A : vector<64x10000xi32>
    %convert_element_type3A = arith.extui %eq3A_47 : vector<64x10000xi1> to vector<64x10000xi32>
    %convert_element_type3A_48 = arith.sitofp %convert_element_type3A : vector<64x10000xi32> to vector<64x10000xf32>
    %dot_general3A_49 = arith.constant dense<0.000000e+00> : vector<64x64xf32>
    %dot_general3A_50 = tpu.matmul %convert_element_type3A_48, %add3A_43, %dot_general3A_49 {dimension_numbers = #tpu.dot_dimension_numbers<[1], [0], [0], [1], [0, 0, 1, 1], [], []>, precision = #tpu.contract_precision<fp32>, transpose_lhs_hint = false} : vector<64x10000xf32>, vector<10000x64xf32>, vector<64x64xf32> -> vector<64x64xf32>
    %reduce_sum3A = arith.constant dense<0.000000e+00> : vector<64xf32>
    %reduce_sum3A_51 = vector.multi_reduction <add>, %convert_element_type3A_48, %reduce_sum3A [1] : vector<64x10000xf32> to vector<64xf32>
    %broadcast_in_dim3A_52 = vector.shape_cast %reduce_sum3A_51 : vector<64xf32> to vector<64x1xf32>
    %jit3A = arith.constant 1.000000e+00 : f32
    %max3A_53 = vector.broadcast %jit3A : f32 to vector<64x1xf32>
    %max3A_54 = arith.maximumf %max3A_53, %broadcast_in_dim3A_52 : vector<64x1xf32>
    %div3A = vector.broadcast %max3A_54 : vector<64x1xf32> to vector<64x64xf32>
    %div3A_55 = arith.divf %dot_general3A_50, %div3A : vector<64x64xf32>
    %swap3A = arith.constant 0 : index
    %swap3A_56 = arith.constant 0 : index
    %swap3A_57 = vector.load %arg8[%swap3A, %swap3A_56] : memref<64x64xf32, #tpu.memory_space<vmem>>, vector<64x64xf32>
    tpu.vector_store %arg8[%swap3A, %swap3A_56], %div3A_55 {strides = array<i32>} : memref<64x64xf32, #tpu.memory_space<vmem>>, vector<64x64xf32>,
    return
  }
}

</mosaic_0001>

<sc_bundles>
// kernel: kernel.10.cloned.1.call-start
scs
__scs_entry_jumppad:
0x0: {  	(pc) =	sbr.rel $0x88, $3  }
0x1: {  	(tag) =	ssettag $0x0;
	lr =	simm.s32 $0x1  }
0x2: {  	[smem:$0x3F92] =	sst lr;
	_ =	strace $0xD0000000  }
0x3: {  	_ = 	snop  }
0x4: {  	_ = 	snop  }
0x5: {  	_ = 	snop  }
0x6: {  	_ = 	snop  }
0x7: {  	_ = 	snop  }
__scs_overlays_trampoline_lowered:
0x8: {  	[smem:$0x3FA1] =	sst s0  }
0x9: {  	[smem:$0x3FA2] =	sst s1  }
0xa: {  	[smem:$0x3FA3] =	sst s2  }
0xb: {  	[smem:$0x3FA4] =	sst s3  }
0xc: {  	[smem:$0x3FA5] =	sst s4  }
0xd: {  	[smem:$0x3FA6] =	sst s5  }
0xe: {  	[smem:$0x3FA7] =	sst s6  }
0xf: {  	[smem:$0x3FA8] =	sst s7  }
0x10: {  	[smem:$0x3FA9] =	sst s8  }
0x11: {  	[smem:$0x3FAA] =	sst s9;
	s0 =	simm.s32 @!p0 $0x0  }
0x12: {  	s1 =	sld [smem:$0x3F90];
	s0 =	simm.s32 @p0 $0x1  }
0x13: {  	[smem:$0x3FAB] =	sst s0;
	s0 =	simm.s32 @!p1 $0x0  }
0x14: {  	s2 =	sld [smem:$0x3F8F];
	s0 =	simm.s32 @p1 $0x1  }
0x15: {  	[smem:$0x3FAC] =	sst s0;
	s0 =	simm.s32 @!p2 $0x0  }
0x16: {  	s3 =	sld [smem:$0x3FDB];
	s0 =	simm.s32 @p2 $0x1  }
0x17: {  	s4 =	simm.s32 $0x1BF5;
	[smem:$0x3FAE] =	sst s0  }
0x18: {  	s0 =	sld [smem:$0x3F91];
	_ =	swait.ge [sflag:s4], $0x0  }
0x19: {  	s7 =	sld [smem:$0x3F92]  }
0x1a: {  	s8 =	sadd.s32 $0xFFFFE003, lr  }
0x1b: {  	s9 =	sadd.s32 $0xFFFFFEF7, lr;
	s5 =	simm.s32 $0xFFFFFFFF;
	p2 =	slt.u32 s8, $0xFFFFF086  }
0x1c: {  	p1 =	slt.u32 s9, $0xF7A;
	s5 =	simm.s32 @!p2 $0x0  }
0x1d: {  	s5 =	simm.s32 @p1 $0x1;
	p0 =	seq.s32 s7, s2  }
0x1e: {  	s7 =	smul.u32 @!p0 $0xF7A, s2;
	p2 =	seq.s32 @!p0 s5, $0x0  }
0x1f: {  	s9 =	smul.u32 $0xF7A, s1;
	s8 =	simm.s32 @!p0 $0x1BF5;
	p2 =	por !p2, p0  }
0x20: {  	[sflag:s8] =	ssyncset.s32 @!p0 $0xFFFFF086;
	s6 =	sadd.s32 @!p0 s3, s7;
	s7 =	simm.s32 @!p0 $0x108  }
0x21: {  	s3 =	sadd.s32 s3, s9;
	s6 =	sadd.s32 @!p0 $0x88, s6;
	s7 =	simm.s32 @p2 $0x1082  }
0x22: {  	[simem:s7], [sflag:s8] =	dma.local @!p0 [hbm:s6], $0xF7A  }
0x23: {  	s9 =	sor.u32 $0xD0000000, s2;
	s6 =	simm.s32 $0x108;
	_ =	swait.ge @!p0 [sflag:s8], $0x0  }
0x24: {  	s3 =	sadd.s32 $0x88, s3;
	s6 =	simm.s32 @!p1 $0x1082;
	[sflag:s4] =	ssyncset.s32 $0xFFFFF086  }
0x25: {  	[simem:s6], [sflag:s4] =	dma.local [hbm:s3], $0xF7A  }
0x26: {  	[smem:$0x3F92] =	sst s1;
	(tag) =	ssettag s2;
	_ =	strace s9  }
0x27: {  	s1 =	sld [smem:$0x3FA2]  }
0x28: {  	s2 =	sld [smem:$0x3FA3]  }
0x29: {  	s4 =	sld [smem:$0x3FA5]  }
0x2a: {  	p0 =	seq.s32 s5, $0x0;
	s5 =	sld [smem:$0x3FA6]  }
0x2b: {  	s6 =	sld [smem:$0x3FA7]  }
0x2c: {  	s7 =	sld [smem:$0x3FA8]  }
0x2d: {  	s3 =	simm.s32 $0x108;
	s8 =	sld [smem:$0x3FA9]  }
0x2e: {  	s3 =	simm.s32 @!p0 $0x1082;
	s9 =	sld [smem:$0x3FAA]  }
0x2f: {  	lr =	sadd.s32 s0, s3;
	s0 =	sld [smem:$0x3FA1]  }
0x30: {  	s3 =	sld [smem:$0x3FA4]  }
0x31: {  	[smem:$0x3FAD] =	sst s10  }
0x32: {  	s10 =	sld [smem:$0x3FAB];
	_ =	sdelay $0x3  }
0x33: {  	p0 =	seq.s32 s10, $0x1;
	s10 =	sld [smem:$0x3FAD];
	_ =	sdelay $0x3  }
0x34: {  	[smem:$0x3FAD] =	sst s10  }
0x35: {  	s10 =	sld [smem:$0x3FAC];
	_ =	sdelay $0x3  }
0x36: {  	p1 =	seq.s32 s10, $0x1;
	s10 =	sld [smem:$0x3FAD];
	_ =	sdelay $0x3  }
0x37: {  	[smem:$0x3FAD] =	sst s10  }
0x38: {  	s10 =	sld [smem:$0x3FAE]  }
0x39: {  	_ = 	snop;
	(pc) =	sbr.ind lr, $3  }
0x3a: {  	_ = 	snop  }
0x3b: {  	_ = 	snop  }
0x3c: {  	p2 =	seq.s32 s10, $0x1;
	s10 =	sld [smem:$0x3FAD]  }
0x3d: {  	_ =	shalt  }
0x3e: {  	_ =	shalt  }
0x3f: {  	_ =	shalt  }
0x40: {  	_ =	shalt  }
0x41: {  	_ =	shalt  }
0x42: {  	_ =	shalt  }
0x43: {  	_ =	shalt  }
0x44: {  	_ =	shalt  }
0x45: {  	_ =	shalt  }
0x46: {  	_ =	shalt  }
0x47: {  	_ =	shalt  }
0x48: {  	_ =	shalt  }
0x49: {  	_ =	shalt  }
0x4a: {  	_ =	shalt  }
0x4b: {  	_ =	shalt  }
0x4c: {  	_ =	shalt  }
0x4d: {  	_ =	shalt  }
0x4e: {  	_ =	shalt  }
0x4f: {  	_ =	shalt  }
0x50: {  	_ =	shalt  }
0x51: {  	_ =	shalt  }
0x52: {  	_ =	shalt  }
0x53: {  	_ =	shalt  }
0x54: {  	_ =	shalt  }
0x55: {  	_ =	shalt  }
0x56: {  	_ =	shalt  }
0x57: {  	_ =	shalt  }
0x58: {  	_ =	shalt  }
0x59: {  	_ =	shalt  }
0x5a: {  	_ =	shalt  }
0x5b: {  	_ =	shalt  }
0x5c: {  	_ =	shalt  }
0x5d: {  	_ =	shalt  }
0x5e: {  	_ =	shalt  }
0x5f: {  	_ =	shalt  }
0x60: {  	_ =	shalt  }
0x61: {  	_ =	shalt  }
0x62: {  	_ =	shalt  }
0x63: {  	_ =	shalt  }
0x64: {  	_ =	shalt  }
0x65: {  	_ =	shalt  }
0x66: {  	_ =	shalt  }
0x67: {  	_ =	shalt  }
0x68: {  	_ =	shalt  }
0x69: {  	_ =	shalt  }
0x6a: {  	_ =	shalt  }
0x6b: {  	_ =	shalt  }
0x6c: {  	_ =	shalt  }
0x6d: {  	_ =	shalt  }
0x6e: {  	_ =	shalt  }
0x6f: {  	_ =	shalt  }
0x70: {  	_ =	shalt  }
0x71: {  	_ =	shalt  }
0x72: {  	_ =	shalt  }
0x73: {  	_ =	shalt  }
0x74: {  	_ =	shalt  }
0x75: {  	_ =	shalt  }
0x76: {  	_ =	shalt  }
0x77: {  	_ =	shalt  }
0x78: {  	_ =	shalt  }
0x79: {  	_ =	shalt  }
0x7a: {  	_ =	shalt  }
0x7b: {  	_ =	shalt  }
0x7c: {  	_ =	shalt  }
0x7d: {  	_ =	shalt  }
0x7e: {  	_ =	shalt  }
0x7f: {  	_ =	shalt  }
0x80: {  	_ =	shalt  }
0x81: {  	_ =	shalt  }
0x82: {  	_ =	shalt  }
0x83: {  	_ =	shalt  }
0x84: {  	_ =	shalt  }
0x85: {  	_ =	shalt  }
0x86: {  	_ =	shalt  }
0x87: {  	_ =	shalt  }
.Lfunc_end0:
.L_simem_size_0:
called_computation_lowered:
.L_overlay_start_0:
0x88: {  	s2 =	sld [smem:$0x3FD9]  }
0x89: {  	s3 =	sld [smem:$0x3FFE];
	_ =	sdelay $0x1  }
0x8a: {  	s1 =	srdreg.scid  }
0x8b: {  	s0 =	sand.u32 $0x1, s1  }
0x8c: {  	s17 =	sshll.u32 s0, $0xA;
	s2 =	sadd.s32 s3, s2  }
0x8d: {  	s2 =	sadd.s32 s2, s17  }
0x8e: {  	[smem:$0x3FB9] =	sst s2  }
0x8f: {  	_ = 	snop  }
0x90: {  	s2 =	sld [smem:$0x3FD0];
	(tm) =	ssettm $0x1  }
0x91: {  	s18 =	sld [smem:$0x3FFB];
	_ =	sdelay $0x3  }
0x92: {  	_ =	strace s18  }
0x93: {  	s3 =	sld [smem:$0x3FFC];
	_ =	sdelay $0x3  }
0x94: {  	_ =	strace s3  }
0x95: {  	s3 =	sld [smem:$0x3FFD];
	_ =	sdelay $0x3  }
0x96: {  	_ =	strace s3  }
0x97: {  	_ =	strace $0x8FFFFFFF  }
0x98: {  	s19 =	sld [smem:$0x3FDB];
	_ =	sdelay $0x1  }
0x99: {  	s4 =	simm.s32 $_scs_section_size  }
0x9a: {  	s5 =	simm.s32 $_size__tile_overlayer_lowered;
	s6 =	simm.s32 $_tile_overlayer_lowered  }
0x9b: {  	s22 =	simm.s32 $0x1BFF;
	s21 =	sshll.u32 s6, $0x1;
	s3 =	sadd.s32 s4, s19  }
0x9c: {  	s7 =	simm.s32 $0x0;
	s20 =	sshll.u32 s5, $0x1;
	s5 =	sadd.s32 s21, s3  }
0x9d: {  	[timem:s7], [sflag:s22] =	dma.local [hbm:s5], s20  }
0x9e: {  	_ =	swait.ge [sflag:s22], s20  }
0x9f: {  	s4 =	ssub.s32 $0x0, s20;
	[sflag:s22] =	ssyncset.done $0x0  }
0xa0: {  	[sflag:s22] =	ssyncadd.s32 s4;
	_ =	sdelay $0x1  }
0xa1: {  	s23 =	simm.s32 $0x1B8B  }
0xa2: {  	_ =	swait.ge [sflag:s23], $0x1  }
0xa3: {  	[sflag:s23] =	ssyncset.done $0x0  }
0xa4: {  	s25 =	simm.s32 $0x1B8E;
	s24 =	sld [smem:$0x3FFE];
	[sflag:s23] =	ssyncadd.s32 $0xFFFFFFFF  }
0xa5: {  	s26 =	simm.s32 $execute0_lowered;
	[smem:$0x3FD2] =	sst s25  }
0xa6: {  	s5 =	sshll.u32 s26, $0x1;
	_ =	strace $0x80000046;
	[dreg:$0x1] =	wrdreg $0xFFFFFFFF  }
0xa7: {  	s28 =	simm.s32 $_size_execute0_lowered;
	s3 =	sadd.s32 s3, s5;
	[dreg:$0x0] =	wrdreg $0x0  }
0xa8: {  	s5 =	sshll.u32 s28, $0x1;
	[dreg:$0x2] =	wrdreg s3  }
0xa9: {  	[dreg:$0x3] =	wrdreg s5  }
0xaa: {  	[dreg:$0x4] =	wrdreg $0xC0  }
0xab: {  	_ =	task [dreg:s7], $0x5FFFF  }
0xac: {  	[dreg:$0x1] =	wrdreg $0xFFFFFFFF  }
0xad: {  	[dreg:$0x0] =	wrdreg $0x60  }
0xae: {  	[dreg:$0x2] =	wrdreg s24  }
0xaf: {  	[dreg:$0x3] =	wrdreg s2  }
0xb0: {  	[dreg:$0x4] =	wrdreg $0x2BE80  }
0xb1: {  	[dreg:$0x5] =	wrdreg $0x9  }
0xb2: {  	_ =	task.clear_ibuf [dreg:s7], $0x6FFFF;
	_ =	strace $0x90000046  }
0xb3: {  	s29 =	simm.s32 $0x9;
	_ =	strace $0x80000048  }
0xb4: {  	_ =	swait.ge [sflag:s29], $0x1  }
0xb5: {  	[sflag:s29] =	ssyncadd.s32 $0xFFFFFFFF  }
0xb6: {  	_ =	strace $0x90000048  }
0xb7: {  	_ =	sfence  }
0xb8: {  	s30 =	sld [smem:$0x0];
	_ =	sdelay $0x2  }
0xb9: {  	s31 =	sshll.u32 s1, $0xD;
	s1 =	sshrl.u32 s1, $0x2  }
0xba: {  	s3 =	sand.u32 $0x4000, s31;
	s1 =	sadd.s32 s1, s30  }
0xbb: {  	s0 =	sor.u32 s3, s0;
	s1 =	sshll.u32 s1, $0x11  }
0xbc: {  	s0 =	sor.u32 s1, s0  }
0xbd: {  	s0 =	sadd.s32 $0x8F2B, s0  }
0xbe: {  	[sflag:s0] =	ssyncadd.remote.s32 $0x1  }
0xbf: {  	_ =	sfence.sel $0xFFFF  }
0xc0: {  	[dreg:$0x0] =	wrdreg $0xFFFFFFFF;
	(pc) =	sbr.abs _section_cstart, $3  }
0xc1: {  	[dreg:$0x1] =	wrdreg $0xFFFFFFFF  }
0xc2: {  	_ =	task.clear_ibuf [dreg:s7], $0x2FFFF;
	_ =	strace $0x9FFFFFFF  }
0xc3: {  	(tm) =	ssettm $0x7FFFFFFF  }
tec
execute0_lowered:
.L_overlay_start_1:
0x0: {  	(tag) =	ssettag $0x1  }
0x1: {  	s7 =	rddreg [dreg:$0x0]  }
0x2: {  	s1 =	rddreg [dreg:$0x1]  }
0x3: {  	s0 =	srdreg.scid;
	s3 =	rddreg [dreg:$0x2]  }
0x4: {  	s2 =	stileid.u32;
	s4 =	simm.s32 $0x0;
	s17 =	simm.s32 $0x0  }
0x5: {  	s5 =	sand.u32 $0x1, s0;
	s0 =	rddreg [dreg:$0x3];
	s8 =	smul.u32 $0x1380, s2  }
0x6: {  	[smem:$0x7FF] =	sst s4;
	s12 =	sadd.s32 $0xFA00, s7;
	s29 =	sshll.u32 s2, $0x6  }
0x7: {  	s15 =	sadd.s32 $0x13800, s3;
	p0 =	sne.s32 s2, $0xF;
	s6 =	sshll.u32 s5, $0x4  }
0x8: {  	_ =	strace $0x80000047;
	s10 =	ssub.s32 $0x2, s5;
	s28 =	smul.u32 $0x13880, s5  }
0x9: {  	s6 =	sor.u32 s2, s6;
	s9 =	sshrl.u32 s8, $0x3;
	s26 =	sshrl.u32 s10, $0x1  }
0xa: {  	s14 =	sadd.s32 s8, s3;
	s6 =	smul.u32 $0x500, s6;
	s25 =	sadd.s32 s9, s7  }
0xb: {  	s13 =	ssub.s32 s10, s26;
	s8 =	sadd.s32 s8, s28;
	s16 =	sshrl.u32 s28, $0x3  }
0xc: {  	s5 =	sadd.s32 $0xD200, s25;
	s30 =	sshrl.u32 s8, $0x3;
	s31 =	sadd.s32 s12, s16  }
0xd: {  	s16 =	simm.s32 $0x7D;
	s11 =	sadd.s32 s6, s7;
	s6 =	sor.u32 $0x1C01, s29  }
0xe: {  	s7 =	sadd.s32 $0xF900, s7;
	s9 =	sadd.s32 s12, s30;
	s10 =	sadd.s32 $0x2700, s31  }
0xf: {  	s12 =	sshrl.u32 s14, $0x3;
	s14 =	sshrl.u32 @!p0 s15, $0x3;
	s15 =	simm.s32 $0x2800  }
0x10: {  	s8 =	sadd.s32 $0x3200, s11;
	s11 =	smax.u32 s13, $0x1;
	s13 =	simm.s32 $0x1  }
.LBB2_1:
0x11: {  	[spmem:s12], [sflag:s6] =	dma.local [hbm:s5], $0x270  }
0x12: {  	_ =	swait.ge [sflag:s13], $0x270  }
0x13: {  	[sflag:s13] =	ssyncset.done $0x0  }
0x14: {  	s18 =	simm.s32 @!p0 $0x1;
	[sflag:s13] =	ssyncadd.s32 $0xFFFFFD90  }
0x15: {  	[spmem:s14], [sflag:s6] =	dma.local @!p0 [hbm:s7], $0x10  }
0x16: {  	_ =	swait.ge @!p0 [sflag:s18], $0x10  }
0x17: {  	[sflag:s18] =	ssyncset.done @!p0 $0x0  }
0x18: {  	[sflag:s18] =	ssyncadd.s32 @!p0 $0xFFFFFFF0  }
0x19: {  	[tilespmem:s4], [sflag:$0x1] =	stream.linear.gather [hbm4b:s8+s4], $0x2800, $0x38;
	[tilespmem:$0x3F70] =	vst v63  }
0x1a: {  	_ =	swait.ge [sflag:s13], $0x2800  }
0x1b: {  	[sflag:s13] =	ssyncset.done $0x0  }
0x1c: {  	[sflag:s13] =	ssyncadd.s32 $0xFFFFD800  }
0x1d: {  	[tilespmem:s15], [sflag:$0x1] =	stream.linear.gather [hbm4b:s1+s4], $0x3E8, $0x38;
	[tilespmem:$0x3F70] =	vst v63  }
0x1e: {  	_ =	swait.ge [sflag:s13], $0x3E8  }
0x1f: {  	[sflag:s13] =	ssyncset.done $0x0  }
0x20: {  	[sflag:s13] =	ssyncadd.s32 $0xFFFFFC18  }
0x21: {  	s31 =	simm.s32 $0x0;
	[bflag:$0x0] =	sbarrier.arrive $0xFFFF  }
0x22: {  	[spmem:s3] =	stream.indirect.scatter.add.f32 [tilespmem:s15], [sflag:$0x1], $0x8, s31, s16, $0xb8;
	[tilespmem:$0x3F70] =	vst v63  }
0x23: {  	_ =	swait.ge [sflag:s13], $0x3E8  }
0x24: {  	s18 =	simm.s32 $0x200;
	[sflag:s13] =	ssyncset.done $0x0  }
.LBB2_2:
0x25: {  	s19 =	sshra.s32 s18, $0x2;
	[sflag:s13] =	ssyncadd.s32 $0xFFFFFC18;
	p1 =	sne.s32 s18, $0x9E00  }
0x26: {  	[spmem:s3] =	stream.indirect.scatter.add.f32 [tilespmem:s15], [sflag:$0x1], $0x8, s19, s16, $0xb8;
	[tilespmem:$0x3F70] =	vst v63  }
.Ltmp0:
0x27: {  	_ = 	snop;
	(pc) =	sbr.rel @p1 .LBB2_2-.Ltmp0, $4  }
0x28: {  	_ = 	snop  }
0x29: {  	s18 =	sadd.s32 $0x200, s18  }
0x2a: {  	_ =	swait.ge [sflag:s13], $0x3E8  }
0x2b: {  	[sflag:s13] =	ssyncset.done $0x0  }
0x2c: {  	[sflag:s13] =	ssyncadd.s32 $0xFFFFFC18  }
0x2d: {  	[bflag:$0x0] =	sbarrier.arrive $0xFFFF  }
0x2e: {  	[hbm:s9], [sflag:s6] =	dma.local [spmem:s12], $0x270  }
0x2f: {  	s17 =	sadd.s32 $0x1, s17;
	_ =	swait.ge [sflag:s13], $0x270  }
0x30: {  	p1 =	sne.s32 s17, s11;
	[sflag:s13] =	ssyncset.done $0x0  }
.Ltmp1:
0x31: {  	s18 =	simm.s32 @!p0 $0x1;
	[sflag:s13] =	ssyncadd.s32 $0xFFFFFD90;
	(pc) =	sbr.rel @p1 .LBB2_1-.Ltmp1, $4  }
0x32: {  	[hbm:s10], [sflag:s6] =	dma.local @!p0 [spmem:s14], $0x10  }
0x33: {  	_ =	swait.ge @!p0 [sflag:s18], $0x10  }
0x34: {  	[sflag:s18] =	ssyncset.done @!p0 $0x0  }
0x35: {  	[sflag:s18] =	ssyncadd.s32 @!p0 $0xFFFFFFF0  }
0x36: {  	_ =	sfence.sel $0x180000  }
0x37: {  	[bflag:$0x0] =	sbarrier.arrive $0xFFFF  }
0x38: {  	p0 =	sne.s32 s2, $0x0;
	_ =	strace $0x90000047  }
0x39: {  	s0 =	sadd.s32 @!p0 $0x100000, s0;
	[bflag:$0x2] =	sbarrier.arrive $0xFFFF  }
0x3a: {  	[sflag:s0] =	ssyncadd.tile.s32 @!p0 $0x1;
	_ =	shalt  }
.Lfunc_end2:
_tile_overlayer_lowered:
.L_overlay_start_2:
0x3b: {  	(tag) =	ssettag $0x2  }
0x3c: {  	s0 =	rddreg [dreg:$0x0];
	s2 =	stileid.u32  }
0x3d: {  	s1 =	rddreg [dreg:$0x1];
	p0 =	sne.s32 s2, $0x0  }
0x3e: {  	s3 =	rddreg [dreg:$0x2];
	[bflag:$0x3] =	sbarrier.arrive $0xFFFF;
	s2 =	simm.s32 @!p0 $0x1C01  }
0x3f: {  	[timem:s3], [sflag:s2] =	dma.local @!p0 [hbm:s0], s1  }
0x40: {  	s0 =	simm.s32 @!p0 $0x1  }
0x41: {  	_ =	swait.ge @!p0 [sflag:s0], s1  }
0x42: {  	s1 =	ssub.s32 @!p0 $0x0, s1;
	[sflag:s0] =	ssyncset.done @!p0 $0x0  }
0x43: {  	[sflag:s0] =	ssyncadd.s32 @!p0 s1  }
0x44: {  	[bflag:$0x3] =	sbarrier.arrive $0xFFFF  }
0x45: {  	_ =	shalt  }

// kernel: kernel.13.cloned.1.call-start
scs
__scs_entry_jumppad:
0x0: {  	(pc) =	sbr.rel $0x88, $3  }
0x1: {  	(tag) =	ssettag $0x0;
	lr =	simm.s32 $0x1  }
0x2: {  	[smem:$0x3F92] =	sst lr;
	_ =	strace $0xD0000000  }
0x3: {  	_ = 	snop  }
0x4: {  	_ = 	snop  }
0x5: {  	_ = 	snop  }
0x6: {  	_ = 	snop  }
0x7: {  	_ = 	snop  }
__scs_overlays_trampoline_lowered:
0x8: {  	[smem:$0x3FA1] =	sst s0  }
0x9: {  	[smem:$0x3FA2] =	sst s1  }
0xa: {  	[smem:$0x3FA3] =	sst s2  }
0xb: {  	[smem:$0x3FA4] =	sst s3  }
0xc: {  	[smem:$0x3FA5] =	sst s4  }
0xd: {  	[smem:$0x3FA6] =	sst s5  }
0xe: {  	[smem:$0x3FA7] =	sst s6  }
0xf: {  	[smem:$0x3FA8] =	sst s7  }
0x10: {  	[smem:$0x3FA9] =	sst s8  }
0x11: {  	[smem:$0x3FAA] =	sst s9;
	s0 =	simm.s32 @!p0 $0x0  }
0x12: {  	s1 =	sld [smem:$0x3F90];
	s0 =	simm.s32 @p0 $0x1  }
0x13: {  	[smem:$0x3FAB] =	sst s0;
	s0 =	simm.s32 @!p1 $0x0  }
0x14: {  	s2 =	sld [smem:$0x3F8F];
	s0 =	simm.s32 @p1 $0x1  }
0x15: {  	[smem:$0x3FAC] =	sst s0;
	s0 =	simm.s32 @!p2 $0x0  }
0x16: {  	s3 =	sld [smem:$0x3FDB];
	s0 =	simm.s32 @p2 $0x1  }
0x17: {  	s4 =	simm.s32 $0x1BF5;
	[smem:$0x3FAE] =	sst s0  }
0x18: {  	s0 =	sld [smem:$0x3F91];
	_ =	swait.ge [sflag:s4], $0x0  }
0x19: {  	s7 =	sld [smem:$0x3F92]  }
0x1a: {  	s8 =	sadd.s32 $0xFFFFE003, lr  }
0x1b: {  	s9 =	sadd.s32 $0xFFFFFEF7, lr;
	s5 =	simm.s32 $0xFFFFFFFF;
	p2 =	slt.u32 s8, $0xFFFFF086  }
0x1c: {  	p1 =	slt.u32 s9, $0xF7A;
	s5 =	simm.s32 @!p2 $0x0  }
0x1d: {  	s5 =	simm.s32 @p1 $0x1;
	p0 =	seq.s32 s7, s2  }
0x1e: {  	s7 =	smul.u32 @!p0 $0xF7A, s2;
	p2 =	seq.s32 @!p0 s5, $0x0  }
0x1f: {  	s9 =	smul.u32 $0xF7A, s1;
	s8 =	simm.s32 @!p0 $0x1BF5;
	p2 =	por !p2, p0  }
0x20: {  	[sflag:s8] =	ssyncset.s32 @!p0 $0xFFFFF086;
	s6 =	sadd.s32 @!p0 s3, s7;
	s7 =	simm.s32 @!p0 $0x108  }
0x21: {  	s3 =	sadd.s32 s3, s9;
	s6 =	sadd.s32 @!p0 $0x88, s6;
	s7 =	simm.s32 @p2 $0x1082  }
0x22: {  	[simem:s7], [sflag:s8] =	dma.local @!p0 [hbm:s6], $0xF7A  }
0x23: {  	s9 =	sor.u32 $0xD0000000, s2;
	s6 =	simm.s32 $0x108;
	_ =	swait.ge @!p0 [sflag:s8], $0x0  }
0x24: {  	s3 =	sadd.s32 $0x88, s3;
	s6 =	simm.s32 @!p1 $0x1082;
	[sflag:s4] =	ssyncset.s32 $0xFFFFF086  }
0x25: {  	[simem:s6], [sflag:s4] =	dma.local [hbm:s3], $0xF7A  }
0x26: {  	[smem:$0x3F92] =	sst s1;
	(tag) =	ssettag s2;
	_ =	strace s9  }
0x27: {  	s1 =	sld [smem:$0x3FA2]  }
0x28: {  	s2 =	sld [smem:$0x3FA3]  }
0x29: {  	s4 =	sld [smem:$0x3FA5]  }
0x2a: {  	p0 =	seq.s32 s5, $0x0;
	s5 =	sld [smem:$0x3FA6]  }
0x2b: {  	s6 =	sld [smem:$0x3FA7]  }
0x2c: {  	s7 =	sld [smem:$0x3FA8]  }
0x2d: {  	s3 =	simm.s32 $0x108;
	s8 =	sld [smem:$0x3FA9]  }
0x2e: {  	s3 =	simm.s32 @!p0 $0x1082;
	s9 =	sld [smem:$0x3FAA]  }
0x2f: {  	lr =	sadd.s32 s0, s3;
	s0 =	sld [smem:$0x3FA1]  }
0x30: {  	s3 =	sld [smem:$0x3FA4]  }
0x31: {  	[smem:$0x3FAD] =	sst s10  }
0x32: {  	s10 =	sld [smem:$0x3FAB];
	_ =	sdelay $0x3  }
0x33: {  	p0 =	seq.s32 s10, $0x1;
	s10 =	sld [smem:$0x3FAD];
	_ =	sdelay $0x3  }
0x34: {  	[smem:$0x3FAD] =	sst s10  }
0x35: {  	s10 =	sld [smem:$0x3FAC];
	_ =	sdelay $0x3  }
0x36: {  	p1 =	seq.s32 s10, $0x1;
	s10 =	sld [smem:$0x3FAD];
	_ =	sdelay $0x3  }
0x37: {  	[smem:$0x3FAD] =	sst s10  }
0x38: {  	s10 =	sld [smem:$0x3FAE]  }
0x39: {  	_ = 	snop;
	(pc) =	sbr.ind lr, $3  }
0x3a: {  	_ = 	snop  }
0x3b: {  	_ = 	snop  }
0x3c: {  	p2 =	seq.s32 s10, $0x1;
	s10 =	sld [smem:$0x3FAD]  }
0x3d: {  	_ =	shalt  }
0x3e: {  	_ =	shalt  }
0x3f: {  	_ =	shalt  }
0x40: {  	_ =	shalt  }
0x41: {  	_ =	shalt  }
0x42: {  	_ =	shalt  }
0x43: {  	_ =	shalt  }
0x44: {  	_ =	shalt  }
0x45: {  	_ =	shalt  }
0x46: {  	_ =	shalt  }
0x47: {  	_ =	shalt  }
0x48: {  	_ =	shalt  }
0x49: {  	_ =	shalt  }
0x4a: {  	_ =	shalt  }
0x4b: {  	_ =	shalt  }
0x4c: {  	_ =	shalt  }
0x4d: {  	_ =	shalt  }
0x4e: {  	_ =	shalt  }
0x4f: {  	_ =	shalt  }
0x50: {  	_ =	shalt  }
0x51: {  	_ =	shalt  }
0x52: {  	_ =	shalt  }
0x53: {  	_ =	shalt  }
0x54: {  	_ =	shalt  }
0x55: {  	_ =	shalt  }
0x56: {  	_ =	shalt  }
0x57: {  	_ =	shalt  }
0x58: {  	_ =	shalt  }
0x59: {  	_ =	shalt  }
0x5a: {  	_ =	shalt  }
0x5b: {  	_ =	shalt  }
0x5c: {  	_ =	shalt  }
0x5d: {  	_ =	shalt  }
0x5e: {  	_ =	shalt  }
0x5f: {  	_ =	shalt  }
0x60: {  	_ =	shalt  }
0x61: {  	_ =	shalt  }
0x62: {  	_ =	shalt  }
0x63: {  	_ =	shalt  }
0x64: {  	_ =	shalt  }
0x65: {  	_ =	shalt  }
0x66: {  	_ =	shalt  }
0x67: {  	_ =	shalt  }
0x68: {  	_ =	shalt  }
0x69: {  	_ =	shalt  }
0x6a: {  	_ =	shalt  }
0x6b: {  	_ =	shalt  }
0x6c: {  	_ =	shalt  }
0x6d: {  	_ =	shalt  }
0x6e: {  	_ =	shalt  }
0x6f: {  	_ =	shalt  }
0x70: {  	_ =	shalt  }
0x71: {  	_ =	shalt  }
0x72: {  	_ =	shalt  }
0x73: {  	_ =	shalt  }
0x74: {  	_ =	shalt  }
0x75: {  	_ =	shalt  }
0x76: {  	_ =	shalt  }
0x77: {  	_ =	shalt  }
0x78: {  	_ =	shalt  }
0x79: {  	_ =	shalt  }
0x7a: {  	_ =	shalt  }
0x7b: {  	_ =	shalt  }
0x7c: {  	_ =	shalt  }
0x7d: {  	_ =	shalt  }
0x7e: {  	_ =	shalt  }
0x7f: {  	_ =	shalt  }
0x80: {  	_ =	shalt  }
0x81: {  	_ =	shalt  }
0x82: {  	_ =	shalt  }
0x83: {  	_ =	shalt  }
0x84: {  	_ =	shalt  }
0x85: {  	_ =	shalt  }
0x86: {  	_ =	shalt  }
0x87: {  	_ =	shalt  }
.Lfunc_end0:
.L_simem_size_0:
called_computation.1_lowered:
.L_overlay_start_0:
0x88: {  	s2 =	sld [smem:$0x3FD9]  }
0x89: {  	s3 =	sld [smem:$0x3FFE];
	_ =	sdelay $0x1  }
0x8a: {  	s1 =	srdreg.scid  }
0x8b: {  	s0 =	sand.u32 $0x1, s1  }
0x8c: {  	s16 =	sshll.u32 s0, $0xA;
	s2 =	sadd.s32 s3, s2  }
0x8d: {  	s2 =	sadd.s32 s2, s16  }
0x8e: {  	[smem:$0x3FB9] =	sst s2  }
0x8f: {  	_ = 	snop  }
0x90: {  	(tm) =	ssettm $0x1  }
0x91: {  	s17 =	sld [smem:$0x3FFB];
	_ =	sdelay $0x3  }
0x92: {  	_ =	strace s17  }
0x93: {  	s2 =	sld [smem:$0x3FFC];
	_ =	sdelay $0x3  }
0x94: {  	_ =	strace s2  }
0x95: {  	s2 =	sld [smem:$0x3FFD];
	_ =	sdelay $0x3  }
0x96: {  	_ =	strace s2  }
0x97: {  	_ =	strace $0x8FFFFFFF  }
0x98: {  	s18 =	sld [smem:$0x3FDB];
	_ =	sdelay $0x1  }
0x99: {  	s19 =	simm.s32 $_scs_section_size  }
0x9a: {  	s4 =	simm.s32 $_size__tile_overlayer_lowered;
	s5 =	simm.s32 $_tile_overlayer_lowered  }
0x9b: {  	s22 =	simm.s32 $0x1BFF;
	s21 =	sshll.u32 s5, $0x1;
	s2 =	sadd.s32 s19, s18  }
0x9c: {  	s6 =	simm.s32 $0x0;
	s20 =	sshll.u32 s4, $0x1;
	s4 =	sadd.s32 s21, s2  }
0x9d: {  	[timem:s6], [sflag:s22] =	dma.local [hbm:s4], s20  }
0x9e: {  	_ =	swait.ge [sflag:s22], s20  }
0x9f: {  	s3 =	ssub.s32 $0x0, s20;
	[sflag:s22] =	ssyncset.done $0x0  }
0xa0: {  	[sflag:s22] =	ssyncadd.s32 s3;
	_ =	sdelay $0x1  }
0xa1: {  	s23 =	simm.s32 $0x1B8B  }
0xa2: {  	_ =	swait.ge [sflag:s23], $0x1  }
0xa3: {  	[sflag:s23] =	ssyncset.done $0x0  }
0xa4: {  	s25 =	simm.s32 $0x1B8E;
	s24 =	sld [smem:$0x3FFE];
	[sflag:s23] =	ssyncadd.s32 $0xFFFFFFFF  }
0xa5: {  	s26 =	simm.s32 $execute0_lowered;
	[smem:$0x3FD2] =	sst s25  }
0xa6: {  	s4 =	sshll.u32 s26, $0x1;
	_ =	strace $0x80000049;
	[dreg:$0x1] =	wrdreg $0xFFFFFFFF  }
0xa7: {  	s28 =	simm.s32 $_size_execute0_lowered;
	s2 =	sadd.s32 s2, s4;
	[dreg:$0x0] =	wrdreg $0x0  }
0xa8: {  	s4 =	sshll.u32 s28, $0x1;
	[dreg:$0x2] =	wrdreg s2  }
0xa9: {  	[dreg:$0x3] =	wrdreg s4  }
0xaa: {  	[dreg:$0x4] =	wrdreg $0xC0  }
0xab: {  	_ =	task [dreg:s6], $0x5FFFF  }
0xac: {  	[dreg:$0x1] =	wrdreg $0xFFFFFFFF  }
0xad: {  	[dreg:$0x0] =	wrdreg $0x60  }
0xae: {  	[dreg:$0x2] =	wrdreg s24  }
0xaf: {  	[dreg:$0x3] =	wrdreg $0x13C400  }
0xb0: {  	[dreg:$0x4] =	wrdreg $0x9  }
0xb1: {  	_ =	task.clear_ibuf [dreg:s6], $0x5FFFF;
	_ =	strace $0x90000049  }
0xb2: {  	s29 =	simm.s32 $0x9;
	_ =	strace $0x8000004B  }
0xb3: {  	_ =	swait.ge [sflag:s29], $0x1  }
0xb4: {  	[sflag:s29] =	ssyncadd.s32 $0xFFFFFFFF  }
0xb5: {  	_ =	strace $0x9000004B  }
0xb6: {  	_ =	sfence  }
0xb7: {  	s30 =	sld [smem:$0x0];
	_ =	sdelay $0x2  }
0xb8: {  	s31 =	sshll.u32 s1, $0xD;
	s1 =	sshrl.u32 s1, $0x2  }
0xb9: {  	s3 =	sand.u32 $0x4000, s31;
	s1 =	sadd.s32 s1, s30  }
0xba: {  	s0 =	sor.u32 s3, s0;
	s1 =	sshll.u32 s1, $0x11  }
0xbb: {  	s0 =	sor.u32 s1, s0  }
0xbc: {  	s0 =	sadd.s32 $0x8F2B, s0  }
0xbd: {  	[sflag:s0] =	ssyncadd.remote.s32 $0x1  }
0xbe: {  	_ =	sfence.sel $0xFFFF  }
0xbf: {  	[dreg:$0x0] =	wrdreg $0xFFFFFFFF;
	(pc) =	sbr.abs _section_cstart, $3  }
0xc0: {  	[dreg:$0x1] =	wrdreg $0xFFFFFFFF  }
0xc1: {  	_ =	task.clear_ibuf [dreg:s6], $0x2FFFF;
	_ =	strace $0x9FFFFFFF  }
0xc2: {  	(tm) =	ssettm $0x7FFFFFFF  }
0xc3: {  	_ =	shalt  }
tec
execute0_lowered:
.L_overlay_start_1:
0x0: {  	(tag) =	ssettag $0x1  }
0x1: {  	s0 =	rddreg [dreg:$0x0]  }
0x2: {  	s2 =	rddreg [dreg:$0x1]  }
0x3: {  	s1 =	simm.s32 $0x0;
	s15 =	stileid.u32;
	s4 =	srdreg.scid  }
0x4: {  	s29 =	simm.s32 $0x11D00;
	s30 =	simm.s32 $0x1;
	s31 =	simm.s32 $0x6  }
0x5: {  	s17 =	simm.s32 $0x7;
	s28 =	simm.s32 $0x0;
	s18 =	smul.u32 $0x9C00, s15  }
0x6: {  	[smem:$0x7FF] =	sst s1;
	s6 =	smul.u32 $0xA00, s15;
	s4 =	sand.u32 $0x1, s4  }
0x7: {  	s8 =	sadd.s32 $0xC4E00, s0;
	s11 =	sadd.s32 $0x126A00, s0;
	s13 =	smul.u32 $0x27000, s15  }
0x8: {  	s20 =	sadd.s32 $0x9C000, s2;
	p0 =	sne.s32 s15, $0xF;
	_ =	strace $0x8000004A  }
0x9: {  	s7 =	ssub.s32 $0x2, s4;
	s14 =	sshll.u32 s4, $0x7;
	[dreg:$0x5] =	wrdreg s20  }
0xa: {  	s22 =	sshll.u32 s4, $0x4;
	s20 =	simm.s32 $0xA000;
	s4 =	simm.s32 $0x8  }
0xb: {  	s5 =	sshrl.u32 s18, $0x3;
	s6 =	sadd.s32 s6, s0;
	s9 =	sshrl.u32 s7, $0x1  }
0xc: {  	s21 =	sor.u32 s14, s13;
	s10 =	sadd.s32 s8, s22;
	s23 =	sor.u32 $0x40, s14  }
0xd: {  	s5 =	sadd.s32 s5, s0;
	s12 =	ssub.s32 s7, s9;
	s19 =	sadd.s32 $0x14A00, s6  }
0xe: {  	s6 =	sadd.s32 $0x1EA00, s6;
	s9 =	sadd.s32 $0x126800, s0;
	s1 =	sshrl.u32 s21, $0x3  }
0xf: {  	s0 =	sadd.s32 s22, s11;
	s24 =	sshrl.u32 s23, $0x3;
	[dreg:$0x3] =	wrdreg s19  }
0x10: {  	s22 =	simm.s32 $0xBF40;
	[dreg:$0x4] =	wrdreg s6;
	s6 =	sadd.s32 s18, s2  }
0x11: {  	s7 =	sadd.s32 $0x113000, s5;
	s1 =	sadd.s32 s11, s1;
	s25 =	sadd.s32 $0x4E000, s0  }
0x12: {  	s0 =	sadd.s32 $0x4E008, s0;
	s26 =	smax.u32 s12, $0x1;
	[dreg:$0x6] =	wrdreg s1  }
0x13: {  	s18 =	simm.s32 $0xB;
	s19 =	simm.s32 $0x7D;
	[dreg:$0x7] =	wrdreg s25  }
0x14: {  	s5 =	simm.s32 $0x4;
	s12 =	simm.s32 $0xA;
	[dreg:$0x9] =	wrdreg s0  }
0x15: {  	s1 =	sor.u32 s13, s23;
	s13 =	sadd.s32 s8, s24;
	[dreg:$0xa] =	wrdreg s26  }
0x16: {  	s24 =	simm.s32 $0xDE80;
	s26 =	simm.s32 $0xFDC0;
	s1 =	sshrl.u32 s1, $0x3  }
0x17: {  	s0 =	simm.s32 $0x2;
	s8 =	simm.s32 $0x9;
	s1 =	sadd.s32 s11, s1  }
0x18: {  	s11 =	simm.s32 $0x5;
	[dreg:$0x8] =	wrdreg s1;
	s1 =	simm.s32 $0x3  }
.LBB2_1:
0x19: {  	s14 =	rddreg [dreg:$0x3];
	s3 =	simm.s32 $0x0;
	s15 =	simm.s32 $0x5000  }
0x1a: {  	[tilespmem:s15], [sflag:$0xB] =	stream.linear.gather [hbm4b:s14+s3], $0x5000, $0x38;
	[tilespmem:$0x1D880] =	vst v63  }
0x1b: {  	_ =	swait.ge [sflag:s18], $0x5000  }
0x1c: {  	[sflag:s18] =	ssyncset.done $0x0  }
0x1d: {  	s21 =	rddreg [dreg:$0x4];
	[sflag:s18] =	ssyncadd.s32 $0xFFFFB000  }
0x1e: {  	[tilespmem:s3], [sflag:$0xB] =	stream.linear.gather [hbm4b:s21+s3], $0x5000, $0x38;
	[tilespmem:$0x1D880] =	vst v63  }
0x1f: {  	s23 =	stileid.u32;
	_ =	swait.ge [sflag:s18], $0x5000  }
0x20: {  	s14 =	sshll.u32 s23, $0x6;
	[sflag:s18] =	ssyncset.done $0x0  }
0x21: {  	s15 =	sshrl.u32 s6, $0x3;
	s14 =	sor.u32 $0x1C0B, s14;
	[sflag:s18] =	ssyncadd.s32 $0xFFFFB000  }
0x22: {  	[spmem:s15], [sflag:s14] =	dma.local [hbm:s7], $0x1380  }
0x23: {  	_ =	swait.ge [sflag:s18], $0x1380  }
0x24: {  	[sflag:s18] =	ssyncset.done $0x0;
	s16 =	rddreg [dreg:$0x5]  }
0x25: {  	[sflag:s18] =	ssyncadd.s32 $0xFFFFEC80;
	s21 =	sshrl.u32 @!p0 s16, $0x3;
	s16 =	simm.s32 @!p0 $0xB  }
0x26: {  	[spmem:s21], [sflag:s14] =	dma.local @!p0 [hbm:s9], $0x80  }
0x27: {  	_ =	swait.ge @!p0 [sflag:s16], $0x80  }
0x28: {  	[sflag:s16] =	ssyncset.done @!p0 $0x0  }
0x29: {  	[sflag:s16] =	ssyncadd.s32 @!p0 $0xFFFFFF80  }
0x2a: {  	[bflag:$0x0] =	sbarrier.arrive $0xFFFF  }
0x2b: {  	[tilespmem:s20], [sflag:$0x1] =	stream.indirect.gather [hbm4b:s10+s19], $0x40, s3, s19, $0xb8;
	[tilespmem:$0x1D880] =	vst v63  }
0x2c: {  	s25 =	simm.s32 $0x80  }
0x2d: {  	[tilespmem:s22], [sflag:$0x2] =	stream.indirect.gather [hbm4b:s10+s19], $0x40, s25, s19, $0xb8;
	[tilespmem:$0x1D880] =	vst v63  }
0x2e: {  	s16 =	simm.s32 $0x100  }
0x2f: {  	[tilespmem:s24], [sflag:$0x3] =	stream.indirect.gather [hbm4b:s10+s19], $0x40, s16, s19, $0xb8;
	[tilespmem:$0x1D880] =	vst v63  }
0x30: {  	s23 =	simm.s32 $0x180  }
0x31: {  	[tilespmem:s26], [sflag:$0x4] =	stream.indirect.gather [hbm4b:s10+s19], $0x40, s23, s19, $0xb8;
	[tilespmem:$0x1D880] =	vst v63  }
0x32: {  	s25 =	simm.s32 $0x200  }
0x33: {  	[tilespmem:s29], [sflag:$0x5] =	stream.indirect.gather [hbm4b:s10+s19], $0x40, s25, s19, $0xb8;
	[tilespmem:$0x1D880] =	vst v63  }
0x34: {  	_ =	swait.ge [sflag:s30], $0x1F40  }
0x35: {  	[sflag:s30] =	ssyncset.done $0x0  }
0x36: {  	s3 =	simm.s32 $0x5000;
	[sflag:s30] =	ssyncadd.s32 $0xFFFFE0C0  }
0x37: {  	[spmem:s2] =	stream.indirect.scatter.add.f32 [tilespmem:s20], [sflag:$0x6], $0x40, s3, s19, $0xb8;
	[tilespmem:$0x1D880] =	vst v63  }
0x38: {  	_ =	swait.ge [sflag:s31], $0x1F40  }
0x39: {  	[sflag:s31] =	ssyncset.done $0x0  }
0x3a: {  	s23 =	simm.s32 $0x280;
	[sflag:s31] =	ssyncadd.s32 $0xFFFFE0C0  }
0x3b: {  	[tilespmem:s20], [sflag:$0x1] =	stream.indirect.gather [hbm4b:s10+s19], $0x40, s23, s19, $0xb8;
	[tilespmem:$0x1D880] =	vst v63  }
0x3c: {  	_ =	swait.ge [sflag:s0], $0x1F40  }
0x3d: {  	[sflag:s0] =	ssyncset.done $0x0  }
0x3e: {  	s25 =	simm.s32 $0x5080;
	[sflag:s0] =	ssyncadd.s32 $0xFFFFE0C0  }
0x3f: {  	[spmem:s2] =	stream.indirect.scatter.add.f32 [tilespmem:s22], [sflag:$0x7], $0x40, s25, s19, $0xb8;
	[tilespmem:$0x1D880] =	vst v63  }
0x40: {  	_ =	swait.ge [sflag:s17], $0x1F40  }
0x41: {  	[sflag:s17] =	ssyncset.done $0x0  }
0x42: {  	s3 =	simm.s32 $0x300;
	[sflag:s17] =	ssyncadd.s32 $0xFFFFE0C0  }
0x43: {  	[tilespmem:s22], [sflag:$0x2] =	stream.indirect.gather [hbm4b:s10+s19], $0x40, s3, s19, $0xb8;
	[tilespmem:$0x1D880] =	vst v63  }
0x44: {  	_ =	swait.ge [sflag:s1], $0x1F40  }
0x45: {  	[sflag:s1] =	ssyncset.done $0x0  }
0x46: {  	s23 =	simm.s32 $0x5100;
	[sflag:s1] =	ssyncadd.s32 $0xFFFFE0C0  }
0x47: {  	[spmem:s2] =	stream.indirect.scatter.add.f32 [tilespmem:s24], [sflag:$0x8], $0x40, s23, s19, $0xb8;
	[tilespmem:$0x1D880] =	vst v63  }
0x48: {  	_ =	swait.ge [sflag:s4], $0x1F40  }
0x49: {  	[sflag:s4] =	ssyncset.done $0x0  }
0x4a: {  	s25 =	simm.s32 $0x380;
	[sflag:s4] =	ssyncadd.s32 $0xFFFFE0C0  }
0x4b: {  	[tilespmem:s24], [sflag:$0x3] =	stream.indirect.gather [hbm4b:s10+s19], $0x40, s25, s19, $0xb8;
	[tilespmem:$0x1D880] =	vst v63  }
0x4c: {  	_ =	swait.ge [sflag:s5], $0x1F40  }
0x4d: {  	[sflag:s5] =	ssyncset.done $0x0  }
0x4e: {  	s3 =	simm.s32 $0x5180;
	[sflag:s5] =	ssyncadd.s32 $0xFFFFE0C0  }
0x4f: {  	[spmem:s2] =	stream.indirect.scatter.add.f32 [tilespmem:s26], [sflag:$0x9], $0x40, s3, s19, $0xb8;
	[tilespmem:$0x1D880] =	vst v63  }
0x50: {  	_ =	swait.ge [sflag:s8], $0x1F40  }
0x51: {  	[sflag:s8] =	ssyncset.done $0x0  }
0x52: {  	s23 =	simm.s32 $0x400;
	[sflag:s8] =	ssyncadd.s32 $0xFFFFE0C0  }
0x53: {  	[tilespmem:s26], [sflag:$0x4] =	stream.indirect.gather [hbm4b:s10+s19], $0x40, s23, s19, $0xb8;
	[tilespmem:$0x1D880] =	vst v63  }
0x54: {  	_ =	swait.ge [sflag:s11], $0x1F40  }
0x55: {  	[sflag:s11] =	ssyncset.done $0x0  }
0x56: {  	s25 =	simm.s32 $0x5200;
	[sflag:s11] =	ssyncadd.s32 $0xFFFFE0C0  }
0x57: {  	[spmem:s2] =	stream.indirect.scatter.add.f32 [tilespmem:s29], [sflag:$0xA], $0x40, s25, s19, $0xb8;
	[tilespmem:$0x1D880] =	vst v63  }
0x58: {  	_ =	swait.ge [sflag:s12], $0x1F40  }
0x59: {  	[sflag:s12] =	ssyncset.done $0x0  }
0x5a: {  	s16 =	simm.s32 $0xA00;
	s23 =	simm.s32 $0x480;
	[sflag:s12] =	ssyncadd.s32 $0xFFFFE0C0  }
.LBB2_2:
0x5b: {  	[tilespmem:s29], [sflag:$0x5] =	stream.indirect.gather [hbm4b:s10+s19], $0x40, s23, s19, $0xb8;
	[tilespmem:$0x1D880] =	vst v63  }
0x5c: {  	s23 =	smov.u32 s16  }
0x5d: {  	p1 =	sne.s32 s16, $0x12C00;
	s16 =	sadd.s32 $0xA00, s16;
	_ =	swait.ge [sflag:s30], $0x1F40  }
0x5e: {  	s23 =	sshra.s32 s23, $0x2;
	[sflag:s30] =	ssyncset.done $0x0  }
0x5f: {  	s25 =	sadd.s32 $0x5000, s23;
	[sflag:s30] =	ssyncadd.s32 $0xFFFFE0C0  }
0x60: {  	[spmem:s2] =	stream.indirect.scatter.add.f32 [tilespmem:s20], [sflag:$0x6], $0x40, s25, s19, $0xb8;
	[tilespmem:$0x1D880] =	vst v63  }
0x61: {  	_ =	swait.ge [sflag:s31], $0x1F40  }
0x62: {  	[sflag:s31] =	ssyncset.done $0x0  }
0x63: {  	s25 =	sadd.s32 $0x280, s23;
	[sflag:s31] =	ssyncadd.s32 $0xFFFFE0C0  }
0x64: {  	[tilespmem:s20], [sflag:$0x1] =	stream.indirect.gather [hbm4b:s10+s19], $0x40, s25, s19, $0xb8;
	[tilespmem:$0x1D880] =	vst v63  }
0x65: {  	_ =	swait.ge [sflag:s0], $0x1F40  }
0x66: {  	[sflag:s0] =	ssyncset.done $0x0  }
0x67: {  	s25 =	sadd.s32 $0x5080, s23;
	[sflag:s0] =	ssyncadd.s32 $0xFFFFE0C0  }
0x68: {  	[spmem:s2] =	stream.indirect.scatter.add.f32 [tilespmem:s22], [sflag:$0x7], $0x40, s25, s19, $0xb8;
	[tilespmem:$0x1D880] =	vst v63  }
0x69: {  	_ =	swait.ge [sflag:s17], $0x1F40  }
0x6a: {  	[sflag:s17] =	ssyncset.done $0x0  }
0x6b: {  	s25 =	sadd.s32 $0x300, s23;
	[sflag:s17] =	ssyncadd.s32 $0xFFFFE0C0  }
0x6c: {  	[tilespmem:s22], [sflag:$0x2] =	stream.indirect.gather [hbm4b:s10+s19], $0x40, s25, s19, $0xb8;
	[tilespmem:$0x1D880] =	vst v63  }
0x6d: {  	_ =	swait.ge [sflag:s1], $0x1F40  }
0x6e: {  	[sflag:s1] =	ssyncset.done $0x0  }
0x6f: {  	s25 =	sadd.s32 $0x5100, s23;
	[sflag:s1] =	ssyncadd.s32 $0xFFFFE0C0  }
0x70: {  	[spmem:s2] =	stream.indirect.scatter.add.f32 [tilespmem:s24], [sflag:$0x8], $0x40, s25, s19, $0xb8;
	[tilespmem:$0x1D880] =	vst v63  }
0x71: {  	_ =	swait.ge [sflag:s4], $0x1F40  }
0x72: {  	[sflag:s4] =	ssyncset.done $0x0  }
0x73: {  	s25 =	sadd.s32 $0x380, s23;
	[sflag:s4] =	ssyncadd.s32 $0xFFFFE0C0  }
0x74: {  	[tilespmem:s24], [sflag:$0x3] =	stream.indirect.gather [hbm4b:s10+s19], $0x40, s25, s19, $0xb8;
	[tilespmem:$0x1D880] =	vst v63  }
0x75: {  	_ =	swait.ge [sflag:s5], $0x1F40  }
0x76: {  	[sflag:s5] =	ssyncset.done $0x0  }
0x77: {  	s25 =	sadd.s32 $0x5180, s23;
	[sflag:s5] =	ssyncadd.s32 $0xFFFFE0C0  }
0x78: {  	[spmem:s2] =	stream.indirect.scatter.add.f32 [tilespmem:s26], [sflag:$0x9], $0x40, s25, s19, $0xb8;
	[tilespmem:$0x1D880] =	vst v63  }
0x79: {  	_ =	swait.ge [sflag:s8], $0x1F40  }
0x7a: {  	[sflag:s8] =	ssyncset.done $0x0  }
0x7b: {  	s25 =	sadd.s32 $0x400, s23;
	[sflag:s8] =	ssyncadd.s32 $0xFFFFE0C0  }
0x7c: {  	[tilespmem:s26], [sflag:$0x4] =	stream.indirect.gather [hbm4b:s10+s19], $0x40, s25, s19, $0xb8;
	[tilespmem:$0x1D880] =	vst v63  }
0x7d: {  	_ =	swait.ge [sflag:s11], $0x1F40  }
0x7e: {  	[sflag:s11] =	ssyncset.done $0x0  }
.Ltmp0:
0x7f: {  	s25 =	sadd.s32 $0x5200, s23;
	[sflag:s11] =	ssyncadd.s32 $0xFFFFE0C0;
	(pc) =	sbr.rel @p1 .LBB2_2-.Ltmp0, $4  }
0x80: {  	[spmem:s2] =	stream.indirect.scatter.add.f32 [tilespmem:s29], [sflag:$0xA], $0x40, s25, s19, $0xb8;
	[tilespmem:$0x1D880] =	vst v63  }
0x81: {  	_ =	swait.ge [sflag:s12], $0x1F40  }
0x82: {  	[sflag:s12] =	ssyncset.done $0x0  }
0x83: {  	s23 =	sadd.s32 $0x480, s23;
	[sflag:s12] =	ssyncadd.s32 $0xFFFFE0C0  }
0x84: {  	[tilespmem:s29], [sflag:$0x5] =	stream.indirect.gather [hbm4b:s10+s19], $0x40, s23, s19, $0xb8;
	[tilespmem:$0x1D880] =	vst v63  }
0x85: {  	_ =	swait.ge [sflag:s30], $0x1F40  }
0x86: {  	[sflag:s30] =	ssyncset.done $0x0  }
0x87: {  	s3 =	simm.s32 $0x9D80;
	[sflag:s30] =	ssyncadd.s32 $0xFFFFE0C0  }
0x88: {  	[spmem:s2] =	stream.indirect.scatter.add.f32 [tilespmem:s20], [sflag:$0x6], $0x40, s3, s19, $0xb8;
	[tilespmem:$0x1D880] =	vst v63  }
0x89: {  	_ =	swait.ge [sflag:s0], $0x1F40  }
0x8a: {  	[sflag:s0] =	ssyncset.done $0x0  }
0x8b: {  	s23 =	simm.s32 $0x9E00;
	[sflag:s0] =	ssyncadd.s32 $0xFFFFE0C0  }
0x8c: {  	[spmem:s2] =	stream.indirect.scatter.add.f32 [tilespmem:s22], [sflag:$0x7], $0x40, s23, s19, $0xb8;
	[tilespmem:$0x1D880] =	vst v63  }
0x8d: {  	_ =	swait.ge [sflag:s1], $0x1F40  }
0x8e: {  	[sflag:s1] =	ssyncset.done $0x0  }
0x8f: {  	s25 =	simm.s32 $0x9E80;
	[sflag:s1] =	ssyncadd.s32 $0xFFFFE0C0  }
0x90: {  	[spmem:s2] =	stream.indirect.scatter.add.f32 [tilespmem:s24], [sflag:$0x8], $0x40, s25, s19, $0xb8;
	[tilespmem:$0x1D880] =	vst v63  }
0x91: {  	_ =	swait.ge [sflag:s5], $0x1F40  }
0x92: {  	[sflag:s5] =	ssyncset.done $0x0  }
0x93: {  	s16 =	simm.s32 $0x9F00;
	[sflag:s5] =	ssyncadd.s32 $0xFFFFE0C0  }
0x94: {  	[spmem:s2] =	stream.indirect.scatter.add.f32 [tilespmem:s26], [sflag:$0x9], $0x40, s16, s19, $0xb8;
	[tilespmem:$0x1D880] =	vst v63  }
0x95: {  	_ =	swait.ge [sflag:s11], $0x1F40  }
0x96: {  	[sflag:s11] =	ssyncset.done $0x0  }
0x97: {  	s23 =	simm.s32 $0x9F80;
	[sflag:s11] =	ssyncadd.s32 $0xFFFFE0C0  }
0x98: {  	[spmem:s2] =	stream.indirect.scatter.add.f32 [tilespmem:s29], [sflag:$0xA], $0x40, s23, s19, $0xb8;
	[tilespmem:$0x1D880] =	vst v63  }
0x99: {  	_ =	swait.ge [sflag:s31], $0x1F40  }
0x9a: {  	[sflag:s31] =	ssyncset.done $0x0  }
0x9b: {  	[sflag:s31] =	ssyncadd.s32 $0xFFFFE0C0  }
0x9c: {  	_ =	swait.ge [sflag:s17], $0x1F40  }
0x9d: {  	[sflag:s17] =	ssyncset.done $0x0  }
0x9e: {  	[sflag:s17] =	ssyncadd.s32 $0xFFFFE0C0  }
0x9f: {  	_ =	swait.ge [sflag:s4], $0x1F40  }
0xa0: {  	[sflag:s4] =	ssyncset.done $0x0  }
0xa1: {  	[sflag:s4] =	ssyncadd.s32 $0xFFFFE0C0  }
0xa2: {  	_ =	swait.ge [sflag:s8], $0x1F40  }
0xa3: {  	[sflag:s8] =	ssyncset.done $0x0  }
0xa4: {  	[sflag:s8] =	ssyncadd.s32 $0xFFFFE0C0  }
0xa5: {  	_ =	swait.ge [sflag:s12], $0x1F40  }
0xa6: {  	[sflag:s12] =	ssyncset.done $0x0  }
0xa7: {  	[sflag:s12] =	ssyncadd.s32 $0xFFFFE0C0  }
0xa8: {  	[bflag:$0x0] =	sbarrier.arrive $0xFFFF  }
0xa9: {  	s25 =	simm.s32 $0x20;
	s16 =	rddreg [dreg:$0x6]  }
0xaa: {  	[hbm:s16@s25], [sflag:s14] =	dma.strided [spmem:s15@s4], $0x1380, s30, $0x8   }
0xab: {  	_ =	swait.ge [sflag:s18], $0x1380  }
0xac: {  	[sflag:s18] =	ssyncset.done $0x0  }
0xad: {  	s16 =	sshrl.u32 @p0 s6, $0x3;
	[sflag:s18] =	ssyncadd.s32 $0xFFFFEC80  }
0xae: {  	[spmem:s16], [sflag:s14] =	dma.local @p0 [hbm:s7], $0x1380  }
0xaf: {  	s16 =	simm.s32 @p0 $0xB  }
0xb0: {  	_ =	swait.ge @p0 [sflag:s16], $0x1380  }
0xb1: {  	s23 =	simm.s32 @!p0 $0x20;
	s25 =	simm.s32 @!p0 $0x8;
	[sflag:s16] =	ssyncset.done @p0 $0x0  }
0xb2: {  	s3 =	rddreg [dreg:$0x7];
	[sflag:s16] =	ssyncadd.s32 @p0 $0xFFFFEC80;
	s16 =	simm.s32 @!p0 $0x1  }
0xb3: {  	[hbm:s3@s23], [sflag:s14] =	dma.strided @!p0 [spmem:s21@s25], $0x80, s16, $0x8   }
0xb4: {  	s16 =	simm.s32 @!p0 $0xB  }
0xb5: {  	_ =	swait.ge @!p0 [sflag:s16], $0x80  }
0xb6: {  	[sflag:s16] =	ssyncset.done @!p0 $0x0  }
0xb7: {  	s23 =	sshrl.u32 @!p0 s6, $0x3;
	[sflag:s16] =	ssyncadd.s32 @!p0 $0xFFFFFF80  }
0xb8: {  	[spmem:s23], [sflag:s14] =	dma.local @!p0 [hbm:s7], $0x1380  }
0xb9: {  	_ =	swait.ge @!p0 [sflag:s16], $0x1380  }
0xba: {  	[sflag:s16] =	ssyncset.done @!p0 $0x0  }
0xbb: {  	[sflag:s16] =	ssyncadd.s32 @!p0 $0xFFFFEC80  }
0xbc: {  	[spmem:s21], [sflag:s14] =	dma.local @!p0 [hbm:s9], $0x80  }
0xbd: {  	_ =	swait.ge @!p0 [sflag:s16], $0x80  }
0xbe: {  	[sflag:s16] =	ssyncset.done @!p0 $0x0  }
0xbf: {  	[sflag:s16] =	ssyncadd.s32 @!p0 $0xFFFFFF80  }
0xc0: {  	s23 =	simm.s32 $0x0;
	[bflag:$0x0] =	sbarrier.arrive $0xFFFF  }
0xc1: {  	[tilespmem:s20], [sflag:$0x1] =	stream.indirect.gather [hbm4b:s13+s19], $0x40, s23, s19, $0xb8;
	[tilespmem:$0x1D880] =	vst v63  }
0xc2: {  	s25 =	simm.s32 $0x80  }
0xc3: {  	[tilespmem:s22], [sflag:$0x2] =	stream.indirect.gather [hbm4b:s13+s19], $0x40, s25, s19, $0xb8;
	[tilespmem:$0x1D880] =	vst v63  }
0xc4: {  	s16 =	simm.s32 $0x100  }
0xc5: {  	[tilespmem:s24], [sflag:$0x3] =	stream.indirect.gather [hbm4b:s13+s19], $0x40, s16, s19, $0xb8;
	[tilespmem:$0x1D880] =	vst v63  }
0xc6: {  	s23 =	simm.s32 $0x180  }
0xc7: {  	[tilespmem:s26], [sflag:$0x4] =	stream.indirect.gather [hbm4b:s13+s19], $0x40, s23, s19, $0xb8;
	[tilespmem:$0x1D880] =	vst v63  }
0xc8: {  	s25 =	simm.s32 $0x200  }
0xc9: {  	[tilespmem:s29], [sflag:$0x5] =	stream.indirect.gather [hbm4b:s13+s19], $0x40, s25, s19, $0xb8;
	[tilespmem:$0x1D880] =	vst v63  }
0xca: {  	_ =	swait.ge [sflag:s30], $0x1F40  }
0xcb: {  	[sflag:s30] =	ssyncset.done $0x0  }
0xcc: {  	s3 =	simm.s32 $0x5000;
	[sflag:s30] =	ssyncadd.s32 $0xFFFFE0C0  }
0xcd: {  	[spmem:s2] =	stream.indirect.scatter.add.f32 [tilespmem:s20], [sflag:$0x6], $0x40, s3, s19, $0xb8;
	[tilespmem:$0x1D880] =	vst v63  }
0xce: {  	_ =	swait.ge [sflag:s31], $0x1F40  }
0xcf: {  	[sflag:s31] =	ssyncset.done $0x0  }
0xd0: {  	s23 =	simm.s32 $0x280;
	[sflag:s31] =	ssyncadd.s32 $0xFFFFE0C0  }
0xd1: {  	[tilespmem:s20], [sflag:$0x1] =	stream.indirect.gather [hbm4b:s13+s19], $0x40, s23, s19, $0xb8;
	[tilespmem:$0x1D880] =	vst v63  }
0xd2: {  	_ =	swait.ge [sflag:s0], $0x1F40  }
0xd3: {  	[sflag:s0] =	ssyncset.done $0x0  }
0xd4: {  	s25 =	simm.s32 $0x5080;
	[sflag:s0] =	ssyncadd.s32 $0xFFFFE0C0  }
0xd5: {  	[spmem:s2] =	stream.indirect.scatter.add.f32 [tilespmem:s22], [sflag:$0x7], $0x40, s25, s19, $0xb8;
	[tilespmem:$0x1D880] =	vst v63  }
0xd6: {  	_ =	swait.ge [sflag:s17], $0x1F40  }
0xd7: {  	[sflag:s17] =	ssyncset.done $0x0  }
0xd8: {  	s3 =	simm.s32 $0x300;
	[sflag:s17] =	ssyncadd.s32 $0xFFFFE0C0  }
0xd9: {  	[tilespmem:s22], [sflag:$0x2] =	stream.indirect.gather [hbm4b:s13+s19], $0x40, s3, s19, $0xb8;
	[tilespmem:$0x1D880] =	vst v63  }
0xda: {  	_ =	swait.ge [sflag:s1], $0x1F40  }
0xdb: {  	[sflag:s1] =	ssyncset.done $0x0  }
0xdc: {  	s23 =	simm.s32 $0x5100;
	[sflag:s1] =	ssyncadd.s32 $0xFFFFE0C0  }
0xdd: {  	[spmem:s2] =	stream.indirect.scatter.add.f32 [tilespmem:s24], [sflag:$0x8], $0x40, s23, s19, $0xb8;
	[tilespmem:$0x1D880] =	vst v63  }
0xde: {  	_ =	swait.ge [sflag:s4], $0x1F40  }
0xdf: {  	[sflag:s4] =	ssyncset.done $0x0  }
0xe0: {  	s25 =	simm.s32 $0x380;
	[sflag:s4] =	ssyncadd.s32 $0xFFFFE0C0  }
0xe1: {  	[tilespmem:s24], [sflag:$0x3] =	stream.indirect.gather [hbm4b:s13+s19], $0x40, s25, s19, $0xb8;
	[tilespmem:$0x1D880] =	vst v63  }
0xe2: {  	_ =	swait.ge [sflag:s5], $0x1F40  }
0xe3: {  	[sflag:s5] =	ssyncset.done $0x0  }
0xe4: {  	s3 =	simm.s32 $0x5180;
	[sflag:s5] =	ssyncadd.s32 $0xFFFFE0C0  }
0xe5: {  	[spmem:s2] =	stream.indirect.scatter.add.f32 [tilespmem:s26], [sflag:$0x9], $0x40, s3, s19, $0xb8;
	[tilespmem:$0x1D880] =	vst v63  }
0xe6: {  	_ =	swait.ge [sflag:s8], $0x1F40  }
0xe7: {  	[sflag:s8] =	ssyncset.done $0x0  }
0xe8: {  	s23 =	simm.s32 $0x400;
	[sflag:s8] =	ssyncadd.s32 $0xFFFFE0C0  }
0xe9: {  	[tilespmem:s26], [sflag:$0x4] =	stream.indirect.gather [hbm4b:s13+s19], $0x40, s23, s19, $0xb8;
	[tilespmem:$0x1D880] =	vst v63  }
0xea: {  	_ =	swait.ge [sflag:s11], $0x1F40  }
0xeb: {  	[sflag:s11] =	ssyncset.done $0x0  }
0xec: {  	s25 =	simm.s32 $0x5200;
	[sflag:s11] =	ssyncadd.s32 $0xFFFFE0C0  }
0xed: {  	[spmem:s2] =	stream.indirect.scatter.add.f32 [tilespmem:s29], [sflag:$0xA], $0x40, s25, s19, $0xb8;
	[tilespmem:$0x1D880] =	vst v63  }
0xee: {  	_ =	swait.ge [sflag:s12], $0x1F40  }
0xef: {  	[sflag:s12] =	ssyncset.done $0x0  }
0xf0: {  	s16 =	simm.s32 $0xA00;
	s23 =	simm.s32 $0x480;
	[sflag:s12] =	ssyncadd.s32 $0xFFFFE0C0  }
.LBB2_4:
0xf1: {  	[tilespmem:s29], [sflag:$0x5] =	stream.indirect.gather [hbm4b:s13+s19], $0x40, s23, s19, $0xb8;
	[tilespmem:$0x1D880] =	vst v63  }
0xf2: {  	s23 =	smov.u32 s16  }
0xf3: {  	p1 =	sne.s32 s16, $0x12C00;
	s16 =	sadd.s32 $0xA00, s16;
	_ =	swait.ge [sflag:s30], $0x1F40  }
0xf4: {  	s23 =	sshra.s32 s23, $0x2;
	[sflag:s30] =	ssyncset.done $0x0  }
0xf5: {  	s25 =	sadd.s32 $0x5000, s23;
	[sflag:s30] =	ssyncadd.s32 $0xFFFFE0C0  }
0xf6: {  	[spmem:s2] =	stream.indirect.scatter.add.f32 [tilespmem:s20], [sflag:$0x6], $0x40, s25, s19, $0xb8;
	[tilespmem:$0x1D880] =	vst v63  }
0xf7: {  	_ =	swait.ge [sflag:s31], $0x1F40  }
0xf8: {  	[sflag:s31] =	ssyncset.done $0x0  }
0xf9: {  	s25 =	sadd.s32 $0x280, s23;
	[sflag:s31] =	ssyncadd.s32 $0xFFFFE0C0  }
0xfa: {  	[tilespmem:s20], [sflag:$0x1] =	stream.indirect.gather [hbm4b:s13+s19], $0x40, s25, s19, $0xb8;
	[tilespmem:$0x1D880] =	vst v63  }
0xfb: {  	_ =	swait.ge [sflag:s0], $0x1F40  }
0xfc: {  	[sflag:s0] =	ssyncset.done $0x0  }
0xfd: {  	s25 =	sadd.s32 $0x5080, s23;
	[sflag:s0] =	ssyncadd.s32 $0xFFFFE0C0  }
0xfe: {  	[spmem:s2] =	stream.indirect.scatter.add.f32 [tilespmem:s22], [sflag:$0x7], $0x40, s25, s19, $0xb8;
	[tilespmem:$0x1D880] =	vst v63  }
0xff: {  	_ =	swait.ge [sflag:s17], $0x1F40  }
0x100: {  	[sflag:s17] =	ssyncset.done $0x0  }
0x101: {  	s25 =	sadd.s32 $0x300, s23;
	[sflag:s17] =	ssyncadd.s32 $0xFFFFE0C0  }
0x102: {  	[tilespmem:s22], [sflag:$0x2] =	stream.indirect.gather [hbm4b:s13+s19], $0x40, s25, s19, $0xb8;
	[tilespmem:$0x1D880] =	vst v63  }
0x103: {  	_ =	swait.ge [sflag:s1], $0x1F40  }
0x104: {  	[sflag:s1] =	ssyncset.done $0x0  }
0x105: {  	s25 =	sadd.s32 $0x5100, s23;
	[sflag:s1] =	ssyncadd.s32 $0xFFFFE0C0  }
0x106: {  	[spmem:s2] =	stream.indirect.scatter.add.f32 [tilespmem:s24], [sflag:$0x8], $0x40, s25, s19, $0xb8;
	[tilespmem:$0x1D880] =	vst v63  }
0x107: {  	_ =	swait.ge [sflag:s4], $0x1F40  }
0x108: {  	[sflag:s4] =	ssyncset.done $0x0  }
0x109: {  	s25 =	sadd.s32 $0x380, s23;
	[sflag:s4] =	ssyncadd.s32 $0xFFFFE0C0  }
0x10a: {  	[tilespmem:s24], [sflag:$0x3] =	stream.indirect.gather [hbm4b:s13+s19], $0x40, s25, s19, $0xb8;
	[tilespmem:$0x1D880] =	vst v63  }
0x10b: {  	_ =	swait.ge [sflag:s5], $0x1F40  }
0x10c: {  	[sflag:s5] =	ssyncset.done $0x0  }
0x10d: {  	s25 =	sadd.s32 $0x5180, s23;
	[sflag:s5] =	ssyncadd.s32 $0xFFFFE0C0  }
0x10e: {  	[spmem:s2] =	stream.indirect.scatter.add.f32 [tilespmem:s26], [sflag:$0x9], $0x40, s25, s19, $0xb8;
	[tilespmem:$0x1D880] =	vst v63  }
0x10f: {  	_ =	swait.ge [sflag:s8], $0x1F40  }
0x110: {  	[sflag:s8] =	ssyncset.done $0x0  }
0x111: {  	s25 =	sadd.s32 $0x400, s23;
	[sflag:s8] =	ssyncadd.s32 $0xFFFFE0C0  }
0x112: {  	[tilespmem:s26], [sflag:$0x4] =	stream.indirect.gather [hbm4b:s13+s19], $0x40, s25, s19, $0xb8;
	[tilespmem:$0x1D880] =	vst v63  }
0x113: {  	_ =	swait.ge [sflag:s11], $0x1F40  }
0x114: {  	[sflag:s11] =	ssyncset.done $0x0  }
.Ltmp1:
0x115: {  	s25 =	sadd.s32 $0x5200, s23;
	[sflag:s11] =	ssyncadd.s32 $0xFFFFE0C0;
	(pc) =	sbr.rel @p1 .LBB2_4-.Ltmp1, $4  }
0x116: {  	[spmem:s2] =	stream.indirect.scatter.add.f32 [tilespmem:s29], [sflag:$0xA], $0x40, s25, s19, $0xb8;
	[tilespmem:$0x1D880] =	vst v63  }
0x117: {  	_ =	swait.ge [sflag:s12], $0x1F40  }
0x118: {  	[sflag:s12] =	ssyncset.done $0x0  }
0x119: {  	s23 =	sadd.s32 $0x480, s23;
	[sflag:s12] =	ssyncadd.s32 $0xFFFFE0C0  }
0x11a: {  	[tilespmem:s29], [sflag:$0x5] =	stream.indirect.gather [hbm4b:s13+s19], $0x40, s23, s19, $0xb8;
	[tilespmem:$0x1D880] =	vst v63  }
0x11b: {  	_ =	swait.ge [sflag:s30], $0x1F40  }
0x11c: {  	[sflag:s30] =	ssyncset.done $0x0  }
0x11d: {  	s3 =	simm.s32 $0x9D80;
	[sflag:s30] =	ssyncadd.s32 $0xFFFFE0C0  }
0x11e: {  	[spmem:s2] =	stream.indirect.scatter.add.f32 [tilespmem:s20], [sflag:$0x6], $0x40, s3, s19, $0xb8;
	[tilespmem:$0x1D880] =	vst v63  }
0x11f: {  	_ =	swait.ge [sflag:s0], $0x1F40  }
0x120: {  	[sflag:s0] =	ssyncset.done $0x0  }
0x121: {  	s16 =	simm.s32 $0x9E00;
	[sflag:s0] =	ssyncadd.s32 $0xFFFFE0C0  }
0x122: {  	[spmem:s2] =	stream.indirect.scatter.add.f32 [tilespmem:s22], [sflag:$0x7], $0x40, s16, s19, $0xb8;
	[tilespmem:$0x1D880] =	vst v63  }
0x123: {  	_ =	swait.ge [sflag:s1], $0x1F40  }
0x124: {  	[sflag:s1] =	ssyncset.done $0x0  }
0x125: {  	s23 =	simm.s32 $0x9E80;
	[sflag:s1] =	ssyncadd.s32 $0xFFFFE0C0  }
0x126: {  	[spmem:s2] =	stream.indirect.scatter.add.f32 [tilespmem:s24], [sflag:$0x8], $0x40, s23, s19, $0xb8;
	[tilespmem:$0x1D880] =	vst v63  }
0x127: {  	_ =	swait.ge [sflag:s5], $0x1F40  }
0x128: {  	[sflag:s5] =	ssyncset.done $0x0  }
0x129: {  	s25 =	simm.s32 $0x9F00;
	[sflag:s5] =	ssyncadd.s32 $0xFFFFE0C0  }
0x12a: {  	[spmem:s2] =	stream.indirect.scatter.add.f32 [tilespmem:s26], [sflag:$0x9], $0x40, s25, s19, $0xb8;
	[tilespmem:$0x1D880] =	vst v63  }
0x12b: {  	_ =	swait.ge [sflag:s11], $0x1F40  }
0x12c: {  	[sflag:s11] =	ssyncset.done $0x0  }
0x12d: {  	s16 =	simm.s32 $0x9F80;
	[sflag:s11] =	ssyncadd.s32 $0xFFFFE0C0  }
0x12e: {  	[spmem:s2] =	stream.indirect.scatter.add.f32 [tilespmem:s29], [sflag:$0xA], $0x40, s16, s19, $0xb8;
	[tilespmem:$0x1D880] =	vst v63  }
0x12f: {  	_ =	swait.ge [sflag:s31], $0x1F40  }
0x130: {  	[sflag:s31] =	ssyncset.done $0x0  }
0x131: {  	[sflag:s31] =	ssyncadd.s32 $0xFFFFE0C0  }
0x132: {  	_ =	swait.ge [sflag:s17], $0x1F40  }
0x133: {  	[sflag:s17] =	ssyncset.done $0x0  }
0x134: {  	[sflag:s17] =	ssyncadd.s32 $0xFFFFE0C0  }
0x135: {  	_ =	swait.ge [sflag:s4], $0x1F40  }
0x136: {  	[sflag:s4] =	ssyncset.done $0x0  }
0x137: {  	[sflag:s4] =	ssyncadd.s32 $0xFFFFE0C0  }
0x138: {  	_ =	swait.ge [sflag:s8], $0x1F40  }
0x139: {  	[sflag:s8] =	ssyncset.done $0x0  }
0x13a: {  	[sflag:s8] =	ssyncadd.s32 $0xFFFFE0C0  }
0x13b: {  	_ =	swait.ge [sflag:s12], $0x1F40  }
0x13c: {  	[sflag:s12] =	ssyncset.done $0x0  }
0x13d: {  	[sflag:s12] =	ssyncadd.s32 $0xFFFFE0C0  }
0x13e: {  	[bflag:$0x0] =	sbarrier.arrive $0xFFFF  }
0x13f: {  	s16 =	simm.s32 $0x20;
	s23 =	rddreg [dreg:$0x8]  }
0x140: {  	[hbm:s23@s16], [sflag:s14] =	dma.strided [spmem:s15@s4], $0x1380, s30, $0x8   }
0x141: {  	_ =	swait.ge [sflag:s18], $0x1380  }
0x142: {  	s15 =	simm.s32 @!p0 $0x1;
	s16 =	simm.s32 @!p0 $0x20;
	[sflag:s18] =	ssyncset.done $0x0  }
0x143: {  	s23 =	simm.s32 @!p0 $0x8;
	s3 =	rddreg [dreg:$0x9];
	[sflag:s18] =	ssyncadd.s32 $0xFFFFEC80  }
0x144: {  	[hbm:s3@s16], [sflag:s14] =	dma.strided @!p0 [spmem:s21@s23], $0x80, s15, $0x8   }
0x145: {  	s14 =	simm.s32 @!p0 $0xB  }
0x146: {  	_ =	swait.ge @!p0 [sflag:s14], $0x80  }
0x147: {  	s28 =	sadd.s32 $0x1, s28;
	s25 =	rddreg [dreg:$0xa]  }
0x148: {  	p1 =	sne.s32 s28, s25  }
.Ltmp2:
0x149: {  	_ = 	snop;
	(pc) =	sbr.rel @p1 .LBB2_1-.Ltmp2, $3  }
0x14a: {  	_ =	sdelay $0x1  }
0x14b: {  	[sflag:s14] =	ssyncset.done @!p0 $0x0  }
0x14c: {  	[sflag:s14] =	ssyncadd.s32 @!p0 $0xFFFFFF80  }
0x14d: {  	_ =	sfence.sel $0x180000  }
0x14e: {  	[bflag:$0x0] =	sbarrier.arrive $0xFFFF  }
0x14f: {  	_ =	strace $0x9000004A  }
0x150: {  	s0 =	stileid.u32;
	[bflag:$0x2] =	sbarrier.arrive $0xFFFF  }
0x151: {  	p0 =	sne.s32 s0, $0x0;
	s0 =	rddreg [dreg:$0x2]  }
0x152: {  	s0 =	sadd.s32 @!p0 $0x100000, s0  }
0x153: {  	[sflag:s0] =	ssyncadd.tile.s32 @!p0 $0x1;
	_ =	shalt  }
.Lfunc_end2:
_tile_overlayer_lowered:
.L_overlay_start_2:
0x154: {  	(tag) =	ssettag $0x2  }
0x155: {  	s0 =	rddreg [dreg:$0x0];
	s2 =	stileid.u32  }
0x156: {  	s1 =	rddreg [dreg:$0x1];
	p0 =	sne.s32 s2, $0x0  }
0x157: {  	s3 =	rddreg [dreg:$0x2];
	[bflag:$0x3] =	sbarrier.arrive $0xFFFF;
	s2 =	simm.s32 @!p0 $0x1C0B  }
0x158: {  	[timem:s3], [sflag:s2] =	dma.local @!p0 [hbm:s0], s1  }
0x159: {  	s0 =	simm.s32 @!p0 $0xB  }
0x15a: {  	_ =	swait.ge @!p0 [sflag:s0], s1  }
0x15b: {  	s1 =	ssub.s32 @!p0 $0x0, s1;
	[sflag:s0] =	ssyncset.done @!p0 $0x0  }
0x15c: {  	[sflag:s0] =	ssyncadd.s32 @!p0 s1  }
0x15d: {  	[bflag:$0x3] =	sbarrier.arrive $0xFFFF  }
0x15e: {  	_ =	shalt  }

// kernel: kernel.16.cloned.1.call-start
scs
__scs_entry_jumppad:
0x0: {  	(pc) =	sbr.rel $0x88, $3  }
0x1: {  	(tag) =	ssettag $0x0;
	lr =	simm.s32 $0x1  }
0x2: {  	[smem:$0x3F92] =	sst lr;
	_ =	strace $0xD0000000  }
0x3: {  	_ = 	snop  }
0x4: {  	_ = 	snop  }
0x5: {  	_ = 	snop  }
0x6: {  	_ = 	snop  }
0x7: {  	_ = 	snop  }
__scs_overlays_trampoline_lowered:
0x8: {  	[smem:$0x3FA1] =	sst s0  }
0x9: {  	[smem:$0x3FA2] =	sst s1  }
0xa: {  	[smem:$0x3FA3] =	sst s2  }
0xb: {  	[smem:$0x3FA4] =	sst s3  }
0xc: {  	[smem:$0x3FA5] =	sst s4  }
0xd: {  	[smem:$0x3FA6] =	sst s5  }
0xe: {  	[smem:$0x3FA7] =	sst s6  }
0xf: {  	[smem:$0x3FA8] =	sst s7  }
0x10: {  	[smem:$0x3FA9] =	sst s8  }
0x11: {  	[smem:$0x3FAA] =	sst s9;
	s0 =	simm.s32 @!p0 $0x0  }
0x12: {  	s1 =	sld [smem:$0x3F90];
	s0 =	simm.s32 @p0 $0x1  }
0x13: {  	[smem:$0x3FAB] =	sst s0;
	s0 =	simm.s32 @!p1 $0x0  }
0x14: {  	s2 =	sld [smem:$0x3F8F];
	s0 =	simm.s32 @p1 $0x1  }
0x15: {  	[smem:$0x3FAC] =	sst s0;
	s0 =	simm.s32 @!p2 $0x0  }
0x16: {  	s3 =	sld [smem:$0x3FDB];
	s0 =	simm.s32 @p2 $0x1  }
0x17: {  	s4 =	simm.s32 $0x1BF5;
	[smem:$0x3FAE] =	sst s0  }
0x18: {  	s0 =	sld [smem:$0x3F91];
	_ =	swait.ge [sflag:s4], $0x0  }
0x19: {  	s7 =	sld [smem:$0x3F92]  }
0x1a: {  	s8 =	sadd.s32 $0xFFFFE003, lr  }
0x1b: {  	s9 =	sadd.s32 $0xFFFFFEF7, lr;
	s5 =	simm.s32 $0xFFFFFFFF;
	p2 =	slt.u32 s8, $0xFFFFF086  }
0x1c: {  	p1 =	slt.u32 s9, $0xF7A;
	s5 =	simm.s32 @!p2 $0x0  }
0x1d: {  	s5 =	simm.s32 @p1 $0x1;
	p0 =	seq.s32 s7, s2  }
0x1e: {  	s7 =	smul.u32 @!p0 $0xF7A, s2;
	p2 =	seq.s32 @!p0 s5, $0x0  }
0x1f: {  	s9 =	smul.u32 $0xF7A, s1;
	s8 =	simm.s32 @!p0 $0x1BF5;
	p2 =	por !p2, p0  }
0x20: {  	[sflag:s8] =	ssyncset.s32 @!p0 $0xFFFFF086;
	s6 =	sadd.s32 @!p0 s3, s7;
	s7 =	simm.s32 @!p0 $0x108  }
0x21: {  	s3 =	sadd.s32 s3, s9;
	s6 =	sadd.s32 @!p0 $0x88, s6;
	s7 =	simm.s32 @p2 $0x1082  }
0x22: {  	[simem:s7], [sflag:s8] =	dma.local @!p0 [hbm:s6], $0xF7A  }
0x23: {  	s9 =	sor.u32 $0xD0000000, s2;
	s6 =	simm.s32 $0x108;
	_ =	swait.ge @!p0 [sflag:s8], $0x0  }
0x24: {  	s3 =	sadd.s32 $0x88, s3;
	s6 =	simm.s32 @!p1 $0x1082;
	[sflag:s4] =	ssyncset.s32 $0xFFFFF086  }
0x25: {  	[simem:s6], [sflag:s4] =	dma.local [hbm:s3], $0xF7A  }
0x26: {  	[smem:$0x3F92] =	sst s1;
	(tag) =	ssettag s2;
	_ =	strace s9  }
0x27: {  	s1 =	sld [smem:$0x3FA2]  }
0x28: {  	s2 =	sld [smem:$0x3FA3]  }
0x29: {  	s4 =	sld [smem:$0x3FA5]  }
0x2a: {  	p0 =	seq.s32 s5, $0x0;
	s5 =	sld [smem:$0x3FA6]  }
0x2b: {  	s6 =	sld [smem:$0x3FA7]  }
0x2c: {  	s7 =	sld [smem:$0x3FA8]  }
0x2d: {  	s3 =	simm.s32 $0x108;
	s8 =	sld [smem:$0x3FA9]  }
0x2e: {  	s3 =	simm.s32 @!p0 $0x1082;
	s9 =	sld [smem:$0x3FAA]  }
0x2f: {  	lr =	sadd.s32 s0, s3;
	s0 =	sld [smem:$0x3FA1]  }
0x30: {  	s3 =	sld [smem:$0x3FA4]  }
0x31: {  	[smem:$0x3FAD] =	sst s10  }
0x32: {  	s10 =	sld [smem:$0x3FAB];
	_ =	sdelay $0x3  }
0x33: {  	p0 =	seq.s32 s10, $0x1;
	s10 =	sld [smem:$0x3FAD];
	_ =	sdelay $0x3  }
0x34: {  	[smem:$0x3FAD] =	sst s10  }
0x35: {  	s10 =	sld [smem:$0x3FAC];
	_ =	sdelay $0x3  }
0x36: {  	p1 =	seq.s32 s10, $0x1;
	s10 =	sld [smem:$0x3FAD];
	_ =	sdelay $0x3  }
0x37: {  	[smem:$0x3FAD] =	sst s10  }
0x38: {  	s10 =	sld [smem:$0x3FAE]  }
0x39: {  	_ = 	snop;
	(pc) =	sbr.ind lr, $3  }
0x3a: {  	_ = 	snop  }
0x3b: {  	_ = 	snop  }
0x3c: {  	p2 =	seq.s32 s10, $0x1;
	s10 =	sld [smem:$0x3FAD]  }
0x3d: {  	_ =	shalt  }
0x3e: {  	_ =	shalt  }
0x3f: {  	_ =	shalt  }
0x40: {  	_ =	shalt  }
0x41: {  	_ =	shalt  }
0x42: {  	_ =	shalt  }
0x43: {  	_ =	shalt  }
0x44: {  	_ =	shalt  }
0x45: {  	_ =	shalt  }
0x46: {  	_ =	shalt  }
0x47: {  	_ =	shalt  }
0x48: {  	_ =	shalt  }
0x49: {  	_ =	shalt  }
0x4a: {  	_ =	shalt  }
0x4b: {  	_ =	shalt  }
0x4c: {  	_ =	shalt  }
0x4d: {  	_ =	shalt  }
0x4e: {  	_ =	shalt  }
0x4f: {  	_ =	shalt  }
0x50: {  	_ =	shalt  }
0x51: {  	_ =	shalt  }
0x52: {  	_ =	shalt  }
0x53: {  	_ =	shalt  }
0x54: {  	_ =	shalt  }
0x55: {  	_ =	shalt  }
0x56: {  	_ =	shalt  }
0x57: {  	_ =	shalt  }
0x58: {  	_ =	shalt  }
0x59: {  	_ =	shalt  }
0x5a: {  	_ =	shalt  }
0x5b: {  	_ =	shalt  }
0x5c: {  	_ =	shalt  }
0x5d: {  	_ =	shalt  }
0x5e: {  	_ =	shalt  }
0x5f: {  	_ =	shalt  }
0x60: {  	_ =	shalt  }
0x61: {  	_ =	shalt  }
0x62: {  	_ =	shalt  }
0x63: {  	_ =	shalt  }
0x64: {  	_ =	shalt  }
0x65: {  	_ =	shalt  }
0x66: {  	_ =	shalt  }
0x67: {  	_ =	shalt  }
0x68: {  	_ =	shalt  }
0x69: {  	_ =	shalt  }
0x6a: {  	_ =	shalt  }
0x6b: {  	_ =	shalt  }
0x6c: {  	_ =	shalt  }
0x6d: {  	_ =	shalt  }
0x6e: {  	_ =	shalt  }
0x6f: {  	_ =	shalt  }
0x70: {  	_ =	shalt  }
0x71: {  	_ =	shalt  }
0x72: {  	_ =	shalt  }
0x73: {  	_ =	shalt  }
0x74: {  	_ =	shalt  }
0x75: {  	_ =	shalt  }
0x76: {  	_ =	shalt  }
0x77: {  	_ =	shalt  }
0x78: {  	_ =	shalt  }
0x79: {  	_ =	shalt  }
0x7a: {  	_ =	shalt  }
0x7b: {  	_ =	shalt  }
0x7c: {  	_ =	shalt  }
0x7d: {  	_ =	shalt  }
0x7e: {  	_ =	shalt  }
0x7f: {  	_ =	shalt  }
0x80: {  	_ =	shalt  }
0x81: {  	_ =	shalt  }
0x82: {  	_ =	shalt  }
0x83: {  	_ =	shalt  }
0x84: {  	_ =	shalt  }
0x85: {  	_ =	shalt  }
0x86: {  	_ =	shalt  }
0x87: {  	_ =	shalt  }
.Lfunc_end0:
.L_simem_size_0:
called_computation.2_lowered:
.L_overlay_start_0:
0x88: {  	s2 =	sld [smem:$0x3FD9]  }
0x89: {  	s3 =	sld [smem:$0x3FFE];
	_ =	sdelay $0x1  }
0x8a: {  	s1 =	srdreg.scid  }
0x8b: {  	s0 =	sand.u32 $0x1, s1  }
0x8c: {  	s16 =	sshll.u32 s0, $0xA;
	s2 =	sadd.s32 s3, s2  }
0x8d: {  	s2 =	sadd.s32 s2, s16  }
0x8e: {  	[smem:$0x3FB9] =	sst s2  }
0x8f: {  	_ = 	snop  }
0x90: {  	(tm) =	ssettm $0x1  }
0x91: {  	s17 =	sld [smem:$0x3FFB];
	_ =	sdelay $0x3  }
0x92: {  	_ =	strace s17  }
0x93: {  	s2 =	sld [smem:$0x3FFC];
	_ =	sdelay $0x3  }
0x94: {  	_ =	strace s2  }
0x95: {  	s2 =	sld [smem:$0x3FFD];
	_ =	sdelay $0x3  }
0x96: {  	_ =	strace s2  }
0x97: {  	_ =	strace $0x8FFFFFFF  }
0x98: {  	s18 =	sld [smem:$0x3FDB];
	_ =	sdelay $0x1  }
0x99: {  	s19 =	simm.s32 $_scs_section_size  }
0x9a: {  	s4 =	simm.s32 $_size__tile_overlayer_lowered;
	s5 =	simm.s32 $_tile_overlayer_lowered  }
0x9b: {  	s22 =	simm.s32 $0x1BFF;
	s21 =	sshll.u32 s5, $0x1;
	s2 =	sadd.s32 s19, s18  }
0x9c: {  	s6 =	simm.s32 $0x0;
	s20 =	sshll.u32 s4, $0x1;
	s4 =	sadd.s32 s21, s2  }
0x9d: {  	[timem:s6], [sflag:s22] =	dma.local [hbm:s4], s20  }
0x9e: {  	_ =	swait.ge [sflag:s22], s20  }
0x9f: {  	s3 =	ssub.s32 $0x0, s20;
	[sflag:s22] =	ssyncset.done $0x0  }
0xa0: {  	[sflag:s22] =	ssyncadd.s32 s3;
	_ =	sdelay $0x1  }
0xa1: {  	s23 =	simm.s32 $0x1B8B  }
0xa2: {  	_ =	swait.ge [sflag:s23], $0x1  }
0xa3: {  	[sflag:s23] =	ssyncset.done $0x0  }
0xa4: {  	s25 =	simm.s32 $0x1B8E;
	s24 =	sld [smem:$0x3FFE];
	[sflag:s23] =	ssyncadd.s32 $0xFFFFFFFF  }
0xa5: {  	s26 =	simm.s32 $execute0_lowered;
	[smem:$0x3FD2] =	sst s25  }
0xa6: {  	s4 =	sshll.u32 s26, $0x1;
	_ =	strace $0x8000004C;
	[dreg:$0x1] =	wrdreg $0xFFFFFFFF  }
0xa7: {  	s28 =	simm.s32 $_size_execute0_lowered;
	s2 =	sadd.s32 s2, s4;
	[dreg:$0x0] =	wrdreg $0x0  }
0xa8: {  	s4 =	sshll.u32 s28, $0x1;
	[dreg:$0x2] =	wrdreg s2  }
0xa9: {  	[dreg:$0x3] =	wrdreg s4  }
0xaa: {  	[dreg:$0x4] =	wrdreg $0xC0  }
0xab: {  	_ =	task [dreg:s6], $0x5FFFF  }
0xac: {  	[dreg:$0x1] =	wrdreg $0xFFFFFFFF  }
0xad: {  	[dreg:$0x0] =	wrdreg $0x60  }
0xae: {  	[dreg:$0x2] =	wrdreg s24  }
0xaf: {  	[dreg:$0x3] =	wrdreg $0x13C400  }
0xb0: {  	[dreg:$0x4] =	wrdreg $0x9  }
0xb1: {  	_ =	task.clear_ibuf [dreg:s6], $0x5FFFF;
	_ =	strace $0x9000004C  }
0xb2: {  	s29 =	simm.s32 $0x9;
	_ =	strace $0x8000004E  }
0xb3: {  	_ =	swait.ge [sflag:s29], $0x1  }
0xb4: {  	[sflag:s29] =	ssyncadd.s32 $0xFFFFFFFF  }
0xb5: {  	_ =	strace $0x9000004E  }
0xb6: {  	_ =	sfence  }
0xb7: {  	s30 =	sld [smem:$0x0];
	_ =	sdelay $0x2  }
0xb8: {  	s31 =	sshll.u32 s1, $0xD;
	s1 =	sshrl.u32 s1, $0x2  }
0xb9: {  	s3 =	sand.u32 $0x4000, s31;
	s1 =	sadd.s32 s1, s30  }
0xba: {  	s0 =	sor.u32 s3, s0;
	s1 =	sshll.u32 s1, $0x11  }
0xbb: {  	s0 =	sor.u32 s1, s0  }
0xbc: {  	s0 =	sadd.s32 $0x8F2B, s0  }
0xbd: {  	[sflag:s0] =	ssyncadd.remote.s32 $0x1  }
0xbe: {  	_ =	sfence.sel $0xFFFF  }
0xbf: {  	[dreg:$0x0] =	wrdreg $0xFFFFFFFF;
	(pc) =	sbr.abs _section_cstart, $3  }
0xc0: {  	[dreg:$0x1] =	wrdreg $0xFFFFFFFF  }
0xc1: {  	_ =	task.clear_ibuf [dreg:s6], $0x2FFFF;
	_ =	strace $0x9FFFFFFF  }
0xc2: {  	(tm) =	ssettm $0x7FFFFFFF  }
0xc3: {  	_ =	shalt  }
tec
execute0_lowered:
.L_overlay_start_1:
0x0: {  	(tag) =	ssettag $0x1  }
0x1: {  	s0 =	rddreg [dreg:$0x0]  }
0x2: {  	s2 =	rddreg [dreg:$0x1]  }
0x3: {  	s1 =	simm.s32 $0x0;
	s15 =	stileid.u32;
	s4 =	srdreg.scid  }
0x4: {  	s29 =	simm.s32 $0x11D00;
	s30 =	simm.s32 $0x1;
	s31 =	simm.s32 $0x6  }
0x5: {  	s17 =	simm.s32 $0x7;
	s28 =	simm.s32 $0x0;
	s18 =	smul.u32 $0x9C00, s15  }
0x6: {  	[smem:$0x7FF] =	sst s1;
	s6 =	smul.u32 $0xA00, s15;
	s4 =	sand.u32 $0x1, s4  }
0x7: {  	s8 =	sadd.s32 $0x28A00, s0;
	s11 =	sadd.s32 $0x76C00, s0;
	s13 =	smul.u32 $0x27000, s15  }
0x8: {  	s20 =	sadd.s32 $0x9C000, s2;
	p0 =	sne.s32 s15, $0xF;
	_ =	strace $0x8000004D  }
0x9: {  	s7 =	ssub.s32 $0x2, s4;
	s14 =	sshll.u32 s4, $0x7;
	[dreg:$0x5] =	wrdreg s20  }
0xa: {  	s22 =	sshll.u32 s4, $0x4;
	s20 =	simm.s32 $0xA000;
	s4 =	simm.s32 $0x8  }
0xb: {  	s5 =	sshrl.u32 s18, $0x3;
	s6 =	sadd.s32 s6, s0;
	s9 =	sshrl.u32 s7, $0x1  }
0xc: {  	s21 =	sor.u32 s14, s13;
	s10 =	sadd.s32 s8, s22;
	s23 =	sor.u32 $0x40, s14  }
0xd: {  	s5 =	sadd.s32 s5, s0;
	s12 =	ssub.s32 s7, s9;
	s19 =	sadd.s32 $0x14A00, s6  }
0xe: {  	s6 =	sadd.s32 $0x1EA00, s6;
	s9 =	sadd.s32 $0x126800, s0;
	s1 =	sshrl.u32 s21, $0x3  }
0xf: {  	s0 =	sadd.s32 s22, s11;
	s24 =	sshrl.u32 s23, $0x3;
	[dreg:$0x3] =	wrdreg s19  }
0x10: {  	s22 =	simm.s32 $0xBF40;
	[dreg:$0x4] =	wrdreg s6;
	s6 =	sadd.s32 s18, s2  }
0x11: {  	s7 =	sadd.s32 $0x113000, s5;
	s1 =	sadd.s32 s11, s1;
	s25 =	sadd.s32 $0x4E000, s0  }
0x12: {  	s0 =	sadd.s32 $0x4E008, s0;
	s26 =	smax.u32 s12, $0x1;
	[dreg:$0x6] =	wrdreg s1  }
0x13: {  	s18 =	simm.s32 $0xB;
	s19 =	simm.s32 $0x7D;
	[dreg:$0x7] =	wrdreg s25  }
0x14: {  	s5 =	simm.s32 $0x4;
	s12 =	simm.s32 $0xA;
	[dreg:$0x9] =	wrdreg s0  }
0x15: {  	s1 =	sor.u32 s13, s23;
	s13 =	sadd.s32 s8, s24;
	[dreg:$0xa] =	wrdreg s26  }
0x16: {  	s24 =	simm.s32 $0xDE80;
	s26 =	simm.s32 $0xFDC0;
	s1 =	sshrl.u32 s1, $0x3  }
0x17: {  	s0 =	simm.s32 $0x2;
	s8 =	simm.s32 $0x9;
	s1 =	sadd.s32 s11, s1  }
0x18: {  	s11 =	simm.s32 $0x5;
	[dreg:$0x8] =	wrdreg s1;
	s1 =	simm.s32 $0x3  }
.LBB2_1:
0x19: {  	s14 =	rddreg [dreg:$0x3];
	s3 =	simm.s32 $0x0;
	s15 =	simm.s32 $0x5000  }
0x1a: {  	[tilespmem:s15], [sflag:$0xB] =	stream.linear.gather [hbm4b:s14+s3], $0x5000, $0x38;
	[tilespmem:$0x1D880] =	vst v63  }
0x1b: {  	_ =	swait.ge [sflag:s18], $0x5000  }
0x1c: {  	[sflag:s18] =	ssyncset.done $0x0  }
0x1d: {  	s21 =	rddreg [dreg:$0x4];
	[sflag:s18] =	ssyncadd.s32 $0xFFFFB000  }
0x1e: {  	[tilespmem:s3], [sflag:$0xB] =	stream.linear.gather [hbm4b:s21+s3], $0x5000, $0x38;
	[tilespmem:$0x1D880] =	vst v63  }
0x1f: {  	s23 =	stileid.u32;
	_ =	swait.ge [sflag:s18], $0x5000  }
0x20: {  	s14 =	sshll.u32 s23, $0x6;
	[sflag:s18] =	ssyncset.done $0x0  }
0x21: {  	s15 =	sshrl.u32 s6, $0x3;
	s14 =	sor.u32 $0x1C0B, s14;
	[sflag:s18] =	ssyncadd.s32 $0xFFFFB000  }
0x22: {  	[spmem:s15], [sflag:s14] =	dma.local [hbm:s7], $0x1380  }
0x23: {  	_ =	swait.ge [sflag:s18], $0x1380  }
0x24: {  	[sflag:s18] =	ssyncset.done $0x0;
	s16 =	rddreg [dreg:$0x5]  }
0x25: {  	[sflag:s18] =	ssyncadd.s32 $0xFFFFEC80;
	s21 =	sshrl.u32 @!p0 s16, $0x3;
	s16 =	simm.s32 @!p0 $0xB  }
0x26: {  	[spmem:s21], [sflag:s14] =	dma.local @!p0 [hbm:s9], $0x80  }
0x27: {  	_ =	swait.ge @!p0 [sflag:s16], $0x80  }
0x28: {  	[sflag:s16] =	ssyncset.done @!p0 $0x0  }
0x29: {  	[sflag:s16] =	ssyncadd.s32 @!p0 $0xFFFFFF80  }
0x2a: {  	[bflag:$0x0] =	sbarrier.arrive $0xFFFF  }
0x2b: {  	[tilespmem:s20], [sflag:$0x1] =	stream.indirect.gather [hbm4b:s10+s19], $0x40, s3, s19, $0xb8;
	[tilespmem:$0x1D880] =	vst v63  }
0x2c: {  	s25 =	simm.s32 $0x80  }
0x2d: {  	[tilespmem:s22], [sflag:$0x2] =	stream.indirect.gather [hbm4b:s10+s19], $0x40, s25, s19, $0xb8;
	[tilespmem:$0x1D880] =	vst v63  }
0x2e: {  	s16 =	simm.s32 $0x100  }
0x2f: {  	[tilespmem:s24], [sflag:$0x3] =	stream.indirect.gather [hbm4b:s10+s19], $0x40, s16, s19, $0xb8;
	[tilespmem:$0x1D880] =	vst v63  }
0x30: {  	s23 =	simm.s32 $0x180  }
0x31: {  	[tilespmem:s26], [sflag:$0x4] =	stream.indirect.gather [hbm4b:s10+s19], $0x40, s23, s19, $0xb8;
	[tilespmem:$0x1D880] =	vst v63  }
0x32: {  	s25 =	simm.s32 $0x200  }
0x33: {  	[tilespmem:s29], [sflag:$0x5] =	stream.indirect.gather [hbm4b:s10+s19], $0x40, s25, s19, $0xb8;
	[tilespmem:$0x1D880] =	vst v63  }
0x34: {  	_ =	swait.ge [sflag:s30], $0x1F40  }
0x35: {  	[sflag:s30] =	ssyncset.done $0x0  }
0x36: {  	s3 =	simm.s32 $0x5000;
	[sflag:s30] =	ssyncadd.s32 $0xFFFFE0C0  }
0x37: {  	[spmem:s2] =	stream.indirect.scatter.add.f32 [tilespmem:s20], [sflag:$0x6], $0x40, s3, s19, $0xb8;
	[tilespmem:$0x1D880] =	vst v63  }
0x38: {  	_ =	swait.ge [sflag:s31], $0x1F40  }
0x39: {  	[sflag:s31] =	ssyncset.done $0x0  }
0x3a: {  	s23 =	simm.s32 $0x280;
	[sflag:s31] =	ssyncadd.s32 $0xFFFFE0C0  }
0x3b: {  	[tilespmem:s20], [sflag:$0x1] =	stream.indirect.gather [hbm4b:s10+s19], $0x40, s23, s19, $0xb8;
	[tilespmem:$0x1D880] =	vst v63  }
0x3c: {  	_ =	swait.ge [sflag:s0], $0x1F40  }
0x3d: {  	[sflag:s0] =	ssyncset.done $0x0  }
0x3e: {  	s25 =	simm.s32 $0x5080;
	[sflag:s0] =	ssyncadd.s32 $0xFFFFE0C0  }
0x3f: {  	[spmem:s2] =	stream.indirect.scatter.add.f32 [tilespmem:s22], [sflag:$0x7], $0x40, s25, s19, $0xb8;
	[tilespmem:$0x1D880] =	vst v63  }
0x40: {  	_ =	swait.ge [sflag:s17], $0x1F40  }
0x41: {  	[sflag:s17] =	ssyncset.done $0x0  }
0x42: {  	s3 =	simm.s32 $0x300;
	[sflag:s17] =	ssyncadd.s32 $0xFFFFE0C0  }
0x43: {  	[tilespmem:s22], [sflag:$0x2] =	stream.indirect.gather [hbm4b:s10+s19], $0x40, s3, s19, $0xb8;
	[tilespmem:$0x1D880] =	vst v63  }
0x44: {  	_ =	swait.ge [sflag:s1], $0x1F40  }
0x45: {  	[sflag:s1] =	ssyncset.done $0x0  }
0x46: {  	s23 =	simm.s32 $0x5100;
	[sflag:s1] =	ssyncadd.s32 $0xFFFFE0C0  }
0x47: {  	[spmem:s2] =	stream.indirect.scatter.add.f32 [tilespmem:s24], [sflag:$0x8], $0x40, s23, s19, $0xb8;
	[tilespmem:$0x1D880] =	vst v63  }
0x48: {  	_ =	swait.ge [sflag:s4], $0x1F40  }
0x49: {  	[sflag:s4] =	ssyncset.done $0x0  }
0x4a: {  	s25 =	simm.s32 $0x380;
	[sflag:s4] =	ssyncadd.s32 $0xFFFFE0C0  }
0x4b: {  	[tilespmem:s24], [sflag:$0x3] =	stream.indirect.gather [hbm4b:s10+s19], $0x40, s25, s19, $0xb8;
	[tilespmem:$0x1D880] =	vst v63  }
0x4c: {  	_ =	swait.ge [sflag:s5], $0x1F40  }
0x4d: {  	[sflag:s5] =	ssyncset.done $0x0  }
0x4e: {  	s3 =	simm.s32 $0x5180;
	[sflag:s5] =	ssyncadd.s32 $0xFFFFE0C0  }
0x4f: {  	[spmem:s2] =	stream.indirect.scatter.add.f32 [tilespmem:s26], [sflag:$0x9], $0x40, s3, s19, $0xb8;
	[tilespmem:$0x1D880] =	vst v63  }
0x50: {  	_ =	swait.ge [sflag:s8], $0x1F40  }
0x51: {  	[sflag:s8] =	ssyncset.done $0x0  }
0x52: {  	s23 =	simm.s32 $0x400;
	[sflag:s8] =	ssyncadd.s32 $0xFFFFE0C0  }
0x53: {  	[tilespmem:s26], [sflag:$0x4] =	stream.indirect.gather [hbm4b:s10+s19], $0x40, s23, s19, $0xb8;
	[tilespmem:$0x1D880] =	vst v63  }
0x54: {  	_ =	swait.ge [sflag:s11], $0x1F40  }
0x55: {  	[sflag:s11] =	ssyncset.done $0x0  }
0x56: {  	s25 =	simm.s32 $0x5200;
	[sflag:s11] =	ssyncadd.s32 $0xFFFFE0C0  }
0x57: {  	[spmem:s2] =	stream.indirect.scatter.add.f32 [tilespmem:s29], [sflag:$0xA], $0x40, s25, s19, $0xb8;
	[tilespmem:$0x1D880] =	vst v63  }
0x58: {  	_ =	swait.ge [sflag:s12], $0x1F40  }
0x59: {  	[sflag:s12] =	ssyncset.done $0x0  }
0x5a: {  	s16 =	simm.s32 $0xA00;
	s23 =	simm.s32 $0x480;
	[sflag:s12] =	ssyncadd.s32 $0xFFFFE0C0  }
.LBB2_2:
0x5b: {  	[tilespmem:s29], [sflag:$0x5] =	stream.indirect.gather [hbm4b:s10+s19], $0x40, s23, s19, $0xb8;
	[tilespmem:$0x1D880] =	vst v63  }
0x5c: {  	s23 =	smov.u32 s16  }
0x5d: {  	p1 =	sne.s32 s16, $0x12C00;
	s16 =	sadd.s32 $0xA00, s16;
	_ =	swait.ge [sflag:s30], $0x1F40  }
0x5e: {  	s23 =	sshra.s32 s23, $0x2;
	[sflag:s30] =	ssyncset.done $0x0  }
0x5f: {  	s25 =	sadd.s32 $0x5000, s23;
	[sflag:s30] =	ssyncadd.s32 $0xFFFFE0C0  }
0x60: {  	[spmem:s2] =	stream.indirect.scatter.add.f32 [tilespmem:s20], [sflag:$0x6], $0x40, s25, s19, $0xb8;
	[tilespmem:$0x1D880] =	vst v63  }
0x61: {  	_ =	swait.ge [sflag:s31], $0x1F40  }
0x62: {  	[sflag:s31] =	ssyncset.done $0x0  }
0x63: {  	s25 =	sadd.s32 $0x280, s23;
	[sflag:s31] =	ssyncadd.s32 $0xFFFFE0C0  }
0x64: {  	[tilespmem:s20], [sflag:$0x1] =	stream.indirect.gather [hbm4b:s10+s19], $0x40, s25, s19, $0xb8;
	[tilespmem:$0x1D880] =	vst v63  }
0x65: {  	_ =	swait.ge [sflag:s0], $0x1F40  }
0x66: {  	[sflag:s0] =	ssyncset.done $0x0  }
0x67: {  	s25 =	sadd.s32 $0x5080, s23;
	[sflag:s0] =	ssyncadd.s32 $0xFFFFE0C0  }
0x68: {  	[spmem:s2] =	stream.indirect.scatter.add.f32 [tilespmem:s22], [sflag:$0x7], $0x40, s25, s19, $0xb8;
	[tilespmem:$0x1D880] =	vst v63  }
0x69: {  	_ =	swait.ge [sflag:s17], $0x1F40  }
0x6a: {  	[sflag:s17] =	ssyncset.done $0x0  }
0x6b: {  	s25 =	sadd.s32 $0x300, s23;
	[sflag:s17] =	ssyncadd.s32 $0xFFFFE0C0  }
0x6c: {  	[tilespmem:s22], [sflag:$0x2] =	stream.indirect.gather [hbm4b:s10+s19], $0x40, s25, s19, $0xb8;
	[tilespmem:$0x1D880] =	vst v63  }
0x6d: {  	_ =	swait.ge [sflag:s1], $0x1F40  }
0x6e: {  	[sflag:s1] =	ssyncset.done $0x0  }
0x6f: {  	s25 =	sadd.s32 $0x5100, s23;
	[sflag:s1] =	ssyncadd.s32 $0xFFFFE0C0  }
0x70: {  	[spmem:s2] =	stream.indirect.scatter.add.f32 [tilespmem:s24], [sflag:$0x8], $0x40, s25, s19, $0xb8;
	[tilespmem:$0x1D880] =	vst v63  }
0x71: {  	_ =	swait.ge [sflag:s4], $0x1F40  }
0x72: {  	[sflag:s4] =	ssyncset.done $0x0  }
0x73: {  	s25 =	sadd.s32 $0x380, s23;
	[sflag:s4] =	ssyncadd.s32 $0xFFFFE0C0  }
0x74: {  	[tilespmem:s24], [sflag:$0x3] =	stream.indirect.gather [hbm4b:s10+s19], $0x40, s25, s19, $0xb8;
	[tilespmem:$0x1D880] =	vst v63  }
0x75: {  	_ =	swait.ge [sflag:s5], $0x1F40  }
0x76: {  	[sflag:s5] =	ssyncset.done $0x0  }
0x77: {  	s25 =	sadd.s32 $0x5180, s23;
	[sflag:s5] =	ssyncadd.s32 $0xFFFFE0C0  }
0x78: {  	[spmem:s2] =	stream.indirect.scatter.add.f32 [tilespmem:s26], [sflag:$0x9], $0x40, s25, s19, $0xb8;
	[tilespmem:$0x1D880] =	vst v63  }
0x79: {  	_ =	swait.ge [sflag:s8], $0x1F40  }
0x7a: {  	[sflag:s8] =	ssyncset.done $0x0  }
0x7b: {  	s25 =	sadd.s32 $0x400, s23;
	[sflag:s8] =	ssyncadd.s32 $0xFFFFE0C0  }
0x7c: {  	[tilespmem:s26], [sflag:$0x4] =	stream.indirect.gather [hbm4b:s10+s19], $0x40, s25, s19, $0xb8;
	[tilespmem:$0x1D880] =	vst v63  }
0x7d: {  	_ =	swait.ge [sflag:s11], $0x1F40  }
0x7e: {  	[sflag:s11] =	ssyncset.done $0x0  }
.Ltmp0:
0x7f: {  	s25 =	sadd.s32 $0x5200, s23;
	[sflag:s11] =	ssyncadd.s32 $0xFFFFE0C0;
	(pc) =	sbr.rel @p1 .LBB2_2-.Ltmp0, $4  }
0x80: {  	[spmem:s2] =	stream.indirect.scatter.add.f32 [tilespmem:s29], [sflag:$0xA], $0x40, s25, s19, $0xb8;
	[tilespmem:$0x1D880] =	vst v63  }
0x81: {  	_ =	swait.ge [sflag:s12], $0x1F40  }
0x82: {  	[sflag:s12] =	ssyncset.done $0x0  }
0x83: {  	s23 =	sadd.s32 $0x480, s23;
	[sflag:s12] =	ssyncadd.s32 $0xFFFFE0C0  }
0x84: {  	[tilespmem:s29], [sflag:$0x5] =	stream.indirect.gather [hbm4b:s10+s19], $0x40, s23, s19, $0xb8;
	[tilespmem:$0x1D880] =	vst v63  }
0x85: {  	_ =	swait.ge [sflag:s30], $0x1F40  }
0x86: {  	[sflag:s30] =	ssyncset.done $0x0  }
0x87: {  	s3 =	simm.s32 $0x9D80;
	[sflag:s30] =	ssyncadd.s32 $0xFFFFE0C0  }
0x88: {  	[spmem:s2] =	stream.indirect.scatter.add.f32 [tilespmem:s20], [sflag:$0x6], $0x40, s3, s19, $0xb8;
	[tilespmem:$0x1D880] =	vst v63  }
0x89: {  	_ =	swait.ge [sflag:s0], $0x1F40  }
0x8a: {  	[sflag:s0] =	ssyncset.done $0x0  }
0x8b: {  	s23 =	simm.s32 $0x9E00;
	[sflag:s0] =	ssyncadd.s32 $0xFFFFE0C0  }
0x8c: {  	[spmem:s2] =	stream.indirect.scatter.add.f32 [tilespmem:s22], [sflag:$0x7], $0x40, s23, s19, $0xb8;
	[tilespmem:$0x1D880] =	vst v63  }
0x8d: {  	_ =	swait.ge [sflag:s1], $0x1F40  }
0x8e: {  	[sflag:s1] =	ssyncset.done $0x0  }
0x8f: {  	s25 =	simm.s32 $0x9E80;
	[sflag:s1] =	ssyncadd.s32 $0xFFFFE0C0  }
0x90: {  	[spmem:s2] =	stream.indirect.scatter.add.f32 [tilespmem:s24], [sflag:$0x8], $0x40, s25, s19, $0xb8;
	[tilespmem:$0x1D880] =	vst v63  }
0x91: {  	_ =	swait.ge [sflag:s5], $0x1F40  }
0x92: {  	[sflag:s5] =	ssyncset.done $0x0  }
0x93: {  	s16 =	simm.s32 $0x9F00;
	[sflag:s5] =	ssyncadd.s32 $0xFFFFE0C0  }
0x94: {  	[spmem:s2] =	stream.indirect.scatter.add.f32 [tilespmem:s26], [sflag:$0x9], $0x40, s16, s19, $0xb8;
	[tilespmem:$0x1D880] =	vst v63  }
0x95: {  	_ =	swait.ge [sflag:s11], $0x1F40  }
0x96: {  	[sflag:s11] =	ssyncset.done $0x0  }
0x97: {  	s23 =	simm.s32 $0x9F80;
	[sflag:s11] =	ssyncadd.s32 $0xFFFFE0C0  }
0x98: {  	[spmem:s2] =	stream.indirect.scatter.add.f32 [tilespmem:s29], [sflag:$0xA], $0x40, s23, s19, $0xb8;
	[tilespmem:$0x1D880] =	vst v63  }
0x99: {  	_ =	swait.ge [sflag:s31], $0x1F40  }
0x9a: {  	[sflag:s31] =	ssyncset.done $0x0  }
0x9b: {  	[sflag:s31] =	ssyncadd.s32 $0xFFFFE0C0  }
0x9c: {  	_ =	swait.ge [sflag:s17], $0x1F40  }
0x9d: {  	[sflag:s17] =	ssyncset.done $0x0  }
0x9e: {  	[sflag:s17] =	ssyncadd.s32 $0xFFFFE0C0  }
0x9f: {  	_ =	swait.ge [sflag:s4], $0x1F40  }
0xa0: {  	[sflag:s4] =	ssyncset.done $0x0  }
0xa1: {  	[sflag:s4] =	ssyncadd.s32 $0xFFFFE0C0  }
0xa2: {  	_ =	swait.ge [sflag:s8], $0x1F40  }
0xa3: {  	[sflag:s8] =	ssyncset.done $0x0  }
0xa4: {  	[sflag:s8] =	ssyncadd.s32 $0xFFFFE0C0  }
0xa5: {  	_ =	swait.ge [sflag:s12], $0x1F40  }
0xa6: {  	[sflag:s12] =	ssyncset.done $0x0  }
0xa7: {  	[sflag:s12] =	ssyncadd.s32 $0xFFFFE0C0  }
0xa8: {  	[bflag:$0x0] =	sbarrier.arrive $0xFFFF  }
0xa9: {  	s25 =	simm.s32 $0x20;
	s16 =	rddreg [dreg:$0x6]  }
0xaa: {  	[hbm:s16@s25], [sflag:s14] =	dma.strided [spmem:s15@s4], $0x1380, s30, $0x8   }
0xab: {  	_ =	swait.ge [sflag:s18], $0x1380  }
0xac: {  	[sflag:s18] =	ssyncset.done $0x0  }
0xad: {  	s16 =	sshrl.u32 @p0 s6, $0x3;
	[sflag:s18] =	ssyncadd.s32 $0xFFFFEC80  }
0xae: {  	[spmem:s16], [sflag:s14] =	dma.local @p0 [hbm:s7], $0x1380  }
0xaf: {  	s16 =	simm.s32 @p0 $0xB  }
0xb0: {  	_ =	swait.ge @p0 [sflag:s16], $0x1380  }
0xb1: {  	s23 =	simm.s32 @!p0 $0x20;
	s25 =	simm.s32 @!p0 $0x8;
	[sflag:s16] =	ssyncset.done @p0 $0x0  }
0xb2: {  	s3 =	rddreg [dreg:$0x7];
	[sflag:s16] =	ssyncadd.s32 @p0 $0xFFFFEC80;
	s16 =	simm.s32 @!p0 $0x1  }
0xb3: {  	[hbm:s3@s23], [sflag:s14] =	dma.strided @!p0 [spmem:s21@s25], $0x80, s16, $0x8   }
0xb4: {  	s16 =	simm.s32 @!p0 $0xB  }
0xb5: {  	_ =	swait.ge @!p0 [sflag:s16], $0x80  }
0xb6: {  	[sflag:s16] =	ssyncset.done @!p0 $0x0  }
0xb7: {  	s23 =	sshrl.u32 @!p0 s6, $0x3;
	[sflag:s16] =	ssyncadd.s32 @!p0 $0xFFFFFF80  }
0xb8: {  	[spmem:s23], [sflag:s14] =	dma.local @!p0 [hbm:s7], $0x1380  }
0xb9: {  	_ =	swait.ge @!p0 [sflag:s16], $0x1380  }
0xba: {  	[sflag:s16] =	ssyncset.done @!p0 $0x0  }
0xbb: {  	[sflag:s16] =	ssyncadd.s32 @!p0 $0xFFFFEC80  }
0xbc: {  	[spmem:s21], [sflag:s14] =	dma.local @!p0 [hbm:s9], $0x80  }
0xbd: {  	_ =	swait.ge @!p0 [sflag:s16], $0x80  }
0xbe: {  	[sflag:s16] =	ssyncset.done @!p0 $0x0  }
0xbf: {  	[sflag:s16] =	ssyncadd.s32 @!p0 $0xFFFFFF80  }
0xc0: {  	s23 =	simm.s32 $0x0;
	[bflag:$0x0] =	sbarrier.arrive $0xFFFF  }
0xc1: {  	[tilespmem:s20], [sflag:$0x1] =	stream.indirect.gather [hbm4b:s13+s19], $0x40, s23, s19, $0xb8;
	[tilespmem:$0x1D880] =	vst v63  }
0xc2: {  	s25 =	simm.s32 $0x80  }
0xc3: {  	[tilespmem:s22], [sflag:$0x2] =	stream.indirect.gather [hbm4b:s13+s19], $0x40, s25, s19, $0xb8;
	[tilespmem:$0x1D880] =	vst v63  }
0xc4: {  	s16 =	simm.s32 $0x100  }
0xc5: {  	[tilespmem:s24], [sflag:$0x3] =	stream.indirect.gather [hbm4b:s13+s19], $0x40, s16, s19, $0xb8;
	[tilespmem:$0x1D880] =	vst v63  }
0xc6: {  	s23 =	simm.s32 $0x180  }
0xc7: {  	[tilespmem:s26], [sflag:$0x4] =	stream.indirect.gather [hbm4b:s13+s19], $0x40, s23, s19, $0xb8;
	[tilespmem:$0x1D880] =	vst v63  }
0xc8: {  	s25 =	simm.s32 $0x200  }
0xc9: {  	[tilespmem:s29], [sflag:$0x5] =	stream.indirect.gather [hbm4b:s13+s19], $0x40, s25, s19, $0xb8;
	[tilespmem:$0x1D880] =	vst v63  }
0xca: {  	_ =	swait.ge [sflag:s30], $0x1F40  }
0xcb: {  	[sflag:s30] =	ssyncset.done $0x0  }
0xcc: {  	s3 =	simm.s32 $0x5000;
	[sflag:s30] =	ssyncadd.s32 $0xFFFFE0C0  }
0xcd: {  	[spmem:s2] =	stream.indirect.scatter.add.f32 [tilespmem:s20], [sflag:$0x6], $0x40, s3, s19, $0xb8;
	[tilespmem:$0x1D880] =	vst v63  }
0xce: {  	_ =	swait.ge [sflag:s31], $0x1F40  }
0xcf: {  	[sflag:s31] =	ssyncset.done $0x0  }
0xd0: {  	s23 =	simm.s32 $0x280;
	[sflag:s31] =	ssyncadd.s32 $0xFFFFE0C0  }
0xd1: {  	[tilespmem:s20], [sflag:$0x1] =	stream.indirect.gather [hbm4b:s13+s19], $0x40, s23, s19, $0xb8;
	[tilespmem:$0x1D880] =	vst v63  }
0xd2: {  	_ =	swait.ge [sflag:s0], $0x1F40  }
0xd3: {  	[sflag:s0] =	ssyncset.done $0x0  }
0xd4: {  	s25 =	simm.s32 $0x5080;
	[sflag:s0] =	ssyncadd.s32 $0xFFFFE0C0  }
0xd5: {  	[spmem:s2] =	stream.indirect.scatter.add.f32 [tilespmem:s22], [sflag:$0x7], $0x40, s25, s19, $0xb8;
	[tilespmem:$0x1D880] =	vst v63  }
0xd6: {  	_ =	swait.ge [sflag:s17], $0x1F40  }
0xd7: {  	[sflag:s17] =	ssyncset.done $0x0  }
0xd8: {  	s3 =	simm.s32 $0x300;
	[sflag:s17] =	ssyncadd.s32 $0xFFFFE0C0  }
0xd9: {  	[tilespmem:s22], [sflag:$0x2] =	stream.indirect.gather [hbm4b:s13+s19], $0x40, s3, s19, $0xb8;
	[tilespmem:$0x1D880] =	vst v63  }
0xda: {  	_ =	swait.ge [sflag:s1], $0x1F40  }
0xdb: {  	[sflag:s1] =	ssyncset.done $0x0  }
0xdc: {  	s23 =	simm.s32 $0x5100;
	[sflag:s1] =	ssyncadd.s32 $0xFFFFE0C0  }
0xdd: {  	[spmem:s2] =	stream.indirect.scatter.add.f32 [tilespmem:s24], [sflag:$0x8], $0x40, s23, s19, $0xb8;
	[tilespmem:$0x1D880] =	vst v63  }
0xde: {  	_ =	swait.ge [sflag:s4], $0x1F40  }
0xdf: {  	[sflag:s4] =	ssyncset.done $0x0  }
0xe0: {  	s25 =	simm.s32 $0x380;
	[sflag:s4] =	ssyncadd.s32 $0xFFFFE0C0  }
0xe1: {  	[tilespmem:s24], [sflag:$0x3] =	stream.indirect.gather [hbm4b:s13+s19], $0x40, s25, s19, $0xb8;
	[tilespmem:$0x1D880] =	vst v63  }
0xe2: {  	_ =	swait.ge [sflag:s5], $0x1F40  }
0xe3: {  	[sflag:s5] =	ssyncset.done $0x0  }
0xe4: {  	s3 =	simm.s32 $0x5180;
	[sflag:s5] =	ssyncadd.s32 $0xFFFFE0C0  }
0xe5: {  	[spmem:s2] =	stream.indirect.scatter.add.f32 [tilespmem:s26], [sflag:$0x9], $0x40, s3, s19, $0xb8;
	[tilespmem:$0x1D880] =	vst v63  }
0xe6: {  	_ =	swait.ge [sflag:s8], $0x1F40  }
0xe7: {  	[sflag:s8] =	ssyncset.done $0x0  }
0xe8: {  	s23 =	simm.s32 $0x400;
	[sflag:s8] =	ssyncadd.s32 $0xFFFFE0C0  }
0xe9: {  	[tilespmem:s26], [sflag:$0x4] =	stream.indirect.gather [hbm4b:s13+s19], $0x40, s23, s19, $0xb8;
	[tilespmem:$0x1D880] =	vst v63  }
0xea: {  	_ =	swait.ge [sflag:s11], $0x1F40  }
0xeb: {  	[sflag:s11] =	ssyncset.done $0x0  }
0xec: {  	s25 =	simm.s32 $0x5200;
	[sflag:s11] =	ssyncadd.s32 $0xFFFFE0C0  }
0xed: {  	[spmem:s2] =	stream.indirect.scatter.add.f32 [tilespmem:s29], [sflag:$0xA], $0x40, s25, s19, $0xb8;
	[tilespmem:$0x1D880] =	vst v63  }
0xee: {  	_ =	swait.ge [sflag:s12], $0x1F40  }
0xef: {  	[sflag:s12] =	ssyncset.done $0x0  }
0xf0: {  	s16 =	simm.s32 $0xA00;
	s23 =	simm.s32 $0x480;
	[sflag:s12] =	ssyncadd.s32 $0xFFFFE0C0  }
.LBB2_4:
0xf1: {  	[tilespmem:s29], [sflag:$0x5] =	stream.indirect.gather [hbm4b:s13+s19], $0x40, s23, s19, $0xb8;
	[tilespmem:$0x1D880] =	vst v63  }
0xf2: {  	s23 =	smov.u32 s16  }
0xf3: {  	p1 =	sne.s32 s16, $0x12C00;
	s16 =	sadd.s32 $0xA00, s16;
	_ =	swait.ge [sflag:s30], $0x1F40  }
0xf4: {  	s23 =	sshra.s32 s23, $0x2;
	[sflag:s30] =	ssyncset.done $0x0  }
0xf5: {  	s25 =	sadd.s32 $0x5000, s23;
	[sflag:s30] =	ssyncadd.s32 $0xFFFFE0C0  }
0xf6: {  	[spmem:s2] =	stream.indirect.scatter.add.f32 [tilespmem:s20], [sflag:$0x6], $0x40, s25, s19, $0xb8;
	[tilespmem:$0x1D880] =	vst v63  }
0xf7: {  	_ =	swait.ge [sflag:s31], $0x1F40  }
0xf8: {  	[sflag:s31] =	ssyncset.done $0x0  }
0xf9: {  	s25 =	sadd.s32 $0x280, s23;
	[sflag:s31] =	ssyncadd.s32 $0xFFFFE0C0  }
0xfa: {  	[tilespmem:s20], [sflag:$0x1] =	stream.indirect.gather [hbm4b:s13+s19], $0x40, s25, s19, $0xb8;
	[tilespmem:$0x1D880] =	vst v63  }
0xfb: {  	_ =	swait.ge [sflag:s0], $0x1F40  }
0xfc: {  	[sflag:s0] =	ssyncset.done $0x0  }
0xfd: {  	s25 =	sadd.s32 $0x5080, s23;
	[sflag:s0] =	ssyncadd.s32 $0xFFFFE0C0  }
0xfe: {  	[spmem:s2] =	stream.indirect.scatter.add.f32 [tilespmem:s22], [sflag:$0x7], $0x40, s25, s19, $0xb8;
	[tilespmem:$0x1D880] =	vst v63  }
0xff: {  	_ =	swait.ge [sflag:s17], $0x1F40  }
0x100: {  	[sflag:s17] =	ssyncset.done $0x0  }
0x101: {  	s25 =	sadd.s32 $0x300, s23;
	[sflag:s17] =	ssyncadd.s32 $0xFFFFE0C0  }
0x102: {  	[tilespmem:s22], [sflag:$0x2] =	stream.indirect.gather [hbm4b:s13+s19], $0x40, s25, s19, $0xb8;
	[tilespmem:$0x1D880] =	vst v63  }
0x103: {  	_ =	swait.ge [sflag:s1], $0x1F40  }
0x104: {  	[sflag:s1] =	ssyncset.done $0x0  }
0x105: {  	s25 =	sadd.s32 $0x5100, s23;
	[sflag:s1] =	ssyncadd.s32 $0xFFFFE0C0  }
0x106: {  	[spmem:s2] =	stream.indirect.scatter.add.f32 [tilespmem:s24], [sflag:$0x8], $0x40, s25, s19, $0xb8;
	[tilespmem:$0x1D880] =	vst v63  }
0x107: {  	_ =	swait.ge [sflag:s4], $0x1F40  }
0x108: {  	[sflag:s4] =	ssyncset.done $0x0  }
0x109: {  	s25 =	sadd.s32 $0x380, s23;
	[sflag:s4] =	ssyncadd.s32 $0xFFFFE0C0  }
0x10a: {  	[tilespmem:s24], [sflag:$0x3] =	stream.indirect.gather [hbm4b:s13+s19], $0x40, s25, s19, $0xb8;
	[tilespmem:$0x1D880] =	vst v63  }
0x10b: {  	_ =	swait.ge [sflag:s5], $0x1F40  }
0x10c: {  	[sflag:s5] =	ssyncset.done $0x0  }
0x10d: {  	s25 =	sadd.s32 $0x5180, s23;
	[sflag:s5] =	ssyncadd.s32 $0xFFFFE0C0  }
0x10e: {  	[spmem:s2] =	stream.indirect.scatter.add.f32 [tilespmem:s26], [sflag:$0x9], $0x40, s25, s19, $0xb8;
	[tilespmem:$0x1D880] =	vst v63  }
0x10f: {  	_ =	swait.ge [sflag:s8], $0x1F40  }
0x110: {  	[sflag:s8] =	ssyncset.done $0x0  }
0x111: {  	s25 =	sadd.s32 $0x400, s23;
	[sflag:s8] =	ssyncadd.s32 $0xFFFFE0C0  }
0x112: {  	[tilespmem:s26], [sflag:$0x4] =	stream.indirect.gather [hbm4b:s13+s19], $0x40, s25, s19, $0xb8;
	[tilespmem:$0x1D880] =	vst v63  }
0x113: {  	_ =	swait.ge [sflag:s11], $0x1F40  }
0x114: {  	[sflag:s11] =	ssyncset.done $0x0  }
.Ltmp1:
0x115: {  	s25 =	sadd.s32 $0x5200, s23;
	[sflag:s11] =	ssyncadd.s32 $0xFFFFE0C0;
	(pc) =	sbr.rel @p1 .LBB2_4-.Ltmp1, $4  }
0x116: {  	[spmem:s2] =	stream.indirect.scatter.add.f32 [tilespmem:s29], [sflag:$0xA], $0x40, s25, s19, $0xb8;
	[tilespmem:$0x1D880] =	vst v63  }
0x117: {  	_ =	swait.ge [sflag:s12], $0x1F40  }
0x118: {  	[sflag:s12] =	ssyncset.done $0x0  }
0x119: {  	s23 =	sadd.s32 $0x480, s23;
	[sflag:s12] =	ssyncadd.s32 $0xFFFFE0C0  }
0x11a: {  	[tilespmem:s29], [sflag:$0x5] =	stream.indirect.gather [hbm4b:s13+s19], $0x40, s23, s19, $0xb8;
	[tilespmem:$0x1D880] =	vst v63  }
0x11b: {  	_ =	swait.ge [sflag:s30], $0x1F40  }
0x11c: {  	[sflag:s30] =	ssyncset.done $0x0  }
0x11d: {  	s3 =	simm.s32 $0x9D80;
	[sflag:s30] =	ssyncadd.s32 $0xFFFFE0C0  }
0x11e: {  	[spmem:s2] =	stream.indirect.scatter.add.f32 [tilespmem:s20], [sflag:$0x6], $0x40, s3, s19, $0xb8;
	[tilespmem:$0x1D880] =	vst v63  }
0x11f: {  	_ =	swait.ge [sflag:s0], $0x1F40  }
0x120: {  	[sflag:s0] =	ssyncset.done $0x0  }
0x121: {  	s16 =	simm.s32 $0x9E00;
	[sflag:s0] =	ssyncadd.s32 $0xFFFFE0C0  }
0x122: {  	[spmem:s2] =	stream.indirect.scatter.add.f32 [tilespmem:s22], [sflag:$0x7], $0x40, s16, s19, $0xb8;
	[tilespmem:$0x1D880] =	vst v63  }
0x123: {  	_ =	swait.ge [sflag:s1], $0x1F40  }
0x124: {  	[sflag:s1] =	ssyncset.done $0x0  }
0x125: {  	s23 =	simm.s32 $0x9E80;
	[sflag:s1] =	ssyncadd.s32 $0xFFFFE0C0  }
0x126: {  	[spmem:s2] =	stream.indirect.scatter.add.f32 [tilespmem:s24], [sflag:$0x8], $0x40, s23, s19, $0xb8;
	[tilespmem:$0x1D880] =	vst v63  }
0x127: {  	_ =	swait.ge [sflag:s5], $0x1F40  }
0x128: {  	[sflag:s5] =	ssyncset.done $0x0  }
0x129: {  	s25 =	simm.s32 $0x9F00;
	[sflag:s5] =	ssyncadd.s32 $0xFFFFE0C0  }
0x12a: {  	[spmem:s2] =	stream.indirect.scatter.add.f32 [tilespmem:s26], [sflag:$0x9], $0x40, s25, s19, $0xb8;
	[tilespmem:$0x1D880] =	vst v63  }
0x12b: {  	_ =	swait.ge [sflag:s11], $0x1F40  }
0x12c: {  	[sflag:s11] =	ssyncset.done $0x0  }
0x12d: {  	s16 =	simm.s32 $0x9F80;
	[sflag:s11] =	ssyncadd.s32 $0xFFFFE0C0  }
0x12e: {  	[spmem:s2] =	stream.indirect.scatter.add.f32 [tilespmem:s29], [sflag:$0xA], $0x40, s16, s19, $0xb8;
	[tilespmem:$0x1D880] =	vst v63  }
0x12f: {  	_ =	swait.ge [sflag:s31], $0x1F40  }
0x130: {  	[sflag:s31] =	ssyncset.done $0x0  }
0x131: {  	[sflag:s31] =	ssyncadd.s32 $0xFFFFE0C0  }
0x132: {  	_ =	swait.ge [sflag:s17], $0x1F40  }
0x133: {  	[sflag:s17] =	ssyncset.done $0x0  }
0x134: {  	[sflag:s17] =	ssyncadd.s32 $0xFFFFE0C0  }
0x135: {  	_ =	swait.ge [sflag:s4], $0x1F40  }
0x136: {  	[sflag:s4] =	ssyncset.done $0x0  }
0x137: {  	[sflag:s4] =	ssyncadd.s32 $0xFFFFE0C0  }
0x138: {  	_ =	swait.ge [sflag:s8], $0x1F40  }
0x139: {  	[sflag:s8] =	ssyncset.done $0x0  }
0x13a: {  	[sflag:s8] =	ssyncadd.s32 $0xFFFFE0C0  }
0x13b: {  	_ =	swait.ge [sflag:s12], $0x1F40  }
0x13c: {  	[sflag:s12] =	ssyncset.done $0x0  }
0x13d: {  	[sflag:s12] =	ssyncadd.s32 $0xFFFFE0C0  }
0x13e: {  	[bflag:$0x0] =	sbarrier.arrive $0xFFFF  }
0x13f: {  	s16 =	simm.s32 $0x20;
	s23 =	rddreg [dreg:$0x8]  }
0x140: {  	[hbm:s23@s16], [sflag:s14] =	dma.strided [spmem:s15@s4], $0x1380, s30, $0x8   }
0x141: {  	_ =	swait.ge [sflag:s18], $0x1380  }
0x142: {  	s15 =	simm.s32 @!p0 $0x1;
	s16 =	simm.s32 @!p0 $0x20;
	[sflag:s18] =	ssyncset.done $0x0  }
0x143: {  	s23 =	simm.s32 @!p0 $0x8;
	s3 =	rddreg [dreg:$0x9];
	[sflag:s18] =	ssyncadd.s32 $0xFFFFEC80  }
0x144: {  	[hbm:s3@s16], [sflag:s14] =	dma.strided @!p0 [spmem:s21@s23], $0x80, s15, $0x8   }
0x145: {  	s14 =	simm.s32 @!p0 $0xB  }
0x146: {  	_ =	swait.ge @!p0 [sflag:s14], $0x80  }
0x147: {  	s28 =	sadd.s32 $0x1, s28;
	s25 =	rddreg [dreg:$0xa]  }
0x148: {  	p1 =	sne.s32 s28, s25  }
.Ltmp2:
0x149: {  	_ = 	snop;
	(pc) =	sbr.rel @p1 .LBB2_1-.Ltmp2, $3  }
0x14a: {  	_ =	sdelay $0x1  }
0x14b: {  	[sflag:s14] =	ssyncset.done @!p0 $0x0  }
0x14c: {  	[sflag:s14] =	ssyncadd.s32 @!p0 $0xFFFFFF80  }
0x14d: {  	_ =	sfence.sel $0x180000  }
0x14e: {  	[bflag:$0x0] =	sbarrier.arrive $0xFFFF  }
0x14f: {  	_ =	strace $0x9000004D  }
0x150: {  	s0 =	stileid.u32;
	[bflag:$0x2] =	sbarrier.arrive $0xFFFF  }
0x151: {  	p0 =	sne.s32 s0, $0x0;
	s0 =	rddreg [dreg:$0x2]  }
0x152: {  	s0 =	sadd.s32 @!p0 $0x100000, s0  }
0x153: {  	[sflag:s0] =	ssyncadd.tile.s32 @!p0 $0x1;
	_ =	shalt  }
.Lfunc_end2:
_tile_overlayer_lowered:
.L_overlay_start_2:
0x154: {  	(tag) =	ssettag $0x2  }
0x155: {  	s0 =	rddreg [dreg:$0x0];
	s2 =	stileid.u32  }
0x156: {  	s1 =	rddreg [dreg:$0x1];
	p0 =	sne.s32 s2, $0x0  }
0x157: {  	s3 =	rddreg [dreg:$0x2];
	[bflag:$0x3] =	sbarrier.arrive $0xFFFF;
	s2 =	simm.s32 @!p0 $0x1C0B  }
0x158: {  	[timem:s3], [sflag:s2] =	dma.local @!p0 [hbm:s0], s1  }
0x159: {  	s0 =	simm.s32 @!p0 $0xB  }
0x15a: {  	_ =	swait.ge @!p0 [sflag:s0], s1  }
0x15b: {  	s1 =	ssub.s32 @!p0 $0x0, s1;
	[sflag:s0] =	ssyncset.done @!p0 $0x0  }
0x15c: {  	[sflag:s0] =	ssyncadd.s32 @!p0 s1  }
0x15d: {  	[bflag:$0x3] =	sbarrier.arrive $0xFFFF  }
0x15e: {  	_ =	shalt  }

</sc_bundles>
